<compile_context>
chip_gen: v7x
topology: tpu7x:2x2x1
jax: 0.10.2.dev20260603
libtpu: 0.0.44.dev20260713+nightly
codegen_flags: <defaults>
</compile_context>

<pallas_src>
import functools

import jax
import jax.numpy as jnp
import numpy as np
from jax import lax
from jax.experimental import pallas as pl
from jax.experimental.pallas import tpu as pltpu
from jax.experimental.pallas import tpu_sc as plsc

_EPSILON = 0.9


def _np_threefry2x32(k1, k2, x0, x1):
    m = 0xFFFFFFFF

    def rotl(x, r):
        return ((x << r) | (x >> (32 - r))) & m

    rots = ([13, 15, 26, 6], [17, 29, 16, 24])
    ks = [k1 & m, k2 & m, (k1 ^ k2 ^ 0x1BD11BDA) & m]
    x = [(x0 + ks[0]) & m, (x1 + ks[1]) & m]
    for i in range(5):
        for r in rots[i % 2]:
            x[0] = (x[0] + x[1]) & m
            x[1] = rotl(x[1], r)
            x[1] = x[0] ^ x[1]
        x[0] = (x[0] + ks[(i + 1) % 3]) & m
        x[1] = (x[1] + ks[(i + 2) % 3] + i + 1) & m
    return x[0], x[1]


_KMASK = _np_threefry2x32(0, 42, 0, 0)
_KIDX = _np_threefry2x32(0, 42, 0, 1)
_KEPS = _np_threefry2x32(0, 42, 0, 2)
_KIDX2 = _np_threefry2x32(_KIDX[0], _KIDX[1], 0, 1)

_U_LO = np.float32(np.nextafter(np.float32(-1.0), np.float32(0.0)))
_U_SCALE = np.float32(np.float32(1.0) - _U_LO)

_ERFINV_C = [float(np.float32(c * np.sqrt(2.0))) for c in (
    0.8862169095489612, 0.00016663934550243883, 0.009884128348607324,
    0.0005213428246616143, -5.5280217503407916e-05, -0.000561095819353652,
    0.000178749636837241, -1.5985646891254797e-05)]
_NC = 2
_NS = 16
_L = 16


def _as_i32(v):
    v &= 0xFFFFFFFF
    return jnp.int32(v - 2**32 if v >= 2**31 else v)


def _threefry_i32(key, x0, x1):
    def rotl(x, r):
        return (x << r) | lax.shift_right_logical(x, 32 - r)

    rots = ([13, 15, 26, 6], [17, 29, 16, 24])
    k0, k1 = key
    ks = [_as_i32(k0), _as_i32(k1), _as_i32(k0 ^ k1 ^ 0x1BD11BDA)]
    x0 = x0 + ks[0]
    x1 = x1 + ks[1]
    for g in range(5):
        for r in rots[g % 2]:
            x0 = x0 + x1
            x1 = rotl(x1, r)
            x1 = x0 ^ x1
        x0 = x0 + ks[(g + 1) % 3]
        x1 = x1 + ks[(g + 2) % 3] + jnp.int32(g + 1)
    return x0, x1


def _bits_to_unit(bits):
    fb = lax.shift_right_logical(bits, 9) | jnp.int32(0x3F800000)
    return lax.bitcast_convert_type(fb, jnp.float32) - jnp.float32(1.0)


def _sc_select_gather(b, k, d):
    nw = _NC * _NS
    bw = b // nw
    ng = bw // _L
    cr = 8
    nc = bw // cr

    mesh = plsc.VectorSubcoreMesh(core_axis_name="c", subcore_axis_name="s")

    @functools.partial(
        pl.kernel,
        mesh=mesh,
        out_type=[
            jax.ShapeDtypeStruct((b,), jnp.int32),
            jax.ShapeDtypeStruct((b, d), jnp.float32),
            jax.ShapeDtypeStruct((b, d), jnp.float32),
        ],
        scratch_types=[
            pltpu.VMEM((k, bw), jnp.float32),
            pltpu.VMEM((bw,), jnp.int32),
            pltpu.VMEM((bw,), jnp.int32),
            pltpu.VMEM((cr, d), jnp.float32),
            pltpu.VMEM((cr, d), jnp.float32),
            pltpu.VMEM((cr, d), jnp.float32),
            pltpu.VMEM((cr, d), jnp.float32),
            pltpu.SemaphoreType.DMA,
            pltpu.SemaphoreType.DMA,
            pltpu.SemaphoreType.DMA,
            pltpu.SemaphoreType.DMA,
        ],
    )
    def sc_kernel(w_hbm, means_hbm, lv_hbm,
                  cidx_hbm, cmu_hbm, clv_hbm,
                  w_v, cho_v, row_v, mu_v0, mu_v1, lvv_v0, lvv_v1,
                  sem_ga, sem_gb, sem_sa, sem_sb):
        mu_v = (mu_v0, mu_v1)
        lvv_v = (lvv_v0, lvv_v1)
        wid = lax.axis_index("s") * _NC + lax.axis_index("c")
        base = wid * bw
        pltpu.sync_copy(w_hbm.at[wid], w_v)
        for t in range(ng):
            lanes = lax.iota(jnp.int32, _L)
            rows16 = t * _L + lanes
            tok = base + rows16
            mb0, mb1 = _threefry_i32(_KMASK, jnp.zeros((_L,), jnp.int32), tok)
            explore = _bits_to_unit(mb0 ^ mb1) < jnp.float32(_EPSILON)
            rb0, rb1 = _threefry_i32(_KIDX2, jnp.zeros((_L,), jnp.int32), tok)
            rnd = (rb0 ^ rb1) & jnp.int32(k - 1)
            sl = pl.ds(t * _L, _L)
            best = w_v[0, sl]
            besti = jnp.zeros((_L,), jnp.int32)
            for h in range(1, k):
                v = w_v[h, sl]
                upd = v > best
                besti = jnp.where(upd, h, besti)
                best = jnp.where(upd, v, best)
            chosen = jnp.where(explore, rnd, besti)
            cho_v[pl.ds(t * _L, _L)] = chosen
            row_v[pl.ds(t * _L, _L)] = tok * k + chosen
        pltpu.sync_copy(cho_v, cidx_hbm.at[pl.ds(base, bw)])

        gath = [None] * nc
        scat = [None] * nc

        def issue_gather(c):
            slot = c % 2
            idx = row_v.at[pl.ds(c * cr, cr)]
            gath[c] = (
                pltpu.async_copy(means_hbm.at[idx], mu_v[slot], sem_ga),
                pltpu.async_copy(lv_hbm.at[idx], lvv_v[slot], sem_gb),
            )

        issue_gather(0)
        for c in range(nc):
            if c + 1 < nc:
                if c - 1 >= 0:
                    scat[c - 1][0].wait()
                    scat[c - 1][1].wait()
                issue_gather(c + 1)
            gath[c][0].wait()
            gath[c][1].wait()
            slot = c % 2
            out = pl.ds(base + c * cr, cr)
            scat[c] = (
                pltpu.async_copy(mu_v[slot], cmu_hbm.at[out], sem_sa),
                pltpu.async_copy(lvv_v[slot], clv_hbm.at[out], sem_sb),
            )
        scat[nc - 2][0].wait()
        scat[nc - 2][1].wait()
        scat[nc - 1][0].wait()
        scat[nc - 1][1].wait()

    return sc_kernel


def _eps_block(i, rb, d, row0):
    row = lax.broadcasted_iota(jnp.int32, (rb, d), 0)
    col = lax.broadcasted_iota(jnp.int32, (rb, d), 1)
    t = (row0 + i * rb + row) * d + col
    b0, b1 = _threefry_i32(_KEPS, jnp.zeros((rb, d), jnp.int32), t)
    f = _bits_to_unit(b0 ^ b1)
    u = jnp.maximum(jnp.float32(_U_LO), f * jnp.float32(_U_SCALE)
                    + jnp.float32(_U_LO))
    s = jnp.sqrt(-jnp.log((jnp.float32(1.0) - u) * (jnp.float32(1.0) + u)))
    q = jnp.float32(_ERFINV_C[-1])
    for c in _ERFINV_C[-2::-1]:
        q = q * s + jnp.float32(c)
    mag = s * q
    sign = lax.bitcast_convert_type(u, jnp.int32) & jnp.int32(-2147483648)
    return lax.bitcast_convert_type(
        lax.bitcast_convert_type(mag, jnp.int32) | sign, jnp.float32)


def _rng_body(eps_ref, *, rb, d):
    eps_ref[...] = _eps_block(pl.program_id(0), rb, d, 0)


def _rng_reparam_body(mu_ref, lv_ref, samp_ref, *, rb, d, row0):
    eps = _eps_block(pl.program_id(0), rb, d, row0)
    samp_ref[...] = mu_ref[...] + jnp.exp(lv_ref[...] * 0.5) * eps


def _reparam_body(mu_ref, lv_ref, eps_ref, tail_ref, samp_ref):
    del tail_ref
    samp_ref[...] = (mu_ref[...]
                     + jnp.exp(lv_ref[...] * 0.5) * eps_ref[...])


def kernel(epoch, means, log_vars, weights):
    b, k, d = means.shape

    rb = 256
    bh = 768
    eps_head = pl.pallas_call(
        functools.partial(_rng_body, rb=rb, d=d),
        grid=(bh // rb,),
        out_specs=pl.BlockSpec((rb, d), lambda i: (i, 0)),
        out_shape=jax.ShapeDtypeStruct((bh, d), jnp.float32),
    )()

    sc = _sc_select_gather(b, k, d)
    nw = _NC * _NS
    wt3 = weights.T.reshape(k, nw, b // nw).transpose(1, 0, 2)
    chosen_indices, chosen_mu, chosen_lv = sc(
        wt3, means.reshape(b * k, d), log_vars.reshape(b * k, d))

    hb = bh // rb
    sample_part = pl.pallas_call(
        functools.partial(_rng_reparam_body, rb=rb, d=d, row0=bh),
        grid=((b - bh) // rb,),
        in_specs=[
            pl.BlockSpec((rb, d), lambda i: (i + hb, 0)),
            pl.BlockSpec((rb, d), lambda i: (i + hb, 0)),
        ],
        out_specs=pl.BlockSpec((rb, d), lambda i: (i + hb, 0)),
        out_shape=jax.ShapeDtypeStruct((b, d), jnp.float32),
    )(chosen_mu, chosen_lv)

    sample = pl.pallas_call(
        _reparam_body,
        grid=(hb,),
        in_specs=[
            pl.BlockSpec((rb, d), lambda i: (i, 0)),
            pl.BlockSpec((rb, d), lambda i: (i, 0)),
            pl.BlockSpec((rb, d), lambda i: (i, 0)),
            pl.BlockSpec(memory_space=pl.ANY),
        ],
        out_specs=pl.BlockSpec((rb, d), lambda i: (i, 0)),
        out_shape=jax.ShapeDtypeStruct((b, d), jnp.float32),
        input_output_aliases={3: 0},
    )(chosen_mu, chosen_lv, eps_head, sample_part)

    return (sample, chosen_indices, chosen_mu, chosen_lv)

# --- scband reference (transcript-rebuilt; emitter-appended) ---
"""Pipeline reference for scband-explorer-khead-vae-4552665334355 (READ-ONLY COPY).

The authoritative reference and input builder live on the scoring server;
editing this copy changes nothing except your own understanding.
"""

import jax, jax.numpy as jnp
import numpy as np

B, K, D = 2048, 16, 2048
EPSILON = 0.9  # epsilon_start, module in train mode

def setup_inputs(seed: int = 0) -> dict:
    key = jax.random.key(seed)
    k1, k2, k3 = jax.random.split(key, 3)
    means = jax.random.normal(k1, (B, K, D), dtype=jnp.float32)
    log_vars = jax.random.normal(k2, (B, K, D), dtype=jnp.float32)
    weights = jax.random.normal(k3, (B, K), dtype=jnp.float32)
    return {"epoch": 1, "means": means, "log_vars": log_vars, "weights": weights}

def reference(epoch, means, log_vars, weights):
    # epsilon-greedy head selection (train mode: epsilon = 0.9)
    batch_size, num_choices = weights.shape
    rkey = jax.random.key(42)
    kmask, kidx, keps = jax.random.split(rkey, 3)
    random_selection_mask = jax.random.uniform(kmask, (batch_size,)) < EPSILON
    argmax_indices = jnp.argmax(weights, axis=1)
    random_indices = jax.random.randint(kidx, (batch_size,), 0, num_choices)
    chosen_indices = jnp.where(random_selection_mask, random_indices, argmax_indices)
    # gather chosen head per token
    idx = chosen_indices[:, None, None]  # [B,1,1]
    chosen_mu = jnp.take_along_axis(means, jnp.broadcast_to(idx, (batch_size, 1, means.shape[2])), axis=1)[:, 0, :]
    chosen_log_var = jnp.take_along_axis(log_vars, jnp.broadcast_to(idx, (batch_size, 1, log_vars.shape[2])), axis=1)[:, 0, :]
    std = jnp.exp(chosen_log_var / 2)
    eps = jax.random.normal(keps, std.shape, dtype=std.dtype)
    sample = chosen_mu + std * eps
    return (sample, chosen_indices, chosen_mu, chosen_log_var)

if __name__ == "__main__":
    import jax
    _d = setup_inputs()
    print(jax.jit(kernel)(*tuple(_d.values())))

</pallas_src>

<mosaic_0001>
#map = affine_map<(d0, d1) -> (0, 0, 0)>
#map1 = affine_map<(d0, d1) -> (0, 0)>
#map2 = affine_map<(d0, d1) -> (0)>
module attributes {stable_mosaic.version = 14 : i64} {
  func.func @sc_kernel(%arg0: i32, %arg1: i32, %arg2: memref<32x16x64xf32, #tpu.memory_space<hbm>>, %arg3: memref<32768x2048xf32, #tpu.memory_space<hbm>>, %arg4: memref<32768x2048xf32, #tpu.memory_space<hbm>>, %arg5: memref<2048xi32, #tpu.memory_space<hbm>>, %arg6: memref<2048x2048xf32, #tpu.memory_space<hbm>>, %arg7: memref<2048x2048xf32, #tpu.memory_space<hbm>>, %arg8: memref<16x64xf32, #tpu.memory_space<vmem>>, %arg9: memref<64xi32, #tpu.memory_space<vmem>>, %arg10: memref<64xi32, #tpu.memory_space<vmem>>, %arg11: memref<8x2048xf32, #tpu.memory_space<vmem>>, %arg12: memref<8x2048xf32, #tpu.memory_space<vmem>>, %arg13: memref<8x2048xf32, #tpu.memory_space<vmem>>, %arg14: memref<8x2048xf32, #tpu.memory_space<vmem>>, %arg15: memref<!tpu.dma_semaphore, #tpu.memory_space<semaphore_mem>>, %arg16: memref<!tpu.dma_semaphore, #tpu.memory_space<semaphore_mem>>, %arg17: memref<!tpu.dma_semaphore, #tpu.memory_space<semaphore_mem>>, %arg18: memref<!tpu.dma_semaphore, #tpu.memory_space<semaphore_mem>>) attributes {dimension_semantics = [#tpu.dimension_semantics<core_parallel>, #tpu.dimension_semantics<subcore_parallel>], iteration_bounds = array<i64: 2, 16>, scalar_prefetch = 0 : i64, scratch_operands = 11 : i64, tpu.core_type = #tpu.core_type<sc_vector_subcore>, window_params = [{transform_indices = #map}, {transform_indices = #map1}, {transform_indices = #map1}, {transform_indices = #map2}, {transform_indices = #map1}, {transform_indices = #map1}]} {
    %mul3A = arith.constant 2 : i32
    %mul3A_0 = arith.muli %arg1, %mul3A : i32
    %add3A = arith.addi %mul3A_0, %arg0 : i32
    %mul3A_1 = arith.constant 64 : i32
    %mul3A_2 = arith.muli %add3A, %mul3A_1 : i32
    "tpu.region"() ({
      %run_scoped3A = tpu.sem_alloc : memref<!tpu.dma_semaphore, #tpu.memory_space<semaphore_mem>>
      %dma_start3A_2930 = arith.constant 0 : i32
      %dma_start3A_2931 = arith.constant 0 : i32
      %dma_start3A_2932 = tpu.memref_slice %arg2[%add3A, %dma_start3A_2930, %dma_start3A_2931] : memref<32x16x64xf32, #tpu.memory_space<hbm>> -> memref<1x16x64xf32, #tpu.memory_space<hbm>>
      %dma_start3A_2933 = tpu.memref_squeeze %dma_start3A_2932 : memref<1x16x64xf32, #tpu.memory_space<hbm>> -> memref<16x64xf32, #tpu.memory_space<hbm>>
      %dma_start3A_2934 = arith.constant 0 : i32
      %dma_start3A_2935 = arith.constant 0 : i32
      %dma_start3A_2936 = tpu.memref_slice %arg2[%add3A, %dma_start3A_2934, %dma_start3A_2935] : memref<32x16x64xf32, #tpu.memory_space<hbm>> -> memref<1x16x64xf32, #tpu.memory_space<hbm>>
      %dma_start3A_2937 = tpu.memref_squeeze %dma_start3A_2936 : memref<1x16x64xf32, #tpu.memory_space<hbm>> -> memref<16x64xf32, #tpu.memory_space<hbm>>
      tpu.enqueue_dma source(%dma_start3A_2937 : memref<16x64xf32, #tpu.memory_space<hbm>>) target(%arg8 : memref<16x64xf32, #tpu.memory_space<vmem>>) target_semaphore(%run_scoped3A : memref<!tpu.dma_semaphore, #tpu.memory_space<semaphore_mem>>)
      %dma_wait3A_2938 = arith.constant 0 : i32
      %dma_wait3A_2939 = arith.constant 0 : i32
      %dma_wait3A_2940 = tpu.memref_slice %arg2[%add3A, %dma_wait3A_2938, %dma_wait3A_2939] : memref<32x16x64xf32, #tpu.memory_space<hbm>> -> memref<1x16x64xf32, #tpu.memory_space<hbm>>
      %dma_wait3A_2941 = tpu.memref_squeeze %dma_wait3A_2940 : memref<1x16x64xf32, #tpu.memory_space<hbm>> -> memref<16x64xf32, #tpu.memory_space<hbm>>
      %dma_wait3A_2942 = arith.constant 0 : i32
      %dma_wait3A_2943 = arith.constant 0 : i32
      %dma_wait3A_2944 = tpu.memref_slice %arg2[%add3A, %dma_wait3A_2942, %dma_wait3A_2943] : memref<32x16x64xf32, #tpu.memory_space<hbm>> -> memref<1x16x64xf32, #tpu.memory_space<hbm>>
      %dma_wait3A_2945 = tpu.memref_squeeze %dma_wait3A_2944 : memref<1x16x64xf32, #tpu.memory_space<hbm>> -> memref<16x64xf32, #tpu.memory_space<hbm>>
      tpu.wait_dma2 semaphore(%run_scoped3A : memref<!tpu.dma_semaphore, #tpu.memory_space<semaphore_mem>>) src(%dma_wait3A_2945 : memref<16x64xf32, #tpu.memory_space<hbm>>) dst(%arg8 : memref<16x64xf32, #tpu.memory_space<vmem>>)
      tpu.yield
    }) : () -> ()
    %iota3A = tpu.iota {dimensions = array<i32: 0>} : vector<16xi32>
    %add3A_3 = arith.constant 0 : i32
    %add3A_4 = vector.broadcast %add3A_3 : i32 to vector<16xi32>
    %add3A_5 = arith.addi %add3A_4, %iota3A : vector<16xi32>
    %add3A_6 = vector.broadcast %mul3A_2 : i32 to vector<16xi32>
    %add3A_7 = arith.addi %add3A_6, %add3A_5 : vector<16xi32>
    %broadcast_in_dim3A = arith.constant 0 : i32
    %broadcast_in_dim3A_8 = vector.broadcast %broadcast_in_dim3A : i32 to vector<16xi32>
    %add3A_9 = arith.constant 1832780943 : i32
    %add3A_10 = vector.broadcast %add3A_9 : i32 to vector<16xi32>
    %add3A_11 = arith.addi %broadcast_in_dim3A_8, %add3A_10 : vector<16xi32>
    %add3A_12 = arith.constant 270669613 : i32
    %add3A_13 = vector.broadcast %add3A_12 : i32 to vector<16xi32>
    %add3A_14 = arith.addi %add3A_7, %add3A_13 : vector<16xi32>
    %add3A_15 = arith.addi %add3A_11, %add3A_14 : vector<16xi32>
    %shift_left3A = arith.constant 13 : i32
    %shift_left3A_16 = vector.broadcast %shift_left3A : i32 to vector<16xi32>
    %shift_left3A_17 = arith.shli %add3A_14, %shift_left3A_16 : vector<16xi32>
    %shift_right_logical3A = arith.constant 19 : i32
    %shift_right_logical3A_18 = vector.broadcast %shift_right_logical3A : i32 to vector<16xi32>
    %shift_right_logical3A_19 = arith.shrui %add3A_14, %shift_right_logical3A_18 : vector<16xi32>
    %or3A = arith.ori %shift_left3A_17, %shift_right_logical3A_19 : vector<16xi32>
    %xor3A = arith.xori %add3A_15, %or3A : vector<16xi32>
    %add3A_20 = arith.addi %add3A_15, %xor3A : vector<16xi32>
    %shift_left3A_21 = arith.constant 15 : i32
    %shift_left3A_22 = vector.broadcast %shift_left3A_21 : i32 to vector<16xi32>
    %shift_left3A_23 = arith.shli %xor3A, %shift_left3A_22 : vector<16xi32>
    %shift_right_logical3A_24 = arith.constant 17 : i32
    %shift_right_logical3A_25 = vector.broadcast %shift_right_logical3A_24 : i32 to vector<16xi32>
    %shift_right_logical3A_26 = arith.shrui %xor3A, %shift_right_logical3A_25 : vector<16xi32>
    %or3A_27 = arith.ori %shift_left3A_23, %shift_right_logical3A_26 : vector<16xi32>
    %xor3A_28 = arith.xori %add3A_20, %or3A_27 : vector<16xi32>
    %add3A_29 = arith.addi %add3A_20, %xor3A_28 : vector<16xi32>
    %shift_left3A_30 = arith.constant 26 : i32
    %shift_left3A_31 = vector.broadcast %shift_left3A_30 : i32 to vector<16xi32>
    %shift_left3A_32 = arith.shli %xor3A_28, %shift_left3A_31 : vector<16xi32>
    %shift_right_logical3A_33 = arith.constant 6 : i32
    %shift_right_logical3A_34 = vector.broadcast %shift_right_logical3A_33 : i32 to vector<16xi32>
    %shift_right_logical3A_35 = arith.shrui %xor3A_28, %shift_right_logical3A_34 : vector<16xi32>
    %or3A_36 = arith.ori %shift_left3A_32, %shift_right_logical3A_35 : vector<16xi32>
    %xor3A_37 = arith.xori %add3A_29, %or3A_36 : vector<16xi32>
    %add3A_38 = arith.addi %add3A_29, %xor3A_37 : vector<16xi32>
    %shift_left3A_39 = arith.constant 6 : i32
    %shift_left3A_40 = vector.broadcast %shift_left3A_39 : i32 to vector<16xi32>
    %shift_left3A_41 = arith.shli %xor3A_37, %shift_left3A_40 : vector<16xi32>
    %shift_right_logical3A_42 = arith.constant 26 : i32
    %shift_right_logical3A_43 = vector.broadcast %shift_right_logical3A_42 : i32 to vector<16xi32>
    %shift_right_logical3A_44 = arith.shrui %xor3A_37, %shift_right_logical3A_43 : vector<16xi32>
    %or3A_45 = arith.ori %shift_left3A_41, %shift_right_logical3A_44 : vector<16xi32>
    %xor3A_46 = arith.xori %add3A_38, %or3A_45 : vector<16xi32>
    %add3A_47 = arith.constant 270669613 : i32
    %add3A_48 = vector.broadcast %add3A_47 : i32 to vector<16xi32>
    %add3A_49 = arith.addi %add3A_38, %add3A_48 : vector<16xi32>
    %add3A_50 = arith.constant 1724713080 : i32
    %add3A_51 = vector.broadcast %add3A_50 : i32 to vector<16xi32>
    %add3A_52 = arith.addi %xor3A_46, %add3A_51 : vector<16xi32>
    %add3A_53 = arith.constant 1 : i32
    %add3A_54 = vector.broadcast %add3A_53 : i32 to vector<16xi32>
    %add3A_55 = arith.addi %add3A_52, %add3A_54 : vector<16xi32>
    %add3A_56 = arith.addi %add3A_49, %add3A_55 : vector<16xi32>
    %shift_left3A_57 = arith.constant 17 : i32
    %shift_left3A_58 = vector.broadcast %shift_left3A_57 : i32 to vector<16xi32>
    %shift_left3A_59 = arith.shli %add3A_55, %shift_left3A_58 : vector<16xi32>
    %shift_right_logical3A_60 = arith.constant 15 : i32
    %shift_right_logical3A_61 = vector.broadcast %shift_right_logical3A_60 : i32 to vector<16xi32>
    %shift_right_logical3A_62 = arith.shrui %add3A_55, %shift_right_logical3A_61 : vector<16xi32>
    %or3A_63 = arith.ori %shift_left3A_59, %shift_right_logical3A_62 : vector<16xi32>
    %xor3A_64 = arith.xori %add3A_56, %or3A_63 : vector<16xi32>
    %add3A_65 = arith.addi %add3A_56, %xor3A_64 : vector<16xi32>
    %shift_left3A_66 = arith.constant 29 : i32
    %shift_left3A_67 = vector.broadcast %shift_left3A_66 : i32 to vector<16xi32>
    %shift_left3A_68 = arith.shli %xor3A_64, %shift_left3A_67 : vector<16xi32>
    %shift_right_logical3A_69 = arith.constant 3 : i32
    %shift_right_logical3A_70 = vector.broadcast %shift_right_logical3A_69 : i32 to vector<16xi32>
    %shift_right_logical3A_71 = arith.shrui %xor3A_64, %shift_right_logical3A_70 : vector<16xi32>
    %or3A_72 = arith.ori %shift_left3A_68, %shift_right_logical3A_71 : vector<16xi32>
    %xor3A_73 = arith.xori %add3A_65, %or3A_72 : vector<16xi32>
    %add3A_74 = arith.addi %add3A_65, %xor3A_73 : vector<16xi32>
    %shift_left3A_75 = arith.constant 16 : i32
    %shift_left3A_76 = vector.broadcast %shift_left3A_75 : i32 to vector<16xi32>
    %shift_left3A_77 = arith.shli %xor3A_73, %shift_left3A_76 : vector<16xi32>
    %shift_right_logical3A_78 = arith.constant 16 : i32
    %shift_right_logical3A_79 = vector.broadcast %shift_right_logical3A_78 : i32 to vector<16xi32>
    %shift_right_logical3A_80 = arith.shrui %xor3A_73, %shift_right_logical3A_79 : vector<16xi32>
    %or3A_81 = arith.ori %shift_left3A_77, %shift_right_logical3A_80 : vector<16xi32>
    %xor3A_82 = arith.xori %add3A_74, %or3A_81 : vector<16xi32>
    %add3A_83 = arith.addi %add3A_74, %xor3A_82 : vector<16xi32>
    %shift_left3A_84 = arith.constant 24 : i32
    %shift_left3A_85 = vector.broadcast %shift_left3A_84 : i32 to vector<16xi32>
    %shift_left3A_86 = arith.shli %xor3A_82, %shift_left3A_85 : vector<16xi32>
    %shift_right_logical3A_87 = arith.constant 8 : i32
    %shift_right_logical3A_88 = vector.broadcast %shift_right_logical3A_87 : i32 to vector<16xi32>
    %shift_right_logical3A_89 = arith.shrui %xor3A_82, %shift_right_logical3A_88 : vector<16xi32>
    %or3A_90 = arith.ori %shift_left3A_86, %shift_right_logical3A_89 : vector<16xi32>
    %xor3A_91 = arith.xori %add3A_83, %or3A_90 : vector<16xi32>
    %add3A_92 = arith.constant 1724713080 : i32
    %add3A_93 = vector.broadcast %add3A_92 : i32 to vector<16xi32>
    %add3A_94 = arith.addi %add3A_83, %add3A_93 : vector<16xi32>
    %add3A_95 = arith.constant 1832780943 : i32
    %add3A_96 = vector.broadcast %add3A_95 : i32 to vector<16xi32>
    %add3A_97 = arith.addi %xor3A_91, %add3A_96 : vector<16xi32>
    %add3A_98 = arith.constant 2 : i32
    %add3A_99 = vector.broadcast %add3A_98 : i32 to vector<16xi32>
    %add3A_100 = arith.addi %add3A_97, %add3A_99 : vector<16xi32>
    %add3A_101 = arith.addi %add3A_94, %add3A_100 : vector<16xi32>
    %shift_left3A_102 = arith.constant 13 : i32
    %shift_left3A_103 = vector.broadcast %shift_left3A_102 : i32 to vector<16xi32>
    %shift_left3A_104 = arith.shli %add3A_100, %shift_left3A_103 : vector<16xi32>
    %shift_right_logical3A_105 = arith.constant 19 : i32
    %shift_right_logical3A_106 = vector.broadcast %shift_right_logical3A_105 : i32 to vector<16xi32>
    %shift_right_logical3A_107 = arith.shrui %add3A_100, %shift_right_logical3A_106 : vector<16xi32>
    %or3A_108 = arith.ori %shift_left3A_104, %shift_right_logical3A_107 : vector<16xi32>
    %xor3A_109 = arith.xori %add3A_101, %or3A_108 : vector<16xi32>
    %add3A_110 = arith.addi %add3A_101, %xor3A_109 : vector<16xi32>
    %shift_left3A_111 = arith.constant 15 : i32
    %shift_left3A_112 = vector.broadcast %shift_left3A_111 : i32 to vector<16xi32>
    %shift_left3A_113 = arith.shli %xor3A_109, %shift_left3A_112 : vector<16xi32>
    %shift_right_logical3A_114 = arith.constant 17 : i32
    %shift_right_logical3A_115 = vector.broadcast %shift_right_logical3A_114 : i32 to vector<16xi32>
    %shift_right_logical3A_116 = arith.shrui %xor3A_109, %shift_right_logical3A_115 : vector<16xi32>
    %or3A_117 = arith.ori %shift_left3A_113, %shift_right_logical3A_116 : vector<16xi32>
    %xor3A_118 = arith.xori %add3A_110, %or3A_117 : vector<16xi32>
    %add3A_119 = arith.addi %add3A_110, %xor3A_118 : vector<16xi32>
    %shift_left3A_120 = arith.constant 26 : i32
    %shift_left3A_121 = vector.broadcast %shift_left3A_120 : i32 to vector<16xi32>
    %shift_left3A_122 = arith.shli %xor3A_118, %shift_left3A_121 : vector<16xi32>
    %shift_right_logical3A_123 = arith.constant 6 : i32
    %shift_right_logical3A_124 = vector.broadcast %shift_right_logical3A_123 : i32 to vector<16xi32>
    %shift_right_logical3A_125 = arith.shrui %xor3A_118, %shift_right_logical3A_124 : vector<16xi32>
    %or3A_126 = arith.ori %shift_left3A_122, %shift_right_logical3A_125 : vector<16xi32>
    %xor3A_127 = arith.xori %add3A_119, %or3A_126 : vector<16xi32>
    %add3A_128 = arith.addi %add3A_119, %xor3A_127 : vector<16xi32>
    %shift_left3A_129 = arith.constant 6 : i32
    %shift_left3A_130 = vector.broadcast %shift_left3A_129 : i32 to vector<16xi32>
    %shift_left3A_131 = arith.shli %xor3A_127, %shift_left3A_130 : vector<16xi32>
    %shift_right_logical3A_132 = arith.constant 26 : i32
    %shift_right_logical3A_133 = vector.broadcast %shift_right_logical3A_132 : i32 to vector<16xi32>
    %shift_right_logical3A_134 = arith.shrui %xor3A_127, %shift_right_logical3A_133 : vector<16xi32>
    %or3A_135 = arith.ori %shift_left3A_131, %shift_right_logical3A_134 : vector<16xi32>
    %xor3A_136 = arith.xori %add3A_128, %or3A_135 : vector<16xi32>
    %add3A_137 = arith.constant 1832780943 : i32
    %add3A_138 = vector.broadcast %add3A_137 : i32 to vector<16xi32>
    %add3A_139 = arith.addi %add3A_128, %add3A_138 : vector<16xi32>
    %add3A_140 = arith.constant 270669613 : i32
    %add3A_141 = vector.broadcast %add3A_140 : i32 to vector<16xi32>
    %add3A_142 = arith.addi %xor3A_136, %add3A_141 : vector<16xi32>
    %add3A_143 = arith.constant 3 : i32
    %add3A_144 = vector.broadcast %add3A_143 : i32 to vector<16xi32>
    %add3A_145 = arith.addi %add3A_142, %add3A_144 : vector<16xi32>
    %add3A_146 = arith.addi %add3A_139, %add3A_145 : vector<16xi32>
    %shift_left3A_147 = arith.constant 17 : i32
    %shift_left3A_148 = vector.broadcast %shift_left3A_147 : i32 to vector<16xi32>
    %shift_left3A_149 = arith.shli %add3A_145, %shift_left3A_148 : vector<16xi32>
    %shift_right_logical3A_150 = arith.constant 15 : i32
    %shift_right_logical3A_151 = vector.broadcast %shift_right_logical3A_150 : i32 to vector<16xi32>
    %shift_right_logical3A_152 = arith.shrui %add3A_145, %shift_right_logical3A_151 : vector<16xi32>
    %or3A_153 = arith.ori %shift_left3A_149, %shift_right_logical3A_152 : vector<16xi32>
    %xor3A_154 = arith.xori %add3A_146, %or3A_153 : vector<16xi32>
    %add3A_155 = arith.addi %add3A_146, %xor3A_154 : vector<16xi32>
    %shift_left3A_156 = arith.constant 29 : i32
    %shift_left3A_157 = vector.broadcast %shift_left3A_156 : i32 to vector<16xi32>
    %shift_left3A_158 = arith.shli %xor3A_154, %shift_left3A_157 : vector<16xi32>
    %shift_right_logical3A_159 = arith.constant 3 : i32
    %shift_right_logical3A_160 = vector.broadcast %shift_right_logical3A_159 : i32 to vector<16xi32>
    %shift_right_logical3A_161 = arith.shrui %xor3A_154, %shift_right_logical3A_160 : vector<16xi32>
    %or3A_162 = arith.ori %shift_left3A_158, %shift_right_logical3A_161 : vector<16xi32>
    %xor3A_163 = arith.xori %add3A_155, %or3A_162 : vector<16xi32>
    %add3A_164 = arith.addi %add3A_155, %xor3A_163 : vector<16xi32>
    %shift_left3A_165 = arith.constant 16 : i32
    %shift_left3A_166 = vector.broadcast %shift_left3A_165 : i32 to vector<16xi32>
    %shift_left3A_167 = arith.shli %xor3A_163, %shift_left3A_166 : vector<16xi32>
    %shift_right_logical3A_168 = arith.constant 16 : i32
    %shift_right_logical3A_169 = vector.broadcast %shift_right_logical3A_168 : i32 to vector<16xi32>
    %shift_right_logical3A_170 = arith.shrui %xor3A_163, %shift_right_logical3A_169 : vector<16xi32>
    %or3A_171 = arith.ori %shift_left3A_167, %shift_right_logical3A_170 : vector<16xi32>
    %xor3A_172 = arith.xori %add3A_164, %or3A_171 : vector<16xi32>
    %add3A_173 = arith.addi %add3A_164, %xor3A_172 : vector<16xi32>
    %shift_left3A_174 = arith.constant 24 : i32
    %shift_left3A_175 = vector.broadcast %shift_left3A_174 : i32 to vector<16xi32>
    %shift_left3A_176 = arith.shli %xor3A_172, %shift_left3A_175 : vector<16xi32>
    %shift_right_logical3A_177 = arith.constant 8 : i32
    %shift_right_logical3A_178 = vector.broadcast %shift_right_logical3A_177 : i32 to vector<16xi32>
    %shift_right_logical3A_179 = arith.shrui %xor3A_172, %shift_right_logical3A_178 : vector<16xi32>
    %or3A_180 = arith.ori %shift_left3A_176, %shift_right_logical3A_179 : vector<16xi32>
    %xor3A_181 = arith.xori %add3A_173, %or3A_180 : vector<16xi32>
    %add3A_182 = arith.constant 270669613 : i32
    %add3A_183 = vector.broadcast %add3A_182 : i32 to vector<16xi32>
    %add3A_184 = arith.addi %add3A_173, %add3A_183 : vector<16xi32>
    %add3A_185 = arith.constant 1724713080 : i32
    %add3A_186 = vector.broadcast %add3A_185 : i32 to vector<16xi32>
    %add3A_187 = arith.addi %xor3A_181, %add3A_186 : vector<16xi32>
    %add3A_188 = arith.constant 4 : i32
    %add3A_189 = vector.broadcast %add3A_188 : i32 to vector<16xi32>
    %add3A_190 = arith.addi %add3A_187, %add3A_189 : vector<16xi32>
    %add3A_191 = arith.addi %add3A_184, %add3A_190 : vector<16xi32>
    %shift_left3A_192 = arith.constant 13 : i32
    %shift_left3A_193 = vector.broadcast %shift_left3A_192 : i32 to vector<16xi32>
    %shift_left3A_194 = arith.shli %add3A_190, %shift_left3A_193 : vector<16xi32>
    %shift_right_logical3A_195 = arith.constant 19 : i32
    %shift_right_logical3A_196 = vector.broadcast %shift_right_logical3A_195 : i32 to vector<16xi32>
    %shift_right_logical3A_197 = arith.shrui %add3A_190, %shift_right_logical3A_196 : vector<16xi32>
    %or3A_198 = arith.ori %shift_left3A_194, %shift_right_logical3A_197 : vector<16xi32>
    %xor3A_199 = arith.xori %add3A_191, %or3A_198 : vector<16xi32>
    %add3A_200 = arith.addi %add3A_191, %xor3A_199 : vector<16xi32>
    %shift_left3A_201 = arith.constant 15 : i32
    %shift_left3A_202 = vector.broadcast %shift_left3A_201 : i32 to vector<16xi32>
    %shift_left3A_203 = arith.shli %xor3A_199, %shift_left3A_202 : vector<16xi32>
    %shift_right_logical3A_204 = arith.constant 17 : i32
    %shift_right_logical3A_205 = vector.broadcast %shift_right_logical3A_204 : i32 to vector<16xi32>
    %shift_right_logical3A_206 = arith.shrui %xor3A_199, %shift_right_logical3A_205 : vector<16xi32>
    %or3A_207 = arith.ori %shift_left3A_203, %shift_right_logical3A_206 : vector<16xi32>
    %xor3A_208 = arith.xori %add3A_200, %or3A_207 : vector<16xi32>
    %add3A_209 = arith.addi %add3A_200, %xor3A_208 : vector<16xi32>
    %shift_left3A_210 = arith.constant 26 : i32
    %shift_left3A_211 = vector.broadcast %shift_left3A_210 : i32 to vector<16xi32>
    %shift_left3A_212 = arith.shli %xor3A_208, %shift_left3A_211 : vector<16xi32>
    %shift_right_logical3A_213 = arith.constant 6 : i32
    %shift_right_logical3A_214 = vector.broadcast %shift_right_logical3A_213 : i32 to vector<16xi32>
    %shift_right_logical3A_215 = arith.shrui %xor3A_208, %shift_right_logical3A_214 : vector<16xi32>
    %or3A_216 = arith.ori %shift_left3A_212, %shift_right_logical3A_215 : vector<16xi32>
    %xor3A_217 = arith.xori %add3A_209, %or3A_216 : vector<16xi32>
    %add3A_218 = arith.addi %add3A_209, %xor3A_217 : vector<16xi32>
    %shift_left3A_219 = arith.constant 6 : i32
    %shift_left3A_220 = vector.broadcast %shift_left3A_219 : i32 to vector<16xi32>
    %shift_left3A_221 = arith.shli %xor3A_217, %shift_left3A_220 : vector<16xi32>
    %shift_right_logical3A_222 = arith.constant 26 : i32
    %shift_right_logical3A_223 = vector.broadcast %shift_right_logical3A_222 : i32 to vector<16xi32>
    %shift_right_logical3A_224 = arith.shrui %xor3A_217, %shift_right_logical3A_223 : vector<16xi32>
    %or3A_225 = arith.ori %shift_left3A_221, %shift_right_logical3A_224 : vector<16xi32>
    %xor3A_226 = arith.xori %add3A_218, %or3A_225 : vector<16xi32>
    %add3A_227 = arith.constant 1724713080 : i32
    %add3A_228 = vector.broadcast %add3A_227 : i32 to vector<16xi32>
    %add3A_229 = arith.addi %add3A_218, %add3A_228 : vector<16xi32>
    %add3A_230 = arith.constant 1832780943 : i32
    %add3A_231 = vector.broadcast %add3A_230 : i32 to vector<16xi32>
    %add3A_232 = arith.addi %xor3A_226, %add3A_231 : vector<16xi32>
    %add3A_233 = arith.constant 5 : i32
    %add3A_234 = vector.broadcast %add3A_233 : i32 to vector<16xi32>
    %add3A_235 = arith.addi %add3A_232, %add3A_234 : vector<16xi32>
    %xor3A_236 = arith.xori %add3A_229, %add3A_235 : vector<16xi32>
    %shift_right_logical3A_237 = arith.constant 9 : i32
    %shift_right_logical3A_238 = vector.broadcast %shift_right_logical3A_237 : i32 to vector<16xi32>
    %shift_right_logical3A_239 = arith.shrui %xor3A_236, %shift_right_logical3A_238 : vector<16xi32>
    %or3A_240 = arith.constant 1065353216 : i32
    %or3A_241 = vector.broadcast %or3A_240 : i32 to vector<16xi32>
    %or3A_242 = arith.ori %shift_right_logical3A_239, %or3A_241 : vector<16xi32>
    %bitcast_convert_type3A = tpu.bitcast %or3A_242 : vector<16xi32> -> vector<16xf32>
    %sub3A = arith.constant 1.000000e+00 : f32
    %sub3A_243 = vector.broadcast %sub3A : f32 to vector<16xf32>
    %sub3A_244 = arith.subf %bitcast_convert_type3A, %sub3A_243 : vector<16xf32>
    %lt3A = arith.constant 0.899999976 : f32
    %lt3A_245 = vector.broadcast %lt3A : f32 to vector<16xf32>
    %lt3A_246 = arith.cmpf olt, %sub3A_244, %lt3A_245 : vector<16xf32>
    %broadcast_in_dim3A_247 = arith.constant 0 : i32
    %broadcast_in_dim3A_248 = vector.broadcast %broadcast_in_dim3A_247 : i32 to vector<16xi32>
    %add3A_249 = arith.constant -1944951124 : i32
    %add3A_250 = vector.broadcast %add3A_249 : i32 to vector<16xi32>
    %add3A_251 = arith.addi %broadcast_in_dim3A_248, %add3A_250 : vector<16xi32>
    %add3A_252 = arith.constant 1168365246 : i32
    %add3A_253 = vector.broadcast %add3A_252 : i32 to vector<16xi32>
    %add3A_254 = arith.addi %add3A_7, %add3A_253 : vector<16xi32>
    %add3A_255 = arith.addi %add3A_251, %add3A_254 : vector<16xi32>
    %shift_left3A_256 = arith.constant 13 : i32
    %shift_left3A_257 = vector.broadcast %shift_left3A_256 : i32 to vector<16xi32>
    %shift_left3A_258 = arith.shli %add3A_254, %shift_left3A_257 : vector<16xi32>
    %shift_right_logical3A_259 = arith.constant 19 : i32
    %shift_right_logical3A_260 = vector.broadcast %shift_right_logical3A_259 : i32 to vector<16xi32>
    %shift_right_logical3A_261 = arith.shrui %add3A_254, %shift_right_logical3A_260 : vector<16xi32>
    %or3A_262 = arith.ori %shift_left3A_258, %shift_right_logical3A_261 : vector<16xi32>
    %xor3A_263 = arith.xori %add3A_255, %or3A_262 : vector<16xi32>
    %add3A_264 = arith.addi %add3A_255, %xor3A_263 : vector<16xi32>
    %shift_left3A_265 = arith.constant 15 : i32
    %shift_left3A_266 = vector.broadcast %shift_left3A_265 : i32 to vector<16xi32>
    %shift_left3A_267 = arith.shli %xor3A_263, %shift_left3A_266 : vector<16xi32>
    %shift_right_logical3A_268 = arith.constant 17 : i32
    %shift_right_logical3A_269 = vector.broadcast %shift_right_logical3A_268 : i32 to vector<16xi32>
    %shift_right_logical3A_270 = arith.shrui %xor3A_263, %shift_right_logical3A_269 : vector<16xi32>
    %or3A_271 = arith.ori %shift_left3A_267, %shift_right_logical3A_270 : vector<16xi32>
    %xor3A_272 = arith.xori %add3A_264, %or3A_271 : vector<16xi32>
    %add3A_273 = arith.addi %add3A_264, %xor3A_272 : vector<16xi32>
    %shift_left3A_274 = arith.constant 26 : i32
    %shift_left3A_275 = vector.broadcast %shift_left3A_274 : i32 to vector<16xi32>
    %shift_left3A_276 = arith.shli %xor3A_272, %shift_left3A_275 : vector<16xi32>
    %shift_right_logical3A_277 = arith.constant 6 : i32
    %shift_right_logical3A_278 = vector.broadcast %shift_right_logical3A_277 : i32 to vector<16xi32>
    %shift_right_logical3A_279 = arith.shrui %xor3A_272, %shift_right_logical3A_278 : vector<16xi32>
    %or3A_280 = arith.ori %shift_left3A_276, %shift_right_logical3A_279 : vector<16xi32>
    %xor3A_281 = arith.xori %add3A_273, %or3A_280 : vector<16xi32>
    %add3A_282 = arith.addi %add3A_273, %xor3A_281 : vector<16xi32>
    %shift_left3A_283 = arith.constant 6 : i32
    %shift_left3A_284 = vector.broadcast %shift_left3A_283 : i32 to vector<16xi32>
    %shift_left3A_285 = arith.shli %xor3A_281, %shift_left3A_284 : vector<16xi32>
    %shift_right_logical3A_286 = arith.constant 26 : i32
    %shift_right_logical3A_287 = vector.broadcast %shift_right_logical3A_286 : i32 to vector<16xi32>
    %shift_right_logical3A_288 = arith.shrui %xor3A_281, %shift_right_logical3A_287 : vector<16xi32>
    %or3A_289 = arith.ori %shift_left3A_285, %shift_right_logical3A_288 : vector<16xi32>
    %xor3A_290 = arith.xori %add3A_282, %or3A_289 : vector<16xi32>
    %add3A_291 = arith.constant 1168365246 : i32
    %add3A_292 = vector.broadcast %add3A_291 : i32 to vector<16xi32>
    %add3A_293 = arith.addi %add3A_282, %add3A_292 : vector<16xi32>
    %add3A_294 = arith.constant -765416504 : i32
    %add3A_295 = vector.broadcast %add3A_294 : i32 to vector<16xi32>
    %add3A_296 = arith.addi %xor3A_290, %add3A_295 : vector<16xi32>
    %add3A_297 = arith.constant 1 : i32
    %add3A_298 = vector.broadcast %add3A_297 : i32 to vector<16xi32>
    %add3A_299 = arith.addi %add3A_296, %add3A_298 : vector<16xi32>
    %add3A_300 = arith.addi %add3A_293, %add3A_299 : vector<16xi32>
    %shift_left3A_301 = arith.constant 17 : i32
    %shift_left3A_302 = vector.broadcast %shift_left3A_301 : i32 to vector<16xi32>
    %shift_left3A_303 = arith.shli %add3A_299, %shift_left3A_302 : vector<16xi32>
    %shift_right_logical3A_304 = arith.constant 15 : i32
    %shift_right_logical3A_305 = vector.broadcast %shift_right_logical3A_304 : i32 to vector<16xi32>
    %shift_right_logical3A_306 = arith.shrui %add3A_299, %shift_right_logical3A_305 : vector<16xi32>
    %or3A_307 = arith.ori %shift_left3A_303, %shift_right_logical3A_306 : vector<16xi32>
    %xor3A_308 = arith.xori %add3A_300, %or3A_307 : vector<16xi32>
    %add3A_309 = arith.addi %add3A_300, %xor3A_308 : vector<16xi32>
    %shift_left3A_310 = arith.constant 29 : i32
    %shift_left3A_311 = vector.broadcast %shift_left3A_310 : i32 to vector<16xi32>
    %shift_left3A_312 = arith.shli %xor3A_308, %shift_left3A_311 : vector<16xi32>
    %shift_right_logical3A_313 = arith.constant 3 : i32
    %shift_right_logical3A_314 = vector.broadcast %shift_right_logical3A_313 : i32 to vector<16xi32>
    %shift_right_logical3A_315 = arith.shrui %xor3A_308, %shift_right_logical3A_314 : vector<16xi32>
    %or3A_316 = arith.ori %shift_left3A_312, %shift_right_logical3A_315 : vector<16xi32>
    %xor3A_317 = arith.xori %add3A_309, %or3A_316 : vector<16xi32>
    %add3A_318 = arith.addi %add3A_309, %xor3A_317 : vector<16xi32>
    %shift_left3A_319 = arith.constant 16 : i32
    %shift_left3A_320 = vector.broadcast %shift_left3A_319 : i32 to vector<16xi32>
    %shift_left3A_321 = arith.shli %xor3A_317, %shift_left3A_320 : vector<16xi32>
    %shift_right_logical3A_322 = arith.constant 16 : i32
    %shift_right_logical3A_323 = vector.broadcast %shift_right_logical3A_322 : i32 to vector<16xi32>
    %shift_right_logical3A_324 = arith.shrui %xor3A_317, %shift_right_logical3A_323 : vector<16xi32>
    %or3A_325 = arith.ori %shift_left3A_321, %shift_right_logical3A_324 : vector<16xi32>
    %xor3A_326 = arith.xori %add3A_318, %or3A_325 : vector<16xi32>
    %add3A_327 = arith.addi %add3A_318, %xor3A_326 : vector<16xi32>
    %shift_left3A_328 = arith.constant 24 : i32
    %shift_left3A_329 = vector.broadcast %shift_left3A_328 : i32 to vector<16xi32>
    %shift_left3A_330 = arith.shli %xor3A_326, %shift_left3A_329 : vector<16xi32>
    %shift_right_logical3A_331 = arith.constant 8 : i32
    %shift_right_logical3A_332 = vector.broadcast %shift_right_logical3A_331 : i32 to vector<16xi32>
    %shift_right_logical3A_333 = arith.shrui %xor3A_326, %shift_right_logical3A_332 : vector<16xi32>
    %or3A_334 = arith.ori %shift_left3A_330, %shift_right_logical3A_333 : vector<16xi32>
    %xor3A_335 = arith.xori %add3A_327, %or3A_334 : vector<16xi32>
    %add3A_336 = arith.constant -765416504 : i32
    %add3A_337 = vector.broadcast %add3A_336 : i32 to vector<16xi32>
    %add3A_338 = arith.addi %add3A_327, %add3A_337 : vector<16xi32>
    %add3A_339 = arith.constant -1944951124 : i32
    %add3A_340 = vector.broadcast %add3A_339 : i32 to vector<16xi32>
    %add3A_341 = arith.addi %xor3A_335, %add3A_340 : vector<16xi32>
    %add3A_342 = arith.constant 2 : i32
    %add3A_343 = vector.broadcast %add3A_342 : i32 to vector<16xi32>
    %add3A_344 = arith.addi %add3A_341, %add3A_343 : vector<16xi32>
    %add3A_345 = arith.addi %add3A_338, %add3A_344 : vector<16xi32>
    %shift_left3A_346 = arith.constant 13 : i32
    %shift_left3A_347 = vector.broadcast %shift_left3A_346 : i32 to vector<16xi32>
    %shift_left3A_348 = arith.shli %add3A_344, %shift_left3A_347 : vector<16xi32>
    %shift_right_logical3A_349 = arith.constant 19 : i32
    %shift_right_logical3A_350 = vector.broadcast %shift_right_logical3A_349 : i32 to vector<16xi32>
    %shift_right_logical3A_351 = arith.shrui %add3A_344, %shift_right_logical3A_350 : vector<16xi32>
    %or3A_352 = arith.ori %shift_left3A_348, %shift_right_logical3A_351 : vector<16xi32>
    %xor3A_353 = arith.xori %add3A_345, %or3A_352 : vector<16xi32>
    %add3A_354 = arith.addi %add3A_345, %xor3A_353 : vector<16xi32>
    %shift_left3A_355 = arith.constant 15 : i32
    %shift_left3A_356 = vector.broadcast %shift_left3A_355 : i32 to vector<16xi32>
    %shift_left3A_357 = arith.shli %xor3A_353, %shift_left3A_356 : vector<16xi32>
    %shift_right_logical3A_358 = arith.constant 17 : i32
    %shift_right_logical3A_359 = vector.broadcast %shift_right_logical3A_358 : i32 to vector<16xi32>
    %shift_right_logical3A_360 = arith.shrui %xor3A_353, %shift_right_logical3A_359 : vector<16xi32>
    %or3A_361 = arith.ori %shift_left3A_357, %shift_right_logical3A_360 : vector<16xi32>
    %xor3A_362 = arith.xori %add3A_354, %or3A_361 : vector<16xi32>
    %add3A_363 = arith.addi %add3A_354, %xor3A_362 : vector<16xi32>
    %shift_left3A_364 = arith.constant 26 : i32
    %shift_left3A_365 = vector.broadcast %shift_left3A_364 : i32 to vector<16xi32>
    %shift_left3A_366 = arith.shli %xor3A_362, %shift_left3A_365 : vector<16xi32>
    %shift_right_logical3A_367 = arith.constant 6 : i32
    %shift_right_logical3A_368 = vector.broadcast %shift_right_logical3A_367 : i32 to vector<16xi32>
    %shift_right_logical3A_369 = arith.shrui %xor3A_362, %shift_right_logical3A_368 : vector<16xi32>
    %or3A_370 = arith.ori %shift_left3A_366, %shift_right_logical3A_369 : vector<16xi32>
    %xor3A_371 = arith.xori %add3A_363, %or3A_370 : vector<16xi32>
    %add3A_372 = arith.addi %add3A_363, %xor3A_371 : vector<16xi32>
    %shift_left3A_373 = arith.constant 6 : i32
    %shift_left3A_374 = vector.broadcast %shift_left3A_373 : i32 to vector<16xi32>
    %shift_left3A_375 = arith.shli %xor3A_371, %shift_left3A_374 : vector<16xi32>
    %shift_right_logical3A_376 = arith.constant 26 : i32
    %shift_right_logical3A_377 = vector.broadcast %shift_right_logical3A_376 : i32 to vector<16xi32>
    %shift_right_logical3A_378 = arith.shrui %xor3A_371, %shift_right_logical3A_377 : vector<16xi32>
    %or3A_379 = arith.ori %shift_left3A_375, %shift_right_logical3A_378 : vector<16xi32>
    %xor3A_380 = arith.xori %add3A_372, %or3A_379 : vector<16xi32>
    %add3A_381 = arith.constant -1944951124 : i32
    %add3A_382 = vector.broadcast %add3A_381 : i32 to vector<16xi32>
    %add3A_383 = arith.addi %add3A_372, %add3A_382 : vector<16xi32>
    %add3A_384 = arith.constant 1168365246 : i32
    %add3A_385 = vector.broadcast %add3A_384 : i32 to vector<16xi32>
    %add3A_386 = arith.addi %xor3A_380, %add3A_385 : vector<16xi32>
    %add3A_387 = arith.constant 3 : i32
    %add3A_388 = vector.broadcast %add3A_387 : i32 to vector<16xi32>
    %add3A_389 = arith.addi %add3A_386, %add3A_388 : vector<16xi32>
    %add3A_390 = arith.addi %add3A_383, %add3A_389 : vector<16xi32>
    %shift_left3A_391 = arith.constant 17 : i32
    %shift_left3A_392 = vector.broadcast %shift_left3A_391 : i32 to vector<16xi32>
    %shift_left3A_393 = arith.shli %add3A_389, %shift_left3A_392 : vector<16xi32>
    %shift_right_logical3A_394 = arith.constant 15 : i32
    %shift_right_logical3A_395 = vector.broadcast %shift_right_logical3A_394 : i32 to vector<16xi32>
    %shift_right_logical3A_396 = arith.shrui %add3A_389, %shift_right_logical3A_395 : vector<16xi32>
    %or3A_397 = arith.ori %shift_left3A_393, %shift_right_logical3A_396 : vector<16xi32>
    %xor3A_398 = arith.xori %add3A_390, %or3A_397 : vector<16xi32>
    %add3A_399 = arith.addi %add3A_390, %xor3A_398 : vector<16xi32>
    %shift_left3A_400 = arith.constant 29 : i32
    %shift_left3A_401 = vector.broadcast %shift_left3A_400 : i32 to vector<16xi32>
    %shift_left3A_402 = arith.shli %xor3A_398, %shift_left3A_401 : vector<16xi32>
    %shift_right_logical3A_403 = arith.constant 3 : i32
    %shift_right_logical3A_404 = vector.broadcast %shift_right_logical3A_403 : i32 to vector<16xi32>
    %shift_right_logical3A_405 = arith.shrui %xor3A_398, %shift_right_logical3A_404 : vector<16xi32>
    %or3A_406 = arith.ori %shift_left3A_402, %shift_right_logical3A_405 : vector<16xi32>
    %xor3A_407 = arith.xori %add3A_399, %or3A_406 : vector<16xi32>
    %add3A_408 = arith.addi %add3A_399, %xor3A_407 : vector<16xi32>
    %shift_left3A_409 = arith.constant 16 : i32
    %shift_left3A_410 = vector.broadcast %shift_left3A_409 : i32 to vector<16xi32>
    %shift_left3A_411 = arith.shli %xor3A_407, %shift_left3A_410 : vector<16xi32>
    %shift_right_logical3A_412 = arith.constant 16 : i32
    %shift_right_logical3A_413 = vector.broadcast %shift_right_logical3A_412 : i32 to vector<16xi32>
    %shift_right_logical3A_414 = arith.shrui %xor3A_407, %shift_right_logical3A_413 : vector<16xi32>
    %or3A_415 = arith.ori %shift_left3A_411, %shift_right_logical3A_414 : vector<16xi32>
    %xor3A_416 = arith.xori %add3A_408, %or3A_415 : vector<16xi32>
    %add3A_417 = arith.addi %add3A_408, %xor3A_416 : vector<16xi32>
    %shift_left3A_418 = arith.constant 24 : i32
    %shift_left3A_419 = vector.broadcast %shift_left3A_418 : i32 to vector<16xi32>
    %shift_left3A_420 = arith.shli %xor3A_416, %shift_left3A_419 : vector<16xi32>
    %shift_right_logical3A_421 = arith.constant 8 : i32
    %shift_right_logical3A_422 = vector.broadcast %shift_right_logical3A_421 : i32 to vector<16xi32>
    %shift_right_logical3A_423 = arith.shrui %xor3A_416, %shift_right_logical3A_422 : vector<16xi32>
    %or3A_424 = arith.ori %shift_left3A_420, %shift_right_logical3A_423 : vector<16xi32>
    %xor3A_425 = arith.xori %add3A_417, %or3A_424 : vector<16xi32>
    %add3A_426 = arith.constant 1168365246 : i32
    %add3A_427 = vector.broadcast %add3A_426 : i32 to vector<16xi32>
    %add3A_428 = arith.addi %add3A_417, %add3A_427 : vector<16xi32>
    %add3A_429 = arith.constant -765416504 : i32
    %add3A_430 = vector.broadcast %add3A_429 : i32 to vector<16xi32>
    %add3A_431 = arith.addi %xor3A_425, %add3A_430 : vector<16xi32>
    %add3A_432 = arith.constant 4 : i32
    %add3A_433 = vector.broadcast %add3A_432 : i32 to vector<16xi32>
    %add3A_434 = arith.addi %add3A_431, %add3A_433 : vector<16xi32>
    %add3A_435 = arith.addi %add3A_428, %add3A_434 : vector<16xi32>
    %shift_left3A_436 = arith.constant 13 : i32
    %shift_left3A_437 = vector.broadcast %shift_left3A_436 : i32 to vector<16xi32>
    %shift_left3A_438 = arith.shli %add3A_434, %shift_left3A_437 : vector<16xi32>
    %shift_right_logical3A_439 = arith.constant 19 : i32
    %shift_right_logical3A_440 = vector.broadcast %shift_right_logical3A_439 : i32 to vector<16xi32>
    %shift_right_logical3A_441 = arith.shrui %add3A_434, %shift_right_logical3A_440 : vector<16xi32>
    %or3A_442 = arith.ori %shift_left3A_438, %shift_right_logical3A_441 : vector<16xi32>
    %xor3A_443 = arith.xori %add3A_435, %or3A_442 : vector<16xi32>
    %add3A_444 = arith.addi %add3A_435, %xor3A_443 : vector<16xi32>
    %shift_left3A_445 = arith.constant 15 : i32
    %shift_left3A_446 = vector.broadcast %shift_left3A_445 : i32 to vector<16xi32>
    %shift_left3A_447 = arith.shli %xor3A_443, %shift_left3A_446 : vector<16xi32>
    %shift_right_logical3A_448 = arith.constant 17 : i32
    %shift_right_logical3A_449 = vector.broadcast %shift_right_logical3A_448 : i32 to vector<16xi32>
    %shift_right_logical3A_450 = arith.shrui %xor3A_443, %shift_right_logical3A_449 : vector<16xi32>
    %or3A_451 = arith.ori %shift_left3A_447, %shift_right_logical3A_450 : vector<16xi32>
    %xor3A_452 = arith.xori %add3A_444, %or3A_451 : vector<16xi32>
    %add3A_453 = arith.addi %add3A_444, %xor3A_452 : vector<16xi32>
    %shift_left3A_454 = arith.constant 26 : i32
    %shift_left3A_455 = vector.broadcast %shift_left3A_454 : i32 to vector<16xi32>
    %shift_left3A_456 = arith.shli %xor3A_452, %shift_left3A_455 : vector<16xi32>
    %shift_right_logical3A_457 = arith.constant 6 : i32
    %shift_right_logical3A_458 = vector.broadcast %shift_right_logical3A_457 : i32 to vector<16xi32>
    %shift_right_logical3A_459 = arith.shrui %xor3A_452, %shift_right_logical3A_458 : vector<16xi32>
    %or3A_460 = arith.ori %shift_left3A_456, %shift_right_logical3A_459 : vector<16xi32>
    %xor3A_461 = arith.xori %add3A_453, %or3A_460 : vector<16xi32>
    %add3A_462 = arith.addi %add3A_453, %xor3A_461 : vector<16xi32>
    %shift_left3A_463 = arith.constant 6 : i32
    %shift_left3A_464 = vector.broadcast %shift_left3A_463 : i32 to vector<16xi32>
    %shift_left3A_465 = arith.shli %xor3A_461, %shift_left3A_464 : vector<16xi32>
    %shift_right_logical3A_466 = arith.constant 26 : i32
    %shift_right_logical3A_467 = vector.broadcast %shift_right_logical3A_466 : i32 to vector<16xi32>
    %shift_right_logical3A_468 = arith.shrui %xor3A_461, %shift_right_logical3A_467 : vector<16xi32>
    %or3A_469 = arith.ori %shift_left3A_465, %shift_right_logical3A_468 : vector<16xi32>
    %xor3A_470 = arith.xori %add3A_462, %or3A_469 : vector<16xi32>
    %add3A_471 = arith.constant -765416504 : i32
    %add3A_472 = vector.broadcast %add3A_471 : i32 to vector<16xi32>
    %add3A_473 = arith.addi %add3A_462, %add3A_472 : vector<16xi32>
    %add3A_474 = arith.constant -1944951124 : i32
    %add3A_475 = vector.broadcast %add3A_474 : i32 to vector<16xi32>
    %add3A_476 = arith.addi %xor3A_470, %add3A_475 : vector<16xi32>
    %add3A_477 = arith.constant 5 : i32
    %add3A_478 = vector.broadcast %add3A_477 : i32 to vector<16xi32>
    %add3A_479 = arith.addi %add3A_476, %add3A_478 : vector<16xi32>
    %xor3A_480 = arith.xori %add3A_473, %add3A_479 : vector<16xi32>
    %and3A = arith.constant 15 : i32
    %and3A_481 = vector.broadcast %and3A : i32 to vector<16xi32>
    %and3A_482 = arith.andi %xor3A_480, %and3A_481 : vector<16xi32>
    %get3A = arith.constant 0 : i32
    %get3A_483 = arith.index_cast %get3A : i32 to index
    %get3A_484 = arith.constant 0 : index
    %get3A_485 = tpu.vector_load %arg8[%get3A_483, %get3A_484] {strides = array<i32>} : memref<16x64xf32, #tpu.memory_space<vmem>>, vector<1x16xf32>,
    %get3A_486 = vector.shape_cast %get3A_485 : vector<1x16xf32> to vector<16xf32>
    %broadcast_in_dim3A_487 = arith.constant 0 : i32
    %broadcast_in_dim3A_488 = vector.broadcast %broadcast_in_dim3A_487 : i32 to vector<16xi32>
    %get3A_489 = arith.constant 1 : i32
    %get3A_490 = arith.index_cast %get3A_489 : i32 to index
    %get3A_491 = arith.constant 0 : index
    %get3A_492 = tpu.vector_load %arg8[%get3A_490, %get3A_491] {strides = array<i32>} : memref<16x64xf32, #tpu.memory_space<vmem>>, vector<1x16xf32>,
    %get3A_493 = vector.shape_cast %get3A_492 : vector<1x16xf32> to vector<16xf32>
    %gt3A = arith.cmpf ogt, %get3A_493, %get3A_486 : vector<16xf32>
    %jit3A = arith.constant 1 : i32
    %broadcast_in_dim3A_494 = vector.broadcast %jit3A : i32 to vector<16xi32>
    %select_n3A = arith.select %gt3A, %broadcast_in_dim3A_494, %broadcast_in_dim3A_488 : vector<16xi1>, vector<16xi32>
    %select_n3A_495 = arith.select %gt3A, %get3A_493, %get3A_486 : vector<16xi1>, vector<16xf32>
    %get3A_496 = arith.constant 2 : i32
    %get3A_497 = arith.index_cast %get3A_496 : i32 to index
    %get3A_498 = arith.constant 0 : index
    %get3A_499 = tpu.vector_load %arg8[%get3A_497, %get3A_498] {strides = array<i32>} : memref<16x64xf32, #tpu.memory_space<vmem>>, vector<1x16xf32>,
    %get3A_500 = vector.shape_cast %get3A_499 : vector<1x16xf32> to vector<16xf32>
    %gt3A_501 = arith.cmpf ogt, %get3A_500, %select_n3A_495 : vector<16xf32>
    %jit3A_502 = arith.constant 2 : i32
    %broadcast_in_dim3A_503 = vector.broadcast %jit3A_502 : i32 to vector<16xi32>
    %select_n3A_504 = arith.select %gt3A_501, %broadcast_in_dim3A_503, %select_n3A : vector<16xi1>, vector<16xi32>
    %select_n3A_505 = arith.select %gt3A_501, %get3A_500, %select_n3A_495 : vector<16xi1>, vector<16xf32>
    %get3A_506 = arith.constant 3 : i32
    %get3A_507 = arith.index_cast %get3A_506 : i32 to index
    %get3A_508 = arith.constant 0 : index
    %get3A_509 = tpu.vector_load %arg8[%get3A_507, %get3A_508] {strides = array<i32>} : memref<16x64xf32, #tpu.memory_space<vmem>>, vector<1x16xf32>,
    %get3A_510 = vector.shape_cast %get3A_509 : vector<1x16xf32> to vector<16xf32>
    %gt3A_511 = arith.cmpf ogt, %get3A_510, %select_n3A_505 : vector<16xf32>
    %jit3A_512 = arith.constant 3 : i32
    %broadcast_in_dim3A_513 = vector.broadcast %jit3A_512 : i32 to vector<16xi32>
    %select_n3A_514 = arith.select %gt3A_511, %broadcast_in_dim3A_513, %select_n3A_504 : vector<16xi1>, vector<16xi32>
    %select_n3A_515 = arith.select %gt3A_511, %get3A_510, %select_n3A_505 : vector<16xi1>, vector<16xf32>
    %get3A_516 = arith.constant 4 : i32
    %get3A_517 = arith.index_cast %get3A_516 : i32 to index
    %get3A_518 = arith.constant 0 : index
    %get3A_519 = tpu.vector_load %arg8[%get3A_517, %get3A_518] {strides = array<i32>} : memref<16x64xf32, #tpu.memory_space<vmem>>, vector<1x16xf32>,
    %get3A_520 = vector.shape_cast %get3A_519 : vector<1x16xf32> to vector<16xf32>
    %gt3A_521 = arith.cmpf ogt, %get3A_520, %select_n3A_515 : vector<16xf32>
    %jit3A_522 = arith.constant 4 : i32
    %broadcast_in_dim3A_523 = vector.broadcast %jit3A_522 : i32 to vector<16xi32>
    %select_n3A_524 = arith.select %gt3A_521, %broadcast_in_dim3A_523, %select_n3A_514 : vector<16xi1>, vector<16xi32>
    %select_n3A_525 = arith.select %gt3A_521, %get3A_520, %select_n3A_515 : vector<16xi1>, vector<16xf32>
    %get3A_526 = arith.constant 5 : i32
    %get3A_527 = arith.index_cast %get3A_526 : i32 to index
    %get3A_528 = arith.constant 0 : index
    %get3A_529 = tpu.vector_load %arg8[%get3A_527, %get3A_528] {strides = array<i32>} : memref<16x64xf32, #tpu.memory_space<vmem>>, vector<1x16xf32>,
    %get3A_530 = vector.shape_cast %get3A_529 : vector<1x16xf32> to vector<16xf32>
    %gt3A_531 = arith.cmpf ogt, %get3A_530, %select_n3A_525 : vector<16xf32>
    %jit3A_532 = arith.constant 5 : i32
    %broadcast_in_dim3A_533 = vector.broadcast %jit3A_532 : i32 to vector<16xi32>
    %select_n3A_534 = arith.select %gt3A_531, %broadcast_in_dim3A_533, %select_n3A_524 : vector<16xi1>, vector<16xi32>
    %select_n3A_535 = arith.select %gt3A_531, %get3A_530, %select_n3A_525 : vector<16xi1>, vector<16xf32>
    %get3A_536 = arith.constant 6 : i32
    %get3A_537 = arith.index_cast %get3A_536 : i32 to index
    %get3A_538 = arith.constant 0 : index
    %get3A_539 = tpu.vector_load %arg8[%get3A_537, %get3A_538] {strides = array<i32>} : memref<16x64xf32, #tpu.memory_space<vmem>>, vector<1x16xf32>,
    %get3A_540 = vector.shape_cast %get3A_539 : vector<1x16xf32> to vector<16xf32>
    %gt3A_541 = arith.cmpf ogt, %get3A_540, %select_n3A_535 : vector<16xf32>
    %jit3A_542 = arith.constant 6 : i32
    %broadcast_in_dim3A_543 = vector.broadcast %jit3A_542 : i32 to vector<16xi32>
    %select_n3A_544 = arith.select %gt3A_541, %broadcast_in_dim3A_543, %select_n3A_534 : vector<16xi1>, vector<16xi32>
    %select_n3A_545 = arith.select %gt3A_541, %get3A_540, %select_n3A_535 : vector<16xi1>, vector<16xf32>
    %get3A_546 = arith.constant 7 : i32
    %get3A_547 = arith.index_cast %get3A_546 : i32 to index
    %get3A_548 = arith.constant 0 : index
    %get3A_549 = tpu.vector_load %arg8[%get3A_547, %get3A_548] {strides = array<i32>} : memref<16x64xf32, #tpu.memory_space<vmem>>, vector<1x16xf32>,
    %get3A_550 = vector.shape_cast %get3A_549 : vector<1x16xf32> to vector<16xf32>
    %gt3A_551 = arith.cmpf ogt, %get3A_550, %select_n3A_545 : vector<16xf32>
    %jit3A_552 = arith.constant 7 : i32
    %broadcast_in_dim3A_553 = vector.broadcast %jit3A_552 : i32 to vector<16xi32>
    %select_n3A_554 = arith.select %gt3A_551, %broadcast_in_dim3A_553, %select_n3A_544 : vector<16xi1>, vector<16xi32>
    %select_n3A_555 = arith.select %gt3A_551, %get3A_550, %select_n3A_545 : vector<16xi1>, vector<16xf32>
    %get3A_556 = arith.constant 8 : i32
    %get3A_557 = arith.index_cast %get3A_556 : i32 to index
    %get3A_558 = arith.constant 0 : index
    %get3A_559 = tpu.vector_load %arg8[%get3A_557, %get3A_558] {strides = array<i32>} : memref<16x64xf32, #tpu.memory_space<vmem>>, vector<1x16xf32>,
    %get3A_560 = vector.shape_cast %get3A_559 : vector<1x16xf32> to vector<16xf32>
    %gt3A_561 = arith.cmpf ogt, %get3A_560, %select_n3A_555 : vector<16xf32>
    %jit3A_562 = arith.constant 8 : i32
    %broadcast_in_dim3A_563 = vector.broadcast %jit3A_562 : i32 to vector<16xi32>
    %select_n3A_564 = arith.select %gt3A_561, %broadcast_in_dim3A_563, %select_n3A_554 : vector<16xi1>, vector<16xi32>
    %select_n3A_565 = arith.select %gt3A_561, %get3A_560, %select_n3A_555 : vector<16xi1>, vector<16xf32>
    %get3A_566 = arith.constant 9 : i32
    %get3A_567 = arith.index_cast %get3A_566 : i32 to index
    %get3A_568 = arith.constant 0 : index
    %get3A_569 = tpu.vector_load %arg8[%get3A_567, %get3A_568] {strides = array<i32>} : memref<16x64xf32, #tpu.memory_space<vmem>>, vector<1x16xf32>,
    %get3A_570 = vector.shape_cast %get3A_569 : vector<1x16xf32> to vector<16xf32>
    %gt3A_571 = arith.cmpf ogt, %get3A_570, %select_n3A_565 : vector<16xf32>
    %jit3A_572 = arith.constant 9 : i32
    %broadcast_in_dim3A_573 = vector.broadcast %jit3A_572 : i32 to vector<16xi32>
    %select_n3A_574 = arith.select %gt3A_571, %broadcast_in_dim3A_573, %select_n3A_564 : vector<16xi1>, vector<16xi32>
    %select_n3A_575 = arith.select %gt3A_571, %get3A_570, %select_n3A_565 : vector<16xi1>, vector<16xf32>
    %get3A_576 = arith.constant 10 : i32
    %get3A_577 = arith.index_cast %get3A_576 : i32 to index
    %get3A_578 = arith.constant 0 : index
    %get3A_579 = tpu.vector_load %arg8[%get3A_577, %get3A_578] {strides = array<i32>} : memref<16x64xf32, #tpu.memory_space<vmem>>, vector<1x16xf32>,
    %get3A_580 = vector.shape_cast %get3A_579 : vector<1x16xf32> to vector<16xf32>
    %gt3A_581 = arith.cmpf ogt, %get3A_580, %select_n3A_575 : vector<16xf32>
    %jit3A_582 = arith.constant 10 : i32
    %broadcast_in_dim3A_583 = vector.broadcast %jit3A_582 : i32 to vector<16xi32>
    %select_n3A_584 = arith.select %gt3A_581, %broadcast_in_dim3A_583, %select_n3A_574 : vector<16xi1>, vector<16xi32>
    %select_n3A_585 = arith.select %gt3A_581, %get3A_580, %select_n3A_575 : vector<16xi1>, vector<16xf32>
    %get3A_586 = arith.constant 11 : i32
    %get3A_587 = arith.index_cast %get3A_586 : i32 to index
    %get3A_588 = arith.constant 0 : index
    %get3A_589 = tpu.vector_load %arg8[%get3A_587, %get3A_588] {strides = array<i32>} : memref<16x64xf32, #tpu.memory_space<vmem>>, vector<1x16xf32>,
    %get3A_590 = vector.shape_cast %get3A_589 : vector<1x16xf32> to vector<16xf32>
    %gt3A_591 = arith.cmpf ogt, %get3A_590, %select_n3A_585 : vector<16xf32>
    %jit3A_592 = arith.constant 11 : i32
    %broadcast_in_dim3A_593 = vector.broadcast %jit3A_592 : i32 to vector<16xi32>
    %select_n3A_594 = arith.select %gt3A_591, %broadcast_in_dim3A_593, %select_n3A_584 : vector<16xi1>, vector<16xi32>
    %select_n3A_595 = arith.select %gt3A_591, %get3A_590, %select_n3A_585 : vector<16xi1>, vector<16xf32>
    %get3A_596 = arith.constant 12 : i32
    %get3A_597 = arith.index_cast %get3A_596 : i32 to index
    %get3A_598 = arith.constant 0 : index
    %get3A_599 = tpu.vector_load %arg8[%get3A_597, %get3A_598] {strides = array<i32>} : memref<16x64xf32, #tpu.memory_space<vmem>>, vector<1x16xf32>,
    %get3A_600 = vector.shape_cast %get3A_599 : vector<1x16xf32> to vector<16xf32>
    %gt3A_601 = arith.cmpf ogt, %get3A_600, %select_n3A_595 : vector<16xf32>
    %jit3A_602 = arith.constant 12 : i32
    %broadcast_in_dim3A_603 = vector.broadcast %jit3A_602 : i32 to vector<16xi32>
    %select_n3A_604 = arith.select %gt3A_601, %broadcast_in_dim3A_603, %select_n3A_594 : vector<16xi1>, vector<16xi32>
    %select_n3A_605 = arith.select %gt3A_601, %get3A_600, %select_n3A_595 : vector<16xi1>, vector<16xf32>
    %get3A_606 = arith.constant 13 : i32
    %get3A_607 = arith.index_cast %get3A_606 : i32 to index
    %get3A_608 = arith.constant 0 : index
    %get3A_609 = tpu.vector_load %arg8[%get3A_607, %get3A_608] {strides = array<i32>} : memref<16x64xf32, #tpu.memory_space<vmem>>, vector<1x16xf32>,
    %get3A_610 = vector.shape_cast %get3A_609 : vector<1x16xf32> to vector<16xf32>
    %gt3A_611 = arith.cmpf ogt, %get3A_610, %select_n3A_605 : vector<16xf32>
    %jit3A_612 = arith.constant 13 : i32
    %broadcast_in_dim3A_613 = vector.broadcast %jit3A_612 : i32 to vector<16xi32>
    %select_n3A_614 = arith.select %gt3A_611, %broadcast_in_dim3A_613, %select_n3A_604 : vector<16xi1>, vector<16xi32>
    %select_n3A_615 = arith.select %gt3A_611, %get3A_610, %select_n3A_605 : vector<16xi1>, vector<16xf32>
    %get3A_616 = arith.constant 14 : i32
    %get3A_617 = arith.index_cast %get3A_616 : i32 to index
    %get3A_618 = arith.constant 0 : index
    %get3A_619 = tpu.vector_load %arg8[%get3A_617, %get3A_618] {strides = array<i32>} : memref<16x64xf32, #tpu.memory_space<vmem>>, vector<1x16xf32>,
    %get3A_620 = vector.shape_cast %get3A_619 : vector<1x16xf32> to vector<16xf32>
    %gt3A_621 = arith.cmpf ogt, %get3A_620, %select_n3A_615 : vector<16xf32>
    %jit3A_622 = arith.constant 14 : i32
    %broadcast_in_dim3A_623 = vector.broadcast %jit3A_622 : i32 to vector<16xi32>
    %select_n3A_624 = arith.select %gt3A_621, %broadcast_in_dim3A_623, %select_n3A_614 : vector<16xi1>, vector<16xi32>
    %select_n3A_625 = arith.select %gt3A_621, %get3A_620, %select_n3A_615 : vector<16xi1>, vector<16xf32>
    %get3A_626 = arith.constant 15 : i32
    %get3A_627 = arith.index_cast %get3A_626 : i32 to index
    %get3A_628 = arith.constant 0 : index
    %get3A_629 = tpu.vector_load %arg8[%get3A_627, %get3A_628] {strides = array<i32>} : memref<16x64xf32, #tpu.memory_space<vmem>>, vector<1x16xf32>,
    %get3A_630 = vector.shape_cast %get3A_629 : vector<1x16xf32> to vector<16xf32>
    %gt3A_631 = arith.cmpf ogt, %get3A_630, %select_n3A_625 : vector<16xf32>
    %jit3A_632 = arith.constant 15 : i32
    %broadcast_in_dim3A_633 = vector.broadcast %jit3A_632 : i32 to vector<16xi32>
    %select_n3A_634 = arith.select %gt3A_631, %broadcast_in_dim3A_633, %select_n3A_624 : vector<16xi1>, vector<16xi32>
    %select_n3A_635 = arith.select %gt3A_631, %get3A_630, %select_n3A_625 : vector<16xi1>, vector<16xf32>
    %select_n3A_636 = arith.select %lt3A_246, %and3A_482, %select_n3A_634 : vector<16xi1>, vector<16xi32>
    %swap3A = arith.constant 0 : index
    %swap3A_637 = tpu.vector_load %arg9[%swap3A] {strides = array<i32>} : memref<64xi32, #tpu.memory_space<vmem>>, vector<16xi32>,
    %swap3A_638 = vector.shape_cast %swap3A_637 : vector<16xi32> to vector<16xi32>
    %swap3A_639 = vector.shape_cast %select_n3A_636 : vector<16xi32> to vector<16xi32>
    tpu.vector_store %arg9[%swap3A], %swap3A_639 {strides = array<i32>} : memref<64xi32, #tpu.memory_space<vmem>>, vector<16xi32>,
    %mul3A_640 = arith.constant 16 : i32
    %mul3A_641 = vector.broadcast %mul3A_640 : i32 to vector<16xi32>
    %mul3A_642 = arith.muli %add3A_7, %mul3A_641 : vector<16xi32>
    %add3A_643 = arith.addi %mul3A_642, %select_n3A_636 : vector<16xi32>
    %swap3A_644 = arith.constant 0 : index
    %swap3A_645 = tpu.vector_load %arg10[%swap3A_644] {strides = array<i32>} : memref<64xi32, #tpu.memory_space<vmem>>, vector<16xi32>,
    %swap3A_646 = vector.shape_cast %swap3A_645 : vector<16xi32> to vector<16xi32>
    %swap3A_647 = vector.shape_cast %add3A_643 : vector<16xi32> to vector<16xi32>
    tpu.vector_store %arg10[%swap3A_644], %swap3A_647 {strides = array<i32>} : memref<64xi32, #tpu.memory_space<vmem>>, vector<16xi32>,
    %iota3A_648 = tpu.iota {dimensions = array<i32: 0>} : vector<16xi32>
    %add3A_649 = arith.constant 16 : i32
    %add3A_650 = vector.broadcast %add3A_649 : i32 to vector<16xi32>
    %add3A_651 = arith.addi %add3A_650, %iota3A_648 : vector<16xi32>
    %add3A_652 = vector.broadcast %mul3A_2 : i32 to vector<16xi32>
    %add3A_653 = arith.addi %add3A_652, %add3A_651 : vector<16xi32>
    %broadcast_in_dim3A_654 = arith.constant 0 : i32
    %broadcast_in_dim3A_655 = vector.broadcast %broadcast_in_dim3A_654 : i32 to vector<16xi32>
    %add3A_656 = arith.constant 1832780943 : i32
    %add3A_657 = vector.broadcast %add3A_656 : i32 to vector<16xi32>
    %add3A_658 = arith.addi %broadcast_in_dim3A_655, %add3A_657 : vector<16xi32>
    %add3A_659 = arith.constant 270669613 : i32
    %add3A_660 = vector.broadcast %add3A_659 : i32 to vector<16xi32>
    %add3A_661 = arith.addi %add3A_653, %add3A_660 : vector<16xi32>
    %add3A_662 = arith.addi %add3A_658, %add3A_661 : vector<16xi32>
    %shift_left3A_663 = arith.constant 13 : i32
    %shift_left3A_664 = vector.broadcast %shift_left3A_663 : i32 to vector<16xi32>
    %shift_left3A_665 = arith.shli %add3A_661, %shift_left3A_664 : vector<16xi32>
    %shift_right_logical3A_666 = arith.constant 19 : i32
    %shift_right_logical3A_667 = vector.broadcast %shift_right_logical3A_666 : i32 to vector<16xi32>
    %shift_right_logical3A_668 = arith.shrui %add3A_661, %shift_right_logical3A_667 : vector<16xi32>
    %or3A_669 = arith.ori %shift_left3A_665, %shift_right_logical3A_668 : vector<16xi32>
    %xor3A_670 = arith.xori %add3A_662, %or3A_669 : vector<16xi32>
    %add3A_671 = arith.addi %add3A_662, %xor3A_670 : vector<16xi32>
    %shift_left3A_672 = arith.constant 15 : i32
    %shift_left3A_673 = vector.broadcast %shift_left3A_672 : i32 to vector<16xi32>
    %shift_left3A_674 = arith.shli %xor3A_670, %shift_left3A_673 : vector<16xi32>
    %shift_right_logical3A_675 = arith.constant 17 : i32
    %shift_right_logical3A_676 = vector.broadcast %shift_right_logical3A_675 : i32 to vector<16xi32>
    %shift_right_logical3A_677 = arith.shrui %xor3A_670, %shift_right_logical3A_676 : vector<16xi32>
    %or3A_678 = arith.ori %shift_left3A_674, %shift_right_logical3A_677 : vector<16xi32>
    %xor3A_679 = arith.xori %add3A_671, %or3A_678 : vector<16xi32>
    %add3A_680 = arith.addi %add3A_671, %xor3A_679 : vector<16xi32>
    %shift_left3A_681 = arith.constant 26 : i32
    %shift_left3A_682 = vector.broadcast %shift_left3A_681 : i32 to vector<16xi32>
    %shift_left3A_683 = arith.shli %xor3A_679, %shift_left3A_682 : vector<16xi32>
    %shift_right_logical3A_684 = arith.constant 6 : i32
    %shift_right_logical3A_685 = vector.broadcast %shift_right_logical3A_684 : i32 to vector<16xi32>
    %shift_right_logical3A_686 = arith.shrui %xor3A_679, %shift_right_logical3A_685 : vector<16xi32>
    %or3A_687 = arith.ori %shift_left3A_683, %shift_right_logical3A_686 : vector<16xi32>
    %xor3A_688 = arith.xori %add3A_680, %or3A_687 : vector<16xi32>
    %add3A_689 = arith.addi %add3A_680, %xor3A_688 : vector<16xi32>
    %shift_left3A_690 = arith.constant 6 : i32
    %shift_left3A_691 = vector.broadcast %shift_left3A_690 : i32 to vector<16xi32>
    %shift_left3A_692 = arith.shli %xor3A_688, %shift_left3A_691 : vector<16xi32>
    %shift_right_logical3A_693 = arith.constant 26 : i32
    %shift_right_logical3A_694 = vector.broadcast %shift_right_logical3A_693 : i32 to vector<16xi32>
    %shift_right_logical3A_695 = arith.shrui %xor3A_688, %shift_right_logical3A_694 : vector<16xi32>
    %or3A_696 = arith.ori %shift_left3A_692, %shift_right_logical3A_695 : vector<16xi32>
    %xor3A_697 = arith.xori %add3A_689, %or3A_696 : vector<16xi32>
    %add3A_698 = arith.constant 270669613 : i32
    %add3A_699 = vector.broadcast %add3A_698 : i32 to vector<16xi32>
    %add3A_700 = arith.addi %add3A_689, %add3A_699 : vector<16xi32>
    %add3A_701 = arith.constant 1724713080 : i32
    %add3A_702 = vector.broadcast %add3A_701 : i32 to vector<16xi32>
    %add3A_703 = arith.addi %xor3A_697, %add3A_702 : vector<16xi32>
    %add3A_704 = arith.constant 1 : i32
    %add3A_705 = vector.broadcast %add3A_704 : i32 to vector<16xi32>
    %add3A_706 = arith.addi %add3A_703, %add3A_705 : vector<16xi32>
    %add3A_707 = arith.addi %add3A_700, %add3A_706 : vector<16xi32>
    %shift_left3A_708 = arith.constant 17 : i32
    %shift_left3A_709 = vector.broadcast %shift_left3A_708 : i32 to vector<16xi32>
    %shift_left3A_710 = arith.shli %add3A_706, %shift_left3A_709 : vector<16xi32>
    %shift_right_logical3A_711 = arith.constant 15 : i32
    %shift_right_logical3A_712 = vector.broadcast %shift_right_logical3A_711 : i32 to vector<16xi32>
    %shift_right_logical3A_713 = arith.shrui %add3A_706, %shift_right_logical3A_712 : vector<16xi32>
    %or3A_714 = arith.ori %shift_left3A_710, %shift_right_logical3A_713 : vector<16xi32>
    %xor3A_715 = arith.xori %add3A_707, %or3A_714 : vector<16xi32>
    %add3A_716 = arith.addi %add3A_707, %xor3A_715 : vector<16xi32>
    %shift_left3A_717 = arith.constant 29 : i32
    %shift_left3A_718 = vector.broadcast %shift_left3A_717 : i32 to vector<16xi32>
    %shift_left3A_719 = arith.shli %xor3A_715, %shift_left3A_718 : vector<16xi32>
    %shift_right_logical3A_720 = arith.constant 3 : i32
    %shift_right_logical3A_721 = vector.broadcast %shift_right_logical3A_720 : i32 to vector<16xi32>
    %shift_right_logical3A_722 = arith.shrui %xor3A_715, %shift_right_logical3A_721 : vector<16xi32>
    %or3A_723 = arith.ori %shift_left3A_719, %shift_right_logical3A_722 : vector<16xi32>
    %xor3A_724 = arith.xori %add3A_716, %or3A_723 : vector<16xi32>
    %add3A_725 = arith.addi %add3A_716, %xor3A_724 : vector<16xi32>
    %shift_left3A_726 = arith.constant 16 : i32
    %shift_left3A_727 = vector.broadcast %shift_left3A_726 : i32 to vector<16xi32>
    %shift_left3A_728 = arith.shli %xor3A_724, %shift_left3A_727 : vector<16xi32>
    %shift_right_logical3A_729 = arith.constant 16 : i32
    %shift_right_logical3A_730 = vector.broadcast %shift_right_logical3A_729 : i32 to vector<16xi32>
    %shift_right_logical3A_731 = arith.shrui %xor3A_724, %shift_right_logical3A_730 : vector<16xi32>
    %or3A_732 = arith.ori %shift_left3A_728, %shift_right_logical3A_731 : vector<16xi32>
    %xor3A_733 = arith.xori %add3A_725, %or3A_732 : vector<16xi32>
    %add3A_734 = arith.addi %add3A_725, %xor3A_733 : vector<16xi32>
    %shift_left3A_735 = arith.constant 24 : i32
    %shift_left3A_736 = vector.broadcast %shift_left3A_735 : i32 to vector<16xi32>
    %shift_left3A_737 = arith.shli %xor3A_733, %shift_left3A_736 : vector<16xi32>
    %shift_right_logical3A_738 = arith.constant 8 : i32
    %shift_right_logical3A_739 = vector.broadcast %shift_right_logical3A_738 : i32 to vector<16xi32>
    %shift_right_logical3A_740 = arith.shrui %xor3A_733, %shift_right_logical3A_739 : vector<16xi32>
    %or3A_741 = arith.ori %shift_left3A_737, %shift_right_logical3A_740 : vector<16xi32>
    %xor3A_742 = arith.xori %add3A_734, %or3A_741 : vector<16xi32>
    %add3A_743 = arith.constant 1724713080 : i32
    %add3A_744 = vector.broadcast %add3A_743 : i32 to vector<16xi32>
    %add3A_745 = arith.addi %add3A_734, %add3A_744 : vector<16xi32>
    %add3A_746 = arith.constant 1832780943 : i32
    %add3A_747 = vector.broadcast %add3A_746 : i32 to vector<16xi32>
    %add3A_748 = arith.addi %xor3A_742, %add3A_747 : vector<16xi32>
    %add3A_749 = arith.constant 2 : i32
    %add3A_750 = vector.broadcast %add3A_749 : i32 to vector<16xi32>
    %add3A_751 = arith.addi %add3A_748, %add3A_750 : vector<16xi32>
    %add3A_752 = arith.addi %add3A_745, %add3A_751 : vector<16xi32>
    %shift_left3A_753 = arith.constant 13 : i32
    %shift_left3A_754 = vector.broadcast %shift_left3A_753 : i32 to vector<16xi32>
    %shift_left3A_755 = arith.shli %add3A_751, %shift_left3A_754 : vector<16xi32>
    %shift_right_logical3A_756 = arith.constant 19 : i32
    %shift_right_logical3A_757 = vector.broadcast %shift_right_logical3A_756 : i32 to vector<16xi32>
    %shift_right_logical3A_758 = arith.shrui %add3A_751, %shift_right_logical3A_757 : vector<16xi32>
    %or3A_759 = arith.ori %shift_left3A_755, %shift_right_logical3A_758 : vector<16xi32>
    %xor3A_760 = arith.xori %add3A_752, %or3A_759 : vector<16xi32>
    %add3A_761 = arith.addi %add3A_752, %xor3A_760 : vector<16xi32>
    %shift_left3A_762 = arith.constant 15 : i32
    %shift_left3A_763 = vector.broadcast %shift_left3A_762 : i32 to vector<16xi32>
    %shift_left3A_764 = arith.shli %xor3A_760, %shift_left3A_763 : vector<16xi32>
    %shift_right_logical3A_765 = arith.constant 17 : i32
    %shift_right_logical3A_766 = vector.broadcast %shift_right_logical3A_765 : i32 to vector<16xi32>
    %shift_right_logical3A_767 = arith.shrui %xor3A_760, %shift_right_logical3A_766 : vector<16xi32>
    %or3A_768 = arith.ori %shift_left3A_764, %shift_right_logical3A_767 : vector<16xi32>
    %xor3A_769 = arith.xori %add3A_761, %or3A_768 : vector<16xi32>
    %add3A_770 = arith.addi %add3A_761, %xor3A_769 : vector<16xi32>
    %shift_left3A_771 = arith.constant 26 : i32
    %shift_left3A_772 = vector.broadcast %shift_left3A_771 : i32 to vector<16xi32>
    %shift_left3A_773 = arith.shli %xor3A_769, %shift_left3A_772 : vector<16xi32>
    %shift_right_logical3A_774 = arith.constant 6 : i32
    %shift_right_logical3A_775 = vector.broadcast %shift_right_logical3A_774 : i32 to vector<16xi32>
    %shift_right_logical3A_776 = arith.shrui %xor3A_769, %shift_right_logical3A_775 : vector<16xi32>
    %or3A_777 = arith.ori %shift_left3A_773, %shift_right_logical3A_776 : vector<16xi32>
    %xor3A_778 = arith.xori %add3A_770, %or3A_777 : vector<16xi32>
    %add3A_779 = arith.addi %add3A_770, %xor3A_778 : vector<16xi32>
    %shift_left3A_780 = arith.constant 6 : i32
    %shift_left3A_781 = vector.broadcast %shift_left3A_780 : i32 to vector<16xi32>
    %shift_left3A_782 = arith.shli %xor3A_778, %shift_left3A_781 : vector<16xi32>
    %shift_right_logical3A_783 = arith.constant 26 : i32
    %shift_right_logical3A_784 = vector.broadcast %shift_right_logical3A_783 : i32 to vector<16xi32>
    %shift_right_logical3A_785 = arith.shrui %xor3A_778, %shift_right_logical3A_784 : vector<16xi32>
    %or3A_786 = arith.ori %shift_left3A_782, %shift_right_logical3A_785 : vector<16xi32>
    %xor3A_787 = arith.xori %add3A_779, %or3A_786 : vector<16xi32>
    %add3A_788 = arith.constant 1832780943 : i32
    %add3A_789 = vector.broadcast %add3A_788 : i32 to vector<16xi32>
    %add3A_790 = arith.addi %add3A_779, %add3A_789 : vector<16xi32>
    %add3A_791 = arith.constant 270669613 : i32
    %add3A_792 = vector.broadcast %add3A_791 : i32 to vector<16xi32>
    %add3A_793 = arith.addi %xor3A_787, %add3A_792 : vector<16xi32>
    %add3A_794 = arith.constant 3 : i32
    %add3A_795 = vector.broadcast %add3A_794 : i32 to vector<16xi32>
    %add3A_796 = arith.addi %add3A_793, %add3A_795 : vector<16xi32>
    %add3A_797 = arith.addi %add3A_790, %add3A_796 : vector<16xi32>
    %shift_left3A_798 = arith.constant 17 : i32
    %shift_left3A_799 = vector.broadcast %shift_left3A_798 : i32 to vector<16xi32>
    %shift_left3A_800 = arith.shli %add3A_796, %shift_left3A_799 : vector<16xi32>
    %shift_right_logical3A_801 = arith.constant 15 : i32
    %shift_right_logical3A_802 = vector.broadcast %shift_right_logical3A_801 : i32 to vector<16xi32>
    %shift_right_logical3A_803 = arith.shrui %add3A_796, %shift_right_logical3A_802 : vector<16xi32>
    %or3A_804 = arith.ori %shift_left3A_800, %shift_right_logical3A_803 : vector<16xi32>
    %xor3A_805 = arith.xori %add3A_797, %or3A_804 : vector<16xi32>
    %add3A_806 = arith.addi %add3A_797, %xor3A_805 : vector<16xi32>
    %shift_left3A_807 = arith.constant 29 : i32
    %shift_left3A_808 = vector.broadcast %shift_left3A_807 : i32 to vector<16xi32>
    %shift_left3A_809 = arith.shli %xor3A_805, %shift_left3A_808 : vector<16xi32>
    %shift_right_logical3A_810 = arith.constant 3 : i32
    %shift_right_logical3A_811 = vector.broadcast %shift_right_logical3A_810 : i32 to vector<16xi32>
    %shift_right_logical3A_812 = arith.shrui %xor3A_805, %shift_right_logical3A_811 : vector<16xi32>
    %or3A_813 = arith.ori %shift_left3A_809, %shift_right_logical3A_812 : vector<16xi32>
    %xor3A_814 = arith.xori %add3A_806, %or3A_813 : vector<16xi32>
    %add3A_815 = arith.addi %add3A_806, %xor3A_814 : vector<16xi32>
    %shift_left3A_816 = arith.constant 16 : i32
    %shift_left3A_817 = vector.broadcast %shift_left3A_816 : i32 to vector<16xi32>
    %shift_left3A_818 = arith.shli %xor3A_814, %shift_left3A_817 : vector<16xi32>
    %shift_right_logical3A_819 = arith.constant 16 : i32
    %shift_right_logical3A_820 = vector.broadcast %shift_right_logical3A_819 : i32 to vector<16xi32>
    %shift_right_logical3A_821 = arith.shrui %xor3A_814, %shift_right_logical3A_820 : vector<16xi32>
    %or3A_822 = arith.ori %shift_left3A_818, %shift_right_logical3A_821 : vector<16xi32>
    %xor3A_823 = arith.xori %add3A_815, %or3A_822 : vector<16xi32>
    %add3A_824 = arith.addi %add3A_815, %xor3A_823 : vector<16xi32>
    %shift_left3A_825 = arith.constant 24 : i32
    %shift_left3A_826 = vector.broadcast %shift_left3A_825 : i32 to vector<16xi32>
    %shift_left3A_827 = arith.shli %xor3A_823, %shift_left3A_826 : vector<16xi32>
    %shift_right_logical3A_828 = arith.constant 8 : i32
    %shift_right_logical3A_829 = vector.broadcast %shift_right_logical3A_828 : i32 to vector<16xi32>
    %shift_right_logical3A_830 = arith.shrui %xor3A_823, %shift_right_logical3A_829 : vector<16xi32>
    %or3A_831 = arith.ori %shift_left3A_827, %shift_right_logical3A_830 : vector<16xi32>
    %xor3A_832 = arith.xori %add3A_824, %or3A_831 : vector<16xi32>
    %add3A_833 = arith.constant 270669613 : i32
    %add3A_834 = vector.broadcast %add3A_833 : i32 to vector<16xi32>
    %add3A_835 = arith.addi %add3A_824, %add3A_834 : vector<16xi32>
    %add3A_836 = arith.constant 1724713080 : i32
    %add3A_837 = vector.broadcast %add3A_836 : i32 to vector<16xi32>
    %add3A_838 = arith.addi %xor3A_832, %add3A_837 : vector<16xi32>
    %add3A_839 = arith.constant 4 : i32
    %add3A_840 = vector.broadcast %add3A_839 : i32 to vector<16xi32>
    %add3A_841 = arith.addi %add3A_838, %add3A_840 : vector<16xi32>
    %add3A_842 = arith.addi %add3A_835, %add3A_841 : vector<16xi32>
    %shift_left3A_843 = arith.constant 13 : i32
    %shift_left3A_844 = vector.broadcast %shift_left3A_843 : i32 to vector<16xi32>
    %shift_left3A_845 = arith.shli %add3A_841, %shift_left3A_844 : vector<16xi32>
    %shift_right_logical3A_846 = arith.constant 19 : i32
    %shift_right_logical3A_847 = vector.broadcast %shift_right_logical3A_846 : i32 to vector<16xi32>
    %shift_right_logical3A_848 = arith.shrui %add3A_841, %shift_right_logical3A_847 : vector<16xi32>
    %or3A_849 = arith.ori %shift_left3A_845, %shift_right_logical3A_848 : vector<16xi32>
    %xor3A_850 = arith.xori %add3A_842, %or3A_849 : vector<16xi32>
    %add3A_851 = arith.addi %add3A_842, %xor3A_850 : vector<16xi32>
    %shift_left3A_852 = arith.constant 15 : i32
    %shift_left3A_853 = vector.broadcast %shift_left3A_852 : i32 to vector<16xi32>
    %shift_left3A_854 = arith.shli %xor3A_850, %shift_left3A_853 : vector<16xi32>
    %shift_right_logical3A_855 = arith.constant 17 : i32
    %shift_right_logical3A_856 = vector.broadcast %shift_right_logical3A_855 : i32 to vector<16xi32>
    %shift_right_logical3A_857 = arith.shrui %xor3A_850, %shift_right_logical3A_856 : vector<16xi32>
    %or3A_858 = arith.ori %shift_left3A_854, %shift_right_logical3A_857 : vector<16xi32>
    %xor3A_859 = arith.xori %add3A_851, %or3A_858 : vector<16xi32>
    %add3A_860 = arith.addi %add3A_851, %xor3A_859 : vector<16xi32>
    %shift_left3A_861 = arith.constant 26 : i32
    %shift_left3A_862 = vector.broadcast %shift_left3A_861 : i32 to vector<16xi32>
    %shift_left3A_863 = arith.shli %xor3A_859, %shift_left3A_862 : vector<16xi32>
    %shift_right_logical3A_864 = arith.constant 6 : i32
    %shift_right_logical3A_865 = vector.broadcast %shift_right_logical3A_864 : i32 to vector<16xi32>
    %shift_right_logical3A_866 = arith.shrui %xor3A_859, %shift_right_logical3A_865 : vector<16xi32>
    %or3A_867 = arith.ori %shift_left3A_863, %shift_right_logical3A_866 : vector<16xi32>
    %xor3A_868 = arith.xori %add3A_860, %or3A_867 : vector<16xi32>
    %add3A_869 = arith.addi %add3A_860, %xor3A_868 : vector<16xi32>
    %shift_left3A_870 = arith.constant 6 : i32
    %shift_left3A_871 = vector.broadcast %shift_left3A_870 : i32 to vector<16xi32>
    %shift_left3A_872 = arith.shli %xor3A_868, %shift_left3A_871 : vector<16xi32>
    %shift_right_logical3A_873 = arith.constant 26 : i32
    %shift_right_logical3A_874 = vector.broadcast %shift_right_logical3A_873 : i32 to vector<16xi32>
    %shift_right_logical3A_875 = arith.shrui %xor3A_868, %shift_right_logical3A_874 : vector<16xi32>
    %or3A_876 = arith.ori %shift_left3A_872, %shift_right_logical3A_875 : vector<16xi32>
    %xor3A_877 = arith.xori %add3A_869, %or3A_876 : vector<16xi32>
    %add3A_878 = arith.constant 1724713080 : i32
    %add3A_879 = vector.broadcast %add3A_878 : i32 to vector<16xi32>
    %add3A_880 = arith.addi %add3A_869, %add3A_879 : vector<16xi32>
    %add3A_881 = arith.constant 1832780943 : i32
    %add3A_882 = vector.broadcast %add3A_881 : i32 to vector<16xi32>
    %add3A_883 = arith.addi %xor3A_877, %add3A_882 : vector<16xi32>
    %add3A_884 = arith.constant 5 : i32
    %add3A_885 = vector.broadcast %add3A_884 : i32 to vector<16xi32>
    %add3A_886 = arith.addi %add3A_883, %add3A_885 : vector<16xi32>
    %xor3A_887 = arith.xori %add3A_880, %add3A_886 : vector<16xi32>
    %shift_right_logical3A_888 = arith.constant 9 : i32
    %shift_right_logical3A_889 = vector.broadcast %shift_right_logical3A_888 : i32 to vector<16xi32>
    %shift_right_logical3A_890 = arith.shrui %xor3A_887, %shift_right_logical3A_889 : vector<16xi32>
    %or3A_891 = arith.constant 1065353216 : i32
    %or3A_892 = vector.broadcast %or3A_891 : i32 to vector<16xi32>
    %or3A_893 = arith.ori %shift_right_logical3A_890, %or3A_892 : vector<16xi32>
    %bitcast_convert_type3A_894 = tpu.bitcast %or3A_893 : vector<16xi32> -> vector<16xf32>
    %sub3A_895 = arith.constant 1.000000e+00 : f32
    %sub3A_896 = vector.broadcast %sub3A_895 : f32 to vector<16xf32>
    %sub3A_897 = arith.subf %bitcast_convert_type3A_894, %sub3A_896 : vector<16xf32>
    %lt3A_898 = arith.constant 0.899999976 : f32
    %lt3A_899 = vector.broadcast %lt3A_898 : f32 to vector<16xf32>
    %lt3A_900 = arith.cmpf olt, %sub3A_897, %lt3A_899 : vector<16xf32>
    %broadcast_in_dim3A_901 = arith.constant 0 : i32
    %broadcast_in_dim3A_902 = vector.broadcast %broadcast_in_dim3A_901 : i32 to vector<16xi32>
    %add3A_903 = arith.constant -1944951124 : i32
    %add3A_904 = vector.broadcast %add3A_903 : i32 to vector<16xi32>
    %add3A_905 = arith.addi %broadcast_in_dim3A_902, %add3A_904 : vector<16xi32>
    %add3A_906 = arith.constant 1168365246 : i32
    %add3A_907 = vector.broadcast %add3A_906 : i32 to vector<16xi32>
    %add3A_908 = arith.addi %add3A_653, %add3A_907 : vector<16xi32>
    %add3A_909 = arith.addi %add3A_905, %add3A_908 : vector<16xi32>
    %shift_left3A_910 = arith.constant 13 : i32
    %shift_left3A_911 = vector.broadcast %shift_left3A_910 : i32 to vector<16xi32>
    %shift_left3A_912 = arith.shli %add3A_908, %shift_left3A_911 : vector<16xi32>
    %shift_right_logical3A_913 = arith.constant 19 : i32
    %shift_right_logical3A_914 = vector.broadcast %shift_right_logical3A_913 : i32 to vector<16xi32>
    %shift_right_logical3A_915 = arith.shrui %add3A_908, %shift_right_logical3A_914 : vector<16xi32>
    %or3A_916 = arith.ori %shift_left3A_912, %shift_right_logical3A_915 : vector<16xi32>
    %xor3A_917 = arith.xori %add3A_909, %or3A_916 : vector<16xi32>
    %add3A_918 = arith.addi %add3A_909, %xor3A_917 : vector<16xi32>
    %shift_left3A_919 = arith.constant 15 : i32
    %shift_left3A_920 = vector.broadcast %shift_left3A_919 : i32 to vector<16xi32>
    %shift_left3A_921 = arith.shli %xor3A_917, %shift_left3A_920 : vector<16xi32>
    %shift_right_logical3A_922 = arith.constant 17 : i32
    %shift_right_logical3A_923 = vector.broadcast %shift_right_logical3A_922 : i32 to vector<16xi32>
    %shift_right_logical3A_924 = arith.shrui %xor3A_917, %shift_right_logical3A_923 : vector<16xi32>
    %or3A_925 = arith.ori %shift_left3A_921, %shift_right_logical3A_924 : vector<16xi32>
    %xor3A_926 = arith.xori %add3A_918, %or3A_925 : vector<16xi32>
    %add3A_927 = arith.addi %add3A_918, %xor3A_926 : vector<16xi32>
    %shift_left3A_928 = arith.constant 26 : i32
    %shift_left3A_929 = vector.broadcast %shift_left3A_928 : i32 to vector<16xi32>
    %shift_left3A_930 = arith.shli %xor3A_926, %shift_left3A_929 : vector<16xi32>
    %shift_right_logical3A_931 = arith.constant 6 : i32
    %shift_right_logical3A_932 = vector.broadcast %shift_right_logical3A_931 : i32 to vector<16xi32>
    %shift_right_logical3A_933 = arith.shrui %xor3A_926, %shift_right_logical3A_932 : vector<16xi32>
    %or3A_934 = arith.ori %shift_left3A_930, %shift_right_logical3A_933 : vector<16xi32>
    %xor3A_935 = arith.xori %add3A_927, %or3A_934 : vector<16xi32>
    %add3A_936 = arith.addi %add3A_927, %xor3A_935 : vector<16xi32>
    %shift_left3A_937 = arith.constant 6 : i32
    %shift_left3A_938 = vector.broadcast %shift_left3A_937 : i32 to vector<16xi32>
    %shift_left3A_939 = arith.shli %xor3A_935, %shift_left3A_938 : vector<16xi32>
    %shift_right_logical3A_940 = arith.constant 26 : i32
    %shift_right_logical3A_941 = vector.broadcast %shift_right_logical3A_940 : i32 to vector<16xi32>
    %shift_right_logical3A_942 = arith.shrui %xor3A_935, %shift_right_logical3A_941 : vector<16xi32>
    %or3A_943 = arith.ori %shift_left3A_939, %shift_right_logical3A_942 : vector<16xi32>
    %xor3A_944 = arith.xori %add3A_936, %or3A_943 : vector<16xi32>
    %add3A_945 = arith.constant 1168365246 : i32
    %add3A_946 = vector.broadcast %add3A_945 : i32 to vector<16xi32>
    %add3A_947 = arith.addi %add3A_936, %add3A_946 : vector<16xi32>
    %add3A_948 = arith.constant -765416504 : i32
    %add3A_949 = vector.broadcast %add3A_948 : i32 to vector<16xi32>
    %add3A_950 = arith.addi %xor3A_944, %add3A_949 : vector<16xi32>
    %add3A_951 = arith.constant 1 : i32
    %add3A_952 = vector.broadcast %add3A_951 : i32 to vector<16xi32>
    %add3A_953 = arith.addi %add3A_950, %add3A_952 : vector<16xi32>
    %add3A_954 = arith.addi %add3A_947, %add3A_953 : vector<16xi32>
    %shift_left3A_955 = arith.constant 17 : i32
    %shift_left3A_956 = vector.broadcast %shift_left3A_955 : i32 to vector<16xi32>
    %shift_left3A_957 = arith.shli %add3A_953, %shift_left3A_956 : vector<16xi32>
    %shift_right_logical3A_958 = arith.constant 15 : i32
    %shift_right_logical3A_959 = vector.broadcast %shift_right_logical3A_958 : i32 to vector<16xi32>
    %shift_right_logical3A_960 = arith.shrui %add3A_953, %shift_right_logical3A_959 : vector<16xi32>
    %or3A_961 = arith.ori %shift_left3A_957, %shift_right_logical3A_960 : vector<16xi32>
    %xor3A_962 = arith.xori %add3A_954, %or3A_961 : vector<16xi32>
    %add3A_963 = arith.addi %add3A_954, %xor3A_962 : vector<16xi32>
    %shift_left3A_964 = arith.constant 29 : i32
    %shift_left3A_965 = vector.broadcast %shift_left3A_964 : i32 to vector<16xi32>
    %shift_left3A_966 = arith.shli %xor3A_962, %shift_left3A_965 : vector<16xi32>
    %shift_right_logical3A_967 = arith.constant 3 : i32
    %shift_right_logical3A_968 = vector.broadcast %shift_right_logical3A_967 : i32 to vector<16xi32>
    %shift_right_logical3A_969 = arith.shrui %xor3A_962, %shift_right_logical3A_968 : vector<16xi32>
    %or3A_970 = arith.ori %shift_left3A_966, %shift_right_logical3A_969 : vector<16xi32>
    %xor3A_971 = arith.xori %add3A_963, %or3A_970 : vector<16xi32>
    %add3A_972 = arith.addi %add3A_963, %xor3A_971 : vector<16xi32>
    %shift_left3A_973 = arith.constant 16 : i32
    %shift_left3A_974 = vector.broadcast %shift_left3A_973 : i32 to vector<16xi32>
    %shift_left3A_975 = arith.shli %xor3A_971, %shift_left3A_974 : vector<16xi32>
    %shift_right_logical3A_976 = arith.constant 16 : i32
    %shift_right_logical3A_977 = vector.broadcast %shift_right_logical3A_976 : i32 to vector<16xi32>
    %shift_right_logical3A_978 = arith.shrui %xor3A_971, %shift_right_logical3A_977 : vector<16xi32>
    %or3A_979 = arith.ori %shift_left3A_975, %shift_right_logical3A_978 : vector<16xi32>
    %xor3A_980 = arith.xori %add3A_972, %or3A_979 : vector<16xi32>
    %add3A_981 = arith.addi %add3A_972, %xor3A_980 : vector<16xi32>
    %shift_left3A_982 = arith.constant 24 : i32
    %shift_left3A_983 = vector.broadcast %shift_left3A_982 : i32 to vector<16xi32>
    %shift_left3A_984 = arith.shli %xor3A_980, %shift_left3A_983 : vector<16xi32>
    %shift_right_logical3A_985 = arith.constant 8 : i32
    %shift_right_logical3A_986 = vector.broadcast %shift_right_logical3A_985 : i32 to vector<16xi32>
    %shift_right_logical3A_987 = arith.shrui %xor3A_980, %shift_right_logical3A_986 : vector<16xi32>
    %or3A_988 = arith.ori %shift_left3A_984, %shift_right_logical3A_987 : vector<16xi32>
    %xor3A_989 = arith.xori %add3A_981, %or3A_988 : vector<16xi32>
    %add3A_990 = arith.constant -765416504 : i32
    %add3A_991 = vector.broadcast %add3A_990 : i32 to vector<16xi32>
    %add3A_992 = arith.addi %add3A_981, %add3A_991 : vector<16xi32>
    %add3A_993 = arith.constant -1944951124 : i32
    %add3A_994 = vector.broadcast %add3A_993 : i32 to vector<16xi32>
    %add3A_995 = arith.addi %xor3A_989, %add3A_994 : vector<16xi32>
    %add3A_996 = arith.constant 2 : i32
    %add3A_997 = vector.broadcast %add3A_996 : i32 to vector<16xi32>
    %add3A_998 = arith.addi %add3A_995, %add3A_997 : vector<16xi32>
    %add3A_999 = arith.addi %add3A_992, %add3A_998 : vector<16xi32>
    %shift_left3A_1000 = arith.constant 13 : i32
    %shift_left3A_1001 = vector.broadcast %shift_left3A_1000 : i32 to vector<16xi32>
    %shift_left3A_1002 = arith.shli %add3A_998, %shift_left3A_1001 : vector<16xi32>
    %shift_right_logical3A_1003 = arith.constant 19 : i32
    %shift_right_logical3A_1004 = vector.broadcast %shift_right_logical3A_1003 : i32 to vector<16xi32>
    %shift_right_logical3A_1005 = arith.shrui %add3A_998, %shift_right_logical3A_1004 : vector<16xi32>
    %or3A_1006 = arith.ori %shift_left3A_1002, %shift_right_logical3A_1005 : vector<16xi32>
    %xor3A_1007 = arith.xori %add3A_999, %or3A_1006 : vector<16xi32>
    %add3A_1008 = arith.addi %add3A_999, %xor3A_1007 : vector<16xi32>
    %shift_left3A_1009 = arith.constant 15 : i32
    %shift_left3A_1010 = vector.broadcast %shift_left3A_1009 : i32 to vector<16xi32>
    %shift_left3A_1011 = arith.shli %xor3A_1007, %shift_left3A_1010 : vector<16xi32>
    %shift_right_logical3A_1012 = arith.constant 17 : i32
    %shift_right_logical3A_1013 = vector.broadcast %shift_right_logical3A_1012 : i32 to vector<16xi32>
    %shift_right_logical3A_1014 = arith.shrui %xor3A_1007, %shift_right_logical3A_1013 : vector<16xi32>
    %or3A_1015 = arith.ori %shift_left3A_1011, %shift_right_logical3A_1014 : vector<16xi32>
    %xor3A_1016 = arith.xori %add3A_1008, %or3A_1015 : vector<16xi32>
    %add3A_1017 = arith.addi %add3A_1008, %xor3A_1016 : vector<16xi32>
    %shift_left3A_1018 = arith.constant 26 : i32
    %shift_left3A_1019 = vector.broadcast %shift_left3A_1018 : i32 to vector<16xi32>
    %shift_left3A_1020 = arith.shli %xor3A_1016, %shift_left3A_1019 : vector<16xi32>
    %shift_right_logical3A_1021 = arith.constant 6 : i32
    %shift_right_logical3A_1022 = vector.broadcast %shift_right_logical3A_1021 : i32 to vector<16xi32>
    %shift_right_logical3A_1023 = arith.shrui %xor3A_1016, %shift_right_logical3A_1022 : vector<16xi32>
    %or3A_1024 = arith.ori %shift_left3A_1020, %shift_right_logical3A_1023 : vector<16xi32>
    %xor3A_1025 = arith.xori %add3A_1017, %or3A_1024 : vector<16xi32>
    %add3A_1026 = arith.addi %add3A_1017, %xor3A_1025 : vector<16xi32>
    %shift_left3A_1027 = arith.constant 6 : i32
    %shift_left3A_1028 = vector.broadcast %shift_left3A_1027 : i32 to vector<16xi32>
    %shift_left3A_1029 = arith.shli %xor3A_1025, %shift_left3A_1028 : vector<16xi32>
    %shift_right_logical3A_1030 = arith.constant 26 : i32
    %shift_right_logical3A_1031 = vector.broadcast %shift_right_logical3A_1030 : i32 to vector<16xi32>
    %shift_right_logical3A_1032 = arith.shrui %xor3A_1025, %shift_right_logical3A_1031 : vector<16xi32>
    %or3A_1033 = arith.ori %shift_left3A_1029, %shift_right_logical3A_1032 : vector<16xi32>
    %xor3A_1034 = arith.xori %add3A_1026, %or3A_1033 : vector<16xi32>
    %add3A_1035 = arith.constant -1944951124 : i32
    %add3A_1036 = vector.broadcast %add3A_1035 : i32 to vector<16xi32>
    %add3A_1037 = arith.addi %add3A_1026, %add3A_1036 : vector<16xi32>
    %add3A_1038 = arith.constant 1168365246 : i32
    %add3A_1039 = vector.broadcast %add3A_1038 : i32 to vector<16xi32>
    %add3A_1040 = arith.addi %xor3A_1034, %add3A_1039 : vector<16xi32>
    %add3A_1041 = arith.constant 3 : i32
    %add3A_1042 = vector.broadcast %add3A_1041 : i32 to vector<16xi32>
    %add3A_1043 = arith.addi %add3A_1040, %add3A_1042 : vector<16xi32>
    %add3A_1044 = arith.addi %add3A_1037, %add3A_1043 : vector<16xi32>
    %shift_left3A_1045 = arith.constant 17 : i32
    %shift_left3A_1046 = vector.broadcast %shift_left3A_1045 : i32 to vector<16xi32>
    %shift_left3A_1047 = arith.shli %add3A_1043, %shift_left3A_1046 : vector<16xi32>
    %shift_right_logical3A_1048 = arith.constant 15 : i32
    %shift_right_logical3A_1049 = vector.broadcast %shift_right_logical3A_1048 : i32 to vector<16xi32>
    %shift_right_logical3A_1050 = arith.shrui %add3A_1043, %shift_right_logical3A_1049 : vector<16xi32>
    %or3A_1051 = arith.ori %shift_left3A_1047, %shift_right_logical3A_1050 : vector<16xi32>
    %xor3A_1052 = arith.xori %add3A_1044, %or3A_1051 : vector<16xi32>
    %add3A_1053 = arith.addi %add3A_1044, %xor3A_1052 : vector<16xi32>
    %shift_left3A_1054 = arith.constant 29 : i32
    %shift_left3A_1055 = vector.broadcast %shift_left3A_1054 : i32 to vector<16xi32>
    %shift_left3A_1056 = arith.shli %xor3A_1052, %shift_left3A_1055 : vector<16xi32>
    %shift_right_logical3A_1057 = arith.constant 3 : i32
    %shift_right_logical3A_1058 = vector.broadcast %shift_right_logical3A_1057 : i32 to vector<16xi32>
    %shift_right_logical3A_1059 = arith.shrui %xor3A_1052, %shift_right_logical3A_1058 : vector<16xi32>
    %or3A_1060 = arith.ori %shift_left3A_1056, %shift_right_logical3A_1059 : vector<16xi32>
    %xor3A_1061 = arith.xori %add3A_1053, %or3A_1060 : vector<16xi32>
    %add3A_1062 = arith.addi %add3A_1053, %xor3A_1061 : vector<16xi32>
    %shift_left3A_1063 = arith.constant 16 : i32
    %shift_left3A_1064 = vector.broadcast %shift_left3A_1063 : i32 to vector<16xi32>
    %shift_left3A_1065 = arith.shli %xor3A_1061, %shift_left3A_1064 : vector<16xi32>
    %shift_right_logical3A_1066 = arith.constant 16 : i32
    %shift_right_logical3A_1067 = vector.broadcast %shift_right_logical3A_1066 : i32 to vector<16xi32>
    %shift_right_logical3A_1068 = arith.shrui %xor3A_1061, %shift_right_logical3A_1067 : vector<16xi32>
    %or3A_1069 = arith.ori %shift_left3A_1065, %shift_right_logical3A_1068 : vector<16xi32>
    %xor3A_1070 = arith.xori %add3A_1062, %or3A_1069 : vector<16xi32>
    %add3A_1071 = arith.addi %add3A_1062, %xor3A_1070 : vector<16xi32>
    %shift_left3A_1072 = arith.constant 24 : i32
    %shift_left3A_1073 = vector.broadcast %shift_left3A_1072 : i32 to vector<16xi32>
    %shift_left3A_1074 = arith.shli %xor3A_1070, %shift_left3A_1073 : vector<16xi32>
    %shift_right_logical3A_1075 = arith.constant 8 : i32
    %shift_right_logical3A_1076 = vector.broadcast %shift_right_logical3A_1075 : i32 to vector<16xi32>
    %shift_right_logical3A_1077 = arith.shrui %xor3A_1070, %shift_right_logical3A_1076 : vector<16xi32>
    %or3A_1078 = arith.ori %shift_left3A_1074, %shift_right_logical3A_1077 : vector<16xi32>
    %xor3A_1079 = arith.xori %add3A_1071, %or3A_1078 : vector<16xi32>
    %add3A_1080 = arith.constant 1168365246 : i32
    %add3A_1081 = vector.broadcast %add3A_1080 : i32 to vector<16xi32>
    %add3A_1082 = arith.addi %add3A_1071, %add3A_1081 : vector<16xi32>
    %add3A_1083 = arith.constant -765416504 : i32
    %add3A_1084 = vector.broadcast %add3A_1083 : i32 to vector<16xi32>
    %add3A_1085 = arith.addi %xor3A_1079, %add3A_1084 : vector<16xi32>
    %add3A_1086 = arith.constant 4 : i32
    %add3A_1087 = vector.broadcast %add3A_1086 : i32 to vector<16xi32>
    %add3A_1088 = arith.addi %add3A_1085, %add3A_1087 : vector<16xi32>
    %add3A_1089 = arith.addi %add3A_1082, %add3A_1088 : vector<16xi32>
    %shift_left3A_1090 = arith.constant 13 : i32
    %shift_left3A_1091 = vector.broadcast %shift_left3A_1090 : i32 to vector<16xi32>
    %shift_left3A_1092 = arith.shli %add3A_1088, %shift_left3A_1091 : vector<16xi32>
    %shift_right_logical3A_1093 = arith.constant 19 : i32
    %shift_right_logical3A_1094 = vector.broadcast %shift_right_logical3A_1093 : i32 to vector<16xi32>
    %shift_right_logical3A_1095 = arith.shrui %add3A_1088, %shift_right_logical3A_1094 : vector<16xi32>
    %or3A_1096 = arith.ori %shift_left3A_1092, %shift_right_logical3A_1095 : vector<16xi32>
    %xor3A_1097 = arith.xori %add3A_1089, %or3A_1096 : vector<16xi32>
    %add3A_1098 = arith.addi %add3A_1089, %xor3A_1097 : vector<16xi32>
    %shift_left3A_1099 = arith.constant 15 : i32
    %shift_left3A_1100 = vector.broadcast %shift_left3A_1099 : i32 to vector<16xi32>
    %shift_left3A_1101 = arith.shli %xor3A_1097, %shift_left3A_1100 : vector<16xi32>
    %shift_right_logical3A_1102 = arith.constant 17 : i32
    %shift_right_logical3A_1103 = vector.broadcast %shift_right_logical3A_1102 : i32 to vector<16xi32>
    %shift_right_logical3A_1104 = arith.shrui %xor3A_1097, %shift_right_logical3A_1103 : vector<16xi32>
    %or3A_1105 = arith.ori %shift_left3A_1101, %shift_right_logical3A_1104 : vector<16xi32>
    %xor3A_1106 = arith.xori %add3A_1098, %or3A_1105 : vector<16xi32>
    %add3A_1107 = arith.addi %add3A_1098, %xor3A_1106 : vector<16xi32>
    %shift_left3A_1108 = arith.constant 26 : i32
    %shift_left3A_1109 = vector.broadcast %shift_left3A_1108 : i32 to vector<16xi32>
    %shift_left3A_1110 = arith.shli %xor3A_1106, %shift_left3A_1109 : vector<16xi32>
    %shift_right_logical3A_1111 = arith.constant 6 : i32
    %shift_right_logical3A_1112 = vector.broadcast %shift_right_logical3A_1111 : i32 to vector<16xi32>
    %shift_right_logical3A_1113 = arith.shrui %xor3A_1106, %shift_right_logical3A_1112 : vector<16xi32>
    %or3A_1114 = arith.ori %shift_left3A_1110, %shift_right_logical3A_1113 : vector<16xi32>
    %xor3A_1115 = arith.xori %add3A_1107, %or3A_1114 : vector<16xi32>
    %add3A_1116 = arith.addi %add3A_1107, %xor3A_1115 : vector<16xi32>
    %shift_left3A_1117 = arith.constant 6 : i32
    %shift_left3A_1118 = vector.broadcast %shift_left3A_1117 : i32 to vector<16xi32>
    %shift_left3A_1119 = arith.shli %xor3A_1115, %shift_left3A_1118 : vector<16xi32>
    %shift_right_logical3A_1120 = arith.constant 26 : i32
    %shift_right_logical3A_1121 = vector.broadcast %shift_right_logical3A_1120 : i32 to vector<16xi32>
    %shift_right_logical3A_1122 = arith.shrui %xor3A_1115, %shift_right_logical3A_1121 : vector<16xi32>
    %or3A_1123 = arith.ori %shift_left3A_1119, %shift_right_logical3A_1122 : vector<16xi32>
    %xor3A_1124 = arith.xori %add3A_1116, %or3A_1123 : vector<16xi32>
    %add3A_1125 = arith.constant -765416504 : i32
    %add3A_1126 = vector.broadcast %add3A_1125 : i32 to vector<16xi32>
    %add3A_1127 = arith.addi %add3A_1116, %add3A_1126 : vector<16xi32>
    %add3A_1128 = arith.constant -1944951124 : i32
    %add3A_1129 = vector.broadcast %add3A_1128 : i32 to vector<16xi32>
    %add3A_1130 = arith.addi %xor3A_1124, %add3A_1129 : vector<16xi32>
    %add3A_1131 = arith.constant 5 : i32
    %add3A_1132 = vector.broadcast %add3A_1131 : i32 to vector<16xi32>
    %add3A_1133 = arith.addi %add3A_1130, %add3A_1132 : vector<16xi32>
    %xor3A_1134 = arith.xori %add3A_1127, %add3A_1133 : vector<16xi32>
    %and3A_1135 = arith.constant 15 : i32
    %and3A_1136 = vector.broadcast %and3A_1135 : i32 to vector<16xi32>
    %and3A_1137 = arith.andi %xor3A_1134, %and3A_1136 : vector<16xi32>
    %get3A_1138 = arith.constant 0 : i32
    %get3A_1139 = arith.index_cast %get3A_1138 : i32 to index
    %get3A_1140 = arith.constant 16 : index
    %get3A_1141 = tpu.vector_load %arg8[%get3A_1139, %get3A_1140] {strides = array<i32>} : memref<16x64xf32, #tpu.memory_space<vmem>>, vector<1x16xf32>,
    %get3A_1142 = vector.shape_cast %get3A_1141 : vector<1x16xf32> to vector<16xf32>
    %broadcast_in_dim3A_1143 = arith.constant 0 : i32
    %broadcast_in_dim3A_1144 = vector.broadcast %broadcast_in_dim3A_1143 : i32 to vector<16xi32>
    %get3A_1145 = arith.constant 1 : i32
    %get3A_1146 = arith.index_cast %get3A_1145 : i32 to index
    %get3A_1147 = arith.constant 16 : index
    %get3A_1148 = tpu.vector_load %arg8[%get3A_1146, %get3A_1147] {strides = array<i32>} : memref<16x64xf32, #tpu.memory_space<vmem>>, vector<1x16xf32>,
    %get3A_1149 = vector.shape_cast %get3A_1148 : vector<1x16xf32> to vector<16xf32>
    %gt3A_1150 = arith.cmpf ogt, %get3A_1149, %get3A_1142 : vector<16xf32>
    %jit3A_1151 = arith.constant 1 : i32
    %broadcast_in_dim3A_1152 = vector.broadcast %jit3A_1151 : i32 to vector<16xi32>
    %select_n3A_1153 = arith.select %gt3A_1150, %broadcast_in_dim3A_1152, %broadcast_in_dim3A_1144 : vector<16xi1>, vector<16xi32>
    %select_n3A_1154 = arith.select %gt3A_1150, %get3A_1149, %get3A_1142 : vector<16xi1>, vector<16xf32>
    %get3A_1155 = arith.constant 2 : i32
    %get3A_1156 = arith.index_cast %get3A_1155 : i32 to index
    %get3A_1157 = arith.constant 16 : index
    %get3A_1158 = tpu.vector_load %arg8[%get3A_1156, %get3A_1157] {strides = array<i32>} : memref<16x64xf32, #tpu.memory_space<vmem>>, vector<1x16xf32>,
    %get3A_1159 = vector.shape_cast %get3A_1158 : vector<1x16xf32> to vector<16xf32>
    %gt3A_1160 = arith.cmpf ogt, %get3A_1159, %select_n3A_1154 : vector<16xf32>
    %jit3A_1161 = arith.constant 2 : i32
    %broadcast_in_dim3A_1162 = vector.broadcast %jit3A_1161 : i32 to vector<16xi32>
    %select_n3A_1163 = arith.select %gt3A_1160, %broadcast_in_dim3A_1162, %select_n3A_1153 : vector<16xi1>, vector<16xi32>
    %select_n3A_1164 = arith.select %gt3A_1160, %get3A_1159, %select_n3A_1154 : vector<16xi1>, vector<16xf32>
    %get3A_1165 = arith.constant 3 : i32
    %get3A_1166 = arith.index_cast %get3A_1165 : i32 to index
    %get3A_1167 = arith.constant 16 : index
    %get3A_1168 = tpu.vector_load %arg8[%get3A_1166, %get3A_1167] {strides = array<i32>} : memref<16x64xf32, #tpu.memory_space<vmem>>, vector<1x16xf32>,
    %get3A_1169 = vector.shape_cast %get3A_1168 : vector<1x16xf32> to vector<16xf32>
    %gt3A_1170 = arith.cmpf ogt, %get3A_1169, %select_n3A_1164 : vector<16xf32>
    %jit3A_1171 = arith.constant 3 : i32
    %broadcast_in_dim3A_1172 = vector.broadcast %jit3A_1171 : i32 to vector<16xi32>
    %select_n3A_1173 = arith.select %gt3A_1170, %broadcast_in_dim3A_1172, %select_n3A_1163 : vector<16xi1>, vector<16xi32>
    %select_n3A_1174 = arith.select %gt3A_1170, %get3A_1169, %select_n3A_1164 : vector<16xi1>, vector<16xf32>
    %get3A_1175 = arith.constant 4 : i32
    %get3A_1176 = arith.index_cast %get3A_1175 : i32 to index
    %get3A_1177 = arith.constant 16 : index
    %get3A_1178 = tpu.vector_load %arg8[%get3A_1176, %get3A_1177] {strides = array<i32>} : memref<16x64xf32, #tpu.memory_space<vmem>>, vector<1x16xf32>,
    %get3A_1179 = vector.shape_cast %get3A_1178 : vector<1x16xf32> to vector<16xf32>
    %gt3A_1180 = arith.cmpf ogt, %get3A_1179, %select_n3A_1174 : vector<16xf32>
    %jit3A_1181 = arith.constant 4 : i32
    %broadcast_in_dim3A_1182 = vector.broadcast %jit3A_1181 : i32 to vector<16xi32>
    %select_n3A_1183 = arith.select %gt3A_1180, %broadcast_in_dim3A_1182, %select_n3A_1173 : vector<16xi1>, vector<16xi32>
    %select_n3A_1184 = arith.select %gt3A_1180, %get3A_1179, %select_n3A_1174 : vector<16xi1>, vector<16xf32>
    %get3A_1185 = arith.constant 5 : i32
    %get3A_1186 = arith.index_cast %get3A_1185 : i32 to index
    %get3A_1187 = arith.constant 16 : index
    %get3A_1188 = tpu.vector_load %arg8[%get3A_1186, %get3A_1187] {strides = array<i32>} : memref<16x64xf32, #tpu.memory_space<vmem>>, vector<1x16xf32>,
    %get3A_1189 = vector.shape_cast %get3A_1188 : vector<1x16xf32> to vector<16xf32>
    %gt3A_1190 = arith.cmpf ogt, %get3A_1189, %select_n3A_1184 : vector<16xf32>
    %jit3A_1191 = arith.constant 5 : i32
    %broadcast_in_dim3A_1192 = vector.broadcast %jit3A_1191 : i32 to vector<16xi32>
    %select_n3A_1193 = arith.select %gt3A_1190, %broadcast_in_dim3A_1192, %select_n3A_1183 : vector<16xi1>, vector<16xi32>
    %select_n3A_1194 = arith.select %gt3A_1190, %get3A_1189, %select_n3A_1184 : vector<16xi1>, vector<16xf32>
    %get3A_1195 = arith.constant 6 : i32
    %get3A_1196 = arith.index_cast %get3A_1195 : i32 to index
    %get3A_1197 = arith.constant 16 : index
    %get3A_1198 = tpu.vector_load %arg8[%get3A_1196, %get3A_1197] {strides = array<i32>} : memref<16x64xf32, #tpu.memory_space<vmem>>, vector<1x16xf32>,
    %get3A_1199 = vector.shape_cast %get3A_1198 : vector<1x16xf32> to vector<16xf32>
    %gt3A_1200 = arith.cmpf ogt, %get3A_1199, %select_n3A_1194 : vector<16xf32>
    %jit3A_1201 = arith.constant 6 : i32
    %broadcast_in_dim3A_1202 = vector.broadcast %jit3A_1201 : i32 to vector<16xi32>
    %select_n3A_1203 = arith.select %gt3A_1200, %broadcast_in_dim3A_1202, %select_n3A_1193 : vector<16xi1>, vector<16xi32>
    %select_n3A_1204 = arith.select %gt3A_1200, %get3A_1199, %select_n3A_1194 : vector<16xi1>, vector<16xf32>
    %get3A_1205 = arith.constant 7 : i32
    %get3A_1206 = arith.index_cast %get3A_1205 : i32 to index
    %get3A_1207 = arith.constant 16 : index
    %get3A_1208 = tpu.vector_load %arg8[%get3A_1206, %get3A_1207] {strides = array<i32>} : memref<16x64xf32, #tpu.memory_space<vmem>>, vector<1x16xf32>,
    %get3A_1209 = vector.shape_cast %get3A_1208 : vector<1x16xf32> to vector<16xf32>
    %gt3A_1210 = arith.cmpf ogt, %get3A_1209, %select_n3A_1204 : vector<16xf32>
    %jit3A_1211 = arith.constant 7 : i32
    %broadcast_in_dim3A_1212 = vector.broadcast %jit3A_1211 : i32 to vector<16xi32>
    %select_n3A_1213 = arith.select %gt3A_1210, %broadcast_in_dim3A_1212, %select_n3A_1203 : vector<16xi1>, vector<16xi32>
    %select_n3A_1214 = arith.select %gt3A_1210, %get3A_1209, %select_n3A_1204 : vector<16xi1>, vector<16xf32>
    %get3A_1215 = arith.constant 8 : i32
    %get3A_1216 = arith.index_cast %get3A_1215 : i32 to index
    %get3A_1217 = arith.constant 16 : index
    %get3A_1218 = tpu.vector_load %arg8[%get3A_1216, %get3A_1217] {strides = array<i32>} : memref<16x64xf32, #tpu.memory_space<vmem>>, vector<1x16xf32>,
    %get3A_1219 = vector.shape_cast %get3A_1218 : vector<1x16xf32> to vector<16xf32>
    %gt3A_1220 = arith.cmpf ogt, %get3A_1219, %select_n3A_1214 : vector<16xf32>
    %jit3A_1221 = arith.constant 8 : i32
    %broadcast_in_dim3A_1222 = vector.broadcast %jit3A_1221 : i32 to vector<16xi32>
    %select_n3A_1223 = arith.select %gt3A_1220, %broadcast_in_dim3A_1222, %select_n3A_1213 : vector<16xi1>, vector<16xi32>
    %select_n3A_1224 = arith.select %gt3A_1220, %get3A_1219, %select_n3A_1214 : vector<16xi1>, vector<16xf32>
    %get3A_1225 = arith.constant 9 : i32
    %get3A_1226 = arith.index_cast %get3A_1225 : i32 to index
    %get3A_1227 = arith.constant 16 : index
    %get3A_1228 = tpu.vector_load %arg8[%get3A_1226, %get3A_1227] {strides = array<i32>} : memref<16x64xf32, #tpu.memory_space<vmem>>, vector<1x16xf32>,
    %get3A_1229 = vector.shape_cast %get3A_1228 : vector<1x16xf32> to vector<16xf32>
    %gt3A_1230 = arith.cmpf ogt, %get3A_1229, %select_n3A_1224 : vector<16xf32>
    %jit3A_1231 = arith.constant 9 : i32
    %broadcast_in_dim3A_1232 = vector.broadcast %jit3A_1231 : i32 to vector<16xi32>
    %select_n3A_1233 = arith.select %gt3A_1230, %broadcast_in_dim3A_1232, %select_n3A_1223 : vector<16xi1>, vector<16xi32>
    %select_n3A_1234 = arith.select %gt3A_1230, %get3A_1229, %select_n3A_1224 : vector<16xi1>, vector<16xf32>
    %get3A_1235 = arith.constant 10 : i32
    %get3A_1236 = arith.index_cast %get3A_1235 : i32 to index
    %get3A_1237 = arith.constant 16 : index
    %get3A_1238 = tpu.vector_load %arg8[%get3A_1236, %get3A_1237] {strides = array<i32>} : memref<16x64xf32, #tpu.memory_space<vmem>>, vector<1x16xf32>,
    %get3A_1239 = vector.shape_cast %get3A_1238 : vector<1x16xf32> to vector<16xf32>
    %gt3A_1240 = arith.cmpf ogt, %get3A_1239, %select_n3A_1234 : vector<16xf32>
    %jit3A_1241 = arith.constant 10 : i32
    %broadcast_in_dim3A_1242 = vector.broadcast %jit3A_1241 : i32 to vector<16xi32>
    %select_n3A_1243 = arith.select %gt3A_1240, %broadcast_in_dim3A_1242, %select_n3A_1233 : vector<16xi1>, vector<16xi32>
    %select_n3A_1244 = arith.select %gt3A_1240, %get3A_1239, %select_n3A_1234 : vector<16xi1>, vector<16xf32>
    %get3A_1245 = arith.constant 11 : i32
    %get3A_1246 = arith.index_cast %get3A_1245 : i32 to index
    %get3A_1247 = arith.constant 16 : index
    %get3A_1248 = tpu.vector_load %arg8[%get3A_1246, %get3A_1247] {strides = array<i32>} : memref<16x64xf32, #tpu.memory_space<vmem>>, vector<1x16xf32>,
    %get3A_1249 = vector.shape_cast %get3A_1248 : vector<1x16xf32> to vector<16xf32>
    %gt3A_1250 = arith.cmpf ogt, %get3A_1249, %select_n3A_1244 : vector<16xf32>
    %jit3A_1251 = arith.constant 11 : i32
    %broadcast_in_dim3A_1252 = vector.broadcast %jit3A_1251 : i32 to vector<16xi32>
    %select_n3A_1253 = arith.select %gt3A_1250, %broadcast_in_dim3A_1252, %select_n3A_1243 : vector<16xi1>, vector<16xi32>
    %select_n3A_1254 = arith.select %gt3A_1250, %get3A_1249, %select_n3A_1244 : vector<16xi1>, vector<16xf32>
    %get3A_1255 = arith.constant 12 : i32
    %get3A_1256 = arith.index_cast %get3A_1255 : i32 to index
    %get3A_1257 = arith.constant 16 : index
    %get3A_1258 = tpu.vector_load %arg8[%get3A_1256, %get3A_1257] {strides = array<i32>} : memref<16x64xf32, #tpu.memory_space<vmem>>, vector<1x16xf32>,
    %get3A_1259 = vector.shape_cast %get3A_1258 : vector<1x16xf32> to vector<16xf32>
    %gt3A_1260 = arith.cmpf ogt, %get3A_1259, %select_n3A_1254 : vector<16xf32>
    %jit3A_1261 = arith.constant 12 : i32
    %broadcast_in_dim3A_1262 = vector.broadcast %jit3A_1261 : i32 to vector<16xi32>
    %select_n3A_1263 = arith.select %gt3A_1260, %broadcast_in_dim3A_1262, %select_n3A_1253 : vector<16xi1>, vector<16xi32>
    %select_n3A_1264 = arith.select %gt3A_1260, %get3A_1259, %select_n3A_1254 : vector<16xi1>, vector<16xf32>
    %get3A_1265 = arith.constant 13 : i32
    %get3A_1266 = arith.index_cast %get3A_1265 : i32 to index
    %get3A_1267 = arith.constant 16 : index
    %get3A_1268 = tpu.vector_load %arg8[%get3A_1266, %get3A_1267] {strides = array<i32>} : memref<16x64xf32, #tpu.memory_space<vmem>>, vector<1x16xf32>,
    %get3A_1269 = vector.shape_cast %get3A_1268 : vector<1x16xf32> to vector<16xf32>
    %gt3A_1270 = arith.cmpf ogt, %get3A_1269, %select_n3A_1264 : vector<16xf32>
    %jit3A_1271 = arith.constant 13 : i32
    %broadcast_in_dim3A_1272 = vector.broadcast %jit3A_1271 : i32 to vector<16xi32>
    %select_n3A_1273 = arith.select %gt3A_1270, %broadcast_in_dim3A_1272, %select_n3A_1263 : vector<16xi1>, vector<16xi32>
    %select_n3A_1274 = arith.select %gt3A_1270, %get3A_1269, %select_n3A_1264 : vector<16xi1>, vector<16xf32>
    %get3A_1275 = arith.constant 14 : i32
    %get3A_1276 = arith.index_cast %get3A_1275 : i32 to index
    %get3A_1277 = arith.constant 16 : index
    %get3A_1278 = tpu.vector_load %arg8[%get3A_1276, %get3A_1277] {strides = array<i32>} : memref<16x64xf32, #tpu.memory_space<vmem>>, vector<1x16xf32>,
    %get3A_1279 = vector.shape_cast %get3A_1278 : vector<1x16xf32> to vector<16xf32>
    %gt3A_1280 = arith.cmpf ogt, %get3A_1279, %select_n3A_1274 : vector<16xf32>
    %jit3A_1281 = arith.constant 14 : i32
    %broadcast_in_dim3A_1282 = vector.broadcast %jit3A_1281 : i32 to vector<16xi32>
    %select_n3A_1283 = arith.select %gt3A_1280, %broadcast_in_dim3A_1282, %select_n3A_1273 : vector<16xi1>, vector<16xi32>
    %select_n3A_1284 = arith.select %gt3A_1280, %get3A_1279, %select_n3A_1274 : vector<16xi1>, vector<16xf32>
    %get3A_1285 = arith.constant 15 : i32
    %get3A_1286 = arith.index_cast %get3A_1285 : i32 to index
    %get3A_1287 = arith.constant 16 : index
    %get3A_1288 = tpu.vector_load %arg8[%get3A_1286, %get3A_1287] {strides = array<i32>} : memref<16x64xf32, #tpu.memory_space<vmem>>, vector<1x16xf32>,
    %get3A_1289 = vector.shape_cast %get3A_1288 : vector<1x16xf32> to vector<16xf32>
    %gt3A_1290 = arith.cmpf ogt, %get3A_1289, %select_n3A_1284 : vector<16xf32>
    %jit3A_1291 = arith.constant 15 : i32
    %broadcast_in_dim3A_1292 = vector.broadcast %jit3A_1291 : i32 to vector<16xi32>
    %select_n3A_1293 = arith.select %gt3A_1290, %broadcast_in_dim3A_1292, %select_n3A_1283 : vector<16xi1>, vector<16xi32>
    %select_n3A_1294 = arith.select %gt3A_1290, %get3A_1289, %select_n3A_1284 : vector<16xi1>, vector<16xf32>
    %select_n3A_1295 = arith.select %lt3A_900, %and3A_1137, %select_n3A_1293 : vector<16xi1>, vector<16xi32>
    %swap3A_1296 = arith.constant 16 : index
    %swap3A_1297 = tpu.vector_load %arg9[%swap3A_1296] {strides = array<i32>} : memref<64xi32, #tpu.memory_space<vmem>>, vector<16xi32>,
    %swap3A_1298 = vector.shape_cast %swap3A_1297 : vector<16xi32> to vector<16xi32>
    %swap3A_1299 = vector.shape_cast %select_n3A_1295 : vector<16xi32> to vector<16xi32>
    tpu.vector_store %arg9[%swap3A_1296], %swap3A_1299 {strides = array<i32>} : memref<64xi32, #tpu.memory_space<vmem>>, vector<16xi32>,
    %mul3A_1300 = arith.constant 16 : i32
    %mul3A_1301 = vector.broadcast %mul3A_1300 : i32 to vector<16xi32>
    %mul3A_1302 = arith.muli %add3A_653, %mul3A_1301 : vector<16xi32>
    %add3A_1303 = arith.addi %mul3A_1302, %select_n3A_1295 : vector<16xi32>
    %swap3A_1304 = arith.constant 16 : index
    %swap3A_1305 = tpu.vector_load %arg10[%swap3A_1304] {strides = array<i32>} : memref<64xi32, #tpu.memory_space<vmem>>, vector<16xi32>,
    %swap3A_1306 = vector.shape_cast %swap3A_1305 : vector<16xi32> to vector<16xi32>
    %swap3A_1307 = vector.shape_cast %add3A_1303 : vector<16xi32> to vector<16xi32>
    tpu.vector_store %arg10[%swap3A_1304], %swap3A_1307 {strides = array<i32>} : memref<64xi32, #tpu.memory_space<vmem>>, vector<16xi32>,
    %iota3A_1308 = tpu.iota {dimensions = array<i32: 0>} : vector<16xi32>
    %add3A_1309 = arith.constant 32 : i32
    %add3A_1310 = vector.broadcast %add3A_1309 : i32 to vector<16xi32>
    %add3A_1311 = arith.addi %add3A_1310, %iota3A_1308 : vector<16xi32>
    %add3A_1312 = vector.broadcast %mul3A_2 : i32 to vector<16xi32>
    %add3A_1313 = arith.addi %add3A_1312, %add3A_1311 : vector<16xi32>
    %broadcast_in_dim3A_1314 = arith.constant 0 : i32
    %broadcast_in_dim3A_1315 = vector.broadcast %broadcast_in_dim3A_1314 : i32 to vector<16xi32>
    %add3A_1316 = arith.constant 1832780943 : i32
    %add3A_1317 = vector.broadcast %add3A_1316 : i32 to vector<16xi32>
    %add3A_1318 = arith.addi %broadcast_in_dim3A_1315, %add3A_1317 : vector<16xi32>
    %add3A_1319 = arith.constant 270669613 : i32
    %add3A_1320 = vector.broadcast %add3A_1319 : i32 to vector<16xi32>
    %add3A_1321 = arith.addi %add3A_1313, %add3A_1320 : vector<16xi32>
    %add3A_1322 = arith.addi %add3A_1318, %add3A_1321 : vector<16xi32>
    %shift_left3A_1323 = arith.constant 13 : i32
    %shift_left3A_1324 = vector.broadcast %shift_left3A_1323 : i32 to vector<16xi32>
    %shift_left3A_1325 = arith.shli %add3A_1321, %shift_left3A_1324 : vector<16xi32>
    %shift_right_logical3A_1326 = arith.constant 19 : i32
    %shift_right_logical3A_1327 = vector.broadcast %shift_right_logical3A_1326 : i32 to vector<16xi32>
    %shift_right_logical3A_1328 = arith.shrui %add3A_1321, %shift_right_logical3A_1327 : vector<16xi32>
    %or3A_1329 = arith.ori %shift_left3A_1325, %shift_right_logical3A_1328 : vector<16xi32>
    %xor3A_1330 = arith.xori %add3A_1322, %or3A_1329 : vector<16xi32>
    %add3A_1331 = arith.addi %add3A_1322, %xor3A_1330 : vector<16xi32>
    %shift_left3A_1332 = arith.constant 15 : i32
    %shift_left3A_1333 = vector.broadcast %shift_left3A_1332 : i32 to vector<16xi32>
    %shift_left3A_1334 = arith.shli %xor3A_1330, %shift_left3A_1333 : vector<16xi32>
    %shift_right_logical3A_1335 = arith.constant 17 : i32
    %shift_right_logical3A_1336 = vector.broadcast %shift_right_logical3A_1335 : i32 to vector<16xi32>
    %shift_right_logical3A_1337 = arith.shrui %xor3A_1330, %shift_right_logical3A_1336 : vector<16xi32>
    %or3A_1338 = arith.ori %shift_left3A_1334, %shift_right_logical3A_1337 : vector<16xi32>
    %xor3A_1339 = arith.xori %add3A_1331, %or3A_1338 : vector<16xi32>
    %add3A_1340 = arith.addi %add3A_1331, %xor3A_1339 : vector<16xi32>
    %shift_left3A_1341 = arith.constant 26 : i32
    %shift_left3A_1342 = vector.broadcast %shift_left3A_1341 : i32 to vector<16xi32>
    %shift_left3A_1343 = arith.shli %xor3A_1339, %shift_left3A_1342 : vector<16xi32>
    %shift_right_logical3A_1344 = arith.constant 6 : i32
    %shift_right_logical3A_1345 = vector.broadcast %shift_right_logical3A_1344 : i32 to vector<16xi32>
    %shift_right_logical3A_1346 = arith.shrui %xor3A_1339, %shift_right_logical3A_1345 : vector<16xi32>
    %or3A_1347 = arith.ori %shift_left3A_1343, %shift_right_logical3A_1346 : vector<16xi32>
    %xor3A_1348 = arith.xori %add3A_1340, %or3A_1347 : vector<16xi32>
    %add3A_1349 = arith.addi %add3A_1340, %xor3A_1348 : vector<16xi32>
    %shift_left3A_1350 = arith.constant 6 : i32
    %shift_left3A_1351 = vector.broadcast %shift_left3A_1350 : i32 to vector<16xi32>
    %shift_left3A_1352 = arith.shli %xor3A_1348, %shift_left3A_1351 : vector<16xi32>
    %shift_right_logical3A_1353 = arith.constant 26 : i32
    %shift_right_logical3A_1354 = vector.broadcast %shift_right_logical3A_1353 : i32 to vector<16xi32>
    %shift_right_logical3A_1355 = arith.shrui %xor3A_1348, %shift_right_logical3A_1354 : vector<16xi32>
    %or3A_1356 = arith.ori %shift_left3A_1352, %shift_right_logical3A_1355 : vector<16xi32>
    %xor3A_1357 = arith.xori %add3A_1349, %or3A_1356 : vector<16xi32>
    %add3A_1358 = arith.constant 270669613 : i32
    %add3A_1359 = vector.broadcast %add3A_1358 : i32 to vector<16xi32>
    %add3A_1360 = arith.addi %add3A_1349, %add3A_1359 : vector<16xi32>
    %add3A_1361 = arith.constant 1724713080 : i32
    %add3A_1362 = vector.broadcast %add3A_1361 : i32 to vector<16xi32>
    %add3A_1363 = arith.addi %xor3A_1357, %add3A_1362 : vector<16xi32>
    %add3A_1364 = arith.constant 1 : i32
    %add3A_1365 = vector.broadcast %add3A_1364 : i32 to vector<16xi32>
    %add3A_1366 = arith.addi %add3A_1363, %add3A_1365 : vector<16xi32>
    %add3A_1367 = arith.addi %add3A_1360, %add3A_1366 : vector<16xi32>
    %shift_left3A_1368 = arith.constant 17 : i32
    %shift_left3A_1369 = vector.broadcast %shift_left3A_1368 : i32 to vector<16xi32>
    %shift_left3A_1370 = arith.shli %add3A_1366, %shift_left3A_1369 : vector<16xi32>
    %shift_right_logical3A_1371 = arith.constant 15 : i32
    %shift_right_logical3A_1372 = vector.broadcast %shift_right_logical3A_1371 : i32 to vector<16xi32>
    %shift_right_logical3A_1373 = arith.shrui %add3A_1366, %shift_right_logical3A_1372 : vector<16xi32>
    %or3A_1374 = arith.ori %shift_left3A_1370, %shift_right_logical3A_1373 : vector<16xi32>
    %xor3A_1375 = arith.xori %add3A_1367, %or3A_1374 : vector<16xi32>
    %add3A_1376 = arith.addi %add3A_1367, %xor3A_1375 : vector<16xi32>
    %shift_left3A_1377 = arith.constant 29 : i32
    %shift_left3A_1378 = vector.broadcast %shift_left3A_1377 : i32 to vector<16xi32>
    %shift_left3A_1379 = arith.shli %xor3A_1375, %shift_left3A_1378 : vector<16xi32>
    %shift_right_logical3A_1380 = arith.constant 3 : i32
    %shift_right_logical3A_1381 = vector.broadcast %shift_right_logical3A_1380 : i32 to vector<16xi32>
    %shift_right_logical3A_1382 = arith.shrui %xor3A_1375, %shift_right_logical3A_1381 : vector<16xi32>
    %or3A_1383 = arith.ori %shift_left3A_1379, %shift_right_logical3A_1382 : vector<16xi32>
    %xor3A_1384 = arith.xori %add3A_1376, %or3A_1383 : vector<16xi32>
    %add3A_1385 = arith.addi %add3A_1376, %xor3A_1384 : vector<16xi32>
    %shift_left3A_1386 = arith.constant 16 : i32
    %shift_left3A_1387 = vector.broadcast %shift_left3A_1386 : i32 to vector<16xi32>
    %shift_left3A_1388 = arith.shli %xor3A_1384, %shift_left3A_1387 : vector<16xi32>
    %shift_right_logical3A_1389 = arith.constant 16 : i32
    %shift_right_logical3A_1390 = vector.broadcast %shift_right_logical3A_1389 : i32 to vector<16xi32>
    %shift_right_logical3A_1391 = arith.shrui %xor3A_1384, %shift_right_logical3A_1390 : vector<16xi32>
    %or3A_1392 = arith.ori %shift_left3A_1388, %shift_right_logical3A_1391 : vector<16xi32>
    %xor3A_1393 = arith.xori %add3A_1385, %or3A_1392 : vector<16xi32>
    %add3A_1394 = arith.addi %add3A_1385, %xor3A_1393 : vector<16xi32>
    %shift_left3A_1395 = arith.constant 24 : i32
    %shift_left3A_1396 = vector.broadcast %shift_left3A_1395 : i32 to vector<16xi32>
    %shift_left3A_1397 = arith.shli %xor3A_1393, %shift_left3A_1396 : vector<16xi32>
    %shift_right_logical3A_1398 = arith.constant 8 : i32
    %shift_right_logical3A_1399 = vector.broadcast %shift_right_logical3A_1398 : i32 to vector<16xi32>
    %shift_right_logical3A_1400 = arith.shrui %xor3A_1393, %shift_right_logical3A_1399 : vector<16xi32>
    %or3A_1401 = arith.ori %shift_left3A_1397, %shift_right_logical3A_1400 : vector<16xi32>
    %xor3A_1402 = arith.xori %add3A_1394, %or3A_1401 : vector<16xi32>
    %add3A_1403 = arith.constant 1724713080 : i32
    %add3A_1404 = vector.broadcast %add3A_1403 : i32 to vector<16xi32>
    %add3A_1405 = arith.addi %add3A_1394, %add3A_1404 : vector<16xi32>
    %add3A_1406 = arith.constant 1832780943 : i32
    %add3A_1407 = vector.broadcast %add3A_1406 : i32 to vector<16xi32>
    %add3A_1408 = arith.addi %xor3A_1402, %add3A_1407 : vector<16xi32>
    %add3A_1409 = arith.constant 2 : i32
    %add3A_1410 = vector.broadcast %add3A_1409 : i32 to vector<16xi32>
    %add3A_1411 = arith.addi %add3A_1408, %add3A_1410 : vector<16xi32>
    %add3A_1412 = arith.addi %add3A_1405, %add3A_1411 : vector<16xi32>
    %shift_left3A_1413 = arith.constant 13 : i32
    %shift_left3A_1414 = vector.broadcast %shift_left3A_1413 : i32 to vector<16xi32>
    %shift_left3A_1415 = arith.shli %add3A_1411, %shift_left3A_1414 : vector<16xi32>
    %shift_right_logical3A_1416 = arith.constant 19 : i32
    %shift_right_logical3A_1417 = vector.broadcast %shift_right_logical3A_1416 : i32 to vector<16xi32>
    %shift_right_logical3A_1418 = arith.shrui %add3A_1411, %shift_right_logical3A_1417 : vector<16xi32>
    %or3A_1419 = arith.ori %shift_left3A_1415, %shift_right_logical3A_1418 : vector<16xi32>
    %xor3A_1420 = arith.xori %add3A_1412, %or3A_1419 : vector<16xi32>
    %add3A_1421 = arith.addi %add3A_1412, %xor3A_1420 : vector<16xi32>
    %shift_left3A_1422 = arith.constant 15 : i32
    %shift_left3A_1423 = vector.broadcast %shift_left3A_1422 : i32 to vector<16xi32>
    %shift_left3A_1424 = arith.shli %xor3A_1420, %shift_left3A_1423 : vector<16xi32>
    %shift_right_logical3A_1425 = arith.constant 17 : i32
    %shift_right_logical3A_1426 = vector.broadcast %shift_right_logical3A_1425 : i32 to vector<16xi32>
    %shift_right_logical3A_1427 = arith.shrui %xor3A_1420, %shift_right_logical3A_1426 : vector<16xi32>
    %or3A_1428 = arith.ori %shift_left3A_1424, %shift_right_logical3A_1427 : vector<16xi32>
    %xor3A_1429 = arith.xori %add3A_1421, %or3A_1428 : vector<16xi32>
    %add3A_1430 = arith.addi %add3A_1421, %xor3A_1429 : vector<16xi32>
    %shift_left3A_1431 = arith.constant 26 : i32
    %shift_left3A_1432 = vector.broadcast %shift_left3A_1431 : i32 to vector<16xi32>
    %shift_left3A_1433 = arith.shli %xor3A_1429, %shift_left3A_1432 : vector<16xi32>
    %shift_right_logical3A_1434 = arith.constant 6 : i32
    %shift_right_logical3A_1435 = vector.broadcast %shift_right_logical3A_1434 : i32 to vector<16xi32>
    %shift_right_logical3A_1436 = arith.shrui %xor3A_1429, %shift_right_logical3A_1435 : vector<16xi32>
    %or3A_1437 = arith.ori %shift_left3A_1433, %shift_right_logical3A_1436 : vector<16xi32>
    %xor3A_1438 = arith.xori %add3A_1430, %or3A_1437 : vector<16xi32>
    %add3A_1439 = arith.addi %add3A_1430, %xor3A_1438 : vector<16xi32>
    %shift_left3A_1440 = arith.constant 6 : i32
    %shift_left3A_1441 = vector.broadcast %shift_left3A_1440 : i32 to vector<16xi32>
    %shift_left3A_1442 = arith.shli %xor3A_1438, %shift_left3A_1441 : vector<16xi32>
    %shift_right_logical3A_1443 = arith.constant 26 : i32
    %shift_right_logical3A_1444 = vector.broadcast %shift_right_logical3A_1443 : i32 to vector<16xi32>
    %shift_right_logical3A_1445 = arith.shrui %xor3A_1438, %shift_right_logical3A_1444 : vector<16xi32>
    %or3A_1446 = arith.ori %shift_left3A_1442, %shift_right_logical3A_1445 : vector<16xi32>
    %xor3A_1447 = arith.xori %add3A_1439, %or3A_1446 : vector<16xi32>
    %add3A_1448 = arith.constant 1832780943 : i32
    %add3A_1449 = vector.broadcast %add3A_1448 : i32 to vector<16xi32>
    %add3A_1450 = arith.addi %add3A_1439, %add3A_1449 : vector<16xi32>
    %add3A_1451 = arith.constant 270669613 : i32
    %add3A_1452 = vector.broadcast %add3A_1451 : i32 to vector<16xi32>
    %add3A_1453 = arith.addi %xor3A_1447, %add3A_1452 : vector<16xi32>
    %add3A_1454 = arith.constant 3 : i32
    %add3A_1455 = vector.broadcast %add3A_1454 : i32 to vector<16xi32>
    %add3A_1456 = arith.addi %add3A_1453, %add3A_1455 : vector<16xi32>
    %add3A_1457 = arith.addi %add3A_1450, %add3A_1456 : vector<16xi32>
    %shift_left3A_1458 = arith.constant 17 : i32
    %shift_left3A_1459 = vector.broadcast %shift_left3A_1458 : i32 to vector<16xi32>
    %shift_left3A_1460 = arith.shli %add3A_1456, %shift_left3A_1459 : vector<16xi32>
    %shift_right_logical3A_1461 = arith.constant 15 : i32
    %shift_right_logical3A_1462 = vector.broadcast %shift_right_logical3A_1461 : i32 to vector<16xi32>
    %shift_right_logical3A_1463 = arith.shrui %add3A_1456, %shift_right_logical3A_1462 : vector<16xi32>
    %or3A_1464 = arith.ori %shift_left3A_1460, %shift_right_logical3A_1463 : vector<16xi32>
    %xor3A_1465 = arith.xori %add3A_1457, %or3A_1464 : vector<16xi32>
    %add3A_1466 = arith.addi %add3A_1457, %xor3A_1465 : vector<16xi32>
    %shift_left3A_1467 = arith.constant 29 : i32
    %shift_left3A_1468 = vector.broadcast %shift_left3A_1467 : i32 to vector<16xi32>
    %shift_left3A_1469 = arith.shli %xor3A_1465, %shift_left3A_1468 : vector<16xi32>
    %shift_right_logical3A_1470 = arith.constant 3 : i32
    %shift_right_logical3A_1471 = vector.broadcast %shift_right_logical3A_1470 : i32 to vector<16xi32>
    %shift_right_logical3A_1472 = arith.shrui %xor3A_1465, %shift_right_logical3A_1471 : vector<16xi32>
    %or3A_1473 = arith.ori %shift_left3A_1469, %shift_right_logical3A_1472 : vector<16xi32>
    %xor3A_1474 = arith.xori %add3A_1466, %or3A_1473 : vector<16xi32>
    %add3A_1475 = arith.addi %add3A_1466, %xor3A_1474 : vector<16xi32>
    %shift_left3A_1476 = arith.constant 16 : i32
    %shift_left3A_1477 = vector.broadcast %shift_left3A_1476 : i32 to vector<16xi32>
    %shift_left3A_1478 = arith.shli %xor3A_1474, %shift_left3A_1477 : vector<16xi32>
    %shift_right_logical3A_1479 = arith.constant 16 : i32
    %shift_right_logical3A_1480 = vector.broadcast %shift_right_logical3A_1479 : i32 to vector<16xi32>
    %shift_right_logical3A_1481 = arith.shrui %xor3A_1474, %shift_right_logical3A_1480 : vector<16xi32>
    %or3A_1482 = arith.ori %shift_left3A_1478, %shift_right_logical3A_1481 : vector<16xi32>
    %xor3A_1483 = arith.xori %add3A_1475, %or3A_1482 : vector<16xi32>
    %add3A_1484 = arith.addi %add3A_1475, %xor3A_1483 : vector<16xi32>
    %shift_left3A_1485 = arith.constant 24 : i32
    %shift_left3A_1486 = vector.broadcast %shift_left3A_1485 : i32 to vector<16xi32>
    %shift_left3A_1487 = arith.shli %xor3A_1483, %shift_left3A_1486 : vector<16xi32>
    %shift_right_logical3A_1488 = arith.constant 8 : i32
    %shift_right_logical3A_1489 = vector.broadcast %shift_right_logical3A_1488 : i32 to vector<16xi32>
    %shift_right_logical3A_1490 = arith.shrui %xor3A_1483, %shift_right_logical3A_1489 : vector<16xi32>
    %or3A_1491 = arith.ori %shift_left3A_1487, %shift_right_logical3A_1490 : vector<16xi32>
    %xor3A_1492 = arith.xori %add3A_1484, %or3A_1491 : vector<16xi32>
    %add3A_1493 = arith.constant 270669613 : i32
    %add3A_1494 = vector.broadcast %add3A_1493 : i32 to vector<16xi32>
    %add3A_1495 = arith.addi %add3A_1484, %add3A_1494 : vector<16xi32>
    %add3A_1496 = arith.constant 1724713080 : i32
    %add3A_1497 = vector.broadcast %add3A_1496 : i32 to vector<16xi32>
    %add3A_1498 = arith.addi %xor3A_1492, %add3A_1497 : vector<16xi32>
    %add3A_1499 = arith.constant 4 : i32
    %add3A_1500 = vector.broadcast %add3A_1499 : i32 to vector<16xi32>
    %add3A_1501 = arith.addi %add3A_1498, %add3A_1500 : vector<16xi32>
    %add3A_1502 = arith.addi %add3A_1495, %add3A_1501 : vector<16xi32>
    %shift_left3A_1503 = arith.constant 13 : i32
    %shift_left3A_1504 = vector.broadcast %shift_left3A_1503 : i32 to vector<16xi32>
    %shift_left3A_1505 = arith.shli %add3A_1501, %shift_left3A_1504 : vector<16xi32>
    %shift_right_logical3A_1506 = arith.constant 19 : i32
    %shift_right_logical3A_1507 = vector.broadcast %shift_right_logical3A_1506 : i32 to vector<16xi32>
    %shift_right_logical3A_1508 = arith.shrui %add3A_1501, %shift_right_logical3A_1507 : vector<16xi32>
    %or3A_1509 = arith.ori %shift_left3A_1505, %shift_right_logical3A_1508 : vector<16xi32>
    %xor3A_1510 = arith.xori %add3A_1502, %or3A_1509 : vector<16xi32>
    %add3A_1511 = arith.addi %add3A_1502, %xor3A_1510 : vector<16xi32>
    %shift_left3A_1512 = arith.constant 15 : i32
    %shift_left3A_1513 = vector.broadcast %shift_left3A_1512 : i32 to vector<16xi32>
    %shift_left3A_1514 = arith.shli %xor3A_1510, %shift_left3A_1513 : vector<16xi32>
    %shift_right_logical3A_1515 = arith.constant 17 : i32
    %shift_right_logical3A_1516 = vector.broadcast %shift_right_logical3A_1515 : i32 to vector<16xi32>
    %shift_right_logical3A_1517 = arith.shrui %xor3A_1510, %shift_right_logical3A_1516 : vector<16xi32>
    %or3A_1518 = arith.ori %shift_left3A_1514, %shift_right_logical3A_1517 : vector<16xi32>
    %xor3A_1519 = arith.xori %add3A_1511, %or3A_1518 : vector<16xi32>
    %add3A_1520 = arith.addi %add3A_1511, %xor3A_1519 : vector<16xi32>
    %shift_left3A_1521 = arith.constant 26 : i32
    %shift_left3A_1522 = vector.broadcast %shift_left3A_1521 : i32 to vector<16xi32>
    %shift_left3A_1523 = arith.shli %xor3A_1519, %shift_left3A_1522 : vector<16xi32>
    %shift_right_logical3A_1524 = arith.constant 6 : i32
    %shift_right_logical3A_1525 = vector.broadcast %shift_right_logical3A_1524 : i32 to vector<16xi32>
    %shift_right_logical3A_1526 = arith.shrui %xor3A_1519, %shift_right_logical3A_1525 : vector<16xi32>
    %or3A_1527 = arith.ori %shift_left3A_1523, %shift_right_logical3A_1526 : vector<16xi32>
    %xor3A_1528 = arith.xori %add3A_1520, %or3A_1527 : vector<16xi32>
    %add3A_1529 = arith.addi %add3A_1520, %xor3A_1528 : vector<16xi32>
    %shift_left3A_1530 = arith.constant 6 : i32
    %shift_left3A_1531 = vector.broadcast %shift_left3A_1530 : i32 to vector<16xi32>
    %shift_left3A_1532 = arith.shli %xor3A_1528, %shift_left3A_1531 : vector<16xi32>
    %shift_right_logical3A_1533 = arith.constant 26 : i32
    %shift_right_logical3A_1534 = vector.broadcast %shift_right_logical3A_1533 : i32 to vector<16xi32>
    %shift_right_logical3A_1535 = arith.shrui %xor3A_1528, %shift_right_logical3A_1534 : vector<16xi32>
    %or3A_1536 = arith.ori %shift_left3A_1532, %shift_right_logical3A_1535 : vector<16xi32>
    %xor3A_1537 = arith.xori %add3A_1529, %or3A_1536 : vector<16xi32>
    %add3A_1538 = arith.constant 1724713080 : i32
    %add3A_1539 = vector.broadcast %add3A_1538 : i32 to vector<16xi32>
    %add3A_1540 = arith.addi %add3A_1529, %add3A_1539 : vector<16xi32>
    %add3A_1541 = arith.constant 1832780943 : i32
    %add3A_1542 = vector.broadcast %add3A_1541 : i32 to vector<16xi32>
    %add3A_1543 = arith.addi %xor3A_1537, %add3A_1542 : vector<16xi32>
    %add3A_1544 = arith.constant 5 : i32
    %add3A_1545 = vector.broadcast %add3A_1544 : i32 to vector<16xi32>
    %add3A_1546 = arith.addi %add3A_1543, %add3A_1545 : vector<16xi32>
    %xor3A_1547 = arith.xori %add3A_1540, %add3A_1546 : vector<16xi32>
    %shift_right_logical3A_1548 = arith.constant 9 : i32
    %shift_right_logical3A_1549 = vector.broadcast %shift_right_logical3A_1548 : i32 to vector<16xi32>
    %shift_right_logical3A_1550 = arith.shrui %xor3A_1547, %shift_right_logical3A_1549 : vector<16xi32>
    %or3A_1551 = arith.constant 1065353216 : i32
    %or3A_1552 = vector.broadcast %or3A_1551 : i32 to vector<16xi32>
    %or3A_1553 = arith.ori %shift_right_logical3A_1550, %or3A_1552 : vector<16xi32>
    %bitcast_convert_type3A_1554 = tpu.bitcast %or3A_1553 : vector<16xi32> -> vector<16xf32>
    %sub3A_1555 = arith.constant 1.000000e+00 : f32
    %sub3A_1556 = vector.broadcast %sub3A_1555 : f32 to vector<16xf32>
    %sub3A_1557 = arith.subf %bitcast_convert_type3A_1554, %sub3A_1556 : vector<16xf32>
    %lt3A_1558 = arith.constant 0.899999976 : f32
    %lt3A_1559 = vector.broadcast %lt3A_1558 : f32 to vector<16xf32>
    %lt3A_1560 = arith.cmpf olt, %sub3A_1557, %lt3A_1559 : vector<16xf32>
    %broadcast_in_dim3A_1561 = arith.constant 0 : i32
    %broadcast_in_dim3A_1562 = vector.broadcast %broadcast_in_dim3A_1561 : i32 to vector<16xi32>
    %add3A_1563 = arith.constant -1944951124 : i32
    %add3A_1564 = vector.broadcast %add3A_1563 : i32 to vector<16xi32>
    %add3A_1565 = arith.addi %broadcast_in_dim3A_1562, %add3A_1564 : vector<16xi32>
    %add3A_1566 = arith.constant 1168365246 : i32
    %add3A_1567 = vector.broadcast %add3A_1566 : i32 to vector<16xi32>
    %add3A_1568 = arith.addi %add3A_1313, %add3A_1567 : vector<16xi32>
    %add3A_1569 = arith.addi %add3A_1565, %add3A_1568 : vector<16xi32>
    %shift_left3A_1570 = arith.constant 13 : i32
    %shift_left3A_1571 = vector.broadcast %shift_left3A_1570 : i32 to vector<16xi32>
    %shift_left3A_1572 = arith.shli %add3A_1568, %shift_left3A_1571 : vector<16xi32>
    %shift_right_logical3A_1573 = arith.constant 19 : i32
    %shift_right_logical3A_1574 = vector.broadcast %shift_right_logical3A_1573 : i32 to vector<16xi32>
    %shift_right_logical3A_1575 = arith.shrui %add3A_1568, %shift_right_logical3A_1574 : vector<16xi32>
    %or3A_1576 = arith.ori %shift_left3A_1572, %shift_right_logical3A_1575 : vector<16xi32>
    %xor3A_1577 = arith.xori %add3A_1569, %or3A_1576 : vector<16xi32>
    %add3A_1578 = arith.addi %add3A_1569, %xor3A_1577 : vector<16xi32>
    %shift_left3A_1579 = arith.constant 15 : i32
    %shift_left3A_1580 = vector.broadcast %shift_left3A_1579 : i32 to vector<16xi32>
    %shift_left3A_1581 = arith.shli %xor3A_1577, %shift_left3A_1580 : vector<16xi32>
    %shift_right_logical3A_1582 = arith.constant 17 : i32
    %shift_right_logical3A_1583 = vector.broadcast %shift_right_logical3A_1582 : i32 to vector<16xi32>
    %shift_right_logical3A_1584 = arith.shrui %xor3A_1577, %shift_right_logical3A_1583 : vector<16xi32>
    %or3A_1585 = arith.ori %shift_left3A_1581, %shift_right_logical3A_1584 : vector<16xi32>
    %xor3A_1586 = arith.xori %add3A_1578, %or3A_1585 : vector<16xi32>
    %add3A_1587 = arith.addi %add3A_1578, %xor3A_1586 : vector<16xi32>
    %shift_left3A_1588 = arith.constant 26 : i32
    %shift_left3A_1589 = vector.broadcast %shift_left3A_1588 : i32 to vector<16xi32>
    %shift_left3A_1590 = arith.shli %xor3A_1586, %shift_left3A_1589 : vector<16xi32>
    %shift_right_logical3A_1591 = arith.constant 6 : i32
    %shift_right_logical3A_1592 = vector.broadcast %shift_right_logical3A_1591 : i32 to vector<16xi32>
    %shift_right_logical3A_1593 = arith.shrui %xor3A_1586, %shift_right_logical3A_1592 : vector<16xi32>
    %or3A_1594 = arith.ori %shift_left3A_1590, %shift_right_logical3A_1593 : vector<16xi32>
    %xor3A_1595 = arith.xori %add3A_1587, %or3A_1594 : vector<16xi32>
    %add3A_1596 = arith.addi %add3A_1587, %xor3A_1595 : vector<16xi32>
    %shift_left3A_1597 = arith.constant 6 : i32
    %shift_left3A_1598 = vector.broadcast %shift_left3A_1597 : i32 to vector<16xi32>
    %shift_left3A_1599 = arith.shli %xor3A_1595, %shift_left3A_1598 : vector<16xi32>
    %shift_right_logical3A_1600 = arith.constant 26 : i32
    %shift_right_logical3A_1601 = vector.broadcast %shift_right_logical3A_1600 : i32 to vector<16xi32>
    %shift_right_logical3A_1602 = arith.shrui %xor3A_1595, %shift_right_logical3A_1601 : vector<16xi32>
    %or3A_1603 = arith.ori %shift_left3A_1599, %shift_right_logical3A_1602 : vector<16xi32>
    %xor3A_1604 = arith.xori %add3A_1596, %or3A_1603 : vector<16xi32>
    %add3A_1605 = arith.constant 1168365246 : i32
    %add3A_1606 = vector.broadcast %add3A_1605 : i32 to vector<16xi32>
    %add3A_1607 = arith.addi %add3A_1596, %add3A_1606 : vector<16xi32>
    %add3A_1608 = arith.constant -765416504 : i32
    %add3A_1609 = vector.broadcast %add3A_1608 : i32 to vector<16xi32>
    %add3A_1610 = arith.addi %xor3A_1604, %add3A_1609 : vector<16xi32>
    %add3A_1611 = arith.constant 1 : i32
    %add3A_1612 = vector.broadcast %add3A_1611 : i32 to vector<16xi32>
    %add3A_1613 = arith.addi %add3A_1610, %add3A_1612 : vector<16xi32>
    %add3A_1614 = arith.addi %add3A_1607, %add3A_1613 : vector<16xi32>
    %shift_left3A_1615 = arith.constant 17 : i32
    %shift_left3A_1616 = vector.broadcast %shift_left3A_1615 : i32 to vector<16xi32>
    %shift_left3A_1617 = arith.shli %add3A_1613, %shift_left3A_1616 : vector<16xi32>
    %shift_right_logical3A_1618 = arith.constant 15 : i32
    %shift_right_logical3A_1619 = vector.broadcast %shift_right_logical3A_1618 : i32 to vector<16xi32>
    %shift_right_logical3A_1620 = arith.shrui %add3A_1613, %shift_right_logical3A_1619 : vector<16xi32>
    %or3A_1621 = arith.ori %shift_left3A_1617, %shift_right_logical3A_1620 : vector<16xi32>
    %xor3A_1622 = arith.xori %add3A_1614, %or3A_1621 : vector<16xi32>
    %add3A_1623 = arith.addi %add3A_1614, %xor3A_1622 : vector<16xi32>
    %shift_left3A_1624 = arith.constant 29 : i32
    %shift_left3A_1625 = vector.broadcast %shift_left3A_1624 : i32 to vector<16xi32>
    %shift_left3A_1626 = arith.shli %xor3A_1622, %shift_left3A_1625 : vector<16xi32>
    %shift_right_logical3A_1627 = arith.constant 3 : i32
    %shift_right_logical3A_1628 = vector.broadcast %shift_right_logical3A_1627 : i32 to vector<16xi32>
    %shift_right_logical3A_1629 = arith.shrui %xor3A_1622, %shift_right_logical3A_1628 : vector<16xi32>
    %or3A_1630 = arith.ori %shift_left3A_1626, %shift_right_logical3A_1629 : vector<16xi32>
    %xor3A_1631 = arith.xori %add3A_1623, %or3A_1630 : vector<16xi32>
    %add3A_1632 = arith.addi %add3A_1623, %xor3A_1631 : vector<16xi32>
    %shift_left3A_1633 = arith.constant 16 : i32
    %shift_left3A_1634 = vector.broadcast %shift_left3A_1633 : i32 to vector<16xi32>
    %shift_left3A_1635 = arith.shli %xor3A_1631, %shift_left3A_1634 : vector<16xi32>
    %shift_right_logical3A_1636 = arith.constant 16 : i32
    %shift_right_logical3A_1637 = vector.broadcast %shift_right_logical3A_1636 : i32 to vector<16xi32>
    %shift_right_logical3A_1638 = arith.shrui %xor3A_1631, %shift_right_logical3A_1637 : vector<16xi32>
    %or3A_1639 = arith.ori %shift_left3A_1635, %shift_right_logical3A_1638 : vector<16xi32>
    %xor3A_1640 = arith.xori %add3A_1632, %or3A_1639 : vector<16xi32>
    %add3A_1641 = arith.addi %add3A_1632, %xor3A_1640 : vector<16xi32>
    %shift_left3A_1642 = arith.constant 24 : i32
    %shift_left3A_1643 = vector.broadcast %shift_left3A_1642 : i32 to vector<16xi32>
    %shift_left3A_1644 = arith.shli %xor3A_1640, %shift_left3A_1643 : vector<16xi32>
    %shift_right_logical3A_1645 = arith.constant 8 : i32
    %shift_right_logical3A_1646 = vector.broadcast %shift_right_logical3A_1645 : i32 to vector<16xi32>
    %shift_right_logical3A_1647 = arith.shrui %xor3A_1640, %shift_right_logical3A_1646 : vector<16xi32>
    %or3A_1648 = arith.ori %shift_left3A_1644, %shift_right_logical3A_1647 : vector<16xi32>
    %xor3A_1649 = arith.xori %add3A_1641, %or3A_1648 : vector<16xi32>
    %add3A_1650 = arith.constant -765416504 : i32
    %add3A_1651 = vector.broadcast %add3A_1650 : i32 to vector<16xi32>
    %add3A_1652 = arith.addi %add3A_1641, %add3A_1651 : vector<16xi32>
    %add3A_1653 = arith.constant -1944951124 : i32
    %add3A_1654 = vector.broadcast %add3A_1653 : i32 to vector<16xi32>
    %add3A_1655 = arith.addi %xor3A_1649, %add3A_1654 : vector<16xi32>
    %add3A_1656 = arith.constant 2 : i32
    %add3A_1657 = vector.broadcast %add3A_1656 : i32 to vector<16xi32>
    %add3A_1658 = arith.addi %add3A_1655, %add3A_1657 : vector<16xi32>
    %add3A_1659 = arith.addi %add3A_1652, %add3A_1658 : vector<16xi32>
    %shift_left3A_1660 = arith.constant 13 : i32
    %shift_left3A_1661 = vector.broadcast %shift_left3A_1660 : i32 to vector<16xi32>
    %shift_left3A_1662 = arith.shli %add3A_1658, %shift_left3A_1661 : vector<16xi32>
    %shift_right_logical3A_1663 = arith.constant 19 : i32
    %shift_right_logical3A_1664 = vector.broadcast %shift_right_logical3A_1663 : i32 to vector<16xi32>
    %shift_right_logical3A_1665 = arith.shrui %add3A_1658, %shift_right_logical3A_1664 : vector<16xi32>
    %or3A_1666 = arith.ori %shift_left3A_1662, %shift_right_logical3A_1665 : vector<16xi32>
    %xor3A_1667 = arith.xori %add3A_1659, %or3A_1666 : vector<16xi32>
    %add3A_1668 = arith.addi %add3A_1659, %xor3A_1667 : vector<16xi32>
    %shift_left3A_1669 = arith.constant 15 : i32
    %shift_left3A_1670 = vector.broadcast %shift_left3A_1669 : i32 to vector<16xi32>
    %shift_left3A_1671 = arith.shli %xor3A_1667, %shift_left3A_1670 : vector<16xi32>
    %shift_right_logical3A_1672 = arith.constant 17 : i32
    %shift_right_logical3A_1673 = vector.broadcast %shift_right_logical3A_1672 : i32 to vector<16xi32>
    %shift_right_logical3A_1674 = arith.shrui %xor3A_1667, %shift_right_logical3A_1673 : vector<16xi32>
    %or3A_1675 = arith.ori %shift_left3A_1671, %shift_right_logical3A_1674 : vector<16xi32>
    %xor3A_1676 = arith.xori %add3A_1668, %or3A_1675 : vector<16xi32>
    %add3A_1677 = arith.addi %add3A_1668, %xor3A_1676 : vector<16xi32>
    %shift_left3A_1678 = arith.constant 26 : i32
    %shift_left3A_1679 = vector.broadcast %shift_left3A_1678 : i32 to vector<16xi32>
    %shift_left3A_1680 = arith.shli %xor3A_1676, %shift_left3A_1679 : vector<16xi32>
    %shift_right_logical3A_1681 = arith.constant 6 : i32
    %shift_right_logical3A_1682 = vector.broadcast %shift_right_logical3A_1681 : i32 to vector<16xi32>
    %shift_right_logical3A_1683 = arith.shrui %xor3A_1676, %shift_right_logical3A_1682 : vector<16xi32>
    %or3A_1684 = arith.ori %shift_left3A_1680, %shift_right_logical3A_1683 : vector<16xi32>
    %xor3A_1685 = arith.xori %add3A_1677, %or3A_1684 : vector<16xi32>
    %add3A_1686 = arith.addi %add3A_1677, %xor3A_1685 : vector<16xi32>
    %shift_left3A_1687 = arith.constant 6 : i32
    %shift_left3A_1688 = vector.broadcast %shift_left3A_1687 : i32 to vector<16xi32>
    %shift_left3A_1689 = arith.shli %xor3A_1685, %shift_left3A_1688 : vector<16xi32>
    %shift_right_logical3A_1690 = arith.constant 26 : i32
    %shift_right_logical3A_1691 = vector.broadcast %shift_right_logical3A_1690 : i32 to vector<16xi32>
    %shift_right_logical3A_1692 = arith.shrui %xor3A_1685, %shift_right_logical3A_1691 : vector<16xi32>
    %or3A_1693 = arith.ori %shift_left3A_1689, %shift_right_logical3A_1692 : vector<16xi32>
    %xor3A_1694 = arith.xori %add3A_1686, %or3A_1693 : vector<16xi32>
    %add3A_1695 = arith.constant -1944951124 : i32
    %add3A_1696 = vector.broadcast %add3A_1695 : i32 to vector<16xi32>
    %add3A_1697 = arith.addi %add3A_1686, %add3A_1696 : vector<16xi32>
    %add3A_1698 = arith.constant 1168365246 : i32
    %add3A_1699 = vector.broadcast %add3A_1698 : i32 to vector<16xi32>
    %add3A_1700 = arith.addi %xor3A_1694, %add3A_1699 : vector<16xi32>
    %add3A_1701 = arith.constant 3 : i32
    %add3A_1702 = vector.broadcast %add3A_1701 : i32 to vector<16xi32>
    %add3A_1703 = arith.addi %add3A_1700, %add3A_1702 : vector<16xi32>
    %add3A_1704 = arith.addi %add3A_1697, %add3A_1703 : vector<16xi32>
    %shift_left3A_1705 = arith.constant 17 : i32
    %shift_left3A_1706 = vector.broadcast %shift_left3A_1705 : i32 to vector<16xi32>
    %shift_left3A_1707 = arith.shli %add3A_1703, %shift_left3A_1706 : vector<16xi32>
    %shift_right_logical3A_1708 = arith.constant 15 : i32
    %shift_right_logical3A_1709 = vector.broadcast %shift_right_logical3A_1708 : i32 to vector<16xi32>
    %shift_right_logical3A_1710 = arith.shrui %add3A_1703, %shift_right_logical3A_1709 : vector<16xi32>
    %or3A_1711 = arith.ori %shift_left3A_1707, %shift_right_logical3A_1710 : vector<16xi32>
    %xor3A_1712 = arith.xori %add3A_1704, %or3A_1711 : vector<16xi32>
    %add3A_1713 = arith.addi %add3A_1704, %xor3A_1712 : vector<16xi32>
    %shift_left3A_1714 = arith.constant 29 : i32
    %shift_left3A_1715 = vector.broadcast %shift_left3A_1714 : i32 to vector<16xi32>
    %shift_left3A_1716 = arith.shli %xor3A_1712, %shift_left3A_1715 : vector<16xi32>
    %shift_right_logical3A_1717 = arith.constant 3 : i32
    %shift_right_logical3A_1718 = vector.broadcast %shift_right_logical3A_1717 : i32 to vector<16xi32>
    %shift_right_logical3A_1719 = arith.shrui %xor3A_1712, %shift_right_logical3A_1718 : vector<16xi32>
    %or3A_1720 = arith.ori %shift_left3A_1716, %shift_right_logical3A_1719 : vector<16xi32>
    %xor3A_1721 = arith.xori %add3A_1713, %or3A_1720 : vector<16xi32>
    %add3A_1722 = arith.addi %add3A_1713, %xor3A_1721 : vector<16xi32>
    %shift_left3A_1723 = arith.constant 16 : i32
    %shift_left3A_1724 = vector.broadcast %shift_left3A_1723 : i32 to vector<16xi32>
    %shift_left3A_1725 = arith.shli %xor3A_1721, %shift_left3A_1724 : vector<16xi32>
    %shift_right_logical3A_1726 = arith.constant 16 : i32
    %shift_right_logical3A_1727 = vector.broadcast %shift_right_logical3A_1726 : i32 to vector<16xi32>
    %shift_right_logical3A_1728 = arith.shrui %xor3A_1721, %shift_right_logical3A_1727 : vector<16xi32>
    %or3A_1729 = arith.ori %shift_left3A_1725, %shift_right_logical3A_1728 : vector<16xi32>
    %xor3A_1730 = arith.xori %add3A_1722, %or3A_1729 : vector<16xi32>
    %add3A_1731 = arith.addi %add3A_1722, %xor3A_1730 : vector<16xi32>
    %shift_left3A_1732 = arith.constant 24 : i32
    %shift_left3A_1733 = vector.broadcast %shift_left3A_1732 : i32 to vector<16xi32>
    %shift_left3A_1734 = arith.shli %xor3A_1730, %shift_left3A_1733 : vector<16xi32>
    %shift_right_logical3A_1735 = arith.constant 8 : i32
    %shift_right_logical3A_1736 = vector.broadcast %shift_right_logical3A_1735 : i32 to vector<16xi32>
    %shift_right_logical3A_1737 = arith.shrui %xor3A_1730, %shift_right_logical3A_1736 : vector<16xi32>
    %or3A_1738 = arith.ori %shift_left3A_1734, %shift_right_logical3A_1737 : vector<16xi32>
    %xor3A_1739 = arith.xori %add3A_1731, %or3A_1738 : vector<16xi32>
    %add3A_1740 = arith.constant 1168365246 : i32
    %add3A_1741 = vector.broadcast %add3A_1740 : i32 to vector<16xi32>
    %add3A_1742 = arith.addi %add3A_1731, %add3A_1741 : vector<16xi32>
    %add3A_1743 = arith.constant -765416504 : i32
    %add3A_1744 = vector.broadcast %add3A_1743 : i32 to vector<16xi32>
    %add3A_1745 = arith.addi %xor3A_1739, %add3A_1744 : vector<16xi32>
    %add3A_1746 = arith.constant 4 : i32
    %add3A_1747 = vector.broadcast %add3A_1746 : i32 to vector<16xi32>
    %add3A_1748 = arith.addi %add3A_1745, %add3A_1747 : vector<16xi32>
    %add3A_1749 = arith.addi %add3A_1742, %add3A_1748 : vector<16xi32>
    %shift_left3A_1750 = arith.constant 13 : i32
    %shift_left3A_1751 = vector.broadcast %shift_left3A_1750 : i32 to vector<16xi32>
    %shift_left3A_1752 = arith.shli %add3A_1748, %shift_left3A_1751 : vector<16xi32>
    %shift_right_logical3A_1753 = arith.constant 19 : i32
    %shift_right_logical3A_1754 = vector.broadcast %shift_right_logical3A_1753 : i32 to vector<16xi32>
    %shift_right_logical3A_1755 = arith.shrui %add3A_1748, %shift_right_logical3A_1754 : vector<16xi32>
    %or3A_1756 = arith.ori %shift_left3A_1752, %shift_right_logical3A_1755 : vector<16xi32>
    %xor3A_1757 = arith.xori %add3A_1749, %or3A_1756 : vector<16xi32>
    %add3A_1758 = arith.addi %add3A_1749, %xor3A_1757 : vector<16xi32>
    %shift_left3A_1759 = arith.constant 15 : i32
    %shift_left3A_1760 = vector.broadcast %shift_left3A_1759 : i32 to vector<16xi32>
    %shift_left3A_1761 = arith.shli %xor3A_1757, %shift_left3A_1760 : vector<16xi32>
    %shift_right_logical3A_1762 = arith.constant 17 : i32
    %shift_right_logical3A_1763 = vector.broadcast %shift_right_logical3A_1762 : i32 to vector<16xi32>
    %shift_right_logical3A_1764 = arith.shrui %xor3A_1757, %shift_right_logical3A_1763 : vector<16xi32>
    %or3A_1765 = arith.ori %shift_left3A_1761, %shift_right_logical3A_1764 : vector<16xi32>
    %xor3A_1766 = arith.xori %add3A_1758, %or3A_1765 : vector<16xi32>
    %add3A_1767 = arith.addi %add3A_1758, %xor3A_1766 : vector<16xi32>
    %shift_left3A_1768 = arith.constant 26 : i32
    %shift_left3A_1769 = vector.broadcast %shift_left3A_1768 : i32 to vector<16xi32>
    %shift_left3A_1770 = arith.shli %xor3A_1766, %shift_left3A_1769 : vector<16xi32>
    %shift_right_logical3A_1771 = arith.constant 6 : i32
    %shift_right_logical3A_1772 = vector.broadcast %shift_right_logical3A_1771 : i32 to vector<16xi32>
    %shift_right_logical3A_1773 = arith.shrui %xor3A_1766, %shift_right_logical3A_1772 : vector<16xi32>
    %or3A_1774 = arith.ori %shift_left3A_1770, %shift_right_logical3A_1773 : vector<16xi32>
    %xor3A_1775 = arith.xori %add3A_1767, %or3A_1774 : vector<16xi32>
    %add3A_1776 = arith.addi %add3A_1767, %xor3A_1775 : vector<16xi32>
    %shift_left3A_1777 = arith.constant 6 : i32
    %shift_left3A_1778 = vector.broadcast %shift_left3A_1777 : i32 to vector<16xi32>
    %shift_left3A_1779 = arith.shli %xor3A_1775, %shift_left3A_1778 : vector<16xi32>
    %shift_right_logical3A_1780 = arith.constant 26 : i32
    %shift_right_logical3A_1781 = vector.broadcast %shift_right_logical3A_1780 : i32 to vector<16xi32>
    %shift_right_logical3A_1782 = arith.shrui %xor3A_1775, %shift_right_logical3A_1781 : vector<16xi32>
    %or3A_1783 = arith.ori %shift_left3A_1779, %shift_right_logical3A_1782 : vector<16xi32>
    %xor3A_1784 = arith.xori %add3A_1776, %or3A_1783 : vector<16xi32>
    %add3A_1785 = arith.constant -765416504 : i32
    %add3A_1786 = vector.broadcast %add3A_1785 : i32 to vector<16xi32>
    %add3A_1787 = arith.addi %add3A_1776, %add3A_1786 : vector<16xi32>
    %add3A_1788 = arith.constant -1944951124 : i32
    %add3A_1789 = vector.broadcast %add3A_1788 : i32 to vector<16xi32>
    %add3A_1790 = arith.addi %xor3A_1784, %add3A_1789 : vector<16xi32>
    %add3A_1791 = arith.constant 5 : i32
    %add3A_1792 = vector.broadcast %add3A_1791 : i32 to vector<16xi32>
    %add3A_1793 = arith.addi %add3A_1790, %add3A_1792 : vector<16xi32>
    %xor3A_1794 = arith.xori %add3A_1787, %add3A_1793 : vector<16xi32>
    %and3A_1795 = arith.constant 15 : i32
    %and3A_1796 = vector.broadcast %and3A_1795 : i32 to vector<16xi32>
    %and3A_1797 = arith.andi %xor3A_1794, %and3A_1796 : vector<16xi32>
    %get3A_1798 = arith.constant 0 : i32
    %get3A_1799 = arith.index_cast %get3A_1798 : i32 to index
    %get3A_1800 = arith.constant 32 : index
    %get3A_1801 = tpu.vector_load %arg8[%get3A_1799, %get3A_1800] {strides = array<i32>} : memref<16x64xf32, #tpu.memory_space<vmem>>, vector<1x16xf32>,
    %get3A_1802 = vector.shape_cast %get3A_1801 : vector<1x16xf32> to vector<16xf32>
    %broadcast_in_dim3A_1803 = arith.constant 0 : i32
    %broadcast_in_dim3A_1804 = vector.broadcast %broadcast_in_dim3A_1803 : i32 to vector<16xi32>
    %get3A_1805 = arith.constant 1 : i32
    %get3A_1806 = arith.index_cast %get3A_1805 : i32 to index
    %get3A_1807 = arith.constant 32 : index
    %get3A_1808 = tpu.vector_load %arg8[%get3A_1806, %get3A_1807] {strides = array<i32>} : memref<16x64xf32, #tpu.memory_space<vmem>>, vector<1x16xf32>,
    %get3A_1809 = vector.shape_cast %get3A_1808 : vector<1x16xf32> to vector<16xf32>
    %gt3A_1810 = arith.cmpf ogt, %get3A_1809, %get3A_1802 : vector<16xf32>
    %jit3A_1811 = arith.constant 1 : i32
    %broadcast_in_dim3A_1812 = vector.broadcast %jit3A_1811 : i32 to vector<16xi32>
    %select_n3A_1813 = arith.select %gt3A_1810, %broadcast_in_dim3A_1812, %broadcast_in_dim3A_1804 : vector<16xi1>, vector<16xi32>
    %select_n3A_1814 = arith.select %gt3A_1810, %get3A_1809, %get3A_1802 : vector<16xi1>, vector<16xf32>
    %get3A_1815 = arith.constant 2 : i32
    %get3A_1816 = arith.index_cast %get3A_1815 : i32 to index
    %get3A_1817 = arith.constant 32 : index
    %get3A_1818 = tpu.vector_load %arg8[%get3A_1816, %get3A_1817] {strides = array<i32>} : memref<16x64xf32, #tpu.memory_space<vmem>>, vector<1x16xf32>,
    %get3A_1819 = vector.shape_cast %get3A_1818 : vector<1x16xf32> to vector<16xf32>
    %gt3A_1820 = arith.cmpf ogt, %get3A_1819, %select_n3A_1814 : vector<16xf32>
    %jit3A_1821 = arith.constant 2 : i32
    %broadcast_in_dim3A_1822 = vector.broadcast %jit3A_1821 : i32 to vector<16xi32>
    %select_n3A_1823 = arith.select %gt3A_1820, %broadcast_in_dim3A_1822, %select_n3A_1813 : vector<16xi1>, vector<16xi32>
    %select_n3A_1824 = arith.select %gt3A_1820, %get3A_1819, %select_n3A_1814 : vector<16xi1>, vector<16xf32>
    %get3A_1825 = arith.constant 3 : i32
    %get3A_1826 = arith.index_cast %get3A_1825 : i32 to index
    %get3A_1827 = arith.constant 32 : index
    %get3A_1828 = tpu.vector_load %arg8[%get3A_1826, %get3A_1827] {strides = array<i32>} : memref<16x64xf32, #tpu.memory_space<vmem>>, vector<1x16xf32>,
    %get3A_1829 = vector.shape_cast %get3A_1828 : vector<1x16xf32> to vector<16xf32>
    %gt3A_1830 = arith.cmpf ogt, %get3A_1829, %select_n3A_1824 : vector<16xf32>
    %jit3A_1831 = arith.constant 3 : i32
    %broadcast_in_dim3A_1832 = vector.broadcast %jit3A_1831 : i32 to vector<16xi32>
    %select_n3A_1833 = arith.select %gt3A_1830, %broadcast_in_dim3A_1832, %select_n3A_1823 : vector<16xi1>, vector<16xi32>
    %select_n3A_1834 = arith.select %gt3A_1830, %get3A_1829, %select_n3A_1824 : vector<16xi1>, vector<16xf32>
    %get3A_1835 = arith.constant 4 : i32
    %get3A_1836 = arith.index_cast %get3A_1835 : i32 to index
    %get3A_1837 = arith.constant 32 : index
    %get3A_1838 = tpu.vector_load %arg8[%get3A_1836, %get3A_1837] {strides = array<i32>} : memref<16x64xf32, #tpu.memory_space<vmem>>, vector<1x16xf32>,
    %get3A_1839 = vector.shape_cast %get3A_1838 : vector<1x16xf32> to vector<16xf32>
    %gt3A_1840 = arith.cmpf ogt, %get3A_1839, %select_n3A_1834 : vector<16xf32>
    %jit3A_1841 = arith.constant 4 : i32
    %broadcast_in_dim3A_1842 = vector.broadcast %jit3A_1841 : i32 to vector<16xi32>
    %select_n3A_1843 = arith.select %gt3A_1840, %broadcast_in_dim3A_1842, %select_n3A_1833 : vector<16xi1>, vector<16xi32>
    %select_n3A_1844 = arith.select %gt3A_1840, %get3A_1839, %select_n3A_1834 : vector<16xi1>, vector<16xf32>
    %get3A_1845 = arith.constant 5 : i32
    %get3A_1846 = arith.index_cast %get3A_1845 : i32 to index
    %get3A_1847 = arith.constant 32 : index
    %get3A_1848 = tpu.vector_load %arg8[%get3A_1846, %get3A_1847] {strides = array<i32>} : memref<16x64xf32, #tpu.memory_space<vmem>>, vector<1x16xf32>,
    %get3A_1849 = vector.shape_cast %get3A_1848 : vector<1x16xf32> to vector<16xf32>
    %gt3A_1850 = arith.cmpf ogt, %get3A_1849, %select_n3A_1844 : vector<16xf32>
    %jit3A_1851 = arith.constant 5 : i32
    %broadcast_in_dim3A_1852 = vector.broadcast %jit3A_1851 : i32 to vector<16xi32>
    %select_n3A_1853 = arith.select %gt3A_1850, %broadcast_in_dim3A_1852, %select_n3A_1843 : vector<16xi1>, vector<16xi32>
    %select_n3A_1854 = arith.select %gt3A_1850, %get3A_1849, %select_n3A_1844 : vector<16xi1>, vector<16xf32>
    %get3A_1855 = arith.constant 6 : i32
    %get3A_1856 = arith.index_cast %get3A_1855 : i32 to index
    %get3A_1857 = arith.constant 32 : index
    %get3A_1858 = tpu.vector_load %arg8[%get3A_1856, %get3A_1857] {strides = array<i32>} : memref<16x64xf32, #tpu.memory_space<vmem>>, vector<1x16xf32>,
    %get3A_1859 = vector.shape_cast %get3A_1858 : vector<1x16xf32> to vector<16xf32>
    %gt3A_1860 = arith.cmpf ogt, %get3A_1859, %select_n3A_1854 : vector<16xf32>
    %jit3A_1861 = arith.constant 6 : i32
    %broadcast_in_dim3A_1862 = vector.broadcast %jit3A_1861 : i32 to vector<16xi32>
    %select_n3A_1863 = arith.select %gt3A_1860, %broadcast_in_dim3A_1862, %select_n3A_1853 : vector<16xi1>, vector<16xi32>
    %select_n3A_1864 = arith.select %gt3A_1860, %get3A_1859, %select_n3A_1854 : vector<16xi1>, vector<16xf32>
    %get3A_1865 = arith.constant 7 : i32
    %get3A_1866 = arith.index_cast %get3A_1865 : i32 to index
    %get3A_1867 = arith.constant 32 : index
    %get3A_1868 = tpu.vector_load %arg8[%get3A_1866, %get3A_1867] {strides = array<i32>} : memref<16x64xf32, #tpu.memory_space<vmem>>, vector<1x16xf32>,
    %get3A_1869 = vector.shape_cast %get3A_1868 : vector<1x16xf32> to vector<16xf32>
    %gt3A_1870 = arith.cmpf ogt, %get3A_1869, %select_n3A_1864 : vector<16xf32>
    %jit3A_1871 = arith.constant 7 : i32
    %broadcast_in_dim3A_1872 = vector.broadcast %jit3A_1871 : i32 to vector<16xi32>
    %select_n3A_1873 = arith.select %gt3A_1870, %broadcast_in_dim3A_1872, %select_n3A_1863 : vector<16xi1>, vector<16xi32>
    %select_n3A_1874 = arith.select %gt3A_1870, %get3A_1869, %select_n3A_1864 : vector<16xi1>, vector<16xf32>
    %get3A_1875 = arith.constant 8 : i32
    %get3A_1876 = arith.index_cast %get3A_1875 : i32 to index
    %get3A_1877 = arith.constant 32 : index
    %get3A_1878 = tpu.vector_load %arg8[%get3A_1876, %get3A_1877] {strides = array<i32>} : memref<16x64xf32, #tpu.memory_space<vmem>>, vector<1x16xf32>,
    %get3A_1879 = vector.shape_cast %get3A_1878 : vector<1x16xf32> to vector<16xf32>
    %gt3A_1880 = arith.cmpf ogt, %get3A_1879, %select_n3A_1874 : vector<16xf32>
    %jit3A_1881 = arith.constant 8 : i32
    %broadcast_in_dim3A_1882 = vector.broadcast %jit3A_1881 : i32 to vector<16xi32>
    %select_n3A_1883 = arith.select %gt3A_1880, %broadcast_in_dim3A_1882, %select_n3A_1873 : vector<16xi1>, vector<16xi32>
    %select_n3A_1884 = arith.select %gt3A_1880, %get3A_1879, %select_n3A_1874 : vector<16xi1>, vector<16xf32>
    %get3A_1885 = arith.constant 9 : i32
    %get3A_1886 = arith.index_cast %get3A_1885 : i32 to index
    %get3A_1887 = arith.constant 32 : index
    %get3A_1888 = tpu.vector_load %arg8[%get3A_1886, %get3A_1887] {strides = array<i32>} : memref<16x64xf32, #tpu.memory_space<vmem>>, vector<1x16xf32>,
    %get3A_1889 = vector.shape_cast %get3A_1888 : vector<1x16xf32> to vector<16xf32>
    %gt3A_1890 = arith.cmpf ogt, %get3A_1889, %select_n3A_1884 : vector<16xf32>
    %jit3A_1891 = arith.constant 9 : i32
    %broadcast_in_dim3A_1892 = vector.broadcast %jit3A_1891 : i32 to vector<16xi32>
    %select_n3A_1893 = arith.select %gt3A_1890, %broadcast_in_dim3A_1892, %select_n3A_1883 : vector<16xi1>, vector<16xi32>
    %select_n3A_1894 = arith.select %gt3A_1890, %get3A_1889, %select_n3A_1884 : vector<16xi1>, vector<16xf32>
    %get3A_1895 = arith.constant 10 : i32
    %get3A_1896 = arith.index_cast %get3A_1895 : i32 to index
    %get3A_1897 = arith.constant 32 : index
    %get3A_1898 = tpu.vector_load %arg8[%get3A_1896, %get3A_1897] {strides = array<i32>} : memref<16x64xf32, #tpu.memory_space<vmem>>, vector<1x16xf32>,
    %get3A_1899 = vector.shape_cast %get3A_1898 : vector<1x16xf32> to vector<16xf32>
    %gt3A_1900 = arith.cmpf ogt, %get3A_1899, %select_n3A_1894 : vector<16xf32>
    %jit3A_1901 = arith.constant 10 : i32
    %broadcast_in_dim3A_1902 = vector.broadcast %jit3A_1901 : i32 to vector<16xi32>
    %select_n3A_1903 = arith.select %gt3A_1900, %broadcast_in_dim3A_1902, %select_n3A_1893 : vector<16xi1>, vector<16xi32>
    %select_n3A_1904 = arith.select %gt3A_1900, %get3A_1899, %select_n3A_1894 : vector<16xi1>, vector<16xf32>
    %get3A_1905 = arith.constant 11 : i32
    %get3A_1906 = arith.index_cast %get3A_1905 : i32 to index
    %get3A_1907 = arith.constant 32 : index
    %get3A_1908 = tpu.vector_load %arg8[%get3A_1906, %get3A_1907] {strides = array<i32>} : memref<16x64xf32, #tpu.memory_space<vmem>>, vector<1x16xf32>,
    %get3A_1909 = vector.shape_cast %get3A_1908 : vector<1x16xf32> to vector<16xf32>
    %gt3A_1910 = arith.cmpf ogt, %get3A_1909, %select_n3A_1904 : vector<16xf32>
    %jit3A_1911 = arith.constant 11 : i32
    %broadcast_in_dim3A_1912 = vector.broadcast %jit3A_1911 : i32 to vector<16xi32>
    %select_n3A_1913 = arith.select %gt3A_1910, %broadcast_in_dim3A_1912, %select_n3A_1903 : vector<16xi1>, vector<16xi32>
    %select_n3A_1914 = arith.select %gt3A_1910, %get3A_1909, %select_n3A_1904 : vector<16xi1>, vector<16xf32>
    %get3A_1915 = arith.constant 12 : i32
    %get3A_1916 = arith.index_cast %get3A_1915 : i32 to index
    %get3A_1917 = arith.constant 32 : index
    %get3A_1918 = tpu.vector_load %arg8[%get3A_1916, %get3A_1917] {strides = array<i32>} : memref<16x64xf32, #tpu.memory_space<vmem>>, vector<1x16xf32>,
    %get3A_1919 = vector.shape_cast %get3A_1918 : vector<1x16xf32> to vector<16xf32>
    %gt3A_1920 = arith.cmpf ogt, %get3A_1919, %select_n3A_1914 : vector<16xf32>
    %jit3A_1921 = arith.constant 12 : i32
    %broadcast_in_dim3A_1922 = vector.broadcast %jit3A_1921 : i32 to vector<16xi32>
    %select_n3A_1923 = arith.select %gt3A_1920, %broadcast_in_dim3A_1922, %select_n3A_1913 : vector<16xi1>, vector<16xi32>
    %select_n3A_1924 = arith.select %gt3A_1920, %get3A_1919, %select_n3A_1914 : vector<16xi1>, vector<16xf32>
    %get3A_1925 = arith.constant 13 : i32
    %get3A_1926 = arith.index_cast %get3A_1925 : i32 to index
    %get3A_1927 = arith.constant 32 : index
    %get3A_1928 = tpu.vector_load %arg8[%get3A_1926, %get3A_1927] {strides = array<i32>} : memref<16x64xf32, #tpu.memory_space<vmem>>, vector<1x16xf32>,
    %get3A_1929 = vector.shape_cast %get3A_1928 : vector<1x16xf32> to vector<16xf32>
    %gt3A_1930 = arith.cmpf ogt, %get3A_1929, %select_n3A_1924 : vector<16xf32>
    %jit3A_1931 = arith.constant 13 : i32
    %broadcast_in_dim3A_1932 = vector.broadcast %jit3A_1931 : i32 to vector<16xi32>
    %select_n3A_1933 = arith.select %gt3A_1930, %broadcast_in_dim3A_1932, %select_n3A_1923 : vector<16xi1>, vector<16xi32>
    %select_n3A_1934 = arith.select %gt3A_1930, %get3A_1929, %select_n3A_1924 : vector<16xi1>, vector<16xf32>
    %get3A_1935 = arith.constant 14 : i32
    %get3A_1936 = arith.index_cast %get3A_1935 : i32 to index
    %get3A_1937 = arith.constant 32 : index
    %get3A_1938 = tpu.vector_load %arg8[%get3A_1936, %get3A_1937] {strides = array<i32>} : memref<16x64xf32, #tpu.memory_space<vmem>>, vector<1x16xf32>,
    %get3A_1939 = vector.shape_cast %get3A_1938 : vector<1x16xf32> to vector<16xf32>
    %gt3A_1940 = arith.cmpf ogt, %get3A_1939, %select_n3A_1934 : vector<16xf32>
    %jit3A_1941 = arith.constant 14 : i32
    %broadcast_in_dim3A_1942 = vector.broadcast %jit3A_1941 : i32 to vector<16xi32>
    %select_n3A_1943 = arith.select %gt3A_1940, %broadcast_in_dim3A_1942, %select_n3A_1933 : vector<16xi1>, vector<16xi32>
    %select_n3A_1944 = arith.select %gt3A_1940, %get3A_1939, %select_n3A_1934 : vector<16xi1>, vector<16xf32>
    %get3A_1945 = arith.constant 15 : i32
    %get3A_1946 = arith.index_cast %get3A_1945 : i32 to index
    %get3A_1947 = arith.constant 32 : index
    %get3A_1948 = tpu.vector_load %arg8[%get3A_1946, %get3A_1947] {strides = array<i32>} : memref<16x64xf32, #tpu.memory_space<vmem>>, vector<1x16xf32>,
    %get3A_1949 = vector.shape_cast %get3A_1948 : vector<1x16xf32> to vector<16xf32>
    %gt3A_1950 = arith.cmpf ogt, %get3A_1949, %select_n3A_1944 : vector<16xf32>
    %jit3A_1951 = arith.constant 15 : i32
    %broadcast_in_dim3A_1952 = vector.broadcast %jit3A_1951 : i32 to vector<16xi32>
    %select_n3A_1953 = arith.select %gt3A_1950, %broadcast_in_dim3A_1952, %select_n3A_1943 : vector<16xi1>, vector<16xi32>
    %select_n3A_1954 = arith.select %gt3A_1950, %get3A_1949, %select_n3A_1944 : vector<16xi1>, vector<16xf32>
    %select_n3A_1955 = arith.select %lt3A_1560, %and3A_1797, %select_n3A_1953 : vector<16xi1>, vector<16xi32>
    %swap3A_1956 = arith.constant 32 : index
    %swap3A_1957 = tpu.vector_load %arg9[%swap3A_1956] {strides = array<i32>} : memref<64xi32, #tpu.memory_space<vmem>>, vector<16xi32>,
    %swap3A_1958 = vector.shape_cast %swap3A_1957 : vector<16xi32> to vector<16xi32>
    %swap3A_1959 = vector.shape_cast %select_n3A_1955 : vector<16xi32> to vector<16xi32>
    tpu.vector_store %arg9[%swap3A_1956], %swap3A_1959 {strides = array<i32>} : memref<64xi32, #tpu.memory_space<vmem>>, vector<16xi32>,
    %mul3A_1960 = arith.constant 16 : i32
    %mul3A_1961 = vector.broadcast %mul3A_1960 : i32 to vector<16xi32>
    %mul3A_1962 = arith.muli %add3A_1313, %mul3A_1961 : vector<16xi32>
    %add3A_1963 = arith.addi %mul3A_1962, %select_n3A_1955 : vector<16xi32>
    %swap3A_1964 = arith.constant 32 : index
    %swap3A_1965 = tpu.vector_load %arg10[%swap3A_1964] {strides = array<i32>} : memref<64xi32, #tpu.memory_space<vmem>>, vector<16xi32>,
    %swap3A_1966 = vector.shape_cast %swap3A_1965 : vector<16xi32> to vector<16xi32>
    %swap3A_1967 = vector.shape_cast %add3A_1963 : vector<16xi32> to vector<16xi32>
    tpu.vector_store %arg10[%swap3A_1964], %swap3A_1967 {strides = array<i32>} : memref<64xi32, #tpu.memory_space<vmem>>, vector<16xi32>,
    %iota3A_1968 = tpu.iota {dimensions = array<i32: 0>} : vector<16xi32>
    %add3A_1969 = arith.constant 48 : i32
    %add3A_1970 = vector.broadcast %add3A_1969 : i32 to vector<16xi32>
    %add3A_1971 = arith.addi %add3A_1970, %iota3A_1968 : vector<16xi32>
    %add3A_1972 = vector.broadcast %mul3A_2 : i32 to vector<16xi32>
    %add3A_1973 = arith.addi %add3A_1972, %add3A_1971 : vector<16xi32>
    %broadcast_in_dim3A_1974 = arith.constant 0 : i32
    %broadcast_in_dim3A_1975 = vector.broadcast %broadcast_in_dim3A_1974 : i32 to vector<16xi32>
    %add3A_1976 = arith.constant 1832780943 : i32
    %add3A_1977 = vector.broadcast %add3A_1976 : i32 to vector<16xi32>
    %add3A_1978 = arith.addi %broadcast_in_dim3A_1975, %add3A_1977 : vector<16xi32>
    %add3A_1979 = arith.constant 270669613 : i32
    %add3A_1980 = vector.broadcast %add3A_1979 : i32 to vector<16xi32>
    %add3A_1981 = arith.addi %add3A_1973, %add3A_1980 : vector<16xi32>
    %add3A_1982 = arith.addi %add3A_1978, %add3A_1981 : vector<16xi32>
    %shift_left3A_1983 = arith.constant 13 : i32
    %shift_left3A_1984 = vector.broadcast %shift_left3A_1983 : i32 to vector<16xi32>
    %shift_left3A_1985 = arith.shli %add3A_1981, %shift_left3A_1984 : vector<16xi32>
    %shift_right_logical3A_1986 = arith.constant 19 : i32
    %shift_right_logical3A_1987 = vector.broadcast %shift_right_logical3A_1986 : i32 to vector<16xi32>
    %shift_right_logical3A_1988 = arith.shrui %add3A_1981, %shift_right_logical3A_1987 : vector<16xi32>
    %or3A_1989 = arith.ori %shift_left3A_1985, %shift_right_logical3A_1988 : vector<16xi32>
    %xor3A_1990 = arith.xori %add3A_1982, %or3A_1989 : vector<16xi32>
    %add3A_1991 = arith.addi %add3A_1982, %xor3A_1990 : vector<16xi32>
    %shift_left3A_1992 = arith.constant 15 : i32
    %shift_left3A_1993 = vector.broadcast %shift_left3A_1992 : i32 to vector<16xi32>
    %shift_left3A_1994 = arith.shli %xor3A_1990, %shift_left3A_1993 : vector<16xi32>
    %shift_right_logical3A_1995 = arith.constant 17 : i32
    %shift_right_logical3A_1996 = vector.broadcast %shift_right_logical3A_1995 : i32 to vector<16xi32>
    %shift_right_logical3A_1997 = arith.shrui %xor3A_1990, %shift_right_logical3A_1996 : vector<16xi32>
    %or3A_1998 = arith.ori %shift_left3A_1994, %shift_right_logical3A_1997 : vector<16xi32>
    %xor3A_1999 = arith.xori %add3A_1991, %or3A_1998 : vector<16xi32>
    %add3A_2000 = arith.addi %add3A_1991, %xor3A_1999 : vector<16xi32>
    %shift_left3A_2001 = arith.constant 26 : i32
    %shift_left3A_2002 = vector.broadcast %shift_left3A_2001 : i32 to vector<16xi32>
    %shift_left3A_2003 = arith.shli %xor3A_1999, %shift_left3A_2002 : vector<16xi32>
    %shift_right_logical3A_2004 = arith.constant 6 : i32
    %shift_right_logical3A_2005 = vector.broadcast %shift_right_logical3A_2004 : i32 to vector<16xi32>
    %shift_right_logical3A_2006 = arith.shrui %xor3A_1999, %shift_right_logical3A_2005 : vector<16xi32>
    %or3A_2007 = arith.ori %shift_left3A_2003, %shift_right_logical3A_2006 : vector<16xi32>
    %xor3A_2008 = arith.xori %add3A_2000, %or3A_2007 : vector<16xi32>
    %add3A_2009 = arith.addi %add3A_2000, %xor3A_2008 : vector<16xi32>
    %shift_left3A_2010 = arith.constant 6 : i32
    %shift_left3A_2011 = vector.broadcast %shift_left3A_2010 : i32 to vector<16xi32>
    %shift_left3A_2012 = arith.shli %xor3A_2008, %shift_left3A_2011 : vector<16xi32>
    %shift_right_logical3A_2013 = arith.constant 26 : i32
    %shift_right_logical3A_2014 = vector.broadcast %shift_right_logical3A_2013 : i32 to vector<16xi32>
    %shift_right_logical3A_2015 = arith.shrui %xor3A_2008, %shift_right_logical3A_2014 : vector<16xi32>
    %or3A_2016 = arith.ori %shift_left3A_2012, %shift_right_logical3A_2015 : vector<16xi32>
    %xor3A_2017 = arith.xori %add3A_2009, %or3A_2016 : vector<16xi32>
    %add3A_2018 = arith.constant 270669613 : i32
    %add3A_2019 = vector.broadcast %add3A_2018 : i32 to vector<16xi32>
    %add3A_2020 = arith.addi %add3A_2009, %add3A_2019 : vector<16xi32>
    %add3A_2021 = arith.constant 1724713080 : i32
    %add3A_2022 = vector.broadcast %add3A_2021 : i32 to vector<16xi32>
    %add3A_2023 = arith.addi %xor3A_2017, %add3A_2022 : vector<16xi32>
    %add3A_2024 = arith.constant 1 : i32
    %add3A_2025 = vector.broadcast %add3A_2024 : i32 to vector<16xi32>
    %add3A_2026 = arith.addi %add3A_2023, %add3A_2025 : vector<16xi32>
    %add3A_2027 = arith.addi %add3A_2020, %add3A_2026 : vector<16xi32>
    %shift_left3A_2028 = arith.constant 17 : i32
    %shift_left3A_2029 = vector.broadcast %shift_left3A_2028 : i32 to vector<16xi32>
    %shift_left3A_2030 = arith.shli %add3A_2026, %shift_left3A_2029 : vector<16xi32>
    %shift_right_logical3A_2031 = arith.constant 15 : i32
    %shift_right_logical3A_2032 = vector.broadcast %shift_right_logical3A_2031 : i32 to vector<16xi32>
    %shift_right_logical3A_2033 = arith.shrui %add3A_2026, %shift_right_logical3A_2032 : vector<16xi32>
    %or3A_2034 = arith.ori %shift_left3A_2030, %shift_right_logical3A_2033 : vector<16xi32>
    %xor3A_2035 = arith.xori %add3A_2027, %or3A_2034 : vector<16xi32>
    %add3A_2036 = arith.addi %add3A_2027, %xor3A_2035 : vector<16xi32>
    %shift_left3A_2037 = arith.constant 29 : i32
    %shift_left3A_2038 = vector.broadcast %shift_left3A_2037 : i32 to vector<16xi32>
    %shift_left3A_2039 = arith.shli %xor3A_2035, %shift_left3A_2038 : vector<16xi32>
    %shift_right_logical3A_2040 = arith.constant 3 : i32
    %shift_right_logical3A_2041 = vector.broadcast %shift_right_logical3A_2040 : i32 to vector<16xi32>
    %shift_right_logical3A_2042 = arith.shrui %xor3A_2035, %shift_right_logical3A_2041 : vector<16xi32>
    %or3A_2043 = arith.ori %shift_left3A_2039, %shift_right_logical3A_2042 : vector<16xi32>
    %xor3A_2044 = arith.xori %add3A_2036, %or3A_2043 : vector<16xi32>
    %add3A_2045 = arith.addi %add3A_2036, %xor3A_2044 : vector<16xi32>
    %shift_left3A_2046 = arith.constant 16 : i32
    %shift_left3A_2047 = vector.broadcast %shift_left3A_2046 : i32 to vector<16xi32>
    %shift_left3A_2048 = arith.shli %xor3A_2044, %shift_left3A_2047 : vector<16xi32>
    %shift_right_logical3A_2049 = arith.constant 16 : i32
    %shift_right_logical3A_2050 = vector.broadcast %shift_right_logical3A_2049 : i32 to vector<16xi32>
    %shift_right_logical3A_2051 = arith.shrui %xor3A_2044, %shift_right_logical3A_2050 : vector<16xi32>
    %or3A_2052 = arith.ori %shift_left3A_2048, %shift_right_logical3A_2051 : vector<16xi32>
    %xor3A_2053 = arith.xori %add3A_2045, %or3A_2052 : vector<16xi32>
    %add3A_2054 = arith.addi %add3A_2045, %xor3A_2053 : vector<16xi32>
    %shift_left3A_2055 = arith.constant 24 : i32
    %shift_left3A_2056 = vector.broadcast %shift_left3A_2055 : i32 to vector<16xi32>
    %shift_left3A_2057 = arith.shli %xor3A_2053, %shift_left3A_2056 : vector<16xi32>
    %shift_right_logical3A_2058 = arith.constant 8 : i32
    %shift_right_logical3A_2059 = vector.broadcast %shift_right_logical3A_2058 : i32 to vector<16xi32>
    %shift_right_logical3A_2060 = arith.shrui %xor3A_2053, %shift_right_logical3A_2059 : vector<16xi32>
    %or3A_2061 = arith.ori %shift_left3A_2057, %shift_right_logical3A_2060 : vector<16xi32>
    %xor3A_2062 = arith.xori %add3A_2054, %or3A_2061 : vector<16xi32>
    %add3A_2063 = arith.constant 1724713080 : i32
    %add3A_2064 = vector.broadcast %add3A_2063 : i32 to vector<16xi32>
    %add3A_2065 = arith.addi %add3A_2054, %add3A_2064 : vector<16xi32>
    %add3A_2066 = arith.constant 1832780943 : i32
    %add3A_2067 = vector.broadcast %add3A_2066 : i32 to vector<16xi32>
    %add3A_2068 = arith.addi %xor3A_2062, %add3A_2067 : vector<16xi32>
    %add3A_2069 = arith.constant 2 : i32
    %add3A_2070 = vector.broadcast %add3A_2069 : i32 to vector<16xi32>
    %add3A_2071 = arith.addi %add3A_2068, %add3A_2070 : vector<16xi32>
    %add3A_2072 = arith.addi %add3A_2065, %add3A_2071 : vector<16xi32>
    %shift_left3A_2073 = arith.constant 13 : i32
    %shift_left3A_2074 = vector.broadcast %shift_left3A_2073 : i32 to vector<16xi32>
    %shift_left3A_2075 = arith.shli %add3A_2071, %shift_left3A_2074 : vector<16xi32>
    %shift_right_logical3A_2076 = arith.constant 19 : i32
    %shift_right_logical3A_2077 = vector.broadcast %shift_right_logical3A_2076 : i32 to vector<16xi32>
    %shift_right_logical3A_2078 = arith.shrui %add3A_2071, %shift_right_logical3A_2077 : vector<16xi32>
    %or3A_2079 = arith.ori %shift_left3A_2075, %shift_right_logical3A_2078 : vector<16xi32>
    %xor3A_2080 = arith.xori %add3A_2072, %or3A_2079 : vector<16xi32>
    %add3A_2081 = arith.addi %add3A_2072, %xor3A_2080 : vector<16xi32>
    %shift_left3A_2082 = arith.constant 15 : i32
    %shift_left3A_2083 = vector.broadcast %shift_left3A_2082 : i32 to vector<16xi32>
    %shift_left3A_2084 = arith.shli %xor3A_2080, %shift_left3A_2083 : vector<16xi32>
    %shift_right_logical3A_2085 = arith.constant 17 : i32
    %shift_right_logical3A_2086 = vector.broadcast %shift_right_logical3A_2085 : i32 to vector<16xi32>
    %shift_right_logical3A_2087 = arith.shrui %xor3A_2080, %shift_right_logical3A_2086 : vector<16xi32>
    %or3A_2088 = arith.ori %shift_left3A_2084, %shift_right_logical3A_2087 : vector<16xi32>
    %xor3A_2089 = arith.xori %add3A_2081, %or3A_2088 : vector<16xi32>
    %add3A_2090 = arith.addi %add3A_2081, %xor3A_2089 : vector<16xi32>
    %shift_left3A_2091 = arith.constant 26 : i32
    %shift_left3A_2092 = vector.broadcast %shift_left3A_2091 : i32 to vector<16xi32>
    %shift_left3A_2093 = arith.shli %xor3A_2089, %shift_left3A_2092 : vector<16xi32>
    %shift_right_logical3A_2094 = arith.constant 6 : i32
    %shift_right_logical3A_2095 = vector.broadcast %shift_right_logical3A_2094 : i32 to vector<16xi32>
    %shift_right_logical3A_2096 = arith.shrui %xor3A_2089, %shift_right_logical3A_2095 : vector<16xi32>
    %or3A_2097 = arith.ori %shift_left3A_2093, %shift_right_logical3A_2096 : vector<16xi32>
    %xor3A_2098 = arith.xori %add3A_2090, %or3A_2097 : vector<16xi32>
    %add3A_2099 = arith.addi %add3A_2090, %xor3A_2098 : vector<16xi32>
    %shift_left3A_2100 = arith.constant 6 : i32
    %shift_left3A_2101 = vector.broadcast %shift_left3A_2100 : i32 to vector<16xi32>
    %shift_left3A_2102 = arith.shli %xor3A_2098, %shift_left3A_2101 : vector<16xi32>
    %shift_right_logical3A_2103 = arith.constant 26 : i32
    %shift_right_logical3A_2104 = vector.broadcast %shift_right_logical3A_2103 : i32 to vector<16xi32>
    %shift_right_logical3A_2105 = arith.shrui %xor3A_2098, %shift_right_logical3A_2104 : vector<16xi32>
    %or3A_2106 = arith.ori %shift_left3A_2102, %shift_right_logical3A_2105 : vector<16xi32>
    %xor3A_2107 = arith.xori %add3A_2099, %or3A_2106 : vector<16xi32>
    %add3A_2108 = arith.constant 1832780943 : i32
    %add3A_2109 = vector.broadcast %add3A_2108 : i32 to vector<16xi32>
    %add3A_2110 = arith.addi %add3A_2099, %add3A_2109 : vector<16xi32>
    %add3A_2111 = arith.constant 270669613 : i32
    %add3A_2112 = vector.broadcast %add3A_2111 : i32 to vector<16xi32>
    %add3A_2113 = arith.addi %xor3A_2107, %add3A_2112 : vector<16xi32>
    %add3A_2114 = arith.constant 3 : i32
    %add3A_2115 = vector.broadcast %add3A_2114 : i32 to vector<16xi32>
    %add3A_2116 = arith.addi %add3A_2113, %add3A_2115 : vector<16xi32>
    %add3A_2117 = arith.addi %add3A_2110, %add3A_2116 : vector<16xi32>
    %shift_left3A_2118 = arith.constant 17 : i32
    %shift_left3A_2119 = vector.broadcast %shift_left3A_2118 : i32 to vector<16xi32>
    %shift_left3A_2120 = arith.shli %add3A_2116, %shift_left3A_2119 : vector<16xi32>
    %shift_right_logical3A_2121 = arith.constant 15 : i32
    %shift_right_logical3A_2122 = vector.broadcast %shift_right_logical3A_2121 : i32 to vector<16xi32>
    %shift_right_logical3A_2123 = arith.shrui %add3A_2116, %shift_right_logical3A_2122 : vector<16xi32>
    %or3A_2124 = arith.ori %shift_left3A_2120, %shift_right_logical3A_2123 : vector<16xi32>
    %xor3A_2125 = arith.xori %add3A_2117, %or3A_2124 : vector<16xi32>
    %add3A_2126 = arith.addi %add3A_2117, %xor3A_2125 : vector<16xi32>
    %shift_left3A_2127 = arith.constant 29 : i32
    %shift_left3A_2128 = vector.broadcast %shift_left3A_2127 : i32 to vector<16xi32>
    %shift_left3A_2129 = arith.shli %xor3A_2125, %shift_left3A_2128 : vector<16xi32>
    %shift_right_logical3A_2130 = arith.constant 3 : i32
    %shift_right_logical3A_2131 = vector.broadcast %shift_right_logical3A_2130 : i32 to vector<16xi32>
    %shift_right_logical3A_2132 = arith.shrui %xor3A_2125, %shift_right_logical3A_2131 : vector<16xi32>
    %or3A_2133 = arith.ori %shift_left3A_2129, %shift_right_logical3A_2132 : vector<16xi32>
    %xor3A_2134 = arith.xori %add3A_2126, %or3A_2133 : vector<16xi32>
    %add3A_2135 = arith.addi %add3A_2126, %xor3A_2134 : vector<16xi32>
    %shift_left3A_2136 = arith.constant 16 : i32
    %shift_left3A_2137 = vector.broadcast %shift_left3A_2136 : i32 to vector<16xi32>
    %shift_left3A_2138 = arith.shli %xor3A_2134, %shift_left3A_2137 : vector<16xi32>
    %shift_right_logical3A_2139 = arith.constant 16 : i32
    %shift_right_logical3A_2140 = vector.broadcast %shift_right_logical3A_2139 : i32 to vector<16xi32>
    %shift_right_logical3A_2141 = arith.shrui %xor3A_2134, %shift_right_logical3A_2140 : vector<16xi32>
    %or3A_2142 = arith.ori %shift_left3A_2138, %shift_right_logical3A_2141 : vector<16xi32>
    %xor3A_2143 = arith.xori %add3A_2135, %or3A_2142 : vector<16xi32>
    %add3A_2144 = arith.addi %add3A_2135, %xor3A_2143 : vector<16xi32>
    %shift_left3A_2145 = arith.constant 24 : i32
    %shift_left3A_2146 = vector.broadcast %shift_left3A_2145 : i32 to vector<16xi32>
    %shift_left3A_2147 = arith.shli %xor3A_2143, %shift_left3A_2146 : vector<16xi32>
    %shift_right_logical3A_2148 = arith.constant 8 : i32
    %shift_right_logical3A_2149 = vector.broadcast %shift_right_logical3A_2148 : i32 to vector<16xi32>
    %shift_right_logical3A_2150 = arith.shrui %xor3A_2143, %shift_right_logical3A_2149 : vector<16xi32>
    %or3A_2151 = arith.ori %shift_left3A_2147, %shift_right_logical3A_2150 : vector<16xi32>
    %xor3A_2152 = arith.xori %add3A_2144, %or3A_2151 : vector<16xi32>
    %add3A_2153 = arith.constant 270669613 : i32
    %add3A_2154 = vector.broadcast %add3A_2153 : i32 to vector<16xi32>
    %add3A_2155 = arith.addi %add3A_2144, %add3A_2154 : vector<16xi32>
    %add3A_2156 = arith.constant 1724713080 : i32
    %add3A_2157 = vector.broadcast %add3A_2156 : i32 to vector<16xi32>
    %add3A_2158 = arith.addi %xor3A_2152, %add3A_2157 : vector<16xi32>
    %add3A_2159 = arith.constant 4 : i32
    %add3A_2160 = vector.broadcast %add3A_2159 : i32 to vector<16xi32>
    %add3A_2161 = arith.addi %add3A_2158, %add3A_2160 : vector<16xi32>
    %add3A_2162 = arith.addi %add3A_2155, %add3A_2161 : vector<16xi32>
    %shift_left3A_2163 = arith.constant 13 : i32
    %shift_left3A_2164 = vector.broadcast %shift_left3A_2163 : i32 to vector<16xi32>
    %shift_left3A_2165 = arith.shli %add3A_2161, %shift_left3A_2164 : vector<16xi32>
    %shift_right_logical3A_2166 = arith.constant 19 : i32
    %shift_right_logical3A_2167 = vector.broadcast %shift_right_logical3A_2166 : i32 to vector<16xi32>
    %shift_right_logical3A_2168 = arith.shrui %add3A_2161, %shift_right_logical3A_2167 : vector<16xi32>
    %or3A_2169 = arith.ori %shift_left3A_2165, %shift_right_logical3A_2168 : vector<16xi32>
    %xor3A_2170 = arith.xori %add3A_2162, %or3A_2169 : vector<16xi32>
    %add3A_2171 = arith.addi %add3A_2162, %xor3A_2170 : vector<16xi32>
    %shift_left3A_2172 = arith.constant 15 : i32
    %shift_left3A_2173 = vector.broadcast %shift_left3A_2172 : i32 to vector<16xi32>
    %shift_left3A_2174 = arith.shli %xor3A_2170, %shift_left3A_2173 : vector<16xi32>
    %shift_right_logical3A_2175 = arith.constant 17 : i32
    %shift_right_logical3A_2176 = vector.broadcast %shift_right_logical3A_2175 : i32 to vector<16xi32>
    %shift_right_logical3A_2177 = arith.shrui %xor3A_2170, %shift_right_logical3A_2176 : vector<16xi32>
    %or3A_2178 = arith.ori %shift_left3A_2174, %shift_right_logical3A_2177 : vector<16xi32>
    %xor3A_2179 = arith.xori %add3A_2171, %or3A_2178 : vector<16xi32>
    %add3A_2180 = arith.addi %add3A_2171, %xor3A_2179 : vector<16xi32>
    %shift_left3A_2181 = arith.constant 26 : i32
    %shift_left3A_2182 = vector.broadcast %shift_left3A_2181 : i32 to vector<16xi32>
    %shift_left3A_2183 = arith.shli %xor3A_2179, %shift_left3A_2182 : vector<16xi32>
    %shift_right_logical3A_2184 = arith.constant 6 : i32
    %shift_right_logical3A_2185 = vector.broadcast %shift_right_logical3A_2184 : i32 to vector<16xi32>
    %shift_right_logical3A_2186 = arith.shrui %xor3A_2179, %shift_right_logical3A_2185 : vector<16xi32>
    %or3A_2187 = arith.ori %shift_left3A_2183, %shift_right_logical3A_2186 : vector<16xi32>
    %xor3A_2188 = arith.xori %add3A_2180, %or3A_2187 : vector<16xi32>
    %add3A_2189 = arith.addi %add3A_2180, %xor3A_2188 : vector<16xi32>
    %shift_left3A_2190 = arith.constant 6 : i32
    %shift_left3A_2191 = vector.broadcast %shift_left3A_2190 : i32 to vector<16xi32>
    %shift_left3A_2192 = arith.shli %xor3A_2188, %shift_left3A_2191 : vector<16xi32>
    %shift_right_logical3A_2193 = arith.constant 26 : i32
    %shift_right_logical3A_2194 = vector.broadcast %shift_right_logical3A_2193 : i32 to vector<16xi32>
    %shift_right_logical3A_2195 = arith.shrui %xor3A_2188, %shift_right_logical3A_2194 : vector<16xi32>
    %or3A_2196 = arith.ori %shift_left3A_2192, %shift_right_logical3A_2195 : vector<16xi32>
    %xor3A_2197 = arith.xori %add3A_2189, %or3A_2196 : vector<16xi32>
    %add3A_2198 = arith.constant 1724713080 : i32
    %add3A_2199 = vector.broadcast %add3A_2198 : i32 to vector<16xi32>
    %add3A_2200 = arith.addi %add3A_2189, %add3A_2199 : vector<16xi32>
    %add3A_2201 = arith.constant 1832780943 : i32
    %add3A_2202 = vector.broadcast %add3A_2201 : i32 to vector<16xi32>
    %add3A_2203 = arith.addi %xor3A_2197, %add3A_2202 : vector<16xi32>
    %add3A_2204 = arith.constant 5 : i32
    %add3A_2205 = vector.broadcast %add3A_2204 : i32 to vector<16xi32>
    %add3A_2206 = arith.addi %add3A_2203, %add3A_2205 : vector<16xi32>
    %xor3A_2207 = arith.xori %add3A_2200, %add3A_2206 : vector<16xi32>
    %shift_right_logical3A_2208 = arith.constant 9 : i32
    %shift_right_logical3A_2209 = vector.broadcast %shift_right_logical3A_2208 : i32 to vector<16xi32>
    %shift_right_logical3A_2210 = arith.shrui %xor3A_2207, %shift_right_logical3A_2209 : vector<16xi32>
    %or3A_2211 = arith.constant 1065353216 : i32
    %or3A_2212 = vector.broadcast %or3A_2211 : i32 to vector<16xi32>
    %or3A_2213 = arith.ori %shift_right_logical3A_2210, %or3A_2212 : vector<16xi32>
    %bitcast_convert_type3A_2214 = tpu.bitcast %or3A_2213 : vector<16xi32> -> vector<16xf32>
    %sub3A_2215 = arith.constant 1.000000e+00 : f32
    %sub3A_2216 = vector.broadcast %sub3A_2215 : f32 to vector<16xf32>
    %sub3A_2217 = arith.subf %bitcast_convert_type3A_2214, %sub3A_2216 : vector<16xf32>
    %lt3A_2218 = arith.constant 0.899999976 : f32
    %lt3A_2219 = vector.broadcast %lt3A_2218 : f32 to vector<16xf32>
    %lt3A_2220 = arith.cmpf olt, %sub3A_2217, %lt3A_2219 : vector<16xf32>
    %broadcast_in_dim3A_2221 = arith.constant 0 : i32
    %broadcast_in_dim3A_2222 = vector.broadcast %broadcast_in_dim3A_2221 : i32 to vector<16xi32>
    %add3A_2223 = arith.constant -1944951124 : i32
    %add3A_2224 = vector.broadcast %add3A_2223 : i32 to vector<16xi32>
    %add3A_2225 = arith.addi %broadcast_in_dim3A_2222, %add3A_2224 : vector<16xi32>
    %add3A_2226 = arith.constant 1168365246 : i32
    %add3A_2227 = vector.broadcast %add3A_2226 : i32 to vector<16xi32>
    %add3A_2228 = arith.addi %add3A_1973, %add3A_2227 : vector<16xi32>
    %add3A_2229 = arith.addi %add3A_2225, %add3A_2228 : vector<16xi32>
    %shift_left3A_2230 = arith.constant 13 : i32
    %shift_left3A_2231 = vector.broadcast %shift_left3A_2230 : i32 to vector<16xi32>
    %shift_left3A_2232 = arith.shli %add3A_2228, %shift_left3A_2231 : vector<16xi32>
    %shift_right_logical3A_2233 = arith.constant 19 : i32
    %shift_right_logical3A_2234 = vector.broadcast %shift_right_logical3A_2233 : i32 to vector<16xi32>
    %shift_right_logical3A_2235 = arith.shrui %add3A_2228, %shift_right_logical3A_2234 : vector<16xi32>
    %or3A_2236 = arith.ori %shift_left3A_2232, %shift_right_logical3A_2235 : vector<16xi32>
    %xor3A_2237 = arith.xori %add3A_2229, %or3A_2236 : vector<16xi32>
    %add3A_2238 = arith.addi %add3A_2229, %xor3A_2237 : vector<16xi32>
    %shift_left3A_2239 = arith.constant 15 : i32
    %shift_left3A_2240 = vector.broadcast %shift_left3A_2239 : i32 to vector<16xi32>
    %shift_left3A_2241 = arith.shli %xor3A_2237, %shift_left3A_2240 : vector<16xi32>
    %shift_right_logical3A_2242 = arith.constant 17 : i32
    %shift_right_logical3A_2243 = vector.broadcast %shift_right_logical3A_2242 : i32 to vector<16xi32>
    %shift_right_logical3A_2244 = arith.shrui %xor3A_2237, %shift_right_logical3A_2243 : vector<16xi32>
    %or3A_2245 = arith.ori %shift_left3A_2241, %shift_right_logical3A_2244 : vector<16xi32>
    %xor3A_2246 = arith.xori %add3A_2238, %or3A_2245 : vector<16xi32>
    %add3A_2247 = arith.addi %add3A_2238, %xor3A_2246 : vector<16xi32>
    %shift_left3A_2248 = arith.constant 26 : i32
    %shift_left3A_2249 = vector.broadcast %shift_left3A_2248 : i32 to vector<16xi32>
    %shift_left3A_2250 = arith.shli %xor3A_2246, %shift_left3A_2249 : vector<16xi32>
    %shift_right_logical3A_2251 = arith.constant 6 : i32
    %shift_right_logical3A_2252 = vector.broadcast %shift_right_logical3A_2251 : i32 to vector<16xi32>
    %shift_right_logical3A_2253 = arith.shrui %xor3A_2246, %shift_right_logical3A_2252 : vector<16xi32>
    %or3A_2254 = arith.ori %shift_left3A_2250, %shift_right_logical3A_2253 : vector<16xi32>
    %xor3A_2255 = arith.xori %add3A_2247, %or3A_2254 : vector<16xi32>
    %add3A_2256 = arith.addi %add3A_2247, %xor3A_2255 : vector<16xi32>
    %shift_left3A_2257 = arith.constant 6 : i32
    %shift_left3A_2258 = vector.broadcast %shift_left3A_2257 : i32 to vector<16xi32>
    %shift_left3A_2259 = arith.shli %xor3A_2255, %shift_left3A_2258 : vector<16xi32>
    %shift_right_logical3A_2260 = arith.constant 26 : i32
    %shift_right_logical3A_2261 = vector.broadcast %shift_right_logical3A_2260 : i32 to vector<16xi32>
    %shift_right_logical3A_2262 = arith.shrui %xor3A_2255, %shift_right_logical3A_2261 : vector<16xi32>
    %or3A_2263 = arith.ori %shift_left3A_2259, %shift_right_logical3A_2262 : vector<16xi32>
    %xor3A_2264 = arith.xori %add3A_2256, %or3A_2263 : vector<16xi32>
    %add3A_2265 = arith.constant 1168365246 : i32
    %add3A_2266 = vector.broadcast %add3A_2265 : i32 to vector<16xi32>
    %add3A_2267 = arith.addi %add3A_2256, %add3A_2266 : vector<16xi32>
    %add3A_2268 = arith.constant -765416504 : i32
    %add3A_2269 = vector.broadcast %add3A_2268 : i32 to vector<16xi32>
    %add3A_2270 = arith.addi %xor3A_2264, %add3A_2269 : vector<16xi32>
    %add3A_2271 = arith.constant 1 : i32
    %add3A_2272 = vector.broadcast %add3A_2271 : i32 to vector<16xi32>
    %add3A_2273 = arith.addi %add3A_2270, %add3A_2272 : vector<16xi32>
    %add3A_2274 = arith.addi %add3A_2267, %add3A_2273 : vector<16xi32>
    %shift_left3A_2275 = arith.constant 17 : i32
    %shift_left3A_2276 = vector.broadcast %shift_left3A_2275 : i32 to vector<16xi32>
    %shift_left3A_2277 = arith.shli %add3A_2273, %shift_left3A_2276 : vector<16xi32>
    %shift_right_logical3A_2278 = arith.constant 15 : i32
    %shift_right_logical3A_2279 = vector.broadcast %shift_right_logical3A_2278 : i32 to vector<16xi32>
    %shift_right_logical3A_2280 = arith.shrui %add3A_2273, %shift_right_logical3A_2279 : vector<16xi32>
    %or3A_2281 = arith.ori %shift_left3A_2277, %shift_right_logical3A_2280 : vector<16xi32>
    %xor3A_2282 = arith.xori %add3A_2274, %or3A_2281 : vector<16xi32>
    %add3A_2283 = arith.addi %add3A_2274, %xor3A_2282 : vector<16xi32>
    %shift_left3A_2284 = arith.constant 29 : i32
    %shift_left3A_2285 = vector.broadcast %shift_left3A_2284 : i32 to vector<16xi32>
    %shift_left3A_2286 = arith.shli %xor3A_2282, %shift_left3A_2285 : vector<16xi32>
    %shift_right_logical3A_2287 = arith.constant 3 : i32
    %shift_right_logical3A_2288 = vector.broadcast %shift_right_logical3A_2287 : i32 to vector<16xi32>
    %shift_right_logical3A_2289 = arith.shrui %xor3A_2282, %shift_right_logical3A_2288 : vector<16xi32>
    %or3A_2290 = arith.ori %shift_left3A_2286, %shift_right_logical3A_2289 : vector<16xi32>
    %xor3A_2291 = arith.xori %add3A_2283, %or3A_2290 : vector<16xi32>
    %add3A_2292 = arith.addi %add3A_2283, %xor3A_2291 : vector<16xi32>
    %shift_left3A_2293 = arith.constant 16 : i32
    %shift_left3A_2294 = vector.broadcast %shift_left3A_2293 : i32 to vector<16xi32>
    %shift_left3A_2295 = arith.shli %xor3A_2291, %shift_left3A_2294 : vector<16xi32>
    %shift_right_logical3A_2296 = arith.constant 16 : i32
    %shift_right_logical3A_2297 = vector.broadcast %shift_right_logical3A_2296 : i32 to vector<16xi32>
    %shift_right_logical3A_2298 = arith.shrui %xor3A_2291, %shift_right_logical3A_2297 : vector<16xi32>
    %or3A_2299 = arith.ori %shift_left3A_2295, %shift_right_logical3A_2298 : vector<16xi32>
    %xor3A_2300 = arith.xori %add3A_2292, %or3A_2299 : vector<16xi32>
    %add3A_2301 = arith.addi %add3A_2292, %xor3A_2300 : vector<16xi32>
    %shift_left3A_2302 = arith.constant 24 : i32
    %shift_left3A_2303 = vector.broadcast %shift_left3A_2302 : i32 to vector<16xi32>
    %shift_left3A_2304 = arith.shli %xor3A_2300, %shift_left3A_2303 : vector<16xi32>
    %shift_right_logical3A_2305 = arith.constant 8 : i32
    %shift_right_logical3A_2306 = vector.broadcast %shift_right_logical3A_2305 : i32 to vector<16xi32>
    %shift_right_logical3A_2307 = arith.shrui %xor3A_2300, %shift_right_logical3A_2306 : vector<16xi32>
    %or3A_2308 = arith.ori %shift_left3A_2304, %shift_right_logical3A_2307 : vector<16xi32>
    %xor3A_2309 = arith.xori %add3A_2301, %or3A_2308 : vector<16xi32>
    %add3A_2310 = arith.constant -765416504 : i32
    %add3A_2311 = vector.broadcast %add3A_2310 : i32 to vector<16xi32>
    %add3A_2312 = arith.addi %add3A_2301, %add3A_2311 : vector<16xi32>
    %add3A_2313 = arith.constant -1944951124 : i32
    %add3A_2314 = vector.broadcast %add3A_2313 : i32 to vector<16xi32>
    %add3A_2315 = arith.addi %xor3A_2309, %add3A_2314 : vector<16xi32>
    %add3A_2316 = arith.constant 2 : i32
    %add3A_2317 = vector.broadcast %add3A_2316 : i32 to vector<16xi32>
    %add3A_2318 = arith.addi %add3A_2315, %add3A_2317 : vector<16xi32>
    %add3A_2319 = arith.addi %add3A_2312, %add3A_2318 : vector<16xi32>
    %shift_left3A_2320 = arith.constant 13 : i32
    %shift_left3A_2321 = vector.broadcast %shift_left3A_2320 : i32 to vector<16xi32>
    %shift_left3A_2322 = arith.shli %add3A_2318, %shift_left3A_2321 : vector<16xi32>
    %shift_right_logical3A_2323 = arith.constant 19 : i32
    %shift_right_logical3A_2324 = vector.broadcast %shift_right_logical3A_2323 : i32 to vector<16xi32>
    %shift_right_logical3A_2325 = arith.shrui %add3A_2318, %shift_right_logical3A_2324 : vector<16xi32>
    %or3A_2326 = arith.ori %shift_left3A_2322, %shift_right_logical3A_2325 : vector<16xi32>
    %xor3A_2327 = arith.xori %add3A_2319, %or3A_2326 : vector<16xi32>
    %add3A_2328 = arith.addi %add3A_2319, %xor3A_2327 : vector<16xi32>
    %shift_left3A_2329 = arith.constant 15 : i32
    %shift_left3A_2330 = vector.broadcast %shift_left3A_2329 : i32 to vector<16xi32>
    %shift_left3A_2331 = arith.shli %xor3A_2327, %shift_left3A_2330 : vector<16xi32>
    %shift_right_logical3A_2332 = arith.constant 17 : i32
    %shift_right_logical3A_2333 = vector.broadcast %shift_right_logical3A_2332 : i32 to vector<16xi32>
    %shift_right_logical3A_2334 = arith.shrui %xor3A_2327, %shift_right_logical3A_2333 : vector<16xi32>
    %or3A_2335 = arith.ori %shift_left3A_2331, %shift_right_logical3A_2334 : vector<16xi32>
    %xor3A_2336 = arith.xori %add3A_2328, %or3A_2335 : vector<16xi32>
    %add3A_2337 = arith.addi %add3A_2328, %xor3A_2336 : vector<16xi32>
    %shift_left3A_2338 = arith.constant 26 : i32
    %shift_left3A_2339 = vector.broadcast %shift_left3A_2338 : i32 to vector<16xi32>
    %shift_left3A_2340 = arith.shli %xor3A_2336, %shift_left3A_2339 : vector<16xi32>
    %shift_right_logical3A_2341 = arith.constant 6 : i32
    %shift_right_logical3A_2342 = vector.broadcast %shift_right_logical3A_2341 : i32 to vector<16xi32>
    %shift_right_logical3A_2343 = arith.shrui %xor3A_2336, %shift_right_logical3A_2342 : vector<16xi32>
    %or3A_2344 = arith.ori %shift_left3A_2340, %shift_right_logical3A_2343 : vector<16xi32>
    %xor3A_2345 = arith.xori %add3A_2337, %or3A_2344 : vector<16xi32>
    %add3A_2346 = arith.addi %add3A_2337, %xor3A_2345 : vector<16xi32>
    %shift_left3A_2347 = arith.constant 6 : i32
    %shift_left3A_2348 = vector.broadcast %shift_left3A_2347 : i32 to vector<16xi32>
    %shift_left3A_2349 = arith.shli %xor3A_2345, %shift_left3A_2348 : vector<16xi32>
    %shift_right_logical3A_2350 = arith.constant 26 : i32
    %shift_right_logical3A_2351 = vector.broadcast %shift_right_logical3A_2350 : i32 to vector<16xi32>
    %shift_right_logical3A_2352 = arith.shrui %xor3A_2345, %shift_right_logical3A_2351 : vector<16xi32>
    %or3A_2353 = arith.ori %shift_left3A_2349, %shift_right_logical3A_2352 : vector<16xi32>
    %xor3A_2354 = arith.xori %add3A_2346, %or3A_2353 : vector<16xi32>
    %add3A_2355 = arith.constant -1944951124 : i32
    %add3A_2356 = vector.broadcast %add3A_2355 : i32 to vector<16xi32>
    %add3A_2357 = arith.addi %add3A_2346, %add3A_2356 : vector<16xi32>
    %add3A_2358 = arith.constant 1168365246 : i32
    %add3A_2359 = vector.broadcast %add3A_2358 : i32 to vector<16xi32>
    %add3A_2360 = arith.addi %xor3A_2354, %add3A_2359 : vector<16xi32>
    %add3A_2361 = arith.constant 3 : i32
    %add3A_2362 = vector.broadcast %add3A_2361 : i32 to vector<16xi32>
    %add3A_2363 = arith.addi %add3A_2360, %add3A_2362 : vector<16xi32>
    %add3A_2364 = arith.addi %add3A_2357, %add3A_2363 : vector<16xi32>
    %shift_left3A_2365 = arith.constant 17 : i32
    %shift_left3A_2366 = vector.broadcast %shift_left3A_2365 : i32 to vector<16xi32>
    %shift_left3A_2367 = arith.shli %add3A_2363, %shift_left3A_2366 : vector<16xi32>
    %shift_right_logical3A_2368 = arith.constant 15 : i32
    %shift_right_logical3A_2369 = vector.broadcast %shift_right_logical3A_2368 : i32 to vector<16xi32>
    %shift_right_logical3A_2370 = arith.shrui %add3A_2363, %shift_right_logical3A_2369 : vector<16xi32>
    %or3A_2371 = arith.ori %shift_left3A_2367, %shift_right_logical3A_2370 : vector<16xi32>
    %xor3A_2372 = arith.xori %add3A_2364, %or3A_2371 : vector<16xi32>
    %add3A_2373 = arith.addi %add3A_2364, %xor3A_2372 : vector<16xi32>
    %shift_left3A_2374 = arith.constant 29 : i32
    %shift_left3A_2375 = vector.broadcast %shift_left3A_2374 : i32 to vector<16xi32>
    %shift_left3A_2376 = arith.shli %xor3A_2372, %shift_left3A_2375 : vector<16xi32>
    %shift_right_logical3A_2377 = arith.constant 3 : i32
    %shift_right_logical3A_2378 = vector.broadcast %shift_right_logical3A_2377 : i32 to vector<16xi32>
    %shift_right_logical3A_2379 = arith.shrui %xor3A_2372, %shift_right_logical3A_2378 : vector<16xi32>
    %or3A_2380 = arith.ori %shift_left3A_2376, %shift_right_logical3A_2379 : vector<16xi32>
    %xor3A_2381 = arith.xori %add3A_2373, %or3A_2380 : vector<16xi32>
    %add3A_2382 = arith.addi %add3A_2373, %xor3A_2381 : vector<16xi32>
    %shift_left3A_2383 = arith.constant 16 : i32
    %shift_left3A_2384 = vector.broadcast %shift_left3A_2383 : i32 to vector<16xi32>
    %shift_left3A_2385 = arith.shli %xor3A_2381, %shift_left3A_2384 : vector<16xi32>
    %shift_right_logical3A_2386 = arith.constant 16 : i32
    %shift_right_logical3A_2387 = vector.broadcast %shift_right_logical3A_2386 : i32 to vector<16xi32>
    %shift_right_logical3A_2388 = arith.shrui %xor3A_2381, %shift_right_logical3A_2387 : vector<16xi32>
    %or3A_2389 = arith.ori %shift_left3A_2385, %shift_right_logical3A_2388 : vector<16xi32>
    %xor3A_2390 = arith.xori %add3A_2382, %or3A_2389 : vector<16xi32>
    %add3A_2391 = arith.addi %add3A_2382, %xor3A_2390 : vector<16xi32>
    %shift_left3A_2392 = arith.constant 24 : i32
    %shift_left3A_2393 = vector.broadcast %shift_left3A_2392 : i32 to vector<16xi32>
    %shift_left3A_2394 = arith.shli %xor3A_2390, %shift_left3A_2393 : vector<16xi32>
    %shift_right_logical3A_2395 = arith.constant 8 : i32
    %shift_right_logical3A_2396 = vector.broadcast %shift_right_logical3A_2395 : i32 to vector<16xi32>
    %shift_right_logical3A_2397 = arith.shrui %xor3A_2390, %shift_right_logical3A_2396 : vector<16xi32>
    %or3A_2398 = arith.ori %shift_left3A_2394, %shift_right_logical3A_2397 : vector<16xi32>
    %xor3A_2399 = arith.xori %add3A_2391, %or3A_2398 : vector<16xi32>
    %add3A_2400 = arith.constant 1168365246 : i32
    %add3A_2401 = vector.broadcast %add3A_2400 : i32 to vector<16xi32>
    %add3A_2402 = arith.addi %add3A_2391, %add3A_2401 : vector<16xi32>
    %add3A_2403 = arith.constant -765416504 : i32
    %add3A_2404 = vector.broadcast %add3A_2403 : i32 to vector<16xi32>
    %add3A_2405 = arith.addi %xor3A_2399, %add3A_2404 : vector<16xi32>
    %add3A_2406 = arith.constant 4 : i32
    %add3A_2407 = vector.broadcast %add3A_2406 : i32 to vector<16xi32>
    %add3A_2408 = arith.addi %add3A_2405, %add3A_2407 : vector<16xi32>
    %add3A_2409 = arith.addi %add3A_2402, %add3A_2408 : vector<16xi32>
    %shift_left3A_2410 = arith.constant 13 : i32
    %shift_left3A_2411 = vector.broadcast %shift_left3A_2410 : i32 to vector<16xi32>
    %shift_left3A_2412 = arith.shli %add3A_2408, %shift_left3A_2411 : vector<16xi32>
    %shift_right_logical3A_2413 = arith.constant 19 : i32
    %shift_right_logical3A_2414 = vector.broadcast %shift_right_logical3A_2413 : i32 to vector<16xi32>
    %shift_right_logical3A_2415 = arith.shrui %add3A_2408, %shift_right_logical3A_2414 : vector<16xi32>
    %or3A_2416 = arith.ori %shift_left3A_2412, %shift_right_logical3A_2415 : vector<16xi32>
    %xor3A_2417 = arith.xori %add3A_2409, %or3A_2416 : vector<16xi32>
    %add3A_2418 = arith.addi %add3A_2409, %xor3A_2417 : vector<16xi32>
    %shift_left3A_2419 = arith.constant 15 : i32
    %shift_left3A_2420 = vector.broadcast %shift_left3A_2419 : i32 to vector<16xi32>
    %shift_left3A_2421 = arith.shli %xor3A_2417, %shift_left3A_2420 : vector<16xi32>
    %shift_right_logical3A_2422 = arith.constant 17 : i32
    %shift_right_logical3A_2423 = vector.broadcast %shift_right_logical3A_2422 : i32 to vector<16xi32>
    %shift_right_logical3A_2424 = arith.shrui %xor3A_2417, %shift_right_logical3A_2423 : vector<16xi32>
    %or3A_2425 = arith.ori %shift_left3A_2421, %shift_right_logical3A_2424 : vector<16xi32>
    %xor3A_2426 = arith.xori %add3A_2418, %or3A_2425 : vector<16xi32>
    %add3A_2427 = arith.addi %add3A_2418, %xor3A_2426 : vector<16xi32>
    %shift_left3A_2428 = arith.constant 26 : i32
    %shift_left3A_2429 = vector.broadcast %shift_left3A_2428 : i32 to vector<16xi32>
    %shift_left3A_2430 = arith.shli %xor3A_2426, %shift_left3A_2429 : vector<16xi32>
    %shift_right_logical3A_2431 = arith.constant 6 : i32
    %shift_right_logical3A_2432 = vector.broadcast %shift_right_logical3A_2431 : i32 to vector<16xi32>
    %shift_right_logical3A_2433 = arith.shrui %xor3A_2426, %shift_right_logical3A_2432 : vector<16xi32>
    %or3A_2434 = arith.ori %shift_left3A_2430, %shift_right_logical3A_2433 : vector<16xi32>
    %xor3A_2435 = arith.xori %add3A_2427, %or3A_2434 : vector<16xi32>
    %add3A_2436 = arith.addi %add3A_2427, %xor3A_2435 : vector<16xi32>
    %shift_left3A_2437 = arith.constant 6 : i32
    %shift_left3A_2438 = vector.broadcast %shift_left3A_2437 : i32 to vector<16xi32>
    %shift_left3A_2439 = arith.shli %xor3A_2435, %shift_left3A_2438 : vector<16xi32>
    %shift_right_logical3A_2440 = arith.constant 26 : i32
    %shift_right_logical3A_2441 = vector.broadcast %shift_right_logical3A_2440 : i32 to vector<16xi32>
    %shift_right_logical3A_2442 = arith.shrui %xor3A_2435, %shift_right_logical3A_2441 : vector<16xi32>
    %or3A_2443 = arith.ori %shift_left3A_2439, %shift_right_logical3A_2442 : vector<16xi32>
    %xor3A_2444 = arith.xori %add3A_2436, %or3A_2443 : vector<16xi32>
    %add3A_2445 = arith.constant -765416504 : i32
    %add3A_2446 = vector.broadcast %add3A_2445 : i32 to vector<16xi32>
    %add3A_2447 = arith.addi %add3A_2436, %add3A_2446 : vector<16xi32>
    %add3A_2448 = arith.constant -1944951124 : i32
    %add3A_2449 = vector.broadcast %add3A_2448 : i32 to vector<16xi32>
    %add3A_2450 = arith.addi %xor3A_2444, %add3A_2449 : vector<16xi32>
    %add3A_2451 = arith.constant 5 : i32
    %add3A_2452 = vector.broadcast %add3A_2451 : i32 to vector<16xi32>
    %add3A_2453 = arith.addi %add3A_2450, %add3A_2452 : vector<16xi32>
    %xor3A_2454 = arith.xori %add3A_2447, %add3A_2453 : vector<16xi32>
    %and3A_2455 = arith.constant 15 : i32
    %and3A_2456 = vector.broadcast %and3A_2455 : i32 to vector<16xi32>
    %and3A_2457 = arith.andi %xor3A_2454, %and3A_2456 : vector<16xi32>
    %get3A_2458 = arith.constant 0 : i32
    %get3A_2459 = arith.index_cast %get3A_2458 : i32 to index
    %get3A_2460 = arith.constant 48 : index
    %get3A_2461 = tpu.vector_load %arg8[%get3A_2459, %get3A_2460] {strides = array<i32>} : memref<16x64xf32, #tpu.memory_space<vmem>>, vector<1x16xf32>,
    %get3A_2462 = vector.shape_cast %get3A_2461 : vector<1x16xf32> to vector<16xf32>
    %broadcast_in_dim3A_2463 = arith.constant 0 : i32
    %broadcast_in_dim3A_2464 = vector.broadcast %broadcast_in_dim3A_2463 : i32 to vector<16xi32>
    %get3A_2465 = arith.constant 1 : i32
    %get3A_2466 = arith.index_cast %get3A_2465 : i32 to index
    %get3A_2467 = arith.constant 48 : index
    %get3A_2468 = tpu.vector_load %arg8[%get3A_2466, %get3A_2467] {strides = array<i32>} : memref<16x64xf32, #tpu.memory_space<vmem>>, vector<1x16xf32>,
    %get3A_2469 = vector.shape_cast %get3A_2468 : vector<1x16xf32> to vector<16xf32>
    %gt3A_2470 = arith.cmpf ogt, %get3A_2469, %get3A_2462 : vector<16xf32>
    %jit3A_2471 = arith.constant 1 : i32
    %broadcast_in_dim3A_2472 = vector.broadcast %jit3A_2471 : i32 to vector<16xi32>
    %select_n3A_2473 = arith.select %gt3A_2470, %broadcast_in_dim3A_2472, %broadcast_in_dim3A_2464 : vector<16xi1>, vector<16xi32>
    %select_n3A_2474 = arith.select %gt3A_2470, %get3A_2469, %get3A_2462 : vector<16xi1>, vector<16xf32>
    %get3A_2475 = arith.constant 2 : i32
    %get3A_2476 = arith.index_cast %get3A_2475 : i32 to index
    %get3A_2477 = arith.constant 48 : index
    %get3A_2478 = tpu.vector_load %arg8[%get3A_2476, %get3A_2477] {strides = array<i32>} : memref<16x64xf32, #tpu.memory_space<vmem>>, vector<1x16xf32>,
    %get3A_2479 = vector.shape_cast %get3A_2478 : vector<1x16xf32> to vector<16xf32>
    %gt3A_2480 = arith.cmpf ogt, %get3A_2479, %select_n3A_2474 : vector<16xf32>
    %jit3A_2481 = arith.constant 2 : i32
    %broadcast_in_dim3A_2482 = vector.broadcast %jit3A_2481 : i32 to vector<16xi32>
    %select_n3A_2483 = arith.select %gt3A_2480, %broadcast_in_dim3A_2482, %select_n3A_2473 : vector<16xi1>, vector<16xi32>
    %select_n3A_2484 = arith.select %gt3A_2480, %get3A_2479, %select_n3A_2474 : vector<16xi1>, vector<16xf32>
    %get3A_2485 = arith.constant 3 : i32
    %get3A_2486 = arith.index_cast %get3A_2485 : i32 to index
    %get3A_2487 = arith.constant 48 : index
    %get3A_2488 = tpu.vector_load %arg8[%get3A_2486, %get3A_2487] {strides = array<i32>} : memref<16x64xf32, #tpu.memory_space<vmem>>, vector<1x16xf32>,
    %get3A_2489 = vector.shape_cast %get3A_2488 : vector<1x16xf32> to vector<16xf32>
    %gt3A_2490 = arith.cmpf ogt, %get3A_2489, %select_n3A_2484 : vector<16xf32>
    %jit3A_2491 = arith.constant 3 : i32
    %broadcast_in_dim3A_2492 = vector.broadcast %jit3A_2491 : i32 to vector<16xi32>
    %select_n3A_2493 = arith.select %gt3A_2490, %broadcast_in_dim3A_2492, %select_n3A_2483 : vector<16xi1>, vector<16xi32>
    %select_n3A_2494 = arith.select %gt3A_2490, %get3A_2489, %select_n3A_2484 : vector<16xi1>, vector<16xf32>
    %get3A_2495 = arith.constant 4 : i32
    %get3A_2496 = arith.index_cast %get3A_2495 : i32 to index
    %get3A_2497 = arith.constant 48 : index
    %get3A_2498 = tpu.vector_load %arg8[%get3A_2496, %get3A_2497] {strides = array<i32>} : memref<16x64xf32, #tpu.memory_space<vmem>>, vector<1x16xf32>,
    %get3A_2499 = vector.shape_cast %get3A_2498 : vector<1x16xf32> to vector<16xf32>
    %gt3A_2500 = arith.cmpf ogt, %get3A_2499, %select_n3A_2494 : vector<16xf32>
    %jit3A_2501 = arith.constant 4 : i32
    %broadcast_in_dim3A_2502 = vector.broadcast %jit3A_2501 : i32 to vector<16xi32>
    %select_n3A_2503 = arith.select %gt3A_2500, %broadcast_in_dim3A_2502, %select_n3A_2493 : vector<16xi1>, vector<16xi32>
    %select_n3A_2504 = arith.select %gt3A_2500, %get3A_2499, %select_n3A_2494 : vector<16xi1>, vector<16xf32>
    %get3A_2505 = arith.constant 5 : i32
    %get3A_2506 = arith.index_cast %get3A_2505 : i32 to index
    %get3A_2507 = arith.constant 48 : index
    %get3A_2508 = tpu.vector_load %arg8[%get3A_2506, %get3A_2507] {strides = array<i32>} : memref<16x64xf32, #tpu.memory_space<vmem>>, vector<1x16xf32>,
    %get3A_2509 = vector.shape_cast %get3A_2508 : vector<1x16xf32> to vector<16xf32>
    %gt3A_2510 = arith.cmpf ogt, %get3A_2509, %select_n3A_2504 : vector<16xf32>
    %jit3A_2511 = arith.constant 5 : i32
    %broadcast_in_dim3A_2512 = vector.broadcast %jit3A_2511 : i32 to vector<16xi32>
    %select_n3A_2513 = arith.select %gt3A_2510, %broadcast_in_dim3A_2512, %select_n3A_2503 : vector<16xi1>, vector<16xi32>
    %select_n3A_2514 = arith.select %gt3A_2510, %get3A_2509, %select_n3A_2504 : vector<16xi1>, vector<16xf32>
    %get3A_2515 = arith.constant 6 : i32
    %get3A_2516 = arith.index_cast %get3A_2515 : i32 to index
    %get3A_2517 = arith.constant 48 : index
    %get3A_2518 = tpu.vector_load %arg8[%get3A_2516, %get3A_2517] {strides = array<i32>} : memref<16x64xf32, #tpu.memory_space<vmem>>, vector<1x16xf32>,
    %get3A_2519 = vector.shape_cast %get3A_2518 : vector<1x16xf32> to vector<16xf32>
    %gt3A_2520 = arith.cmpf ogt, %get3A_2519, %select_n3A_2514 : vector<16xf32>
    %jit3A_2521 = arith.constant 6 : i32
    %broadcast_in_dim3A_2522 = vector.broadcast %jit3A_2521 : i32 to vector<16xi32>
    %select_n3A_2523 = arith.select %gt3A_2520, %broadcast_in_dim3A_2522, %select_n3A_2513 : vector<16xi1>, vector<16xi32>
    %select_n3A_2524 = arith.select %gt3A_2520, %get3A_2519, %select_n3A_2514 : vector<16xi1>, vector<16xf32>
    %get3A_2525 = arith.constant 7 : i32
    %get3A_2526 = arith.index_cast %get3A_2525 : i32 to index
    %get3A_2527 = arith.constant 48 : index
    %get3A_2528 = tpu.vector_load %arg8[%get3A_2526, %get3A_2527] {strides = array<i32>} : memref<16x64xf32, #tpu.memory_space<vmem>>, vector<1x16xf32>,
    %get3A_2529 = vector.shape_cast %get3A_2528 : vector<1x16xf32> to vector<16xf32>
    %gt3A_2530 = arith.cmpf ogt, %get3A_2529, %select_n3A_2524 : vector<16xf32>
    %jit3A_2531 = arith.constant 7 : i32
    %broadcast_in_dim3A_2532 = vector.broadcast %jit3A_2531 : i32 to vector<16xi32>
    %select_n3A_2533 = arith.select %gt3A_2530, %broadcast_in_dim3A_2532, %select_n3A_2523 : vector<16xi1>, vector<16xi32>
    %select_n3A_2534 = arith.select %gt3A_2530, %get3A_2529, %select_n3A_2524 : vector<16xi1>, vector<16xf32>
    %get3A_2535 = arith.constant 8 : i32
    %get3A_2536 = arith.index_cast %get3A_2535 : i32 to index
    %get3A_2537 = arith.constant 48 : index
    %get3A_2538 = tpu.vector_load %arg8[%get3A_2536, %get3A_2537] {strides = array<i32>} : memref<16x64xf32, #tpu.memory_space<vmem>>, vector<1x16xf32>,
    %get3A_2539 = vector.shape_cast %get3A_2538 : vector<1x16xf32> to vector<16xf32>
    %gt3A_2540 = arith.cmpf ogt, %get3A_2539, %select_n3A_2534 : vector<16xf32>
    %jit3A_2541 = arith.constant 8 : i32
    %broadcast_in_dim3A_2542 = vector.broadcast %jit3A_2541 : i32 to vector<16xi32>
    %select_n3A_2543 = arith.select %gt3A_2540, %broadcast_in_dim3A_2542, %select_n3A_2533 : vector<16xi1>, vector<16xi32>
    %select_n3A_2544 = arith.select %gt3A_2540, %get3A_2539, %select_n3A_2534 : vector<16xi1>, vector<16xf32>
    %get3A_2545 = arith.constant 9 : i32
    %get3A_2546 = arith.index_cast %get3A_2545 : i32 to index
    %get3A_2547 = arith.constant 48 : index
    %get3A_2548 = tpu.vector_load %arg8[%get3A_2546, %get3A_2547] {strides = array<i32>} : memref<16x64xf32, #tpu.memory_space<vmem>>, vector<1x16xf32>,
    %get3A_2549 = vector.shape_cast %get3A_2548 : vector<1x16xf32> to vector<16xf32>
    %gt3A_2550 = arith.cmpf ogt, %get3A_2549, %select_n3A_2544 : vector<16xf32>
    %jit3A_2551 = arith.constant 9 : i32
    %broadcast_in_dim3A_2552 = vector.broadcast %jit3A_2551 : i32 to vector<16xi32>
    %select_n3A_2553 = arith.select %gt3A_2550, %broadcast_in_dim3A_2552, %select_n3A_2543 : vector<16xi1>, vector<16xi32>
    %select_n3A_2554 = arith.select %gt3A_2550, %get3A_2549, %select_n3A_2544 : vector<16xi1>, vector<16xf32>
    %get3A_2555 = arith.constant 10 : i32
    %get3A_2556 = arith.index_cast %get3A_2555 : i32 to index
    %get3A_2557 = arith.constant 48 : index
    %get3A_2558 = tpu.vector_load %arg8[%get3A_2556, %get3A_2557] {strides = array<i32>} : memref<16x64xf32, #tpu.memory_space<vmem>>, vector<1x16xf32>,
    %get3A_2559 = vector.shape_cast %get3A_2558 : vector<1x16xf32> to vector<16xf32>
    %gt3A_2560 = arith.cmpf ogt, %get3A_2559, %select_n3A_2554 : vector<16xf32>
    %jit3A_2561 = arith.constant 10 : i32
    %broadcast_in_dim3A_2562 = vector.broadcast %jit3A_2561 : i32 to vector<16xi32>
    %select_n3A_2563 = arith.select %gt3A_2560, %broadcast_in_dim3A_2562, %select_n3A_2553 : vector<16xi1>, vector<16xi32>
    %select_n3A_2564 = arith.select %gt3A_2560, %get3A_2559, %select_n3A_2554 : vector<16xi1>, vector<16xf32>
    %get3A_2565 = arith.constant 11 : i32
    %get3A_2566 = arith.index_cast %get3A_2565 : i32 to index
    %get3A_2567 = arith.constant 48 : index
    %get3A_2568 = tpu.vector_load %arg8[%get3A_2566, %get3A_2567] {strides = array<i32>} : memref<16x64xf32, #tpu.memory_space<vmem>>, vector<1x16xf32>,
    %get3A_2569 = vector.shape_cast %get3A_2568 : vector<1x16xf32> to vector<16xf32>
    %gt3A_2570 = arith.cmpf ogt, %get3A_2569, %select_n3A_2564 : vector<16xf32>
    %jit3A_2571 = arith.constant 11 : i32
    %broadcast_in_dim3A_2572 = vector.broadcast %jit3A_2571 : i32 to vector<16xi32>
    %select_n3A_2573 = arith.select %gt3A_2570, %broadcast_in_dim3A_2572, %select_n3A_2563 : vector<16xi1>, vector<16xi32>
    %select_n3A_2574 = arith.select %gt3A_2570, %get3A_2569, %select_n3A_2564 : vector<16xi1>, vector<16xf32>
    %get3A_2575 = arith.constant 12 : i32
    %get3A_2576 = arith.index_cast %get3A_2575 : i32 to index
    %get3A_2577 = arith.constant 48 : index
    %get3A_2578 = tpu.vector_load %arg8[%get3A_2576, %get3A_2577] {strides = array<i32>} : memref<16x64xf32, #tpu.memory_space<vmem>>, vector<1x16xf32>,
    %get3A_2579 = vector.shape_cast %get3A_2578 : vector<1x16xf32> to vector<16xf32>
    %gt3A_2580 = arith.cmpf ogt, %get3A_2579, %select_n3A_2574 : vector<16xf32>
    %jit3A_2581 = arith.constant 12 : i32
    %broadcast_in_dim3A_2582 = vector.broadcast %jit3A_2581 : i32 to vector<16xi32>
    %select_n3A_2583 = arith.select %gt3A_2580, %broadcast_in_dim3A_2582, %select_n3A_2573 : vector<16xi1>, vector<16xi32>
    %select_n3A_2584 = arith.select %gt3A_2580, %get3A_2579, %select_n3A_2574 : vector<16xi1>, vector<16xf32>
    %get3A_2585 = arith.constant 13 : i32
    %get3A_2586 = arith.index_cast %get3A_2585 : i32 to index
    %get3A_2587 = arith.constant 48 : index
    %get3A_2588 = tpu.vector_load %arg8[%get3A_2586, %get3A_2587] {strides = array<i32>} : memref<16x64xf32, #tpu.memory_space<vmem>>, vector<1x16xf32>,
    %get3A_2589 = vector.shape_cast %get3A_2588 : vector<1x16xf32> to vector<16xf32>
    %gt3A_2590 = arith.cmpf ogt, %get3A_2589, %select_n3A_2584 : vector<16xf32>
    %jit3A_2591 = arith.constant 13 : i32
    %broadcast_in_dim3A_2592 = vector.broadcast %jit3A_2591 : i32 to vector<16xi32>
    %select_n3A_2593 = arith.select %gt3A_2590, %broadcast_in_dim3A_2592, %select_n3A_2583 : vector<16xi1>, vector<16xi32>
    %select_n3A_2594 = arith.select %gt3A_2590, %get3A_2589, %select_n3A_2584 : vector<16xi1>, vector<16xf32>
    %get3A_2595 = arith.constant 14 : i32
    %get3A_2596 = arith.index_cast %get3A_2595 : i32 to index
    %get3A_2597 = arith.constant 48 : index
    %get3A_2598 = tpu.vector_load %arg8[%get3A_2596, %get3A_2597] {strides = array<i32>} : memref<16x64xf32, #tpu.memory_space<vmem>>, vector<1x16xf32>,
    %get3A_2599 = vector.shape_cast %get3A_2598 : vector<1x16xf32> to vector<16xf32>
    %gt3A_2600 = arith.cmpf ogt, %get3A_2599, %select_n3A_2594 : vector<16xf32>
    %jit3A_2601 = arith.constant 14 : i32
    %broadcast_in_dim3A_2602 = vector.broadcast %jit3A_2601 : i32 to vector<16xi32>
    %select_n3A_2603 = arith.select %gt3A_2600, %broadcast_in_dim3A_2602, %select_n3A_2593 : vector<16xi1>, vector<16xi32>
    %select_n3A_2604 = arith.select %gt3A_2600, %get3A_2599, %select_n3A_2594 : vector<16xi1>, vector<16xf32>
    %get3A_2605 = arith.constant 15 : i32
    %get3A_2606 = arith.index_cast %get3A_2605 : i32 to index
    %get3A_2607 = arith.constant 48 : index
    %get3A_2608 = tpu.vector_load %arg8[%get3A_2606, %get3A_2607] {strides = array<i32>} : memref<16x64xf32, #tpu.memory_space<vmem>>, vector<1x16xf32>,
    %get3A_2609 = vector.shape_cast %get3A_2608 : vector<1x16xf32> to vector<16xf32>
    %gt3A_2610 = arith.cmpf ogt, %get3A_2609, %select_n3A_2604 : vector<16xf32>
    %jit3A_2611 = arith.constant 15 : i32
    %broadcast_in_dim3A_2612 = vector.broadcast %jit3A_2611 : i32 to vector<16xi32>
    %select_n3A_2613 = arith.select %gt3A_2610, %broadcast_in_dim3A_2612, %select_n3A_2603 : vector<16xi1>, vector<16xi32>
    %select_n3A_2614 = arith.select %gt3A_2610, %get3A_2609, %select_n3A_2604 : vector<16xi1>, vector<16xf32>
    %select_n3A_2615 = arith.select %lt3A_2220, %and3A_2457, %select_n3A_2613 : vector<16xi1>, vector<16xi32>
    %swap3A_2616 = arith.constant 48 : index
    %swap3A_2617 = tpu.vector_load %arg9[%swap3A_2616] {strides = array<i32>} : memref<64xi32, #tpu.memory_space<vmem>>, vector<16xi32>,
    %swap3A_2618 = vector.shape_cast %swap3A_2617 : vector<16xi32> to vector<16xi32>
    %swap3A_2619 = vector.shape_cast %select_n3A_2615 : vector<16xi32> to vector<16xi32>
    tpu.vector_store %arg9[%swap3A_2616], %swap3A_2619 {strides = array<i32>} : memref<64xi32, #tpu.memory_space<vmem>>, vector<16xi32>,
    %mul3A_2620 = arith.constant 16 : i32
    %mul3A_2621 = vector.broadcast %mul3A_2620 : i32 to vector<16xi32>
    %mul3A_2622 = arith.muli %add3A_1973, %mul3A_2621 : vector<16xi32>
    %add3A_2623 = arith.addi %mul3A_2622, %select_n3A_2615 : vector<16xi32>
    %swap3A_2624 = arith.constant 48 : index
    %swap3A_2625 = tpu.vector_load %arg10[%swap3A_2624] {strides = array<i32>} : memref<64xi32, #tpu.memory_space<vmem>>, vector<16xi32>,
    %swap3A_2626 = vector.shape_cast %swap3A_2625 : vector<16xi32> to vector<16xi32>
    %swap3A_2627 = vector.shape_cast %add3A_2623 : vector<16xi32> to vector<16xi32>
    tpu.vector_store %arg10[%swap3A_2624], %swap3A_2627 {strides = array<i32>} : memref<64xi32, #tpu.memory_space<vmem>>, vector<16xi32>,
    "tpu.region"() ({
      %run_scoped3A = tpu.sem_alloc : memref<!tpu.dma_semaphore, #tpu.memory_space<semaphore_mem>>
      %dma_start3A_2930 = tpu.memref_slice %arg5[%mul3A_2] : memref<2048xi32, #tpu.memory_space<hbm>> -> memref<64xi32, #tpu.memory_space<hbm>>
      %dma_start3A_2931 = tpu.memref_slice %arg5[%mul3A_2] : memref<2048xi32, #tpu.memory_space<hbm>> -> memref<64xi32, #tpu.memory_space<hbm>>
      tpu.enqueue_dma source(%arg9 : memref<64xi32, #tpu.memory_space<vmem>>) target(%dma_start3A_2931 : memref<64xi32, #tpu.memory_space<hbm>>) target_semaphore(%run_scoped3A : memref<!tpu.dma_semaphore, #tpu.memory_space<semaphore_mem>>)
      %dma_wait3A_2932 = tpu.memref_slice %arg5[%mul3A_2] : memref<2048xi32, #tpu.memory_space<hbm>> -> memref<64xi32, #tpu.memory_space<hbm>>
      %dma_wait3A_2933 = tpu.memref_slice %arg5[%mul3A_2] : memref<2048xi32, #tpu.memory_space<hbm>> -> memref<64xi32, #tpu.memory_space<hbm>>
      tpu.wait_dma2 semaphore(%run_scoped3A : memref<!tpu.dma_semaphore, #tpu.memory_space<semaphore_mem>>) src(%arg9 : memref<64xi32, #tpu.memory_space<vmem>>) dst(%dma_wait3A_2933 : memref<64xi32, #tpu.memory_space<hbm>>)
      tpu.yield
    }) : () -> ()
    %dma_start3A = arith.constant 0 : i32
    %dma_start3A_2628 = tpu.memref_slice %arg10[%dma_start3A] : memref<64xi32, #tpu.memory_space<vmem>> -> memref<8xi32, #tpu.memory_space<vmem>>
    %dma_start3A_2629 = arith.constant 0 : i32
    %dma_start3A_2630 = arith.constant 0 : i32
    %dma_start3A_2631 = tpu.memref_slice %arg3[%dma_start3A_2629, %dma_start3A_2630] : memref<32768x2048xf32, #tpu.memory_space<hbm>> -> memref<32768x2048xf32, #tpu.memory_space<hbm>>
    tpu.enqueue_indirect_dma source(%dma_start3A_2631 : memref<32768x2048xf32, #tpu.memory_space<hbm>>) target(%arg11 : memref<8x2048xf32, #tpu.memory_space<vmem>>) offsets(%dma_start3A_2628 : memref<8xi32, #tpu.memory_space<vmem>>) semaphore(%arg15 : memref<!tpu.dma_semaphore, #tpu.memory_space<semaphore_mem>>)
    %dma_start3A_2632 = arith.constant 0 : i32
    %dma_start3A_2633 = tpu.memref_slice %arg10[%dma_start3A_2632] : memref<64xi32, #tpu.memory_space<vmem>> -> memref<8xi32, #tpu.memory_space<vmem>>
    %dma_start3A_2634 = arith.constant 0 : i32
    %dma_start3A_2635 = arith.constant 0 : i32
    %dma_start3A_2636 = tpu.memref_slice %arg4[%dma_start3A_2634, %dma_start3A_2635] : memref<32768x2048xf32, #tpu.memory_space<hbm>> -> memref<32768x2048xf32, #tpu.memory_space<hbm>>
    tpu.enqueue_indirect_dma source(%dma_start3A_2636 : memref<32768x2048xf32, #tpu.memory_space<hbm>>) target(%arg13 : memref<8x2048xf32, #tpu.memory_space<vmem>>) offsets(%dma_start3A_2633 : memref<8xi32, #tpu.memory_space<vmem>>) semaphore(%arg16 : memref<!tpu.dma_semaphore, #tpu.memory_space<semaphore_mem>>)
    %dma_start3A_2637 = arith.constant 8 : i32
    %dma_start3A_2638 = tpu.memref_slice %arg10[%dma_start3A_2637] : memref<64xi32, #tpu.memory_space<vmem>> -> memref<8xi32, #tpu.memory_space<vmem>>
    %dma_start3A_2639 = arith.constant 0 : i32
    %dma_start3A_2640 = arith.constant 0 : i32
    %dma_start3A_2641 = tpu.memref_slice %arg3[%dma_start3A_2639, %dma_start3A_2640] : memref<32768x2048xf32, #tpu.memory_space<hbm>> -> memref<32768x2048xf32, #tpu.memory_space<hbm>>
    tpu.enqueue_indirect_dma source(%dma_start3A_2641 : memref<32768x2048xf32, #tpu.memory_space<hbm>>) target(%arg12 : memref<8x2048xf32, #tpu.memory_space<vmem>>) offsets(%dma_start3A_2638 : memref<8xi32, #tpu.memory_space<vmem>>) semaphore(%arg15 : memref<!tpu.dma_semaphore, #tpu.memory_space<semaphore_mem>>)
    %dma_start3A_2642 = arith.constant 8 : i32
    %dma_start3A_2643 = tpu.memref_slice %arg10[%dma_start3A_2642] : memref<64xi32, #tpu.memory_space<vmem>> -> memref<8xi32, #tpu.memory_space<vmem>>
    %dma_start3A_2644 = arith.constant 0 : i32
    %dma_start3A_2645 = arith.constant 0 : i32
    %dma_start3A_2646 = tpu.memref_slice %arg4[%dma_start3A_2644, %dma_start3A_2645] : memref<32768x2048xf32, #tpu.memory_space<hbm>> -> memref<32768x2048xf32, #tpu.memory_space<hbm>>
    tpu.enqueue_indirect_dma source(%dma_start3A_2646 : memref<32768x2048xf32, #tpu.memory_space<hbm>>) target(%arg14 : memref<8x2048xf32, #tpu.memory_space<vmem>>) offsets(%dma_start3A_2643 : memref<8xi32, #tpu.memory_space<vmem>>) semaphore(%arg16 : memref<!tpu.dma_semaphore, #tpu.memory_space<semaphore_mem>>)
    %dma_wait3A = arith.constant 0 : i32
    %dma_wait3A_2647 = tpu.memref_slice %arg10[%dma_wait3A] : memref<64xi32, #tpu.memory_space<vmem>> -> memref<8xi32, #tpu.memory_space<vmem>>
    %dma_wait3A_2648 = arith.constant 0 : i32
    %dma_wait3A_2649 = arith.constant 0 : i32
    %dma_wait3A_2650 = tpu.memref_slice %arg3[%dma_wait3A_2648, %dma_wait3A_2649] : memref<32768x2048xf32, #tpu.memory_space<hbm>> -> memref<32768x2048xf32, #tpu.memory_space<hbm>>
    tpu.wait_indirect_dma semaphore(%arg15 : memref<!tpu.dma_semaphore, #tpu.memory_space<semaphore_mem>>) src(%dma_wait3A_2650 : memref<32768x2048xf32, #tpu.memory_space<hbm>>) dst(%arg11 : memref<8x2048xf32, #tpu.memory_space<vmem>>)
    %dma_wait3A_2651 = arith.constant 0 : i32
    %dma_wait3A_2652 = tpu.memref_slice %arg10[%dma_wait3A_2651] : memref<64xi32, #tpu.memory_space<vmem>> -> memref<8xi32, #tpu.memory_space<vmem>>
    %dma_wait3A_2653 = arith.constant 0 : i32
    %dma_wait3A_2654 = arith.constant 0 : i32
    %dma_wait3A_2655 = tpu.memref_slice %arg4[%dma_wait3A_2653, %dma_wait3A_2654] : memref<32768x2048xf32, #tpu.memory_space<hbm>> -> memref<32768x2048xf32, #tpu.memory_space<hbm>>
    tpu.wait_indirect_dma semaphore(%arg16 : memref<!tpu.dma_semaphore, #tpu.memory_space<semaphore_mem>>) src(%dma_wait3A_2655 : memref<32768x2048xf32, #tpu.memory_space<hbm>>) dst(%arg13 : memref<8x2048xf32, #tpu.memory_space<vmem>>)
    %add3A_2656 = arith.constant 0 : i32
    %add3A_2657 = arith.addi %mul3A_2, %add3A_2656 : i32
    %dma_start3A_2658 = arith.constant 0 : i32
    %dma_start3A_2659 = tpu.memref_slice %arg6[%add3A_2657, %dma_start3A_2658] : memref<2048x2048xf32, #tpu.memory_space<hbm>> -> memref<8x2048xf32, #tpu.memory_space<hbm>>
    %dma_start3A_2660 = arith.constant 0 : i32
    %dma_start3A_2661 = tpu.memref_slice %arg6[%add3A_2657, %dma_start3A_2660] : memref<2048x2048xf32, #tpu.memory_space<hbm>> -> memref<8x2048xf32, #tpu.memory_space<hbm>>
    tpu.enqueue_dma source(%arg11 : memref<8x2048xf32, #tpu.memory_space<vmem>>) target(%dma_start3A_2661 : memref<8x2048xf32, #tpu.memory_space<hbm>>) target_semaphore(%arg17 : memref<!tpu.dma_semaphore, #tpu.memory_space<semaphore_mem>>)
    %dma_start3A_2662 = arith.constant 0 : i32
    %dma_start3A_2663 = tpu.memref_slice %arg7[%add3A_2657, %dma_start3A_2662] : memref<2048x2048xf32, #tpu.memory_space<hbm>> -> memref<8x2048xf32, #tpu.memory_space<hbm>>
    %dma_start3A_2664 = arith.constant 0 : i32
    %dma_start3A_2665 = tpu.memref_slice %arg7[%add3A_2657, %dma_start3A_2664] : memref<2048x2048xf32, #tpu.memory_space<hbm>> -> memref<8x2048xf32, #tpu.memory_space<hbm>>
    tpu.enqueue_dma source(%arg13 : memref<8x2048xf32, #tpu.memory_space<vmem>>) target(%dma_start3A_2665 : memref<8x2048xf32, #tpu.memory_space<hbm>>) target_semaphore(%arg18 : memref<!tpu.dma_semaphore, #tpu.memory_space<semaphore_mem>>)
    %dma_wait3A_2666 = arith.constant 0 : i32
    %dma_wait3A_2667 = tpu.memref_slice %arg6[%add3A_2657, %dma_wait3A_2666] : memref<2048x2048xf32, #tpu.memory_space<hbm>> -> memref<8x2048xf32, #tpu.memory_space<hbm>>
    %dma_wait3A_2668 = arith.constant 0 : i32
    %dma_wait3A_2669 = tpu.memref_slice %arg6[%add3A_2657, %dma_wait3A_2668] : memref<2048x2048xf32, #tpu.memory_space<hbm>> -> memref<8x2048xf32, #tpu.memory_space<hbm>>
    tpu.wait_dma2 semaphore(%arg17 : memref<!tpu.dma_semaphore, #tpu.memory_space<semaphore_mem>>) src(%arg11 : memref<8x2048xf32, #tpu.memory_space<vmem>>) dst(%dma_wait3A_2669 : memref<8x2048xf32, #tpu.memory_space<hbm>>)
    %dma_wait3A_2670 = arith.constant 0 : i32
    %dma_wait3A_2671 = tpu.memref_slice %arg7[%add3A_2657, %dma_wait3A_2670] : memref<2048x2048xf32, #tpu.memory_space<hbm>> -> memref<8x2048xf32, #tpu.memory_space<hbm>>
    %dma_wait3A_2672 = arith.constant 0 : i32
    %dma_wait3A_2673 = tpu.memref_slice %arg7[%add3A_2657, %dma_wait3A_2672] : memref<2048x2048xf32, #tpu.memory_space<hbm>> -> memref<8x2048xf32, #tpu.memory_space<hbm>>
    tpu.wait_dma2 semaphore(%arg18 : memref<!tpu.dma_semaphore, #tpu.memory_space<semaphore_mem>>) src(%arg13 : memref<8x2048xf32, #tpu.memory_space<vmem>>) dst(%dma_wait3A_2673 : memref<8x2048xf32, #tpu.memory_space<hbm>>)
    %dma_start3A_2674 = arith.constant 16 : i32
    %dma_start3A_2675 = tpu.memref_slice %arg10[%dma_start3A_2674] : memref<64xi32, #tpu.memory_space<vmem>> -> memref<8xi32, #tpu.memory_space<vmem>>
    %dma_start3A_2676 = arith.constant 0 : i32
    %dma_start3A_2677 = arith.constant 0 : i32
    %dma_start3A_2678 = tpu.memref_slice %arg3[%dma_start3A_2676, %dma_start3A_2677] : memref<32768x2048xf32, #tpu.memory_space<hbm>> -> memref<32768x2048xf32, #tpu.memory_space<hbm>>
    tpu.enqueue_indirect_dma source(%dma_start3A_2678 : memref<32768x2048xf32, #tpu.memory_space<hbm>>) target(%arg11 : memref<8x2048xf32, #tpu.memory_space<vmem>>) offsets(%dma_start3A_2675 : memref<8xi32, #tpu.memory_space<vmem>>) semaphore(%arg15 : memref<!tpu.dma_semaphore, #tpu.memory_space<semaphore_mem>>)
    %dma_start3A_2679 = arith.constant 16 : i32
    %dma_start3A_2680 = tpu.memref_slice %arg10[%dma_start3A_2679] : memref<64xi32, #tpu.memory_space<vmem>> -> memref<8xi32, #tpu.memory_space<vmem>>
    %dma_start3A_2681 = arith.constant 0 : i32
    %dma_start3A_2682 = arith.constant 0 : i32
    %dma_start3A_2683 = tpu.memref_slice %arg4[%dma_start3A_2681, %dma_start3A_2682] : memref<32768x2048xf32, #tpu.memory_space<hbm>> -> memref<32768x2048xf32, #tpu.memory_space<hbm>>
    tpu.enqueue_indirect_dma source(%dma_start3A_2683 : memref<32768x2048xf32, #tpu.memory_space<hbm>>) target(%arg13 : memref<8x2048xf32, #tpu.memory_space<vmem>>) offsets(%dma_start3A_2680 : memref<8xi32, #tpu.memory_space<vmem>>) semaphore(%arg16 : memref<!tpu.dma_semaphore, #tpu.memory_space<semaphore_mem>>)
    %dma_wait3A_2684 = arith.constant 8 : i32
    %dma_wait3A_2685 = tpu.memref_slice %arg10[%dma_wait3A_2684] : memref<64xi32, #tpu.memory_space<vmem>> -> memref<8xi32, #tpu.memory_space<vmem>>
    %dma_wait3A_2686 = arith.constant 0 : i32
    %dma_wait3A_2687 = arith.constant 0 : i32
    %dma_wait3A_2688 = tpu.memref_slice %arg3[%dma_wait3A_2686, %dma_wait3A_2687] : memref<32768x2048xf32, #tpu.memory_space<hbm>> -> memref<32768x2048xf32, #tpu.memory_space<hbm>>
    tpu.wait_indirect_dma semaphore(%arg15 : memref<!tpu.dma_semaphore, #tpu.memory_space<semaphore_mem>>) src(%dma_wait3A_2688 : memref<32768x2048xf32, #tpu.memory_space<hbm>>) dst(%arg12 : memref<8x2048xf32, #tpu.memory_space<vmem>>)
    %dma_wait3A_2689 = arith.constant 8 : i32
    %dma_wait3A_2690 = tpu.memref_slice %arg10[%dma_wait3A_2689] : memref<64xi32, #tpu.memory_space<vmem>> -> memref<8xi32, #tpu.memory_space<vmem>>
    %dma_wait3A_2691 = arith.constant 0 : i32
    %dma_wait3A_2692 = arith.constant 0 : i32
    %dma_wait3A_2693 = tpu.memref_slice %arg4[%dma_wait3A_2691, %dma_wait3A_2692] : memref<32768x2048xf32, #tpu.memory_space<hbm>> -> memref<32768x2048xf32, #tpu.memory_space<hbm>>
    tpu.wait_indirect_dma semaphore(%arg16 : memref<!tpu.dma_semaphore, #tpu.memory_space<semaphore_mem>>) src(%dma_wait3A_2693 : memref<32768x2048xf32, #tpu.memory_space<hbm>>) dst(%arg14 : memref<8x2048xf32, #tpu.memory_space<vmem>>)
    %add3A_2694 = arith.constant 8 : i32
    %add3A_2695 = arith.addi %mul3A_2, %add3A_2694 : i32
    %dma_start3A_2696 = arith.constant 0 : i32
    %dma_start3A_2697 = tpu.memref_slice %arg6[%add3A_2695, %dma_start3A_2696] : memref<2048x2048xf32, #tpu.memory_space<hbm>> -> memref<8x2048xf32, #tpu.memory_space<hbm>>
    %dma_start3A_2698 = arith.constant 0 : i32
    %dma_start3A_2699 = tpu.memref_slice %arg6[%add3A_2695, %dma_start3A_2698] : memref<2048x2048xf32, #tpu.memory_space<hbm>> -> memref<8x2048xf32, #tpu.memory_space<hbm>>
    tpu.enqueue_dma source(%arg12 : memref<8x2048xf32, #tpu.memory_space<vmem>>) target(%dma_start3A_2699 : memref<8x2048xf32, #tpu.memory_space<hbm>>) target_semaphore(%arg17 : memref<!tpu.dma_semaphore, #tpu.memory_space<semaphore_mem>>)
    %dma_start3A_2700 = arith.constant 0 : i32
    %dma_start3A_2701 = tpu.memref_slice %arg7[%add3A_2695, %dma_start3A_2700] : memref<2048x2048xf32, #tpu.memory_space<hbm>> -> memref<8x2048xf32, #tpu.memory_space<hbm>>
    %dma_start3A_2702 = arith.constant 0 : i32
    %dma_start3A_2703 = tpu.memref_slice %arg7[%add3A_2695, %dma_start3A_2702] : memref<2048x2048xf32, #tpu.memory_space<hbm>> -> memref<8x2048xf32, #tpu.memory_space<hbm>>
    tpu.enqueue_dma source(%arg14 : memref<8x2048xf32, #tpu.memory_space<vmem>>) target(%dma_start3A_2703 : memref<8x2048xf32, #tpu.memory_space<hbm>>) target_semaphore(%arg18 : memref<!tpu.dma_semaphore, #tpu.memory_space<semaphore_mem>>)
    %dma_wait3A_2704 = arith.constant 0 : i32
    %dma_wait3A_2705 = tpu.memref_slice %arg6[%add3A_2695, %dma_wait3A_2704] : memref<2048x2048xf32, #tpu.memory_space<hbm>> -> memref<8x2048xf32, #tpu.memory_space<hbm>>
    %dma_wait3A_2706 = arith.constant 0 : i32
    %dma_wait3A_2707 = tpu.memref_slice %arg6[%add3A_2695, %dma_wait3A_2706] : memref<2048x2048xf32, #tpu.memory_space<hbm>> -> memref<8x2048xf32, #tpu.memory_space<hbm>>
    tpu.wait_dma2 semaphore(%arg17 : memref<!tpu.dma_semaphore, #tpu.memory_space<semaphore_mem>>) src(%arg12 : memref<8x2048xf32, #tpu.memory_space<vmem>>) dst(%dma_wait3A_2707 : memref<8x2048xf32, #tpu.memory_space<hbm>>)
    %dma_wait3A_2708 = arith.constant 0 : i32
    %dma_wait3A_2709 = tpu.memref_slice %arg7[%add3A_2695, %dma_wait3A_2708] : memref<2048x2048xf32, #tpu.memory_space<hbm>> -> memref<8x2048xf32, #tpu.memory_space<hbm>>
    %dma_wait3A_2710 = arith.constant 0 : i32
    %dma_wait3A_2711 = tpu.memref_slice %arg7[%add3A_2695, %dma_wait3A_2710] : memref<2048x2048xf32, #tpu.memory_space<hbm>> -> memref<8x2048xf32, #tpu.memory_space<hbm>>
    tpu.wait_dma2 semaphore(%arg18 : memref<!tpu.dma_semaphore, #tpu.memory_space<semaphore_mem>>) src(%arg14 : memref<8x2048xf32, #tpu.memory_space<vmem>>) dst(%dma_wait3A_2711 : memref<8x2048xf32, #tpu.memory_space<hbm>>)
    %dma_start3A_2712 = arith.constant 24 : i32
    %dma_start3A_2713 = tpu.memref_slice %arg10[%dma_start3A_2712] : memref<64xi32, #tpu.memory_space<vmem>> -> memref<8xi32, #tpu.memory_space<vmem>>
    %dma_start3A_2714 = arith.constant 0 : i32
    %dma_start3A_2715 = arith.constant 0 : i32
    %dma_start3A_2716 = tpu.memref_slice %arg3[%dma_start3A_2714, %dma_start3A_2715] : memref<32768x2048xf32, #tpu.memory_space<hbm>> -> memref<32768x2048xf32, #tpu.memory_space<hbm>>
    tpu.enqueue_indirect_dma source(%dma_start3A_2716 : memref<32768x2048xf32, #tpu.memory_space<hbm>>) target(%arg12 : memref<8x2048xf32, #tpu.memory_space<vmem>>) offsets(%dma_start3A_2713 : memref<8xi32, #tpu.memory_space<vmem>>) semaphore(%arg15 : memref<!tpu.dma_semaphore, #tpu.memory_space<semaphore_mem>>)
    %dma_start3A_2717 = arith.constant 24 : i32
    %dma_start3A_2718 = tpu.memref_slice %arg10[%dma_start3A_2717] : memref<64xi32, #tpu.memory_space<vmem>> -> memref<8xi32, #tpu.memory_space<vmem>>
    %dma_start3A_2719 = arith.constant 0 : i32
    %dma_start3A_2720 = arith.constant 0 : i32
    %dma_start3A_2721 = tpu.memref_slice %arg4[%dma_start3A_2719, %dma_start3A_2720] : memref<32768x2048xf32, #tpu.memory_space<hbm>> -> memref<32768x2048xf32, #tpu.memory_space<hbm>>
    tpu.enqueue_indirect_dma source(%dma_start3A_2721 : memref<32768x2048xf32, #tpu.memory_space<hbm>>) target(%arg14 : memref<8x2048xf32, #tpu.memory_space<vmem>>) offsets(%dma_start3A_2718 : memref<8xi32, #tpu.memory_space<vmem>>) semaphore(%arg16 : memref<!tpu.dma_semaphore, #tpu.memory_space<semaphore_mem>>)
    %dma_wait3A_2722 = arith.constant 16 : i32
    %dma_wait3A_2723 = tpu.memref_slice %arg10[%dma_wait3A_2722] : memref<64xi32, #tpu.memory_space<vmem>> -> memref<8xi32, #tpu.memory_space<vmem>>
    %dma_wait3A_2724 = arith.constant 0 : i32
    %dma_wait3A_2725 = arith.constant 0 : i32
    %dma_wait3A_2726 = tpu.memref_slice %arg3[%dma_wait3A_2724, %dma_wait3A_2725] : memref<32768x2048xf32, #tpu.memory_space<hbm>> -> memref<32768x2048xf32, #tpu.memory_space<hbm>>
    tpu.wait_indirect_dma semaphore(%arg15 : memref<!tpu.dma_semaphore, #tpu.memory_space<semaphore_mem>>) src(%dma_wait3A_2726 : memref<32768x2048xf32, #tpu.memory_space<hbm>>) dst(%arg11 : memref<8x2048xf32, #tpu.memory_space<vmem>>)
    %dma_wait3A_2727 = arith.constant 16 : i32
    %dma_wait3A_2728 = tpu.memref_slice %arg10[%dma_wait3A_2727] : memref<64xi32, #tpu.memory_space<vmem>> -> memref<8xi32, #tpu.memory_space<vmem>>
    %dma_wait3A_2729 = arith.constant 0 : i32
    %dma_wait3A_2730 = arith.constant 0 : i32
    %dma_wait3A_2731 = tpu.memref_slice %arg4[%dma_wait3A_2729, %dma_wait3A_2730] : memref<32768x2048xf32, #tpu.memory_space<hbm>> -> memref<32768x2048xf32, #tpu.memory_space<hbm>>
    tpu.wait_indirect_dma semaphore(%arg16 : memref<!tpu.dma_semaphore, #tpu.memory_space<semaphore_mem>>) src(%dma_wait3A_2731 : memref<32768x2048xf32, #tpu.memory_space<hbm>>) dst(%arg13 : memref<8x2048xf32, #tpu.memory_space<vmem>>)
    %add3A_2732 = arith.constant 16 : i32
    %add3A_2733 = arith.addi %mul3A_2, %add3A_2732 : i32
    %dma_start3A_2734 = arith.constant 0 : i32
    %dma_start3A_2735 = tpu.memref_slice %arg6[%add3A_2733, %dma_start3A_2734] : memref<2048x2048xf32, #tpu.memory_space<hbm>> -> memref<8x2048xf32, #tpu.memory_space<hbm>>
    %dma_start3A_2736 = arith.constant 0 : i32
    %dma_start3A_2737 = tpu.memref_slice %arg6[%add3A_2733, %dma_start3A_2736] : memref<2048x2048xf32, #tpu.memory_space<hbm>> -> memref<8x2048xf32, #tpu.memory_space<hbm>>
    tpu.enqueue_dma source(%arg11 : memref<8x2048xf32, #tpu.memory_space<vmem>>) target(%dma_start3A_2737 : memref<8x2048xf32, #tpu.memory_space<hbm>>) target_semaphore(%arg17 : memref<!tpu.dma_semaphore, #tpu.memory_space<semaphore_mem>>)
    %dma_start3A_2738 = arith.constant 0 : i32
    %dma_start3A_2739 = tpu.memref_slice %arg7[%add3A_2733, %dma_start3A_2738] : memref<2048x2048xf32, #tpu.memory_space<hbm>> -> memref<8x2048xf32, #tpu.memory_space<hbm>>
    %dma_start3A_2740 = arith.constant 0 : i32
    %dma_start3A_2741 = tpu.memref_slice %arg7[%add3A_2733, %dma_start3A_2740] : memref<2048x2048xf32, #tpu.memory_space<hbm>> -> memref<8x2048xf32, #tpu.memory_space<hbm>>
    tpu.enqueue_dma source(%arg13 : memref<8x2048xf32, #tpu.memory_space<vmem>>) target(%dma_start3A_2741 : memref<8x2048xf32, #tpu.memory_space<hbm>>) target_semaphore(%arg18 : memref<!tpu.dma_semaphore, #tpu.memory_space<semaphore_mem>>)
    %dma_wait3A_2742 = arith.constant 0 : i32
    %dma_wait3A_2743 = tpu.memref_slice %arg6[%add3A_2733, %dma_wait3A_2742] : memref<2048x2048xf32, #tpu.memory_space<hbm>> -> memref<8x2048xf32, #tpu.memory_space<hbm>>
    %dma_wait3A_2744 = arith.constant 0 : i32
    %dma_wait3A_2745 = tpu.memref_slice %arg6[%add3A_2733, %dma_wait3A_2744] : memref<2048x2048xf32, #tpu.memory_space<hbm>> -> memref<8x2048xf32, #tpu.memory_space<hbm>>
    tpu.wait_dma2 semaphore(%arg17 : memref<!tpu.dma_semaphore, #tpu.memory_space<semaphore_mem>>) src(%arg11 : memref<8x2048xf32, #tpu.memory_space<vmem>>) dst(%dma_wait3A_2745 : memref<8x2048xf32, #tpu.memory_space<hbm>>)
    %dma_wait3A_2746 = arith.constant 0 : i32
    %dma_wait3A_2747 = tpu.memref_slice %arg7[%add3A_2733, %dma_wait3A_2746] : memref<2048x2048xf32, #tpu.memory_space<hbm>> -> memref<8x2048xf32, #tpu.memory_space<hbm>>
    %dma_wait3A_2748 = arith.constant 0 : i32
    %dma_wait3A_2749 = tpu.memref_slice %arg7[%add3A_2733, %dma_wait3A_2748] : memref<2048x2048xf32, #tpu.memory_space<hbm>> -> memref<8x2048xf32, #tpu.memory_space<hbm>>
    tpu.wait_dma2 semaphore(%arg18 : memref<!tpu.dma_semaphore, #tpu.memory_space<semaphore_mem>>) src(%arg13 : memref<8x2048xf32, #tpu.memory_space<vmem>>) dst(%dma_wait3A_2749 : memref<8x2048xf32, #tpu.memory_space<hbm>>)
    %dma_start3A_2750 = arith.constant 32 : i32
    %dma_start3A_2751 = tpu.memref_slice %arg10[%dma_start3A_2750] : memref<64xi32, #tpu.memory_space<vmem>> -> memref<8xi32, #tpu.memory_space<vmem>>
    %dma_start3A_2752 = arith.constant 0 : i32
    %dma_start3A_2753 = arith.constant 0 : i32
    %dma_start3A_2754 = tpu.memref_slice %arg3[%dma_start3A_2752, %dma_start3A_2753] : memref<32768x2048xf32, #tpu.memory_space<hbm>> -> memref<32768x2048xf32, #tpu.memory_space<hbm>>
    tpu.enqueue_indirect_dma source(%dma_start3A_2754 : memref<32768x2048xf32, #tpu.memory_space<hbm>>) target(%arg11 : memref<8x2048xf32, #tpu.memory_space<vmem>>) offsets(%dma_start3A_2751 : memref<8xi32, #tpu.memory_space<vmem>>) semaphore(%arg15 : memref<!tpu.dma_semaphore, #tpu.memory_space<semaphore_mem>>)
    %dma_start3A_2755 = arith.constant 32 : i32
    %dma_start3A_2756 = tpu.memref_slice %arg10[%dma_start3A_2755] : memref<64xi32, #tpu.memory_space<vmem>> -> memref<8xi32, #tpu.memory_space<vmem>>
    %dma_start3A_2757 = arith.constant 0 : i32
    %dma_start3A_2758 = arith.constant 0 : i32
    %dma_start3A_2759 = tpu.memref_slice %arg4[%dma_start3A_2757, %dma_start3A_2758] : memref<32768x2048xf32, #tpu.memory_space<hbm>> -> memref<32768x2048xf32, #tpu.memory_space<hbm>>
    tpu.enqueue_indirect_dma source(%dma_start3A_2759 : memref<32768x2048xf32, #tpu.memory_space<hbm>>) target(%arg13 : memref<8x2048xf32, #tpu.memory_space<vmem>>) offsets(%dma_start3A_2756 : memref<8xi32, #tpu.memory_space<vmem>>) semaphore(%arg16 : memref<!tpu.dma_semaphore, #tpu.memory_space<semaphore_mem>>)
    %dma_wait3A_2760 = arith.constant 24 : i32
    %dma_wait3A_2761 = tpu.memref_slice %arg10[%dma_wait3A_2760] : memref<64xi32, #tpu.memory_space<vmem>> -> memref<8xi32, #tpu.memory_space<vmem>>
    %dma_wait3A_2762 = arith.constant 0 : i32
    %dma_wait3A_2763 = arith.constant 0 : i32
    %dma_wait3A_2764 = tpu.memref_slice %arg3[%dma_wait3A_2762, %dma_wait3A_2763] : memref<32768x2048xf32, #tpu.memory_space<hbm>> -> memref<32768x2048xf32, #tpu.memory_space<hbm>>
    tpu.wait_indirect_dma semaphore(%arg15 : memref<!tpu.dma_semaphore, #tpu.memory_space<semaphore_mem>>) src(%dma_wait3A_2764 : memref<32768x2048xf32, #tpu.memory_space<hbm>>) dst(%arg12 : memref<8x2048xf32, #tpu.memory_space<vmem>>)
    %dma_wait3A_2765 = arith.constant 24 : i32
    %dma_wait3A_2766 = tpu.memref_slice %arg10[%dma_wait3A_2765] : memref<64xi32, #tpu.memory_space<vmem>> -> memref<8xi32, #tpu.memory_space<vmem>>
    %dma_wait3A_2767 = arith.constant 0 : i32
    %dma_wait3A_2768 = arith.constant 0 : i32
    %dma_wait3A_2769 = tpu.memref_slice %arg4[%dma_wait3A_2767, %dma_wait3A_2768] : memref<32768x2048xf32, #tpu.memory_space<hbm>> -> memref<32768x2048xf32, #tpu.memory_space<hbm>>
    tpu.wait_indirect_dma semaphore(%arg16 : memref<!tpu.dma_semaphore, #tpu.memory_space<semaphore_mem>>) src(%dma_wait3A_2769 : memref<32768x2048xf32, #tpu.memory_space<hbm>>) dst(%arg14 : memref<8x2048xf32, #tpu.memory_space<vmem>>)
    %add3A_2770 = arith.constant 24 : i32
    %add3A_2771 = arith.addi %mul3A_2, %add3A_2770 : i32
    %dma_start3A_2772 = arith.constant 0 : i32
    %dma_start3A_2773 = tpu.memref_slice %arg6[%add3A_2771, %dma_start3A_2772] : memref<2048x2048xf32, #tpu.memory_space<hbm>> -> memref<8x2048xf32, #tpu.memory_space<hbm>>
    %dma_start3A_2774 = arith.constant 0 : i32
    %dma_start3A_2775 = tpu.memref_slice %arg6[%add3A_2771, %dma_start3A_2774] : memref<2048x2048xf32, #tpu.memory_space<hbm>> -> memref<8x2048xf32, #tpu.memory_space<hbm>>
    tpu.enqueue_dma source(%arg12 : memref<8x2048xf32, #tpu.memory_space<vmem>>) target(%dma_start3A_2775 : memref<8x2048xf32, #tpu.memory_space<hbm>>) target_semaphore(%arg17 : memref<!tpu.dma_semaphore, #tpu.memory_space<semaphore_mem>>)
    %dma_start3A_2776 = arith.constant 0 : i32
    %dma_start3A_2777 = tpu.memref_slice %arg7[%add3A_2771, %dma_start3A_2776] : memref<2048x2048xf32, #tpu.memory_space<hbm>> -> memref<8x2048xf32, #tpu.memory_space<hbm>>
    %dma_start3A_2778 = arith.constant 0 : i32
    %dma_start3A_2779 = tpu.memref_slice %arg7[%add3A_2771, %dma_start3A_2778] : memref<2048x2048xf32, #tpu.memory_space<hbm>> -> memref<8x2048xf32, #tpu.memory_space<hbm>>
    tpu.enqueue_dma source(%arg14 : memref<8x2048xf32, #tpu.memory_space<vmem>>) target(%dma_start3A_2779 : memref<8x2048xf32, #tpu.memory_space<hbm>>) target_semaphore(%arg18 : memref<!tpu.dma_semaphore, #tpu.memory_space<semaphore_mem>>)
    %dma_wait3A_2780 = arith.constant 0 : i32
    %dma_wait3A_2781 = tpu.memref_slice %arg6[%add3A_2771, %dma_wait3A_2780] : memref<2048x2048xf32, #tpu.memory_space<hbm>> -> memref<8x2048xf32, #tpu.memory_space<hbm>>
    %dma_wait3A_2782 = arith.constant 0 : i32
    %dma_wait3A_2783 = tpu.memref_slice %arg6[%add3A_2771, %dma_wait3A_2782] : memref<2048x2048xf32, #tpu.memory_space<hbm>> -> memref<8x2048xf32, #tpu.memory_space<hbm>>
    tpu.wait_dma2 semaphore(%arg17 : memref<!tpu.dma_semaphore, #tpu.memory_space<semaphore_mem>>) src(%arg12 : memref<8x2048xf32, #tpu.memory_space<vmem>>) dst(%dma_wait3A_2783 : memref<8x2048xf32, #tpu.memory_space<hbm>>)
    %dma_wait3A_2784 = arith.constant 0 : i32
    %dma_wait3A_2785 = tpu.memref_slice %arg7[%add3A_2771, %dma_wait3A_2784] : memref<2048x2048xf32, #tpu.memory_space<hbm>> -> memref<8x2048xf32, #tpu.memory_space<hbm>>
    %dma_wait3A_2786 = arith.constant 0 : i32
    %dma_wait3A_2787 = tpu.memref_slice %arg7[%add3A_2771, %dma_wait3A_2786] : memref<2048x2048xf32, #tpu.memory_space<hbm>> -> memref<8x2048xf32, #tpu.memory_space<hbm>>
    tpu.wait_dma2 semaphore(%arg18 : memref<!tpu.dma_semaphore, #tpu.memory_space<semaphore_mem>>) src(%arg14 : memref<8x2048xf32, #tpu.memory_space<vmem>>) dst(%dma_wait3A_2787 : memref<8x2048xf32, #tpu.memory_space<hbm>>)
    %dma_start3A_2788 = arith.constant 40 : i32
    %dma_start3A_2789 = tpu.memref_slice %arg10[%dma_start3A_2788] : memref<64xi32, #tpu.memory_space<vmem>> -> memref<8xi32, #tpu.memory_space<vmem>>
    %dma_start3A_2790 = arith.constant 0 : i32
    %dma_start3A_2791 = arith.constant 0 : i32
    %dma_start3A_2792 = tpu.memref_slice %arg3[%dma_start3A_2790, %dma_start3A_2791] : memref<32768x2048xf32, #tpu.memory_space<hbm>> -> memref<32768x2048xf32, #tpu.memory_space<hbm>>
    tpu.enqueue_indirect_dma source(%dma_start3A_2792 : memref<32768x2048xf32, #tpu.memory_space<hbm>>) target(%arg12 : memref<8x2048xf32, #tpu.memory_space<vmem>>) offsets(%dma_start3A_2789 : memref<8xi32, #tpu.memory_space<vmem>>) semaphore(%arg15 : memref<!tpu.dma_semaphore, #tpu.memory_space<semaphore_mem>>)
    %dma_start3A_2793 = arith.constant 40 : i32
    %dma_start3A_2794 = tpu.memref_slice %arg10[%dma_start3A_2793] : memref<64xi32, #tpu.memory_space<vmem>> -> memref<8xi32, #tpu.memory_space<vmem>>
    %dma_start3A_2795 = arith.constant 0 : i32
    %dma_start3A_2796 = arith.constant 0 : i32
    %dma_start3A_2797 = tpu.memref_slice %arg4[%dma_start3A_2795, %dma_start3A_2796] : memref<32768x2048xf32, #tpu.memory_space<hbm>> -> memref<32768x2048xf32, #tpu.memory_space<hbm>>
    tpu.enqueue_indirect_dma source(%dma_start3A_2797 : memref<32768x2048xf32, #tpu.memory_space<hbm>>) target(%arg14 : memref<8x2048xf32, #tpu.memory_space<vmem>>) offsets(%dma_start3A_2794 : memref<8xi32, #tpu.memory_space<vmem>>) semaphore(%arg16 : memref<!tpu.dma_semaphore, #tpu.memory_space<semaphore_mem>>)
    %dma_wait3A_2798 = arith.constant 32 : i32
    %dma_wait3A_2799 = tpu.memref_slice %arg10[%dma_wait3A_2798] : memref<64xi32, #tpu.memory_space<vmem>> -> memref<8xi32, #tpu.memory_space<vmem>>
    %dma_wait3A_2800 = arith.constant 0 : i32
    %dma_wait3A_2801 = arith.constant 0 : i32
    %dma_wait3A_2802 = tpu.memref_slice %arg3[%dma_wait3A_2800, %dma_wait3A_2801] : memref<32768x2048xf32, #tpu.memory_space<hbm>> -> memref<32768x2048xf32, #tpu.memory_space<hbm>>
    tpu.wait_indirect_dma semaphore(%arg15 : memref<!tpu.dma_semaphore, #tpu.memory_space<semaphore_mem>>) src(%dma_wait3A_2802 : memref<32768x2048xf32, #tpu.memory_space<hbm>>) dst(%arg11 : memref<8x2048xf32, #tpu.memory_space<vmem>>)
    %dma_wait3A_2803 = arith.constant 32 : i32
    %dma_wait3A_2804 = tpu.memref_slice %arg10[%dma_wait3A_2803] : memref<64xi32, #tpu.memory_space<vmem>> -> memref<8xi32, #tpu.memory_space<vmem>>
    %dma_wait3A_2805 = arith.constant 0 : i32
    %dma_wait3A_2806 = arith.constant 0 : i32
    %dma_wait3A_2807 = tpu.memref_slice %arg4[%dma_wait3A_2805, %dma_wait3A_2806] : memref<32768x2048xf32, #tpu.memory_space<hbm>> -> memref<32768x2048xf32, #tpu.memory_space<hbm>>
    tpu.wait_indirect_dma semaphore(%arg16 : memref<!tpu.dma_semaphore, #tpu.memory_space<semaphore_mem>>) src(%dma_wait3A_2807 : memref<32768x2048xf32, #tpu.memory_space<hbm>>) dst(%arg13 : memref<8x2048xf32, #tpu.memory_space<vmem>>)
    %add3A_2808 = arith.constant 32 : i32
    %add3A_2809 = arith.addi %mul3A_2, %add3A_2808 : i32
    %dma_start3A_2810 = arith.constant 0 : i32
    %dma_start3A_2811 = tpu.memref_slice %arg6[%add3A_2809, %dma_start3A_2810] : memref<2048x2048xf32, #tpu.memory_space<hbm>> -> memref<8x2048xf32, #tpu.memory_space<hbm>>
    %dma_start3A_2812 = arith.constant 0 : i32
    %dma_start3A_2813 = tpu.memref_slice %arg6[%add3A_2809, %dma_start3A_2812] : memref<2048x2048xf32, #tpu.memory_space<hbm>> -> memref<8x2048xf32, #tpu.memory_space<hbm>>
    tpu.enqueue_dma source(%arg11 : memref<8x2048xf32, #tpu.memory_space<vmem>>) target(%dma_start3A_2813 : memref<8x2048xf32, #tpu.memory_space<hbm>>) target_semaphore(%arg17 : memref<!tpu.dma_semaphore, #tpu.memory_space<semaphore_mem>>)
    %dma_start3A_2814 = arith.constant 0 : i32
    %dma_start3A_2815 = tpu.memref_slice %arg7[%add3A_2809, %dma_start3A_2814] : memref<2048x2048xf32, #tpu.memory_space<hbm>> -> memref<8x2048xf32, #tpu.memory_space<hbm>>
    %dma_start3A_2816 = arith.constant 0 : i32
    %dma_start3A_2817 = tpu.memref_slice %arg7[%add3A_2809, %dma_start3A_2816] : memref<2048x2048xf32, #tpu.memory_space<hbm>> -> memref<8x2048xf32, #tpu.memory_space<hbm>>
    tpu.enqueue_dma source(%arg13 : memref<8x2048xf32, #tpu.memory_space<vmem>>) target(%dma_start3A_2817 : memref<8x2048xf32, #tpu.memory_space<hbm>>) target_semaphore(%arg18 : memref<!tpu.dma_semaphore, #tpu.memory_space<semaphore_mem>>)
    %dma_wait3A_2818 = arith.constant 0 : i32
    %dma_wait3A_2819 = tpu.memref_slice %arg6[%add3A_2809, %dma_wait3A_2818] : memref<2048x2048xf32, #tpu.memory_space<hbm>> -> memref<8x2048xf32, #tpu.memory_space<hbm>>
    %dma_wait3A_2820 = arith.constant 0 : i32
    %dma_wait3A_2821 = tpu.memref_slice %arg6[%add3A_2809, %dma_wait3A_2820] : memref<2048x2048xf32, #tpu.memory_space<hbm>> -> memref<8x2048xf32, #tpu.memory_space<hbm>>
    tpu.wait_dma2 semaphore(%arg17 : memref<!tpu.dma_semaphore, #tpu.memory_space<semaphore_mem>>) src(%arg11 : memref<8x2048xf32, #tpu.memory_space<vmem>>) dst(%dma_wait3A_2821 : memref<8x2048xf32, #tpu.memory_space<hbm>>)
    %dma_wait3A_2822 = arith.constant 0 : i32
    %dma_wait3A_2823 = tpu.memref_slice %arg7[%add3A_2809, %dma_wait3A_2822] : memref<2048x2048xf32, #tpu.memory_space<hbm>> -> memref<8x2048xf32, #tpu.memory_space<hbm>>
    %dma_wait3A_2824 = arith.constant 0 : i32
    %dma_wait3A_2825 = tpu.memref_slice %arg7[%add3A_2809, %dma_wait3A_2824] : memref<2048x2048xf32, #tpu.memory_space<hbm>> -> memref<8x2048xf32, #tpu.memory_space<hbm>>
    tpu.wait_dma2 semaphore(%arg18 : memref<!tpu.dma_semaphore, #tpu.memory_space<semaphore_mem>>) src(%arg13 : memref<8x2048xf32, #tpu.memory_space<vmem>>) dst(%dma_wait3A_2825 : memref<8x2048xf32, #tpu.memory_space<hbm>>)
    %dma_start3A_2826 = arith.constant 48 : i32
    %dma_start3A_2827 = tpu.memref_slice %arg10[%dma_start3A_2826] : memref<64xi32, #tpu.memory_space<vmem>> -> memref<8xi32, #tpu.memory_space<vmem>>
    %dma_start3A_2828 = arith.constant 0 : i32
    %dma_start3A_2829 = arith.constant 0 : i32
    %dma_start3A_2830 = tpu.memref_slice %arg3[%dma_start3A_2828, %dma_start3A_2829] : memref<32768x2048xf32, #tpu.memory_space<hbm>> -> memref<32768x2048xf32, #tpu.memory_space<hbm>>
    tpu.enqueue_indirect_dma source(%dma_start3A_2830 : memref<32768x2048xf32, #tpu.memory_space<hbm>>) target(%arg11 : memref<8x2048xf32, #tpu.memory_space<vmem>>) offsets(%dma_start3A_2827 : memref<8xi32, #tpu.memory_space<vmem>>) semaphore(%arg15 : memref<!tpu.dma_semaphore, #tpu.memory_space<semaphore_mem>>)
    %dma_start3A_2831 = arith.constant 48 : i32
    %dma_start3A_2832 = tpu.memref_slice %arg10[%dma_start3A_2831] : memref<64xi32, #tpu.memory_space<vmem>> -> memref<8xi32, #tpu.memory_space<vmem>>
    %dma_start3A_2833 = arith.constant 0 : i32
    %dma_start3A_2834 = arith.constant 0 : i32
    %dma_start3A_2835 = tpu.memref_slice %arg4[%dma_start3A_2833, %dma_start3A_2834] : memref<32768x2048xf32, #tpu.memory_space<hbm>> -> memref<32768x2048xf32, #tpu.memory_space<hbm>>
    tpu.enqueue_indirect_dma source(%dma_start3A_2835 : memref<32768x2048xf32, #tpu.memory_space<hbm>>) target(%arg13 : memref<8x2048xf32, #tpu.memory_space<vmem>>) offsets(%dma_start3A_2832 : memref<8xi32, #tpu.memory_space<vmem>>) semaphore(%arg16 : memref<!tpu.dma_semaphore, #tpu.memory_space<semaphore_mem>>)
    %dma_wait3A_2836 = arith.constant 40 : i32
    %dma_wait3A_2837 = tpu.memref_slice %arg10[%dma_wait3A_2836] : memref<64xi32, #tpu.memory_space<vmem>> -> memref<8xi32, #tpu.memory_space<vmem>>
    %dma_wait3A_2838 = arith.constant 0 : i32
    %dma_wait3A_2839 = arith.constant 0 : i32
    %dma_wait3A_2840 = tpu.memref_slice %arg3[%dma_wait3A_2838, %dma_wait3A_2839] : memref<32768x2048xf32, #tpu.memory_space<hbm>> -> memref<32768x2048xf32, #tpu.memory_space<hbm>>
    tpu.wait_indirect_dma semaphore(%arg15 : memref<!tpu.dma_semaphore, #tpu.memory_space<semaphore_mem>>) src(%dma_wait3A_2840 : memref<32768x2048xf32, #tpu.memory_space<hbm>>) dst(%arg12 : memref<8x2048xf32, #tpu.memory_space<vmem>>)
    %dma_wait3A_2841 = arith.constant 40 : i32
    %dma_wait3A_2842 = tpu.memref_slice %arg10[%dma_wait3A_2841] : memref<64xi32, #tpu.memory_space<vmem>> -> memref<8xi32, #tpu.memory_space<vmem>>
    %dma_wait3A_2843 = arith.constant 0 : i32
    %dma_wait3A_2844 = arith.constant 0 : i32
    %dma_wait3A_2845 = tpu.memref_slice %arg4[%dma_wait3A_2843, %dma_wait3A_2844] : memref<32768x2048xf32, #tpu.memory_space<hbm>> -> memref<32768x2048xf32, #tpu.memory_space<hbm>>
    tpu.wait_indirect_dma semaphore(%arg16 : memref<!tpu.dma_semaphore, #tpu.memory_space<semaphore_mem>>) src(%dma_wait3A_2845 : memref<32768x2048xf32, #tpu.memory_space<hbm>>) dst(%arg14 : memref<8x2048xf32, #tpu.memory_space<vmem>>)
    %add3A_2846 = arith.constant 40 : i32
    %add3A_2847 = arith.addi %mul3A_2, %add3A_2846 : i32
    %dma_start3A_2848 = arith.constant 0 : i32
    %dma_start3A_2849 = tpu.memref_slice %arg6[%add3A_2847, %dma_start3A_2848] : memref<2048x2048xf32, #tpu.memory_space<hbm>> -> memref<8x2048xf32, #tpu.memory_space<hbm>>
    %dma_start3A_2850 = arith.constant 0 : i32
    %dma_start3A_2851 = tpu.memref_slice %arg6[%add3A_2847, %dma_start3A_2850] : memref<2048x2048xf32, #tpu.memory_space<hbm>> -> memref<8x2048xf32, #tpu.memory_space<hbm>>
    tpu.enqueue_dma source(%arg12 : memref<8x2048xf32, #tpu.memory_space<vmem>>) target(%dma_start3A_2851 : memref<8x2048xf32, #tpu.memory_space<hbm>>) target_semaphore(%arg17 : memref<!tpu.dma_semaphore, #tpu.memory_space<semaphore_mem>>)
    %dma_start3A_2852 = arith.constant 0 : i32
    %dma_start3A_2853 = tpu.memref_slice %arg7[%add3A_2847, %dma_start3A_2852] : memref<2048x2048xf32, #tpu.memory_space<hbm>> -> memref<8x2048xf32, #tpu.memory_space<hbm>>
    %dma_start3A_2854 = arith.constant 0 : i32
    %dma_start3A_2855 = tpu.memref_slice %arg7[%add3A_2847, %dma_start3A_2854] : memref<2048x2048xf32, #tpu.memory_space<hbm>> -> memref<8x2048xf32, #tpu.memory_space<hbm>>
    tpu.enqueue_dma source(%arg14 : memref<8x2048xf32, #tpu.memory_space<vmem>>) target(%dma_start3A_2855 : memref<8x2048xf32, #tpu.memory_space<hbm>>) target_semaphore(%arg18 : memref<!tpu.dma_semaphore, #tpu.memory_space<semaphore_mem>>)
    %dma_wait3A_2856 = arith.constant 0 : i32
    %dma_wait3A_2857 = tpu.memref_slice %arg6[%add3A_2847, %dma_wait3A_2856] : memref<2048x2048xf32, #tpu.memory_space<hbm>> -> memref<8x2048xf32, #tpu.memory_space<hbm>>
    %dma_wait3A_2858 = arith.constant 0 : i32
    %dma_wait3A_2859 = tpu.memref_slice %arg6[%add3A_2847, %dma_wait3A_2858] : memref<2048x2048xf32, #tpu.memory_space<hbm>> -> memref<8x2048xf32, #tpu.memory_space<hbm>>
    tpu.wait_dma2 semaphore(%arg17 : memref<!tpu.dma_semaphore, #tpu.memory_space<semaphore_mem>>) src(%arg12 : memref<8x2048xf32, #tpu.memory_space<vmem>>) dst(%dma_wait3A_2859 : memref<8x2048xf32, #tpu.memory_space<hbm>>)
    %dma_wait3A_2860 = arith.constant 0 : i32
    %dma_wait3A_2861 = tpu.memref_slice %arg7[%add3A_2847, %dma_wait3A_2860] : memref<2048x2048xf32, #tpu.memory_space<hbm>> -> memref<8x2048xf32, #tpu.memory_space<hbm>>
    %dma_wait3A_2862 = arith.constant 0 : i32
    %dma_wait3A_2863 = tpu.memref_slice %arg7[%add3A_2847, %dma_wait3A_2862] : memref<2048x2048xf32, #tpu.memory_space<hbm>> -> memref<8x2048xf32, #tpu.memory_space<hbm>>
    tpu.wait_dma2 semaphore(%arg18 : memref<!tpu.dma_semaphore, #tpu.memory_space<semaphore_mem>>) src(%arg14 : memref<8x2048xf32, #tpu.memory_space<vmem>>) dst(%dma_wait3A_2863 : memref<8x2048xf32, #tpu.memory_space<hbm>>)
    %dma_start3A_2864 = arith.constant 56 : i32
    %dma_start3A_2865 = tpu.memref_slice %arg10[%dma_start3A_2864] : memref<64xi32, #tpu.memory_space<vmem>> -> memref<8xi32, #tpu.memory_space<vmem>>
    %dma_start3A_2866 = arith.constant 0 : i32
    %dma_start3A_2867 = arith.constant 0 : i32
    %dma_start3A_2868 = tpu.memref_slice %arg3[%dma_start3A_2866, %dma_start3A_2867] : memref<32768x2048xf32, #tpu.memory_space<hbm>> -> memref<32768x2048xf32, #tpu.memory_space<hbm>>
    tpu.enqueue_indirect_dma source(%dma_start3A_2868 : memref<32768x2048xf32, #tpu.memory_space<hbm>>) target(%arg12 : memref<8x2048xf32, #tpu.memory_space<vmem>>) offsets(%dma_start3A_2865 : memref<8xi32, #tpu.memory_space<vmem>>) semaphore(%arg15 : memref<!tpu.dma_semaphore, #tpu.memory_space<semaphore_mem>>)
    %dma_start3A_2869 = arith.constant 56 : i32
    %dma_start3A_2870 = tpu.memref_slice %arg10[%dma_start3A_2869] : memref<64xi32, #tpu.memory_space<vmem>> -> memref<8xi32, #tpu.memory_space<vmem>>
    %dma_start3A_2871 = arith.constant 0 : i32
    %dma_start3A_2872 = arith.constant 0 : i32
    %dma_start3A_2873 = tpu.memref_slice %arg4[%dma_start3A_2871, %dma_start3A_2872] : memref<32768x2048xf32, #tpu.memory_space<hbm>> -> memref<32768x2048xf32, #tpu.memory_space<hbm>>
    tpu.enqueue_indirect_dma source(%dma_start3A_2873 : memref<32768x2048xf32, #tpu.memory_space<hbm>>) target(%arg14 : memref<8x2048xf32, #tpu.memory_space<vmem>>) offsets(%dma_start3A_2870 : memref<8xi32, #tpu.memory_space<vmem>>) semaphore(%arg16 : memref<!tpu.dma_semaphore, #tpu.memory_space<semaphore_mem>>)
    %dma_wait3A_2874 = arith.constant 48 : i32
    %dma_wait3A_2875 = tpu.memref_slice %arg10[%dma_wait3A_2874] : memref<64xi32, #tpu.memory_space<vmem>> -> memref<8xi32, #tpu.memory_space<vmem>>
    %dma_wait3A_2876 = arith.constant 0 : i32
    %dma_wait3A_2877 = arith.constant 0 : i32
    %dma_wait3A_2878 = tpu.memref_slice %arg3[%dma_wait3A_2876, %dma_wait3A_2877] : memref<32768x2048xf32, #tpu.memory_space<hbm>> -> memref<32768x2048xf32, #tpu.memory_space<hbm>>
    tpu.wait_indirect_dma semaphore(%arg15 : memref<!tpu.dma_semaphore, #tpu.memory_space<semaphore_mem>>) src(%dma_wait3A_2878 : memref<32768x2048xf32, #tpu.memory_space<hbm>>) dst(%arg11 : memref<8x2048xf32, #tpu.memory_space<vmem>>)
    %dma_wait3A_2879 = arith.constant 48 : i32
    %dma_wait3A_2880 = tpu.memref_slice %arg10[%dma_wait3A_2879] : memref<64xi32, #tpu.memory_space<vmem>> -> memref<8xi32, #tpu.memory_space<vmem>>
    %dma_wait3A_2881 = arith.constant 0 : i32
    %dma_wait3A_2882 = arith.constant 0 : i32
    %dma_wait3A_2883 = tpu.memref_slice %arg4[%dma_wait3A_2881, %dma_wait3A_2882] : memref<32768x2048xf32, #tpu.memory_space<hbm>> -> memref<32768x2048xf32, #tpu.memory_space<hbm>>
    tpu.wait_indirect_dma semaphore(%arg16 : memref<!tpu.dma_semaphore, #tpu.memory_space<semaphore_mem>>) src(%dma_wait3A_2883 : memref<32768x2048xf32, #tpu.memory_space<hbm>>) dst(%arg13 : memref<8x2048xf32, #tpu.memory_space<vmem>>)
    %add3A_2884 = arith.constant 48 : i32
    %add3A_2885 = arith.addi %mul3A_2, %add3A_2884 : i32
    %dma_start3A_2886 = arith.constant 0 : i32
    %dma_start3A_2887 = tpu.memref_slice %arg6[%add3A_2885, %dma_start3A_2886] : memref<2048x2048xf32, #tpu.memory_space<hbm>> -> memref<8x2048xf32, #tpu.memory_space<hbm>>
    %dma_start3A_2888 = arith.constant 0 : i32
    %dma_start3A_2889 = tpu.memref_slice %arg6[%add3A_2885, %dma_start3A_2888] : memref<2048x2048xf32, #tpu.memory_space<hbm>> -> memref<8x2048xf32, #tpu.memory_space<hbm>>
    tpu.enqueue_dma source(%arg11 : memref<8x2048xf32, #tpu.memory_space<vmem>>) target(%dma_start3A_2889 : memref<8x2048xf32, #tpu.memory_space<hbm>>) target_semaphore(%arg17 : memref<!tpu.dma_semaphore, #tpu.memory_space<semaphore_mem>>)
    %dma_start3A_2890 = arith.constant 0 : i32
    %dma_start3A_2891 = tpu.memref_slice %arg7[%add3A_2885, %dma_start3A_2890] : memref<2048x2048xf32, #tpu.memory_space<hbm>> -> memref<8x2048xf32, #tpu.memory_space<hbm>>
    %dma_start3A_2892 = arith.constant 0 : i32
    %dma_start3A_2893 = tpu.memref_slice %arg7[%add3A_2885, %dma_start3A_2892] : memref<2048x2048xf32, #tpu.memory_space<hbm>> -> memref<8x2048xf32, #tpu.memory_space<hbm>>
    tpu.enqueue_dma source(%arg13 : memref<8x2048xf32, #tpu.memory_space<vmem>>) target(%dma_start3A_2893 : memref<8x2048xf32, #tpu.memory_space<hbm>>) target_semaphore(%arg18 : memref<!tpu.dma_semaphore, #tpu.memory_space<semaphore_mem>>)
    %dma_wait3A_2894 = arith.constant 56 : i32
    %dma_wait3A_2895 = tpu.memref_slice %arg10[%dma_wait3A_2894] : memref<64xi32, #tpu.memory_space<vmem>> -> memref<8xi32, #tpu.memory_space<vmem>>
    %dma_wait3A_2896 = arith.constant 0 : i32
    %dma_wait3A_2897 = arith.constant 0 : i32
    %dma_wait3A_2898 = tpu.memref_slice %arg3[%dma_wait3A_2896, %dma_wait3A_2897] : memref<32768x2048xf32, #tpu.memory_space<hbm>> -> memref<32768x2048xf32, #tpu.memory_space<hbm>>
    tpu.wait_indirect_dma semaphore(%arg15 : memref<!tpu.dma_semaphore, #tpu.memory_space<semaphore_mem>>) src(%dma_wait3A_2898 : memref<32768x2048xf32, #tpu.memory_space<hbm>>) dst(%arg12 : memref<8x2048xf32, #tpu.memory_space<vmem>>)
    %dma_wait3A_2899 = arith.constant 56 : i32
    %dma_wait3A_2900 = tpu.memref_slice %arg10[%dma_wait3A_2899] : memref<64xi32, #tpu.memory_space<vmem>> -> memref<8xi32, #tpu.memory_space<vmem>>
    %dma_wait3A_2901 = arith.constant 0 : i32
    %dma_wait3A_2902 = arith.constant 0 : i32
    %dma_wait3A_2903 = tpu.memref_slice %arg4[%dma_wait3A_2901, %dma_wait3A_2902] : memref<32768x2048xf32, #tpu.memory_space<hbm>> -> memref<32768x2048xf32, #tpu.memory_space<hbm>>
    tpu.wait_indirect_dma semaphore(%arg16 : memref<!tpu.dma_semaphore, #tpu.memory_space<semaphore_mem>>) src(%dma_wait3A_2903 : memref<32768x2048xf32, #tpu.memory_space<hbm>>) dst(%arg14 : memref<8x2048xf32, #tpu.memory_space<vmem>>)
    %add3A_2904 = arith.constant 56 : i32
    %add3A_2905 = arith.addi %mul3A_2, %add3A_2904 : i32
    %dma_start3A_2906 = arith.constant 0 : i32
    %dma_start3A_2907 = tpu.memref_slice %arg6[%add3A_2905, %dma_start3A_2906] : memref<2048x2048xf32, #tpu.memory_space<hbm>> -> memref<8x2048xf32, #tpu.memory_space<hbm>>
    %dma_start3A_2908 = arith.constant 0 : i32
    %dma_start3A_2909 = tpu.memref_slice %arg6[%add3A_2905, %dma_start3A_2908] : memref<2048x2048xf32, #tpu.memory_space<hbm>> -> memref<8x2048xf32, #tpu.memory_space<hbm>>
    tpu.enqueue_dma source(%arg12 : memref<8x2048xf32, #tpu.memory_space<vmem>>) target(%dma_start3A_2909 : memref<8x2048xf32, #tpu.memory_space<hbm>>) target_semaphore(%arg17 : memref<!tpu.dma_semaphore, #tpu.memory_space<semaphore_mem>>)
    %dma_start3A_2910 = arith.constant 0 : i32
    %dma_start3A_2911 = tpu.memref_slice %arg7[%add3A_2905, %dma_start3A_2910] : memref<2048x2048xf32, #tpu.memory_space<hbm>> -> memref<8x2048xf32, #tpu.memory_space<hbm>>
    %dma_start3A_2912 = arith.constant 0 : i32
    %dma_start3A_2913 = tpu.memref_slice %arg7[%add3A_2905, %dma_start3A_2912] : memref<2048x2048xf32, #tpu.memory_space<hbm>> -> memref<8x2048xf32, #tpu.memory_space<hbm>>
    tpu.enqueue_dma source(%arg14 : memref<8x2048xf32, #tpu.memory_space<vmem>>) target(%dma_start3A_2913 : memref<8x2048xf32, #tpu.memory_space<hbm>>) target_semaphore(%arg18 : memref<!tpu.dma_semaphore, #tpu.memory_space<semaphore_mem>>)
    %dma_wait3A_2914 = arith.constant 0 : i32
    %dma_wait3A_2915 = tpu.memref_slice %arg6[%add3A_2885, %dma_wait3A_2914] : memref<2048x2048xf32, #tpu.memory_space<hbm>> -> memref<8x2048xf32, #tpu.memory_space<hbm>>
    %dma_wait3A_2916 = arith.constant 0 : i32
    %dma_wait3A_2917 = tpu.memref_slice %arg6[%add3A_2885, %dma_wait3A_2916] : memref<2048x2048xf32, #tpu.memory_space<hbm>> -> memref<8x2048xf32, #tpu.memory_space<hbm>>
    tpu.wait_dma2 semaphore(%arg17 : memref<!tpu.dma_semaphore, #tpu.memory_space<semaphore_mem>>) src(%arg11 : memref<8x2048xf32, #tpu.memory_space<vmem>>) dst(%dma_wait3A_2917 : memref<8x2048xf32, #tpu.memory_space<hbm>>)
    %dma_wait3A_2918 = arith.constant 0 : i32
    %dma_wait3A_2919 = tpu.memref_slice %arg7[%add3A_2885, %dma_wait3A_2918] : memref<2048x2048xf32, #tpu.memory_space<hbm>> -> memref<8x2048xf32, #tpu.memory_space<hbm>>
    %dma_wait3A_2920 = arith.constant 0 : i32
    %dma_wait3A_2921 = tpu.memref_slice %arg7[%add3A_2885, %dma_wait3A_2920] : memref<2048x2048xf32, #tpu.memory_space<hbm>> -> memref<8x2048xf32, #tpu.memory_space<hbm>>
    tpu.wait_dma2 semaphore(%arg18 : memref<!tpu.dma_semaphore, #tpu.memory_space<semaphore_mem>>) src(%arg13 : memref<8x2048xf32, #tpu.memory_space<vmem>>) dst(%dma_wait3A_2921 : memref<8x2048xf32, #tpu.memory_space<hbm>>)
    %dma_wait3A_2922 = arith.constant 0 : i32
    %dma_wait3A_2923 = tpu.memref_slice %arg6[%add3A_2905, %dma_wait3A_2922] : memref<2048x2048xf32, #tpu.memory_space<hbm>> -> memref<8x2048xf32, #tpu.memory_space<hbm>>
    %dma_wait3A_2924 = arith.constant 0 : i32
    %dma_wait3A_2925 = tpu.memref_slice %arg6[%add3A_2905, %dma_wait3A_2924] : memref<2048x2048xf32, #tpu.memory_space<hbm>> -> memref<8x2048xf32, #tpu.memory_space<hbm>>
    tpu.wait_dma2 semaphore(%arg17 : memref<!tpu.dma_semaphore, #tpu.memory_space<semaphore_mem>>) src(%arg12 : memref<8x2048xf32, #tpu.memory_space<vmem>>) dst(%dma_wait3A_2925 : memref<8x2048xf32, #tpu.memory_space<hbm>>)
    %dma_wait3A_2926 = arith.constant 0 : i32
    %dma_wait3A_2927 = tpu.memref_slice %arg7[%add3A_2905, %dma_wait3A_2926] : memref<2048x2048xf32, #tpu.memory_space<hbm>> -> memref<8x2048xf32, #tpu.memory_space<hbm>>
    %dma_wait3A_2928 = arith.constant 0 : i32
    %dma_wait3A_2929 = tpu.memref_slice %arg7[%add3A_2905, %dma_wait3A_2928] : memref<2048x2048xf32, #tpu.memory_space<hbm>> -> memref<8x2048xf32, #tpu.memory_space<hbm>>
    tpu.wait_dma2 semaphore(%arg18 : memref<!tpu.dma_semaphore, #tpu.memory_space<semaphore_mem>>) src(%arg14 : memref<8x2048xf32, #tpu.memory_space<vmem>>) dst(%dma_wait3A_2929 : memref<8x2048xf32, #tpu.memory_space<hbm>>)
    return
  }
}

module attributes {stable_mosaic.version = 14 : i64} {
  func.func @_rng_reparam_body(%arg0: i32, %arg1: memref<256x2048xf32, #tpu.memory_space<vmem>>, %arg2: memref<256x2048xf32, #tpu.memory_space<vmem>>, %arg3: memref<256x2048xf32, #tpu.memory_space<vmem>>) attributes {dimension_semantics = [#tpu.dimension_semantics<arbitrary>], iteration_bounds = array<i64: 5>, scalar_prefetch = 0 : i64, scratch_operands = 0 : i64, tpu.core_type = #tpu.core_type<tc>, window_params = [{transform_indices = @transform_0, window_bounds = array<i64: 256, 2048>}, {transform_indices = @transform_1, window_bounds = array<i64: 256, 2048>}, {transform_indices = @transform_2, window_bounds = array<i64: 256, 2048>}]} {
    %iota3A = tpu.iota {dimensions = array<i32: 0>} : vector<256x2048xi32>
    %iota3A_0 = tpu.iota {dimensions = array<i32: 1>} : vector<256x2048xi32>
    %mul3A = arith.constant 256 : i32
    %mul3A_1 = arith.muli %arg0, %mul3A : i32
    %add3A = arith.constant 768 : i32
    %add3A_2 = arith.addi %add3A, %mul3A_1 : i32
    %add3A_3 = vector.broadcast %add3A_2 : i32 to vector<256x2048xi32>
    %add3A_4 = arith.addi %add3A_3, %iota3A : vector<256x2048xi32>
    %mul3A_5 = arith.constant 2048 : i32
    %mul3A_6 = vector.broadcast %mul3A_5 : i32 to vector<256x2048xi32>
    %mul3A_7 = arith.muli %add3A_4, %mul3A_6 : vector<256x2048xi32>
    %add3A_8 = arith.addi %mul3A_7, %iota3A_0 : vector<256x2048xi32>
    %broadcast_in_dim3A = arith.constant 0 : i32
    %broadcast_in_dim3A_9 = vector.broadcast %broadcast_in_dim3A : i32 to vector<256x2048xi32>
    %add3A_10 = arith.constant -1829035798 : i32
    %add3A_11 = vector.broadcast %add3A_10 : i32 to vector<256x2048xi32>
    %add3A_12 = arith.addi %broadcast_in_dim3A_9, %add3A_11 : vector<256x2048xi32>
    %add3A_13 = arith.constant 255383827 : i32
    %add3A_14 = vector.broadcast %add3A_13 : i32 to vector<256x2048xi32>
    %add3A_15 = arith.addi %add3A_8, %add3A_14 : vector<256x2048xi32>
    %add3A_16 = arith.addi %add3A_12, %add3A_15 : vector<256x2048xi32>
    %shift_left3A = arith.constant 13 : i32
    %shift_left3A_17 = vector.broadcast %shift_left3A : i32 to vector<256x2048xi32>
    %shift_left3A_18 = arith.shli %add3A_15, %shift_left3A_17 : vector<256x2048xi32>
    %shift_right_logical3A = arith.constant 19 : i32
    %shift_right_logical3A_19 = vector.broadcast %shift_right_logical3A : i32 to vector<256x2048xi32>
    %shift_right_logical3A_20 = arith.shrui %add3A_15, %shift_right_logical3A_19 : vector<256x2048xi32>
    %or3A = arith.ori %shift_left3A_18, %shift_right_logical3A_20 : vector<256x2048xi32>
    %xor3A = arith.xori %add3A_16, %or3A : vector<256x2048xi32>
    %add3A_21 = arith.addi %add3A_16, %xor3A : vector<256x2048xi32>
    %shift_left3A_22 = arith.constant 15 : i32
    %shift_left3A_23 = vector.broadcast %shift_left3A_22 : i32 to vector<256x2048xi32>
    %shift_left3A_24 = arith.shli %xor3A, %shift_left3A_23 : vector<256x2048xi32>
    %shift_right_logical3A_25 = arith.constant 17 : i32
    %shift_right_logical3A_26 = vector.broadcast %shift_right_logical3A_25 : i32 to vector<256x2048xi32>
    %shift_right_logical3A_27 = arith.shrui %xor3A, %shift_right_logical3A_26 : vector<256x2048xi32>
    %or3A_28 = arith.ori %shift_left3A_24, %shift_right_logical3A_27 : vector<256x2048xi32>
    %xor3A_29 = arith.xori %add3A_21, %or3A_28 : vector<256x2048xi32>
    %add3A_30 = arith.addi %add3A_21, %xor3A_29 : vector<256x2048xi32>
    %shift_left3A_31 = arith.constant 26 : i32
    %shift_left3A_32 = vector.broadcast %shift_left3A_31 : i32 to vector<256x2048xi32>
    %shift_left3A_33 = arith.shli %xor3A_29, %shift_left3A_32 : vector<256x2048xi32>
    %shift_right_logical3A_34 = arith.constant 6 : i32
    %shift_right_logical3A_35 = vector.broadcast %shift_right_logical3A_34 : i32 to vector<256x2048xi32>
    %shift_right_logical3A_36 = arith.shrui %xor3A_29, %shift_right_logical3A_35 : vector<256x2048xi32>
    %or3A_37 = arith.ori %shift_left3A_33, %shift_right_logical3A_36 : vector<256x2048xi32>
    %xor3A_38 = arith.xori %add3A_30, %or3A_37 : vector<256x2048xi32>
    %add3A_39 = arith.addi %add3A_30, %xor3A_38 : vector<256x2048xi32>
    %shift_left3A_40 = arith.constant 6 : i32
    %shift_left3A_41 = vector.broadcast %shift_left3A_40 : i32 to vector<256x2048xi32>
    %shift_left3A_42 = arith.shli %xor3A_38, %shift_left3A_41 : vector<256x2048xi32>
    %shift_right_logical3A_43 = arith.constant 26 : i32
    %shift_right_logical3A_44 = vector.broadcast %shift_right_logical3A_43 : i32 to vector<256x2048xi32>
    %shift_right_logical3A_45 = arith.shrui %xor3A_38, %shift_right_logical3A_44 : vector<256x2048xi32>
    %or3A_46 = arith.ori %shift_left3A_42, %shift_right_logical3A_45 : vector<256x2048xi32>
    %xor3A_47 = arith.xori %add3A_39, %or3A_46 : vector<256x2048xi32>
    %add3A_48 = arith.constant 255383827 : i32
    %add3A_49 = vector.broadcast %add3A_48 : i32 to vector<256x2048xi32>
    %add3A_50 = arith.addi %add3A_39, %add3A_49 : vector<256x2048xi32>
    %add3A_51 = arith.constant -2045582813 : i32
    %add3A_52 = vector.broadcast %add3A_51 : i32 to vector<256x2048xi32>
    %add3A_53 = arith.addi %xor3A_47, %add3A_52 : vector<256x2048xi32>
    %add3A_54 = arith.constant 1 : i32
    %add3A_55 = vector.broadcast %add3A_54 : i32 to vector<256x2048xi32>
    %add3A_56 = arith.addi %add3A_53, %add3A_55 : vector<256x2048xi32>
    %add3A_57 = arith.addi %add3A_50, %add3A_56 : vector<256x2048xi32>
    %shift_left3A_58 = arith.constant 17 : i32
    %shift_left3A_59 = vector.broadcast %shift_left3A_58 : i32 to vector<256x2048xi32>
    %shift_left3A_60 = arith.shli %add3A_56, %shift_left3A_59 : vector<256x2048xi32>
    %shift_right_logical3A_61 = arith.constant 15 : i32
    %shift_right_logical3A_62 = vector.broadcast %shift_right_logical3A_61 : i32 to vector<256x2048xi32>
    %shift_right_logical3A_63 = arith.shrui %add3A_56, %shift_right_logical3A_62 : vector<256x2048xi32>
    %or3A_64 = arith.ori %shift_left3A_60, %shift_right_logical3A_63 : vector<256x2048xi32>
    %xor3A_65 = arith.xori %add3A_57, %or3A_64 : vector<256x2048xi32>
    %add3A_66 = arith.addi %add3A_57, %xor3A_65 : vector<256x2048xi32>
    %shift_left3A_67 = arith.constant 29 : i32
    %shift_left3A_68 = vector.broadcast %shift_left3A_67 : i32 to vector<256x2048xi32>
    %shift_left3A_69 = arith.shli %xor3A_65, %shift_left3A_68 : vector<256x2048xi32>
    %shift_right_logical3A_70 = arith.constant 3 : i32
    %shift_right_logical3A_71 = vector.broadcast %shift_right_logical3A_70 : i32 to vector<256x2048xi32>
    %shift_right_logical3A_72 = arith.shrui %xor3A_65, %shift_right_logical3A_71 : vector<256x2048xi32>
    %or3A_73 = arith.ori %shift_left3A_69, %shift_right_logical3A_72 : vector<256x2048xi32>
    %xor3A_74 = arith.xori %add3A_66, %or3A_73 : vector<256x2048xi32>
    %add3A_75 = arith.addi %add3A_66, %xor3A_74 : vector<256x2048xi32>
    %shift_left3A_76 = arith.constant 16 : i32
    %shift_left3A_77 = vector.broadcast %shift_left3A_76 : i32 to vector<256x2048xi32>
    %shift_left3A_78 = arith.shli %xor3A_74, %shift_left3A_77 : vector<256x2048xi32>
    %shift_right_logical3A_79 = arith.constant 16 : i32
    %shift_right_logical3A_80 = vector.broadcast %shift_right_logical3A_79 : i32 to vector<256x2048xi32>
    %shift_right_logical3A_81 = arith.shrui %xor3A_74, %shift_right_logical3A_80 : vector<256x2048xi32>
    %or3A_82 = arith.ori %shift_left3A_78, %shift_right_logical3A_81 : vector<256x2048xi32>
    %xor3A_83 = arith.xori %add3A_75, %or3A_82 : vector<256x2048xi32>
    %add3A_84 = arith.addi %add3A_75, %xor3A_83 : vector<256x2048xi32>
    %shift_left3A_85 = arith.constant 24 : i32
    %shift_left3A_86 = vector.broadcast %shift_left3A_85 : i32 to vector<256x2048xi32>
    %shift_left3A_87 = arith.shli %xor3A_83, %shift_left3A_86 : vector<256x2048xi32>
    %shift_right_logical3A_88 = arith.constant 8 : i32
    %shift_right_logical3A_89 = vector.broadcast %shift_right_logical3A_88 : i32 to vector<256x2048xi32>
    %shift_right_logical3A_90 = arith.shrui %xor3A_83, %shift_right_logical3A_89 : vector<256x2048xi32>
    %or3A_91 = arith.ori %shift_left3A_87, %shift_right_logical3A_90 : vector<256x2048xi32>
    %xor3A_92 = arith.xori %add3A_84, %or3A_91 : vector<256x2048xi32>
    %add3A_93 = arith.constant -2045582813 : i32
    %add3A_94 = vector.broadcast %add3A_93 : i32 to vector<256x2048xi32>
    %add3A_95 = arith.addi %add3A_84, %add3A_94 : vector<256x2048xi32>
    %add3A_96 = arith.constant -1829035798 : i32
    %add3A_97 = vector.broadcast %add3A_96 : i32 to vector<256x2048xi32>
    %add3A_98 = arith.addi %xor3A_92, %add3A_97 : vector<256x2048xi32>
    %add3A_99 = arith.constant 2 : i32
    %add3A_100 = vector.broadcast %add3A_99 : i32 to vector<256x2048xi32>
    %add3A_101 = arith.addi %add3A_98, %add3A_100 : vector<256x2048xi32>
    %add3A_102 = arith.addi %add3A_95, %add3A_101 : vector<256x2048xi32>
    %shift_left3A_103 = arith.constant 13 : i32
    %shift_left3A_104 = vector.broadcast %shift_left3A_103 : i32 to vector<256x2048xi32>
    %shift_left3A_105 = arith.shli %add3A_101, %shift_left3A_104 : vector<256x2048xi32>
    %shift_right_logical3A_106 = arith.constant 19 : i32
    %shift_right_logical3A_107 = vector.broadcast %shift_right_logical3A_106 : i32 to vector<256x2048xi32>
    %shift_right_logical3A_108 = arith.shrui %add3A_101, %shift_right_logical3A_107 : vector<256x2048xi32>
    %or3A_109 = arith.ori %shift_left3A_105, %shift_right_logical3A_108 : vector<256x2048xi32>
    %xor3A_110 = arith.xori %add3A_102, %or3A_109 : vector<256x2048xi32>
    %add3A_111 = arith.addi %add3A_102, %xor3A_110 : vector<256x2048xi32>
    %shift_left3A_112 = arith.constant 15 : i32
    %shift_left3A_113 = vector.broadcast %shift_left3A_112 : i32 to vector<256x2048xi32>
    %shift_left3A_114 = arith.shli %xor3A_110, %shift_left3A_113 : vector<256x2048xi32>
    %shift_right_logical3A_115 = arith.constant 17 : i32
    %shift_right_logical3A_116 = vector.broadcast %shift_right_logical3A_115 : i32 to vector<256x2048xi32>
    %shift_right_logical3A_117 = arith.shrui %xor3A_110, %shift_right_logical3A_116 : vector<256x2048xi32>
    %or3A_118 = arith.ori %shift_left3A_114, %shift_right_logical3A_117 : vector<256x2048xi32>
    %xor3A_119 = arith.xori %add3A_111, %or3A_118 : vector<256x2048xi32>
    %add3A_120 = arith.addi %add3A_111, %xor3A_119 : vector<256x2048xi32>
    %shift_left3A_121 = arith.constant 26 : i32
    %shift_left3A_122 = vector.broadcast %shift_left3A_121 : i32 to vector<256x2048xi32>
    %shift_left3A_123 = arith.shli %xor3A_119, %shift_left3A_122 : vector<256x2048xi32>
    %shift_right_logical3A_124 = arith.constant 6 : i32
    %shift_right_logical3A_125 = vector.broadcast %shift_right_logical3A_124 : i32 to vector<256x2048xi32>
    %shift_right_logical3A_126 = arith.shrui %xor3A_119, %shift_right_logical3A_125 : vector<256x2048xi32>
    %or3A_127 = arith.ori %shift_left3A_123, %shift_right_logical3A_126 : vector<256x2048xi32>
    %xor3A_128 = arith.xori %add3A_120, %or3A_127 : vector<256x2048xi32>
    %add3A_129 = arith.addi %add3A_120, %xor3A_128 : vector<256x2048xi32>
    %shift_left3A_130 = arith.constant 6 : i32
    %shift_left3A_131 = vector.broadcast %shift_left3A_130 : i32 to vector<256x2048xi32>
    %shift_left3A_132 = arith.shli %xor3A_128, %shift_left3A_131 : vector<256x2048xi32>
    %shift_right_logical3A_133 = arith.constant 26 : i32
    %shift_right_logical3A_134 = vector.broadcast %shift_right_logical3A_133 : i32 to vector<256x2048xi32>
    %shift_right_logical3A_135 = arith.shrui %xor3A_128, %shift_right_logical3A_134 : vector<256x2048xi32>
    %or3A_136 = arith.ori %shift_left3A_132, %shift_right_logical3A_135 : vector<256x2048xi32>
    %xor3A_137 = arith.xori %add3A_129, %or3A_136 : vector<256x2048xi32>
    %add3A_138 = arith.constant -1829035798 : i32
    %add3A_139 = vector.broadcast %add3A_138 : i32 to vector<256x2048xi32>
    %add3A_140 = arith.addi %add3A_129, %add3A_139 : vector<256x2048xi32>
    %add3A_141 = arith.constant 255383827 : i32
    %add3A_142 = vector.broadcast %add3A_141 : i32 to vector<256x2048xi32>
    %add3A_143 = arith.addi %xor3A_137, %add3A_142 : vector<256x2048xi32>
    %add3A_144 = arith.constant 3 : i32
    %add3A_145 = vector.broadcast %add3A_144 : i32 to vector<256x2048xi32>
    %add3A_146 = arith.addi %add3A_143, %add3A_145 : vector<256x2048xi32>
    %add3A_147 = arith.addi %add3A_140, %add3A_146 : vector<256x2048xi32>
    %shift_left3A_148 = arith.constant 17 : i32
    %shift_left3A_149 = vector.broadcast %shift_left3A_148 : i32 to vector<256x2048xi32>
    %shift_left3A_150 = arith.shli %add3A_146, %shift_left3A_149 : vector<256x2048xi32>
    %shift_right_logical3A_151 = arith.constant 15 : i32
    %shift_right_logical3A_152 = vector.broadcast %shift_right_logical3A_151 : i32 to vector<256x2048xi32>
    %shift_right_logical3A_153 = arith.shrui %add3A_146, %shift_right_logical3A_152 : vector<256x2048xi32>
    %or3A_154 = arith.ori %shift_left3A_150, %shift_right_logical3A_153 : vector<256x2048xi32>
    %xor3A_155 = arith.xori %add3A_147, %or3A_154 : vector<256x2048xi32>
    %add3A_156 = arith.addi %add3A_147, %xor3A_155 : vector<256x2048xi32>
    %shift_left3A_157 = arith.constant 29 : i32
    %shift_left3A_158 = vector.broadcast %shift_left3A_157 : i32 to vector<256x2048xi32>
    %shift_left3A_159 = arith.shli %xor3A_155, %shift_left3A_158 : vector<256x2048xi32>
    %shift_right_logical3A_160 = arith.constant 3 : i32
    %shift_right_logical3A_161 = vector.broadcast %shift_right_logical3A_160 : i32 to vector<256x2048xi32>
    %shift_right_logical3A_162 = arith.shrui %xor3A_155, %shift_right_logical3A_161 : vector<256x2048xi32>
    %or3A_163 = arith.ori %shift_left3A_159, %shift_right_logical3A_162 : vector<256x2048xi32>
    %xor3A_164 = arith.xori %add3A_156, %or3A_163 : vector<256x2048xi32>
    %add3A_165 = arith.addi %add3A_156, %xor3A_164 : vector<256x2048xi32>
    %shift_left3A_166 = arith.constant 16 : i32
    %shift_left3A_167 = vector.broadcast %shift_left3A_166 : i32 to vector<256x2048xi32>
    %shift_left3A_168 = arith.shli %xor3A_164, %shift_left3A_167 : vector<256x2048xi32>
    %shift_right_logical3A_169 = arith.constant 16 : i32
    %shift_right_logical3A_170 = vector.broadcast %shift_right_logical3A_169 : i32 to vector<256x2048xi32>
    %shift_right_logical3A_171 = arith.shrui %xor3A_164, %shift_right_logical3A_170 : vector<256x2048xi32>
    %or3A_172 = arith.ori %shift_left3A_168, %shift_right_logical3A_171 : vector<256x2048xi32>
    %xor3A_173 = arith.xori %add3A_165, %or3A_172 : vector<256x2048xi32>
    %add3A_174 = arith.addi %add3A_165, %xor3A_173 : vector<256x2048xi32>
    %shift_left3A_175 = arith.constant 24 : i32
    %shift_left3A_176 = vector.broadcast %shift_left3A_175 : i32 to vector<256x2048xi32>
    %shift_left3A_177 = arith.shli %xor3A_173, %shift_left3A_176 : vector<256x2048xi32>
    %shift_right_logical3A_178 = arith.constant 8 : i32
    %shift_right_logical3A_179 = vector.broadcast %shift_right_logical3A_178 : i32 to vector<256x2048xi32>
    %shift_right_logical3A_180 = arith.shrui %xor3A_173, %shift_right_logical3A_179 : vector<256x2048xi32>
    %or3A_181 = arith.ori %shift_left3A_177, %shift_right_logical3A_180 : vector<256x2048xi32>
    %xor3A_182 = arith.xori %add3A_174, %or3A_181 : vector<256x2048xi32>
    %add3A_183 = arith.constant 255383827 : i32
    %add3A_184 = vector.broadcast %add3A_183 : i32 to vector<256x2048xi32>
    %add3A_185 = arith.addi %add3A_174, %add3A_184 : vector<256x2048xi32>
    %add3A_186 = arith.constant -2045582813 : i32
    %add3A_187 = vector.broadcast %add3A_186 : i32 to vector<256x2048xi32>
    %add3A_188 = arith.addi %xor3A_182, %add3A_187 : vector<256x2048xi32>
    %add3A_189 = arith.constant 4 : i32
    %add3A_190 = vector.broadcast %add3A_189 : i32 to vector<256x2048xi32>
    %add3A_191 = arith.addi %add3A_188, %add3A_190 : vector<256x2048xi32>
    %add3A_192 = arith.addi %add3A_185, %add3A_191 : vector<256x2048xi32>
    %shift_left3A_193 = arith.constant 13 : i32
    %shift_left3A_194 = vector.broadcast %shift_left3A_193 : i32 to vector<256x2048xi32>
    %shift_left3A_195 = arith.shli %add3A_191, %shift_left3A_194 : vector<256x2048xi32>
    %shift_right_logical3A_196 = arith.constant 19 : i32
    %shift_right_logical3A_197 = vector.broadcast %shift_right_logical3A_196 : i32 to vector<256x2048xi32>
    %shift_right_logical3A_198 = arith.shrui %add3A_191, %shift_right_logical3A_197 : vector<256x2048xi32>
    %or3A_199 = arith.ori %shift_left3A_195, %shift_right_logical3A_198 : vector<256x2048xi32>
    %xor3A_200 = arith.xori %add3A_192, %or3A_199 : vector<256x2048xi32>
    %add3A_201 = arith.addi %add3A_192, %xor3A_200 : vector<256x2048xi32>
    %shift_left3A_202 = arith.constant 15 : i32
    %shift_left3A_203 = vector.broadcast %shift_left3A_202 : i32 to vector<256x2048xi32>
    %shift_left3A_204 = arith.shli %xor3A_200, %shift_left3A_203 : vector<256x2048xi32>
    %shift_right_logical3A_205 = arith.constant 17 : i32
    %shift_right_logical3A_206 = vector.broadcast %shift_right_logical3A_205 : i32 to vector<256x2048xi32>
    %shift_right_logical3A_207 = arith.shrui %xor3A_200, %shift_right_logical3A_206 : vector<256x2048xi32>
    %or3A_208 = arith.ori %shift_left3A_204, %shift_right_logical3A_207 : vector<256x2048xi32>
    %xor3A_209 = arith.xori %add3A_201, %or3A_208 : vector<256x2048xi32>
    %add3A_210 = arith.addi %add3A_201, %xor3A_209 : vector<256x2048xi32>
    %shift_left3A_211 = arith.constant 26 : i32
    %shift_left3A_212 = vector.broadcast %shift_left3A_211 : i32 to vector<256x2048xi32>
    %shift_left3A_213 = arith.shli %xor3A_209, %shift_left3A_212 : vector<256x2048xi32>
    %shift_right_logical3A_214 = arith.constant 6 : i32
    %shift_right_logical3A_215 = vector.broadcast %shift_right_logical3A_214 : i32 to vector<256x2048xi32>
    %shift_right_logical3A_216 = arith.shrui %xor3A_209, %shift_right_logical3A_215 : vector<256x2048xi32>
    %or3A_217 = arith.ori %shift_left3A_213, %shift_right_logical3A_216 : vector<256x2048xi32>
    %xor3A_218 = arith.xori %add3A_210, %or3A_217 : vector<256x2048xi32>
    %add3A_219 = arith.addi %add3A_210, %xor3A_218 : vector<256x2048xi32>
    %shift_left3A_220 = arith.constant 6 : i32
    %shift_left3A_221 = vector.broadcast %shift_left3A_220 : i32 to vector<256x2048xi32>
    %shift_left3A_222 = arith.shli %xor3A_218, %shift_left3A_221 : vector<256x2048xi32>
    %shift_right_logical3A_223 = arith.constant 26 : i32
    %shift_right_logical3A_224 = vector.broadcast %shift_right_logical3A_223 : i32 to vector<256x2048xi32>
    %shift_right_logical3A_225 = arith.shrui %xor3A_218, %shift_right_logical3A_224 : vector<256x2048xi32>
    %or3A_226 = arith.ori %shift_left3A_222, %shift_right_logical3A_225 : vector<256x2048xi32>
    %xor3A_227 = arith.xori %add3A_219, %or3A_226 : vector<256x2048xi32>
    %add3A_228 = arith.constant -2045582813 : i32
    %add3A_229 = vector.broadcast %add3A_228 : i32 to vector<256x2048xi32>
    %add3A_230 = arith.addi %add3A_219, %add3A_229 : vector<256x2048xi32>
    %add3A_231 = arith.constant -1829035798 : i32
    %add3A_232 = vector.broadcast %add3A_231 : i32 to vector<256x2048xi32>
    %add3A_233 = arith.addi %xor3A_227, %add3A_232 : vector<256x2048xi32>
    %add3A_234 = arith.constant 5 : i32
    %add3A_235 = vector.broadcast %add3A_234 : i32 to vector<256x2048xi32>
    %add3A_236 = arith.addi %add3A_233, %add3A_235 : vector<256x2048xi32>
    %xor3A_237 = arith.xori %add3A_230, %add3A_236 : vector<256x2048xi32>
    %shift_right_logical3A_238 = arith.constant 9 : i32
    %shift_right_logical3A_239 = vector.broadcast %shift_right_logical3A_238 : i32 to vector<256x2048xi32>
    %shift_right_logical3A_240 = arith.shrui %xor3A_237, %shift_right_logical3A_239 : vector<256x2048xi32>
    %or3A_241 = arith.constant 1065353216 : i32
    %or3A_242 = vector.broadcast %or3A_241 : i32 to vector<256x2048xi32>
    %or3A_243 = arith.ori %shift_right_logical3A_240, %or3A_242 : vector<256x2048xi32>
    %bitcast_convert_type3A = tpu.bitcast %or3A_243 : vector<256x2048xi32> -> vector<256x2048xf32>
    %sub3A = arith.constant 1.000000e+00 : f32
    %sub3A_244 = vector.broadcast %sub3A : f32 to vector<256x2048xf32>
    %sub3A_245 = arith.subf %bitcast_convert_type3A, %sub3A_244 : vector<256x2048xf32>
    %mul3A_246 = arith.constant 2.000000e+00 : f32
    %mul3A_247 = vector.broadcast %mul3A_246 : f32 to vector<256x2048xf32>
    %mul3A_248 = arith.mulf %sub3A_245, %mul3A_247 : vector<256x2048xf32>
    %add3A_249 = arith.constant -0.99999994 : f32
    %add3A_250 = vector.broadcast %add3A_249 : f32 to vector<256x2048xf32>
    %add3A_251 = arith.addf %mul3A_248, %add3A_250 : vector<256x2048xf32>
    %max3A = arith.constant -0.99999994 : f32
    %max3A_252 = vector.broadcast %max3A : f32 to vector<256x2048xf32>
    %max3A_253 = arith.maximumf %max3A_252, %add3A_251 : vector<256x2048xf32>
    %sub3A_254 = arith.constant 1.000000e+00 : f32
    %sub3A_255 = vector.broadcast %sub3A_254 : f32 to vector<256x2048xf32>
    %sub3A_256 = arith.subf %sub3A_255, %max3A_253 : vector<256x2048xf32>
    %add3A_257 = arith.constant 1.000000e+00 : f32
    %add3A_258 = vector.broadcast %add3A_257 : f32 to vector<256x2048xf32>
    %add3A_259 = arith.addf %add3A_258, %max3A_253 : vector<256x2048xf32>
    %mul3A_260 = arith.mulf %sub3A_256, %add3A_259 : vector<256x2048xf32>
    %log3A = math.log %mul3A_260 : vector<256x2048xf32>
    %neg3A = arith.constant 0.000000e+00 : f32
    %neg3A_261 = vector.broadcast %neg3A : f32 to vector<256x2048xf32>
    %neg3A_262 = arith.subf %neg3A_261, %log3A : vector<256x2048xf32>
    %sqrt3A = math.sqrt %neg3A_262 : vector<256x2048xf32>
    %mul3A_263 = arith.constant -2.26071188E-5 : f32
    %mul3A_264 = vector.broadcast %mul3A_263 : f32 to vector<256x2048xf32>
    %mul3A_265 = arith.mulf %mul3A_264, %sqrt3A : vector<256x2048xf32>
    %add3A_266 = arith.constant 2.52790167E-4 : f32
    %add3A_267 = vector.broadcast %add3A_266 : f32 to vector<256x2048xf32>
    %add3A_268 = arith.addf %mul3A_265, %add3A_267 : vector<256x2048xf32>
    %mul3A_269 = arith.mulf %add3A_268, %sqrt3A : vector<256x2048xf32>
    %add3A_270 = arith.constant -7.93509301E-4 : f32
    %add3A_271 = vector.broadcast %add3A_270 : f32 to vector<256x2048xf32>
    %add3A_272 = arith.addf %mul3A_269, %add3A_271 : vector<256x2048xf32>
    %mul3A_273 = arith.mulf %add3A_272, %sqrt3A : vector<256x2048xf32>
    %add3A_274 = arith.constant -7.81780327E-5 : f32
    %add3A_275 = vector.broadcast %add3A_274 : f32 to vector<256x2048xf32>
    %add3A_276 = arith.addf %mul3A_273, %add3A_275 : vector<256x2048xf32>
    %mul3A_277 = arith.mulf %add3A_276, %sqrt3A : vector<256x2048xf32>
    %add3A_278 = arith.constant 7.37290073E-4 : f32
    %add3A_279 = vector.broadcast %add3A_278 : f32 to vector<256x2048xf32>
    %add3A_280 = arith.addf %mul3A_277, %add3A_279 : vector<256x2048xf32>
    %mul3A_281 = arith.mulf %add3A_280, %sqrt3A : vector<256x2048xf32>
    %add3A_282 = arith.constant 0.013978268 : f32
    %add3A_283 = vector.broadcast %add3A_282 : f32 to vector<256x2048xf32>
    %add3A_284 = arith.addf %mul3A_281, %add3A_283 : vector<256x2048xf32>
    %mul3A_285 = arith.mulf %add3A_284, %sqrt3A : vector<256x2048xf32>
    %add3A_286 = arith.constant 2.35663625E-4 : f32
    %add3A_287 = vector.broadcast %add3A_286 : f32 to vector<256x2048xf32>
    %add3A_288 = arith.addf %mul3A_285, %add3A_287 : vector<256x2048xf32>
    %mul3A_289 = arith.mulf %add3A_288, %sqrt3A : vector<256x2048xf32>
    %add3A_290 = arith.constant 1.253300e+00 : f32
    %add3A_291 = vector.broadcast %add3A_290 : f32 to vector<256x2048xf32>
    %add3A_292 = arith.addf %mul3A_289, %add3A_291 : vector<256x2048xf32>
    %mul3A_293 = arith.mulf %sqrt3A, %add3A_292 : vector<256x2048xf32>
    %bitcast_convert_type3A_294 = tpu.bitcast %max3A_253 : vector<256x2048xf32> -> vector<256x2048xi32>
    %and3A = arith.constant -2147483648 : i32
    %and3A_295 = vector.broadcast %and3A : i32 to vector<256x2048xi32>
    %and3A_296 = arith.andi %bitcast_convert_type3A_294, %and3A_295 : vector<256x2048xi32>
    %bitcast_convert_type3A_297 = tpu.bitcast %mul3A_293 : vector<256x2048xf32> -> vector<256x2048xi32>
    %or3A_298 = arith.ori %bitcast_convert_type3A_297, %and3A_296 : vector<256x2048xi32>
    %bitcast_convert_type3A_299 = tpu.bitcast %or3A_298 : vector<256x2048xi32> -> vector<256x2048xf32>
    %get3A = arith.constant 0 : index
    %get3A_300 = arith.constant 0 : index
    %get3A_301 = vector.load %arg1[%get3A, %get3A_300] : memref<256x2048xf32, #tpu.memory_space<vmem>>, vector<256x2048xf32>
    %get3A_302 = arith.constant 0 : index
    %get3A_303 = arith.constant 0 : index
    %get3A_304 = vector.load %arg2[%get3A_302, %get3A_303] : memref<256x2048xf32, #tpu.memory_space<vmem>>, vector<256x2048xf32>
    %mul3A_305 = arith.constant 5.000000e-01 : f32
    %mul3A_306 = vector.broadcast %mul3A_305 : f32 to vector<256x2048xf32>
    %mul3A_307 = arith.mulf %get3A_304, %mul3A_306 : vector<256x2048xf32>
    %exp3A = math.exp %mul3A_307 : vector<256x2048xf32>
    %mul3A_308 = arith.mulf %exp3A, %bitcast_convert_type3A_299 : vector<256x2048xf32>
    %add3A_309 = arith.addf %get3A_301, %mul3A_308 : vector<256x2048xf32>
    %swap3A = arith.constant 0 : index
    %swap3A_310 = arith.constant 0 : index
    %swap3A_311 = vector.load %arg3[%swap3A, %swap3A_310] : memref<256x2048xf32, #tpu.memory_space<vmem>>, vector<256x2048xf32>
    tpu.vector_store %arg3[%swap3A, %swap3A_310], %add3A_309 {strides = array<i32>} : memref<256x2048xf32, #tpu.memory_space<vmem>>, vector<256x2048xf32>,
    return
  }
  func.func @transform_0(%arg0: i32) -> (i32, i32) {
    %add3A = arith.constant 3 : i32
    %add3A_0 = arith.addi %arg0, %add3A : i32
    %c0_i32 = arith.constant 0 : i32
    %c0_i32_1 = arith.constant 0 : i32
    return %add3A_0, %c0_i32 : i32, i32
  }
  func.func @transform_1(%arg0: i32) -> (i32, i32) {
    %add3A = arith.constant 3 : i32
    %add3A_0 = arith.addi %arg0, %add3A : i32
    %c0_i32 = arith.constant 0 : i32
    %c0_i32_1 = arith.constant 0 : i32
    return %add3A_0, %c0_i32 : i32, i32
  }
  func.func @transform_2(%arg0: i32) -> (i32, i32) {
    %add3A = arith.constant 3 : i32
    %add3A_0 = arith.addi %arg0, %add3A : i32
    %c0_i32 = arith.constant 0 : i32
    %c0_i32_1 = arith.constant 0 : i32
    return %add3A_0, %c0_i32 : i32, i32
  }
}

module attributes {stable_mosaic.version = 14 : i64} {
  func.func @_rng_body(%arg0: i32, %arg1: memref<256x2048xf32, #tpu.memory_space<vmem>>) attributes {dimension_semantics = [#tpu.dimension_semantics<arbitrary>], iteration_bounds = array<i64: 3>, scalar_prefetch = 0 : i64, scratch_operands = 0 : i64, tpu.core_type = #tpu.core_type<tc>, window_params = [{transform_indices = @transform_0, window_bounds = array<i64: 256, 2048>}]} {
    %iota3A = tpu.iota {dimensions = array<i32: 0>} : vector<256x2048xi32>
    %iota3A_0 = tpu.iota {dimensions = array<i32: 1>} : vector<256x2048xi32>
    %mul3A = arith.constant 256 : i32
    %mul3A_1 = arith.muli %arg0, %mul3A : i32
    %add3A = arith.constant 0 : i32
    %add3A_2 = arith.addi %add3A, %mul3A_1 : i32
    %add3A_3 = vector.broadcast %add3A_2 : i32 to vector<256x2048xi32>
    %add3A_4 = arith.addi %add3A_3, %iota3A : vector<256x2048xi32>
    %mul3A_5 = arith.constant 2048 : i32
    %mul3A_6 = vector.broadcast %mul3A_5 : i32 to vector<256x2048xi32>
    %mul3A_7 = arith.muli %add3A_4, %mul3A_6 : vector<256x2048xi32>
    %add3A_8 = arith.addi %mul3A_7, %iota3A_0 : vector<256x2048xi32>
    %broadcast_in_dim3A = arith.constant 0 : i32
    %broadcast_in_dim3A_9 = vector.broadcast %broadcast_in_dim3A : i32 to vector<256x2048xi32>
    %add3A_10 = arith.constant -1829035798 : i32
    %add3A_11 = vector.broadcast %add3A_10 : i32 to vector<256x2048xi32>
    %add3A_12 = arith.addi %broadcast_in_dim3A_9, %add3A_11 : vector<256x2048xi32>
    %add3A_13 = arith.constant 255383827 : i32
    %add3A_14 = vector.broadcast %add3A_13 : i32 to vector<256x2048xi32>
    %add3A_15 = arith.addi %add3A_8, %add3A_14 : vector<256x2048xi32>
    %add3A_16 = arith.addi %add3A_12, %add3A_15 : vector<256x2048xi32>
    %shift_left3A = arith.constant 13 : i32
    %shift_left3A_17 = vector.broadcast %shift_left3A : i32 to vector<256x2048xi32>
    %shift_left3A_18 = arith.shli %add3A_15, %shift_left3A_17 : vector<256x2048xi32>
    %shift_right_logical3A = arith.constant 19 : i32
    %shift_right_logical3A_19 = vector.broadcast %shift_right_logical3A : i32 to vector<256x2048xi32>
    %shift_right_logical3A_20 = arith.shrui %add3A_15, %shift_right_logical3A_19 : vector<256x2048xi32>
    %or3A = arith.ori %shift_left3A_18, %shift_right_logical3A_20 : vector<256x2048xi32>
    %xor3A = arith.xori %add3A_16, %or3A : vector<256x2048xi32>
    %add3A_21 = arith.addi %add3A_16, %xor3A : vector<256x2048xi32>
    %shift_left3A_22 = arith.constant 15 : i32
    %shift_left3A_23 = vector.broadcast %shift_left3A_22 : i32 to vector<256x2048xi32>
    %shift_left3A_24 = arith.shli %xor3A, %shift_left3A_23 : vector<256x2048xi32>
    %shift_right_logical3A_25 = arith.constant 17 : i32
    %shift_right_logical3A_26 = vector.broadcast %shift_right_logical3A_25 : i32 to vector<256x2048xi32>
    %shift_right_logical3A_27 = arith.shrui %xor3A, %shift_right_logical3A_26 : vector<256x2048xi32>
    %or3A_28 = arith.ori %shift_left3A_24, %shift_right_logical3A_27 : vector<256x2048xi32>
    %xor3A_29 = arith.xori %add3A_21, %or3A_28 : vector<256x2048xi32>
    %add3A_30 = arith.addi %add3A_21, %xor3A_29 : vector<256x2048xi32>
    %shift_left3A_31 = arith.constant 26 : i32
    %shift_left3A_32 = vector.broadcast %shift_left3A_31 : i32 to vector<256x2048xi32>
    %shift_left3A_33 = arith.shli %xor3A_29, %shift_left3A_32 : vector<256x2048xi32>
    %shift_right_logical3A_34 = arith.constant 6 : i32
    %shift_right_logical3A_35 = vector.broadcast %shift_right_logical3A_34 : i32 to vector<256x2048xi32>
    %shift_right_logical3A_36 = arith.shrui %xor3A_29, %shift_right_logical3A_35 : vector<256x2048xi32>
    %or3A_37 = arith.ori %shift_left3A_33, %shift_right_logical3A_36 : vector<256x2048xi32>
    %xor3A_38 = arith.xori %add3A_30, %or3A_37 : vector<256x2048xi32>
    %add3A_39 = arith.addi %add3A_30, %xor3A_38 : vector<256x2048xi32>
    %shift_left3A_40 = arith.constant 6 : i32
    %shift_left3A_41 = vector.broadcast %shift_left3A_40 : i32 to vector<256x2048xi32>
    %shift_left3A_42 = arith.shli %xor3A_38, %shift_left3A_41 : vector<256x2048xi32>
    %shift_right_logical3A_43 = arith.constant 26 : i32
    %shift_right_logical3A_44 = vector.broadcast %shift_right_logical3A_43 : i32 to vector<256x2048xi32>
    %shift_right_logical3A_45 = arith.shrui %xor3A_38, %shift_right_logical3A_44 : vector<256x2048xi32>
    %or3A_46 = arith.ori %shift_left3A_42, %shift_right_logical3A_45 : vector<256x2048xi32>
    %xor3A_47 = arith.xori %add3A_39, %or3A_46 : vector<256x2048xi32>
    %add3A_48 = arith.constant 255383827 : i32
    %add3A_49 = vector.broadcast %add3A_48 : i32 to vector<256x2048xi32>
    %add3A_50 = arith.addi %add3A_39, %add3A_49 : vector<256x2048xi32>
    %add3A_51 = arith.constant -2045582813 : i32
    %add3A_52 = vector.broadcast %add3A_51 : i32 to vector<256x2048xi32>
    %add3A_53 = arith.addi %xor3A_47, %add3A_52 : vector<256x2048xi32>
    %add3A_54 = arith.constant 1 : i32
    %add3A_55 = vector.broadcast %add3A_54 : i32 to vector<256x2048xi32>
    %add3A_56 = arith.addi %add3A_53, %add3A_55 : vector<256x2048xi32>
    %add3A_57 = arith.addi %add3A_50, %add3A_56 : vector<256x2048xi32>
    %shift_left3A_58 = arith.constant 17 : i32
    %shift_left3A_59 = vector.broadcast %shift_left3A_58 : i32 to vector<256x2048xi32>
    %shift_left3A_60 = arith.shli %add3A_56, %shift_left3A_59 : vector<256x2048xi32>
    %shift_right_logical3A_61 = arith.constant 15 : i32
    %shift_right_logical3A_62 = vector.broadcast %shift_right_logical3A_61 : i32 to vector<256x2048xi32>
    %shift_right_logical3A_63 = arith.shrui %add3A_56, %shift_right_logical3A_62 : vector<256x2048xi32>
    %or3A_64 = arith.ori %shift_left3A_60, %shift_right_logical3A_63 : vector<256x2048xi32>
    %xor3A_65 = arith.xori %add3A_57, %or3A_64 : vector<256x2048xi32>
    %add3A_66 = arith.addi %add3A_57, %xor3A_65 : vector<256x2048xi32>
    %shift_left3A_67 = arith.constant 29 : i32
    %shift_left3A_68 = vector.broadcast %shift_left3A_67 : i32 to vector<256x2048xi32>
    %shift_left3A_69 = arith.shli %xor3A_65, %shift_left3A_68 : vector<256x2048xi32>
    %shift_right_logical3A_70 = arith.constant 3 : i32
    %shift_right_logical3A_71 = vector.broadcast %shift_right_logical3A_70 : i32 to vector<256x2048xi32>
    %shift_right_logical3A_72 = arith.shrui %xor3A_65, %shift_right_logical3A_71 : vector<256x2048xi32>
    %or3A_73 = arith.ori %shift_left3A_69, %shift_right_logical3A_72 : vector<256x2048xi32>
    %xor3A_74 = arith.xori %add3A_66, %or3A_73 : vector<256x2048xi32>
    %add3A_75 = arith.addi %add3A_66, %xor3A_74 : vector<256x2048xi32>
    %shift_left3A_76 = arith.constant 16 : i32
    %shift_left3A_77 = vector.broadcast %shift_left3A_76 : i32 to vector<256x2048xi32>
    %shift_left3A_78 = arith.shli %xor3A_74, %shift_left3A_77 : vector<256x2048xi32>
    %shift_right_logical3A_79 = arith.constant 16 : i32
    %shift_right_logical3A_80 = vector.broadcast %shift_right_logical3A_79 : i32 to vector<256x2048xi32>
    %shift_right_logical3A_81 = arith.shrui %xor3A_74, %shift_right_logical3A_80 : vector<256x2048xi32>
    %or3A_82 = arith.ori %shift_left3A_78, %shift_right_logical3A_81 : vector<256x2048xi32>
    %xor3A_83 = arith.xori %add3A_75, %or3A_82 : vector<256x2048xi32>
    %add3A_84 = arith.addi %add3A_75, %xor3A_83 : vector<256x2048xi32>
    %shift_left3A_85 = arith.constant 24 : i32
    %shift_left3A_86 = vector.broadcast %shift_left3A_85 : i32 to vector<256x2048xi32>
    %shift_left3A_87 = arith.shli %xor3A_83, %shift_left3A_86 : vector<256x2048xi32>
    %shift_right_logical3A_88 = arith.constant 8 : i32
    %shift_right_logical3A_89 = vector.broadcast %shift_right_logical3A_88 : i32 to vector<256x2048xi32>
    %shift_right_logical3A_90 = arith.shrui %xor3A_83, %shift_right_logical3A_89 : vector<256x2048xi32>
    %or3A_91 = arith.ori %shift_left3A_87, %shift_right_logical3A_90 : vector<256x2048xi32>
    %xor3A_92 = arith.xori %add3A_84, %or3A_91 : vector<256x2048xi32>
    %add3A_93 = arith.constant -2045582813 : i32
    %add3A_94 = vector.broadcast %add3A_93 : i32 to vector<256x2048xi32>
    %add3A_95 = arith.addi %add3A_84, %add3A_94 : vector<256x2048xi32>
    %add3A_96 = arith.constant -1829035798 : i32
    %add3A_97 = vector.broadcast %add3A_96 : i32 to vector<256x2048xi32>
    %add3A_98 = arith.addi %xor3A_92, %add3A_97 : vector<256x2048xi32>
    %add3A_99 = arith.constant 2 : i32
    %add3A_100 = vector.broadcast %add3A_99 : i32 to vector<256x2048xi32>
    %add3A_101 = arith.addi %add3A_98, %add3A_100 : vector<256x2048xi32>
    %add3A_102 = arith.addi %add3A_95, %add3A_101 : vector<256x2048xi32>
    %shift_left3A_103 = arith.constant 13 : i32
    %shift_left3A_104 = vector.broadcast %shift_left3A_103 : i32 to vector<256x2048xi32>
    %shift_left3A_105 = arith.shli %add3A_101, %shift_left3A_104 : vector<256x2048xi32>
    %shift_right_logical3A_106 = arith.constant 19 : i32
    %shift_right_logical3A_107 = vector.broadcast %shift_right_logical3A_106 : i32 to vector<256x2048xi32>
    %shift_right_logical3A_108 = arith.shrui %add3A_101, %shift_right_logical3A_107 : vector<256x2048xi32>
    %or3A_109 = arith.ori %shift_left3A_105, %shift_right_logical3A_108 : vector<256x2048xi32>
    %xor3A_110 = arith.xori %add3A_102, %or3A_109 : vector<256x2048xi32>
    %add3A_111 = arith.addi %add3A_102, %xor3A_110 : vector<256x2048xi32>
    %shift_left3A_112 = arith.constant 15 : i32
    %shift_left3A_113 = vector.broadcast %shift_left3A_112 : i32 to vector<256x2048xi32>
    %shift_left3A_114 = arith.shli %xor3A_110, %shift_left3A_113 : vector<256x2048xi32>
    %shift_right_logical3A_115 = arith.constant 17 : i32
    %shift_right_logical3A_116 = vector.broadcast %shift_right_logical3A_115 : i32 to vector<256x2048xi32>
    %shift_right_logical3A_117 = arith.shrui %xor3A_110, %shift_right_logical3A_116 : vector<256x2048xi32>
    %or3A_118 = arith.ori %shift_left3A_114, %shift_right_logical3A_117 : vector<256x2048xi32>
    %xor3A_119 = arith.xori %add3A_111, %or3A_118 : vector<256x2048xi32>
    %add3A_120 = arith.addi %add3A_111, %xor3A_119 : vector<256x2048xi32>
    %shift_left3A_121 = arith.constant 26 : i32
    %shift_left3A_122 = vector.broadcast %shift_left3A_121 : i32 to vector<256x2048xi32>
    %shift_left3A_123 = arith.shli %xor3A_119, %shift_left3A_122 : vector<256x2048xi32>
    %shift_right_logical3A_124 = arith.constant 6 : i32
    %shift_right_logical3A_125 = vector.broadcast %shift_right_logical3A_124 : i32 to vector<256x2048xi32>
    %shift_right_logical3A_126 = arith.shrui %xor3A_119, %shift_right_logical3A_125 : vector<256x2048xi32>
    %or3A_127 = arith.ori %shift_left3A_123, %shift_right_logical3A_126 : vector<256x2048xi32>
    %xor3A_128 = arith.xori %add3A_120, %or3A_127 : vector<256x2048xi32>
    %add3A_129 = arith.addi %add3A_120, %xor3A_128 : vector<256x2048xi32>
    %shift_left3A_130 = arith.constant 6 : i32
    %shift_left3A_131 = vector.broadcast %shift_left3A_130 : i32 to vector<256x2048xi32>
    %shift_left3A_132 = arith.shli %xor3A_128, %shift_left3A_131 : vector<256x2048xi32>
    %shift_right_logical3A_133 = arith.constant 26 : i32
    %shift_right_logical3A_134 = vector.broadcast %shift_right_logical3A_133 : i32 to vector<256x2048xi32>
    %shift_right_logical3A_135 = arith.shrui %xor3A_128, %shift_right_logical3A_134 : vector<256x2048xi32>
    %or3A_136 = arith.ori %shift_left3A_132, %shift_right_logical3A_135 : vector<256x2048xi32>
    %xor3A_137 = arith.xori %add3A_129, %or3A_136 : vector<256x2048xi32>
    %add3A_138 = arith.constant -1829035798 : i32
    %add3A_139 = vector.broadcast %add3A_138 : i32 to vector<256x2048xi32>
    %add3A_140 = arith.addi %add3A_129, %add3A_139 : vector<256x2048xi32>
    %add3A_141 = arith.constant 255383827 : i32
    %add3A_142 = vector.broadcast %add3A_141 : i32 to vector<256x2048xi32>
    %add3A_143 = arith.addi %xor3A_137, %add3A_142 : vector<256x2048xi32>
    %add3A_144 = arith.constant 3 : i32
    %add3A_145 = vector.broadcast %add3A_144 : i32 to vector<256x2048xi32>
    %add3A_146 = arith.addi %add3A_143, %add3A_145 : vector<256x2048xi32>
    %add3A_147 = arith.addi %add3A_140, %add3A_146 : vector<256x2048xi32>
    %shift_left3A_148 = arith.constant 17 : i32
    %shift_left3A_149 = vector.broadcast %shift_left3A_148 : i32 to vector<256x2048xi32>
    %shift_left3A_150 = arith.shli %add3A_146, %shift_left3A_149 : vector<256x2048xi32>
    %shift_right_logical3A_151 = arith.constant 15 : i32
    %shift_right_logical3A_152 = vector.broadcast %shift_right_logical3A_151 : i32 to vector<256x2048xi32>
    %shift_right_logical3A_153 = arith.shrui %add3A_146, %shift_right_logical3A_152 : vector<256x2048xi32>
    %or3A_154 = arith.ori %shift_left3A_150, %shift_right_logical3A_153 : vector<256x2048xi32>
    %xor3A_155 = arith.xori %add3A_147, %or3A_154 : vector<256x2048xi32>
    %add3A_156 = arith.addi %add3A_147, %xor3A_155 : vector<256x2048xi32>
    %shift_left3A_157 = arith.constant 29 : i32
    %shift_left3A_158 = vector.broadcast %shift_left3A_157 : i32 to vector<256x2048xi32>
    %shift_left3A_159 = arith.shli %xor3A_155, %shift_left3A_158 : vector<256x2048xi32>
    %shift_right_logical3A_160 = arith.constant 3 : i32
    %shift_right_logical3A_161 = vector.broadcast %shift_right_logical3A_160 : i32 to vector<256x2048xi32>
    %shift_right_logical3A_162 = arith.shrui %xor3A_155, %shift_right_logical3A_161 : vector<256x2048xi32>
    %or3A_163 = arith.ori %shift_left3A_159, %shift_right_logical3A_162 : vector<256x2048xi32>
    %xor3A_164 = arith.xori %add3A_156, %or3A_163 : vector<256x2048xi32>
    %add3A_165 = arith.addi %add3A_156, %xor3A_164 : vector<256x2048xi32>
    %shift_left3A_166 = arith.constant 16 : i32
    %shift_left3A_167 = vector.broadcast %shift_left3A_166 : i32 to vector<256x2048xi32>
    %shift_left3A_168 = arith.shli %xor3A_164, %shift_left3A_167 : vector<256x2048xi32>
    %shift_right_logical3A_169 = arith.constant 16 : i32
    %shift_right_logical3A_170 = vector.broadcast %shift_right_logical3A_169 : i32 to vector<256x2048xi32>
    %shift_right_logical3A_171 = arith.shrui %xor3A_164, %shift_right_logical3A_170 : vector<256x2048xi32>
    %or3A_172 = arith.ori %shift_left3A_168, %shift_right_logical3A_171 : vector<256x2048xi32>
    %xor3A_173 = arith.xori %add3A_165, %or3A_172 : vector<256x2048xi32>
    %add3A_174 = arith.addi %add3A_165, %xor3A_173 : vector<256x2048xi32>
    %shift_left3A_175 = arith.constant 24 : i32
    %shift_left3A_176 = vector.broadcast %shift_left3A_175 : i32 to vector<256x2048xi32>
    %shift_left3A_177 = arith.shli %xor3A_173, %shift_left3A_176 : vector<256x2048xi32>
    %shift_right_logical3A_178 = arith.constant 8 : i32
    %shift_right_logical3A_179 = vector.broadcast %shift_right_logical3A_178 : i32 to vector<256x2048xi32>
    %shift_right_logical3A_180 = arith.shrui %xor3A_173, %shift_right_logical3A_179 : vector<256x2048xi32>
    %or3A_181 = arith.ori %shift_left3A_177, %shift_right_logical3A_180 : vector<256x2048xi32>
    %xor3A_182 = arith.xori %add3A_174, %or3A_181 : vector<256x2048xi32>
    %add3A_183 = arith.constant 255383827 : i32
    %add3A_184 = vector.broadcast %add3A_183 : i32 to vector<256x2048xi32>
    %add3A_185 = arith.addi %add3A_174, %add3A_184 : vector<256x2048xi32>
    %add3A_186 = arith.constant -2045582813 : i32
    %add3A_187 = vector.broadcast %add3A_186 : i32 to vector<256x2048xi32>
    %add3A_188 = arith.addi %xor3A_182, %add3A_187 : vector<256x2048xi32>
    %add3A_189 = arith.constant 4 : i32
    %add3A_190 = vector.broadcast %add3A_189 : i32 to vector<256x2048xi32>
    %add3A_191 = arith.addi %add3A_188, %add3A_190 : vector<256x2048xi32>
    %add3A_192 = arith.addi %add3A_185, %add3A_191 : vector<256x2048xi32>
    %shift_left3A_193 = arith.constant 13 : i32
    %shift_left3A_194 = vector.broadcast %shift_left3A_193 : i32 to vector<256x2048xi32>
    %shift_left3A_195 = arith.shli %add3A_191, %shift_left3A_194 : vector<256x2048xi32>
    %shift_right_logical3A_196 = arith.constant 19 : i32
    %shift_right_logical3A_197 = vector.broadcast %shift_right_logical3A_196 : i32 to vector<256x2048xi32>
    %shift_right_logical3A_198 = arith.shrui %add3A_191, %shift_right_logical3A_197 : vector<256x2048xi32>
    %or3A_199 = arith.ori %shift_left3A_195, %shift_right_logical3A_198 : vector<256x2048xi32>
    %xor3A_200 = arith.xori %add3A_192, %or3A_199 : vector<256x2048xi32>
    %add3A_201 = arith.addi %add3A_192, %xor3A_200 : vector<256x2048xi32>
    %shift_left3A_202 = arith.constant 15 : i32
    %shift_left3A_203 = vector.broadcast %shift_left3A_202 : i32 to vector<256x2048xi32>
    %shift_left3A_204 = arith.shli %xor3A_200, %shift_left3A_203 : vector<256x2048xi32>
    %shift_right_logical3A_205 = arith.constant 17 : i32
    %shift_right_logical3A_206 = vector.broadcast %shift_right_logical3A_205 : i32 to vector<256x2048xi32>
    %shift_right_logical3A_207 = arith.shrui %xor3A_200, %shift_right_logical3A_206 : vector<256x2048xi32>
    %or3A_208 = arith.ori %shift_left3A_204, %shift_right_logical3A_207 : vector<256x2048xi32>
    %xor3A_209 = arith.xori %add3A_201, %or3A_208 : vector<256x2048xi32>
    %add3A_210 = arith.addi %add3A_201, %xor3A_209 : vector<256x2048xi32>
    %shift_left3A_211 = arith.constant 26 : i32
    %shift_left3A_212 = vector.broadcast %shift_left3A_211 : i32 to vector<256x2048xi32>
    %shift_left3A_213 = arith.shli %xor3A_209, %shift_left3A_212 : vector<256x2048xi32>
    %shift_right_logical3A_214 = arith.constant 6 : i32
    %shift_right_logical3A_215 = vector.broadcast %shift_right_logical3A_214 : i32 to vector<256x2048xi32>
    %shift_right_logical3A_216 = arith.shrui %xor3A_209, %shift_right_logical3A_215 : vector<256x2048xi32>
    %or3A_217 = arith.ori %shift_left3A_213, %shift_right_logical3A_216 : vector<256x2048xi32>
    %xor3A_218 = arith.xori %add3A_210, %or3A_217 : vector<256x2048xi32>
    %add3A_219 = arith.addi %add3A_210, %xor3A_218 : vector<256x2048xi32>
    %shift_left3A_220 = arith.constant 6 : i32
    %shift_left3A_221 = vector.broadcast %shift_left3A_220 : i32 to vector<256x2048xi32>
    %shift_left3A_222 = arith.shli %xor3A_218, %shift_left3A_221 : vector<256x2048xi32>
    %shift_right_logical3A_223 = arith.constant 26 : i32
    %shift_right_logical3A_224 = vector.broadcast %shift_right_logical3A_223 : i32 to vector<256x2048xi32>
    %shift_right_logical3A_225 = arith.shrui %xor3A_218, %shift_right_logical3A_224 : vector<256x2048xi32>
    %or3A_226 = arith.ori %shift_left3A_222, %shift_right_logical3A_225 : vector<256x2048xi32>
    %xor3A_227 = arith.xori %add3A_219, %or3A_226 : vector<256x2048xi32>
    %add3A_228 = arith.constant -2045582813 : i32
    %add3A_229 = vector.broadcast %add3A_228 : i32 to vector<256x2048xi32>
    %add3A_230 = arith.addi %add3A_219, %add3A_229 : vector<256x2048xi32>
    %add3A_231 = arith.constant -1829035798 : i32
    %add3A_232 = vector.broadcast %add3A_231 : i32 to vector<256x2048xi32>
    %add3A_233 = arith.addi %xor3A_227, %add3A_232 : vector<256x2048xi32>
    %add3A_234 = arith.constant 5 : i32
    %add3A_235 = vector.broadcast %add3A_234 : i32 to vector<256x2048xi32>
    %add3A_236 = arith.addi %add3A_233, %add3A_235 : vector<256x2048xi32>
    %xor3A_237 = arith.xori %add3A_230, %add3A_236 : vector<256x2048xi32>
    %shift_right_logical3A_238 = arith.constant 9 : i32
    %shift_right_logical3A_239 = vector.broadcast %shift_right_logical3A_238 : i32 to vector<256x2048xi32>
    %shift_right_logical3A_240 = arith.shrui %xor3A_237, %shift_right_logical3A_239 : vector<256x2048xi32>
    %or3A_241 = arith.constant 1065353216 : i32
    %or3A_242 = vector.broadcast %or3A_241 : i32 to vector<256x2048xi32>
    %or3A_243 = arith.ori %shift_right_logical3A_240, %or3A_242 : vector<256x2048xi32>
    %bitcast_convert_type3A = tpu.bitcast %or3A_243 : vector<256x2048xi32> -> vector<256x2048xf32>
    %sub3A = arith.constant 1.000000e+00 : f32
    %sub3A_244 = vector.broadcast %sub3A : f32 to vector<256x2048xf32>
    %sub3A_245 = arith.subf %bitcast_convert_type3A, %sub3A_244 : vector<256x2048xf32>
    %mul3A_246 = arith.constant 2.000000e+00 : f32
    %mul3A_247 = vector.broadcast %mul3A_246 : f32 to vector<256x2048xf32>
    %mul3A_248 = arith.mulf %sub3A_245, %mul3A_247 : vector<256x2048xf32>
    %add3A_249 = arith.constant -0.99999994 : f32
    %add3A_250 = vector.broadcast %add3A_249 : f32 to vector<256x2048xf32>
    %add3A_251 = arith.addf %mul3A_248, %add3A_250 : vector<256x2048xf32>
    %max3A = arith.constant -0.99999994 : f32
    %max3A_252 = vector.broadcast %max3A : f32 to vector<256x2048xf32>
    %max3A_253 = arith.maximumf %max3A_252, %add3A_251 : vector<256x2048xf32>
    %sub3A_254 = arith.constant 1.000000e+00 : f32
    %sub3A_255 = vector.broadcast %sub3A_254 : f32 to vector<256x2048xf32>
    %sub3A_256 = arith.subf %sub3A_255, %max3A_253 : vector<256x2048xf32>
    %add3A_257 = arith.constant 1.000000e+00 : f32
    %add3A_258 = vector.broadcast %add3A_257 : f32 to vector<256x2048xf32>
    %add3A_259 = arith.addf %add3A_258, %max3A_253 : vector<256x2048xf32>
    %mul3A_260 = arith.mulf %sub3A_256, %add3A_259 : vector<256x2048xf32>
    %log3A = math.log %mul3A_260 : vector<256x2048xf32>
    %neg3A = arith.constant 0.000000e+00 : f32
    %neg3A_261 = vector.broadcast %neg3A : f32 to vector<256x2048xf32>
    %neg3A_262 = arith.subf %neg3A_261, %log3A : vector<256x2048xf32>
    %sqrt3A = math.sqrt %neg3A_262 : vector<256x2048xf32>
    %mul3A_263 = arith.constant -2.26071188E-5 : f32
    %mul3A_264 = vector.broadcast %mul3A_263 : f32 to vector<256x2048xf32>
    %mul3A_265 = arith.mulf %mul3A_264, %sqrt3A : vector<256x2048xf32>
    %add3A_266 = arith.constant 2.52790167E-4 : f32
    %add3A_267 = vector.broadcast %add3A_266 : f32 to vector<256x2048xf32>
    %add3A_268 = arith.addf %mul3A_265, %add3A_267 : vector<256x2048xf32>
    %mul3A_269 = arith.mulf %add3A_268, %sqrt3A : vector<256x2048xf32>
    %add3A_270 = arith.constant -7.93509301E-4 : f32
    %add3A_271 = vector.broadcast %add3A_270 : f32 to vector<256x2048xf32>
    %add3A_272 = arith.addf %mul3A_269, %add3A_271 : vector<256x2048xf32>
    %mul3A_273 = arith.mulf %add3A_272, %sqrt3A : vector<256x2048xf32>
    %add3A_274 = arith.constant -7.81780327E-5 : f32
    %add3A_275 = vector.broadcast %add3A_274 : f32 to vector<256x2048xf32>
    %add3A_276 = arith.addf %mul3A_273, %add3A_275 : vector<256x2048xf32>
    %mul3A_277 = arith.mulf %add3A_276, %sqrt3A : vector<256x2048xf32>
    %add3A_278 = arith.constant 7.37290073E-4 : f32
    %add3A_279 = vector.broadcast %add3A_278 : f32 to vector<256x2048xf32>
    %add3A_280 = arith.addf %mul3A_277, %add3A_279 : vector<256x2048xf32>
    %mul3A_281 = arith.mulf %add3A_280, %sqrt3A : vector<256x2048xf32>
    %add3A_282 = arith.constant 0.013978268 : f32
    %add3A_283 = vector.broadcast %add3A_282 : f32 to vector<256x2048xf32>
    %add3A_284 = arith.addf %mul3A_281, %add3A_283 : vector<256x2048xf32>
    %mul3A_285 = arith.mulf %add3A_284, %sqrt3A : vector<256x2048xf32>
    %add3A_286 = arith.constant 2.35663625E-4 : f32
    %add3A_287 = vector.broadcast %add3A_286 : f32 to vector<256x2048xf32>
    %add3A_288 = arith.addf %mul3A_285, %add3A_287 : vector<256x2048xf32>
    %mul3A_289 = arith.mulf %add3A_288, %sqrt3A : vector<256x2048xf32>
    %add3A_290 = arith.constant 1.253300e+00 : f32
    %add3A_291 = vector.broadcast %add3A_290 : f32 to vector<256x2048xf32>
    %add3A_292 = arith.addf %mul3A_289, %add3A_291 : vector<256x2048xf32>
    %mul3A_293 = arith.mulf %sqrt3A, %add3A_292 : vector<256x2048xf32>
    %bitcast_convert_type3A_294 = tpu.bitcast %max3A_253 : vector<256x2048xf32> -> vector<256x2048xi32>
    %and3A = arith.constant -2147483648 : i32
    %and3A_295 = vector.broadcast %and3A : i32 to vector<256x2048xi32>
    %and3A_296 = arith.andi %bitcast_convert_type3A_294, %and3A_295 : vector<256x2048xi32>
    %bitcast_convert_type3A_297 = tpu.bitcast %mul3A_293 : vector<256x2048xf32> -> vector<256x2048xi32>
    %or3A_298 = arith.ori %bitcast_convert_type3A_297, %and3A_296 : vector<256x2048xi32>
    %bitcast_convert_type3A_299 = tpu.bitcast %or3A_298 : vector<256x2048xi32> -> vector<256x2048xf32>
    %swap3A = arith.constant 0 : index
    %swap3A_300 = arith.constant 0 : index
    %swap3A_301 = vector.load %arg1[%swap3A, %swap3A_300] : memref<256x2048xf32, #tpu.memory_space<vmem>>, vector<256x2048xf32>
    tpu.vector_store %arg1[%swap3A, %swap3A_300], %bitcast_convert_type3A_299 {strides = array<i32>} : memref<256x2048xf32, #tpu.memory_space<vmem>>, vector<256x2048xf32>,
    return
  }
  func.func @transform_0(%arg0: i32) -> (i32, i32) {
    %c0_i32 = arith.constant 0 : i32
    %c0_i32_0 = arith.constant 0 : i32
    return %arg0, %c0_i32 : i32, i32
  }
}

module attributes {stable_mosaic.version = 14 : i64} {
  func.func @_reparam_body(%arg0: i32, %arg1: memref<256x2048xf32, #tpu.memory_space<vmem>>, %arg2: memref<256x2048xf32, #tpu.memory_space<vmem>>, %arg3: memref<256x2048xf32, #tpu.memory_space<vmem>>, %arg4: memref<2048x2048xf32, #tpu.memory_space<any>>, %arg5: memref<256x2048xf32, #tpu.memory_space<vmem>>) attributes {dimension_semantics = [#tpu.dimension_semantics<arbitrary>], iteration_bounds = array<i64: 3>, scalar_prefetch = 0 : i64, scratch_operands = 0 : i64, tpu.core_type = #tpu.core_type<tc>, window_params = [{transform_indices = @transform_0, window_bounds = array<i64: 256, 2048>}, {transform_indices = @transform_1, window_bounds = array<i64: 256, 2048>}, {transform_indices = @transform_2, window_bounds = array<i64: 256, 2048>}, {}, {transform_indices = @transform_4, window_bounds = array<i64: 256, 2048>}]} {
    %get3A = arith.constant 0 : index
    %get3A_0 = arith.constant 0 : index
    %get3A_1 = vector.load %arg1[%get3A, %get3A_0] : memref<256x2048xf32, #tpu.memory_space<vmem>>, vector<256x2048xf32>
    %get3A_2 = arith.constant 0 : index
    %get3A_3 = arith.constant 0 : index
    %get3A_4 = vector.load %arg2[%get3A_2, %get3A_3] : memref<256x2048xf32, #tpu.memory_space<vmem>>, vector<256x2048xf32>
    %mul3A = arith.constant 5.000000e-01 : f32
    %mul3A_5 = vector.broadcast %mul3A : f32 to vector<256x2048xf32>
    %mul3A_6 = arith.mulf %get3A_4, %mul3A_5 : vector<256x2048xf32>
    %exp3A = math.exp %mul3A_6 : vector<256x2048xf32>
    %get3A_7 = arith.constant 0 : index
    %get3A_8 = arith.constant 0 : index
    %get3A_9 = vector.load %arg3[%get3A_7, %get3A_8] : memref<256x2048xf32, #tpu.memory_space<vmem>>, vector<256x2048xf32>
    %mul3A_10 = arith.mulf %exp3A, %get3A_9 : vector<256x2048xf32>
    %add3A = arith.addf %get3A_1, %mul3A_10 : vector<256x2048xf32>
    %swap3A = arith.constant 0 : index
    %swap3A_11 = arith.constant 0 : index
    %swap3A_12 = vector.load %arg5[%swap3A, %swap3A_11] : memref<256x2048xf32, #tpu.memory_space<vmem>>, vector<256x2048xf32>
    tpu.vector_store %arg5[%swap3A, %swap3A_11], %add3A {strides = array<i32>} : memref<256x2048xf32, #tpu.memory_space<vmem>>, vector<256x2048xf32>,
    return
  }
  func.func @transform_0(%arg0: i32) -> (i32, i32) {
    %c0_i32 = arith.constant 0 : i32
    %c0_i32_0 = arith.constant 0 : i32
    return %arg0, %c0_i32 : i32, i32
  }
  func.func @transform_1(%arg0: i32) -> (i32, i32) {
    %c0_i32 = arith.constant 0 : i32
    %c0_i32_0 = arith.constant 0 : i32
    return %arg0, %c0_i32 : i32, i32
  }
  func.func @transform_2(%arg0: i32) -> (i32, i32) {
    %c0_i32 = arith.constant 0 : i32
    %c0_i32_0 = arith.constant 0 : i32
    return %arg0, %c0_i32 : i32, i32
  }
  func.func @transform_4(%arg0: i32) -> (i32, i32) {
    %c0_i32 = arith.constant 0 : i32
    %c0_i32_0 = arith.constant 0 : i32
    return %arg0, %c0_i32 : i32, i32
  }
}

</mosaic_0001>

<sc_bundles>
// kernel: kernel.6.cloned.1.call-start
scs
__scs_entry_jumppad:
0x0: {  	(pc) =	sbr.rel $0x88, $3  }
0x1: {  	(tag) =	ssettag $0x0;
	lr =	simm.s32 $0x1  }
0x2: {  	[smem:$0x3F9E] =	sst lr;
	_ =	strace $0xD0000000  }
0x3: {  	_ = 	snop  }
0x4: {  	_ = 	snop  }
0x5: {  	_ = 	snop  }
0x6: {  	_ = 	snop  }
0x7: {  	_ = 	snop  }
__scs_overlays_trampoline_lowered:
0x8: {  	[smem:$0x3FAD] =	sst s0  }
0x9: {  	[smem:$0x3FAE] =	sst s1  }
0xa: {  	[smem:$0x3FAF] =	sst s2  }
0xb: {  	[smem:$0x3FB0] =	sst s3  }
0xc: {  	[smem:$0x3FB1] =	sst s4  }
0xd: {  	[smem:$0x3FB2] =	sst s5  }
0xe: {  	[smem:$0x3FB3] =	sst s6  }
0xf: {  	[smem:$0x3FB4] =	sst s7  }
0x10: {  	[smem:$0x3FB5] =	sst s8  }
0x11: {  	[smem:$0x3FB6] =	sst s9;
	s0 =	simm.s32 @!p0 $0x0  }
0x12: {  	s1 =	sld [smem:$0x3F9C];
	s0 =	simm.s32 @p0 $0x1  }
0x13: {  	[smem:$0x3FB7] =	sst s0;
	s0 =	simm.s32 @!p1 $0x0  }
0x14: {  	s2 =	sld [smem:$0x3F9B];
	s0 =	simm.s32 @p1 $0x1  }
0x15: {  	[smem:$0x3FB8] =	sst s0;
	s0 =	simm.s32 @!p2 $0x0  }
0x16: {  	s3 =	sld [smem:$0x3FDB];
	s0 =	simm.s32 @p2 $0x1  }
0x17: {  	s4 =	simm.s32 $0x1BF5;
	[smem:$0x3FBA] =	sst s0  }
0x18: {  	s0 =	sld [smem:$0x3F9D];
	_ =	swait.ge [sflag:s4], $0x0  }
0x19: {  	s7 =	sld [smem:$0x3F9E]  }
0x1a: {  	s8 =	sadd.s32 $0xFFFFE003, lr  }
0x1b: {  	s9 =	sadd.s32 $0xFFFFFEF7, lr;
	s5 =	simm.s32 $0xFFFFFFFF;
	p2 =	slt.u32 s8, $0xFFFFF086  }
0x1c: {  	p1 =	slt.u32 s9, $0xF7A;
	s5 =	simm.s32 @!p2 $0x0  }
0x1d: {  	s5 =	simm.s32 @p1 $0x1;
	p0 =	seq.s32 s7, s2  }
0x1e: {  	s7 =	smul.u32 @!p0 $0xF7A, s2;
	p2 =	seq.s32 @!p0 s5, $0x0  }
0x1f: {  	s9 =	smul.u32 $0xF7A, s1;
	s8 =	simm.s32 @!p0 $0x1BF5;
	p2 =	por !p2, p0  }
0x20: {  	[sflag:s8] =	ssyncset.s32 @!p0 $0xFFFFF086;
	s6 =	sadd.s32 @!p0 s3, s7;
	s7 =	simm.s32 @!p0 $0x108  }
0x21: {  	s3 =	sadd.s32 s3, s9;
	s6 =	sadd.s32 @!p0 $0x88, s6;
	s7 =	simm.s32 @p2 $0x1082  }
0x22: {  	[simem:s7], [sflag:s8] =	dma.local @!p0 [hbm:s6], $0xF7A  }
0x23: {  	s9 =	sor.u32 $0xD0000000, s2;
	s6 =	simm.s32 $0x108;
	_ =	swait.ge @!p0 [sflag:s8], $0x0  }
0x24: {  	s3 =	sadd.s32 $0x88, s3;
	s6 =	simm.s32 @!p1 $0x1082;
	[sflag:s4] =	ssyncset.s32 $0xFFFFF086  }
0x25: {  	[simem:s6], [sflag:s4] =	dma.local [hbm:s3], $0xF7A  }
0x26: {  	[smem:$0x3F9E] =	sst s1;
	(tag) =	ssettag s2;
	_ =	strace s9  }
0x27: {  	s1 =	sld [smem:$0x3FAE]  }
0x28: {  	s2 =	sld [smem:$0x3FAF]  }
0x29: {  	s4 =	sld [smem:$0x3FB1]  }
0x2a: {  	p0 =	seq.s32 s5, $0x0;
	s5 =	sld [smem:$0x3FB2]  }
0x2b: {  	s6 =	sld [smem:$0x3FB3]  }
0x2c: {  	s7 =	sld [smem:$0x3FB4]  }
0x2d: {  	s3 =	simm.s32 $0x108;
	s8 =	sld [smem:$0x3FB5]  }
0x2e: {  	s3 =	simm.s32 @!p0 $0x1082;
	s9 =	sld [smem:$0x3FB6]  }
0x2f: {  	lr =	sadd.s32 s0, s3;
	s0 =	sld [smem:$0x3FAD]  }
0x30: {  	s3 =	sld [smem:$0x3FB0]  }
0x31: {  	[smem:$0x3FB9] =	sst s10  }
0x32: {  	s10 =	sld [smem:$0x3FB7];
	_ =	sdelay $0x3  }
0x33: {  	p0 =	seq.s32 s10, $0x1;
	s10 =	sld [smem:$0x3FB9];
	_ =	sdelay $0x3  }
0x34: {  	[smem:$0x3FB9] =	sst s10  }
0x35: {  	s10 =	sld [smem:$0x3FB8];
	_ =	sdelay $0x3  }
0x36: {  	p1 =	seq.s32 s10, $0x1;
	s10 =	sld [smem:$0x3FB9];
	_ =	sdelay $0x3  }
0x37: {  	[smem:$0x3FB9] =	sst s10  }
0x38: {  	s10 =	sld [smem:$0x3FBA]  }
0x39: {  	_ = 	snop;
	(pc) =	sbr.ind lr, $3  }
0x3a: {  	_ = 	snop  }
0x3b: {  	_ = 	snop  }
0x3c: {  	p2 =	seq.s32 s10, $0x1;
	s10 =	sld [smem:$0x3FB9]  }
0x3d: {  	_ =	shalt  }
0x3e: {  	_ =	shalt  }
0x3f: {  	_ =	shalt  }
0x40: {  	_ =	shalt  }
0x41: {  	_ =	shalt  }
0x42: {  	_ =	shalt  }
0x43: {  	_ =	shalt  }
0x44: {  	_ =	shalt  }
0x45: {  	_ =	shalt  }
0x46: {  	_ =	shalt  }
0x47: {  	_ =	shalt  }
0x48: {  	_ =	shalt  }
0x49: {  	_ =	shalt  }
0x4a: {  	_ =	shalt  }
0x4b: {  	_ =	shalt  }
0x4c: {  	_ =	shalt  }
0x4d: {  	_ =	shalt  }
0x4e: {  	_ =	shalt  }
0x4f: {  	_ =	shalt  }
0x50: {  	_ =	shalt  }
0x51: {  	_ =	shalt  }
0x52: {  	_ =	shalt  }
0x53: {  	_ =	shalt  }
0x54: {  	_ =	shalt  }
0x55: {  	_ =	shalt  }
0x56: {  	_ =	shalt  }
0x57: {  	_ =	shalt  }
0x58: {  	_ =	shalt  }
0x59: {  	_ =	shalt  }
0x5a: {  	_ =	shalt  }
0x5b: {  	_ =	shalt  }
0x5c: {  	_ =	shalt  }
0x5d: {  	_ =	shalt  }
0x5e: {  	_ =	shalt  }
0x5f: {  	_ =	shalt  }
0x60: {  	_ =	shalt  }
0x61: {  	_ =	shalt  }
0x62: {  	_ =	shalt  }
0x63: {  	_ =	shalt  }
0x64: {  	_ =	shalt  }
0x65: {  	_ =	shalt  }
0x66: {  	_ =	shalt  }
0x67: {  	_ =	shalt  }
0x68: {  	_ =	shalt  }
0x69: {  	_ =	shalt  }
0x6a: {  	_ =	shalt  }
0x6b: {  	_ =	shalt  }
0x6c: {  	_ =	shalt  }
0x6d: {  	_ =	shalt  }
0x6e: {  	_ =	shalt  }
0x6f: {  	_ =	shalt  }
0x70: {  	_ =	shalt  }
0x71: {  	_ =	shalt  }
0x72: {  	_ =	shalt  }
0x73: {  	_ =	shalt  }
0x74: {  	_ =	shalt  }
0x75: {  	_ =	shalt  }
0x76: {  	_ =	shalt  }
0x77: {  	_ =	shalt  }
0x78: {  	_ =	shalt  }
0x79: {  	_ =	shalt  }
0x7a: {  	_ =	shalt  }
0x7b: {  	_ =	shalt  }
0x7c: {  	_ =	shalt  }
0x7d: {  	_ =	shalt  }
0x7e: {  	_ =	shalt  }
0x7f: {  	_ =	shalt  }
0x80: {  	_ =	shalt  }
0x81: {  	_ =	shalt  }
0x82: {  	_ =	shalt  }
0x83: {  	_ =	shalt  }
0x84: {  	_ =	shalt  }
0x85: {  	_ =	shalt  }
0x86: {  	_ =	shalt  }
0x87: {  	_ =	shalt  }
.Lfunc_end0:
.L_simem_size_0:
called_computation_lowered:
.L_overlay_start_0:
0x88: {  	s2 =	sld [smem:$0x3FD9]  }
0x89: {  	s3 =	sld [smem:$0x3FFE];
	_ =	sdelay $0x1  }
0x8a: {  	s1 =	srdreg.scid  }
0x8b: {  	s0 =	sand.u32 $0x1, s1  }
0x8c: {  	s15 =	sshll.u32 s0, $0xA;
	s2 =	sadd.s32 s3, s2  }
0x8d: {  	s2 =	sadd.s32 s2, s15  }
0x8e: {  	[smem:$0x3FC5] =	sst s2  }
0x8f: {  	_ = 	snop  }
0x90: {  	s2 =	sld [smem:$0x3FD0];
	_ =	sdelay $0x1  }
0x91: {  	s16 =	sld [smem:$0x3FC9]  }
0x92: {  	s5 =	simm.s32 $0xA;
	s6 =	simm.s32 $0x10;
	s4 =	sld [smem:$0x3FC8]  }
0x93: {  	[smem:s6], [sflag:s5] =	dma.local [hbm:s2], $0x1  }
0x94: {  	_ =	swait.eq [sflag:s5], $0x1  }
0x95: {  	s17 =	sld [smem:$0x10]  }
0x96: {  	s18 =	sld [smem:$0x11];
	[sflag:s5] =	ssyncset.done $0x0  }
0x97: {  	s7 =	sld [smem:$0x12];
	[sflag:s5] =	ssyncadd.s32 $0xFFFFFFFF  }
0x98: {  	s19 =	sld [smem:$0x13];
	(tm) =	ssettm $0x1  }
0x99: {  	s8 =	sld [smem:$0x3FFB];
	_ =	sdelay $0x3  }
0x9a: {  	_ =	strace s8  }
0x9b: {  	s8 =	sld [smem:$0x3FFC];
	_ =	sdelay $0x3  }
0x9c: {  	_ =	strace s8  }
0x9d: {  	s8 =	sld [smem:$0x3FFD];
	_ =	sdelay $0x3  }
0x9e: {  	_ =	strace s8  }
0x9f: {  	_ =	strace $0x8FFFFFFF  }
0xa0: {  	s20 =	sld [smem:$0x3FDB];
	_ =	sdelay $0x1  }
0xa1: {  	s9 =	simm.s32 $_scs_section_size  }
0xa2: {  	s10 =	simm.s32 $_size__tile_overlayer_lowered;
	s11 =	simm.s32 $_tile_overlayer_lowered  }
0xa3: {  	s23 =	simm.s32 $0x1BFF;
	s22 =	sshll.u32 s11, $0x1;
	s8 =	sadd.s32 s9, s20  }
0xa4: {  	s12 =	simm.s32 $0x0;
	s21 =	sshll.u32 s10, $0x1;
	s10 =	sadd.s32 s22, s8  }
0xa5: {  	[timem:s12], [sflag:s23] =	dma.local [hbm:s10], s21  }
0xa6: {  	_ =	swait.ge [sflag:s23], s21  }
0xa7: {  	s9 =	ssub.s32 $0x0, s21;
	[sflag:s23] =	ssyncset.done $0x0  }
0xa8: {  	[sflag:s23] =	ssyncadd.s32 s9;
	_ =	sdelay $0x1  }
0xa9: {  	s24 =	simm.s32 $0x1B8B  }
0xaa: {  	_ =	swait.ge [sflag:s24], $0x1  }
0xab: {  	[sflag:s24] =	ssyncset.done $0x0  }
0xac: {  	s25 =	simm.s32 $0x1B8E;
	[sflag:s24] =	ssyncadd.s32 $0xFFFFFFFF  }
0xad: {  	s26 =	simm.s32 $execute0_lowered;
	[smem:$0x3FD2] =	sst s25  }
0xae: {  	s9 =	sshll.u32 s26, $0x1;
	_ =	strace $0x80000046;
	[dreg:$0x1] =	wrdreg $0xFFFFFFFF  }
0xaf: {  	s28 =	simm.s32 $_size_execute0_lowered;
	s8 =	sadd.s32 s8, s9;
	[dreg:$0x0] =	wrdreg $0x0  }
0xb0: {  	s9 =	sshll.u32 s28, $0x1;
	[dreg:$0x2] =	wrdreg s8  }
0xb1: {  	[dreg:$0x3] =	wrdreg s9  }
0xb2: {  	[dreg:$0x4] =	wrdreg $0xC0  }
0xb3: {  	_ =	task [dreg:s12], $0x5FFFF  }
0xb4: {  	[dreg:$0x1] =	wrdreg $0xFFFFFFFF  }
0xb5: {  	[dreg:$0x0] =	wrdreg $0x60  }
0xb6: {  	[dreg:$0x2] =	wrdreg s17  }
0xb7: {  	[dreg:$0x3] =	wrdreg s16  }
0xb8: {  	[dreg:$0x4] =	wrdreg s4  }
0xb9: {  	[dreg:$0x5] =	wrdreg s18  }
0xba: {  	[dreg:$0x6] =	wrdreg s7  }
0xbb: {  	[dreg:$0x7] =	wrdreg s19  }
0xbc: {  	[dreg:$0x8] =	wrdreg $0x9  }
0xbd: {  	_ =	task.clear_ibuf [dreg:s12], $0x9FFFF;
	_ =	strace $0x90000046  }
0xbe: {  	s29 =	simm.s32 $0x9;
	_ =	strace $0x80000048  }
0xbf: {  	_ =	swait.ge [sflag:s29], $0x1  }
0xc0: {  	[sflag:s29] =	ssyncadd.s32 $0xFFFFFFFF  }
0xc1: {  	_ =	strace $0x90000048  }
0xc2: {  	_ =	sfence  }
0xc3: {  	s30 =	sld [smem:$0x0];
	_ =	sdelay $0x2  }
0xc4: {  	s31 =	sshll.u32 s1, $0xD;
	s1 =	sshrl.u32 s1, $0x2  }
0xc5: {  	s3 =	sand.u32 $0x4000, s31;
	s1 =	sadd.s32 s1, s30  }
0xc6: {  	s0 =	sor.u32 s3, s0;
	s1 =	sshll.u32 s1, $0x11  }
0xc7: {  	s0 =	sor.u32 s1, s0  }
0xc8: {  	s0 =	sadd.s32 $0x8F2B, s0  }
0xc9: {  	[sflag:s0] =	ssyncadd.remote.s32 $0x1  }
0xca: {  	_ =	sfence.sel $0xFFFF  }
0xcb: {  	[dreg:$0x0] =	wrdreg $0xFFFFFFFF;
	(pc) =	sbr.abs _section_cstart, $3  }
0xcc: {  	[dreg:$0x1] =	wrdreg $0xFFFFFFFF  }
0xcd: {  	_ =	task.clear_ibuf [dreg:s12], $0x2FFFF;
	_ =	strace $0x9FFFFFFF  }
0xce: {  	(tm) =	ssettm $0x7FFFFFFF  }
0xcf: {  	_ =	shalt  }
tec
execute0_lowered:
.L_overlay_start_1:
0x0: {  	(tag) =	ssettag $0x1  }
0x1: {  	s0 =	srdreg.scid;
	s1 =	stileid.u32  }
0x2: {  	s6 =	sand.u32 $0x1, s0;
	s20 =	sshll.u32 s1, $0x1  }
0x3: {  	v0 =	vlaneseq.u32;
	s3 =	sor.u32 s6, s20  }
0x4: {  	v1 =	vadd.s32 $0x1022172D, v0;
	s21 =	sshll.u32 s3, $0x6  }
0x5: {  	v1 =	vadd.s32 s21, v1  }
0x6: {  	v2 =	vadd.s32 $0x7D601BBC, v0;
	v3 =	vshrl.u32 v1, $0x13;
	v1 =	vshll.u32 v1, $0xD  }
0x7: {  	v2 =	vadd.s32 s21, v2;
	v1 =	vor.u32 v3, v1  }
0x8: {  	v1 =	vxor.u32 v2, v1  }
0x9: {  	v3 =	vshrl.u32 v1, $0x11;
	v4 =	vshll.u32 v1, $0xF  }
0xa: {  	v1 =	vadd.s32 v2, v1;
	v2 =	vor.u32 v3, v4  }
0xb: {  	v2 =	vxor.u32 v2, v1  }
0xc: {  	v3 =	vshrl.u32 v2, $0x6;
	v4 =	vshll.u32 v2, $0x1A  }
0xd: {  	v1 =	vadd.s32 v1, v2;
	v2 =	vor.u32 v3, v4  }
0xe: {  	v2 =	vxor.u32 v2, v1  }
0xf: {  	v3 =	vshrl.u32 v2, $0x1A;
	v4 =	vshll.u32 v2, $0x6  }
0x10: {  	v1 =	vadd.s32 v1, v2;
	v2 =	vor.u32 v3, v4  }
0x11: {  	v2 =	vxor.u32 v2, v1  }
0x12: {  	v2 =	vadd.s32 $0x66CD0879, v2  }
0x13: {  	v1 =	vadd.s32 v2, v1;
	v3 =	vshrl.u32 v2, $0xF;
	v2 =	vshll.u32 v2, $0x11  }
0x14: {  	v1 =	vadd.s32 $0x1022172D, v1;
	v2 =	vor.u32 v3, v2  }
0x15: {  	v2 =	vxor.u32 v2, v1  }
0x16: {  	v3 =	vshrl.u32 v2, $0x3;
	v4 =	vshll.u32 v2, $0x1D  }
0x17: {  	v1 =	vadd.s32 v1, v2;
	v2 =	vor.u32 v3, v4  }
0x18: {  	v2 =	vxor.u32 v2, v1  }
0x19: {  	v3 =	vshrl.u32 v2, $0x10;
	v4 =	vshll.u32 v2, $0x10  }
0x1a: {  	v1 =	vadd.s32 v1, v2;
	v2 =	vor.u32 v3, v4  }
0x1b: {  	v2 =	vxor.u32 v2, v1  }
0x1c: {  	v3 =	vshrl.u32 v2, $0x8;
	v4 =	vshll.u32 v2, $0x18  }
0x1d: {  	v1 =	vadd.s32 v1, v2;
	v2 =	vor.u32 v3, v4  }
0x1e: {  	v2 =	vxor.u32 v2, v1  }
0x1f: {  	v2 =	vadd.s32 $0x6D3E0491, v2  }
0x20: {  	v1 =	vadd.s32 v2, v1;
	v3 =	vshrl.u32 v2, $0x13;
	v2 =	vshll.u32 v2, $0xD  }
0x21: {  	v1 =	vadd.s32 $0x66CD0878, v1;
	v2 =	vor.u32 v3, v2  }
0x22: {  	v2 =	vxor.u32 v2, v1  }
0x23: {  	v3 =	vshrl.u32 v2, $0x11;
	v4 =	vshll.u32 v2, $0xF  }
0x24: {  	v1 =	vadd.s32 v1, v2;
	v2 =	vor.u32 v3, v4  }
0x25: {  	v2 =	vxor.u32 v2, v1  }
0x26: {  	v3 =	vshrl.u32 v2, $0x6;
	v4 =	vshll.u32 v2, $0x1A  }
0x27: {  	v1 =	vadd.s32 v1, v2;
	v2 =	vor.u32 v3, v4  }
0x28: {  	v2 =	vxor.u32 v2, v1  }
0x29: {  	v3 =	vshrl.u32 v2, $0x1A;
	v4 =	vshll.u32 v2, $0x6  }
0x2a: {  	v1 =	vadd.s32 v1, v2;
	v2 =	vor.u32 v3, v4  }
0x2b: {  	v3 =	vadd.s32 $0x45A3D6BE, v0;
	v2 =	vxor.u32 v2, v1  }
0x2c: {  	v5 =	vadd.s32 $0xD1B63D6A, v0;
	v3 =	vadd.s32 s21, v3;
	v2 =	vadd.s32 $0x10221730, v2  }
0x2d: {  	v6 =	vshrl.u32 v3, $0x13;
	v3 =	vshll.u32 v3, $0xD;
	v1 =	vadd.s32 v2, v1  }
0x2e: {  	v4 =	vshrl.u32 v2, $0xF;
	v2 =	vshll.u32 v2, $0x11;
	v3 =	vor.u32 v6, v3  }
0x2f: {  	v1 =	vadd.s32 $0x6D3E048F, v1;
	v2 =	vor.u32 v4, v2;
	v4 =	vadd.s32 s21, v5  }
0x30: {  	v54 =	vadd.s32 $0x45A3D6DE, v0;
	v2 =	vxor.u32 v2, v1;
	v3 =	vxor.u32 v4, v3  }
0x31: {  	v5 =	vshrl.u32 v2, $0x3;
	v6 =	vshrl.u32 v3, $0x11;
	v7 =	vshll.u32 v3, $0xF  }
0x32: {  	v8 =	vshll.u32 v2, $0x1D;
	v3 =	vadd.s32 v4, v3;
	v4 =	vor.u32 v6, v7  }
0x33: {  	v1 =	vadd.s32 v1, v2;
	v2 =	vor.u32 v5, v8;
	v4 =	vxor.u32 v4, v3  }
0x34: {  	v2 =	vxor.u32 v2, v1;
	v5 =	vshrl.u32 v4, $0x6;
	v6 =	vshll.u32 v4, $0x1A  }
0x35: {  	v1 =	vadd.s32 v1, v2;
	v3 =	vadd.s32 v3, v4;
	v4 =	vor.u32 v5, v6  }
0x36: {  	v5 =	vshrl.u32 v2, $0x10;
	v2 =	vshll.u32 v2, $0x10;
	v4 =	vxor.u32 v4, v3  }
0x37: {  	v2 =	vor.u32 v5, v2;
	v5 =	vshrl.u32 v4, $0x1A;
	v6 =	vshll.u32 v4, $0x6  }
0x38: {  	v2 =	vxor.u32 v2, v1;
	v3 =	vadd.s32 v3, v4;
	v4 =	vor.u32 v5, v6  }
0x39: {  	v5 =	vshrl.u32 v2, $0x8;
	v6 =	vshll.u32 v2, $0x18;
	v4 =	vxor.u32 v4, v3  }
0x3a: {  	v1 =	vadd.s32 v1, v2;
	v2 =	vor.u32 v5, v6;
	v4 =	vadd.s32 $0xD260ABC9, v4  }
0x3b: {  	v3 =	vadd.s32 v4, v3;
	v5 =	vshrl.u32 v4, $0xF;
	v4 =	vshll.u32 v4, $0x11  }
0x3c: {  	v2 =	vxor.u32 v2, v1;
	v3 =	vadd.s32 $0x45A3D6BE, v3;
	v4 =	vor.u32 v5, v4  }
0x3d: {  	v22 =	vadd.s32 $0x1022175D, v0;
	v2 =	vadd.s32 $0x66CD087C, v2;
	v4 =	vxor.u32 v4, v3  }
0x3e: {  	v1 =	vadd.s32 v2, v1;
	v5 =	vshrl.u32 v4, $0x3;
	v6 =	vshll.u32 v4, $0x1D  }
0x3f: {  	v1 =	vadd.s32 $0x1022172D, v1;
	v3 =	vadd.s32 v3, v4;
	v4 =	vor.u32 v5, v6  }
0x40: {  	v5 =	vshrl.u32 v2, $0x13;
	v2 =	vshll.u32 v2, $0xD;
	v4 =	vxor.u32 v4, v3  }
0x41: {  	v2 =	vor.u32 v5, v2;
	v5 =	vshrl.u32 v4, $0x10;
	v6 =	vshll.u32 v4, $0x10  }
0x42: {  	v2 =	vxor.u32 v2, v1;
	v3 =	vadd.s32 v3, v4;
	v4 =	vor.u32 v5, v6  }
0x43: {  	v1 =	vadd.s32 v1, v2;
	v5 =	vshrl.u32 v2, $0x11;
	v4 =	vxor.u32 v4, v3  }
0x44: {  	v2 =	vshll.u32 v2, $0xF;
	v6 =	vshrl.u32 v4, $0x8;
	v7 =	vshll.u32 v4, $0x18  }
0x45: {  	v2 =	vor.u32 v5, v2;
	v3 =	vadd.s32 v3, v4;
	v4 =	vor.u32 v6, v7  }
0x46: {  	v24 =	vadd.s32 $0x7D601BEC, v0;
	v5 =	vxor.u32 v2, v1;
	v4 =	vxor.u32 v4, v3  }
0x47: {  	v26 =	vadd.s32 s21, v24;
	v6 =	vshrl.u32 v5, $0x6;
	v4 =	vadd.s32 $0x8C1266AE, v4  }
0x48: {  	v3 =	vadd.s32 v4, v3;
	v7 =	vshrl.u32 v4, $0x13;
	v4 =	vshll.u32 v4, $0xD  }
0x49: {  	v8 =	vshll.u32 v5, $0x1A;
	v3 =	vadd.s32 $0xD260ABC8, v3;
	v4 =	vor.u32 v7, v4  }
0x4a: {  	v1 =	vadd.s32 v1, v5;
	v5 =	vor.u32 v6, v8;
	v4 =	vxor.u32 v4, v3  }
0x4b: {  	v5 =	vxor.u32 v5, v1;
	v6 =	vshrl.u32 v4, $0x11;
	v7 =	vshll.u32 v4, $0xF  }
0x4c: {  	v1 =	vadd.s32 v1, v5;
	v3 =	vadd.s32 v3, v4;
	v4 =	vor.u32 v6, v7  }
0x4d: {  	v6 =	vshrl.u32 v5, $0x1A;
	v5 =	vshll.u32 v5, $0x6;
	v4 =	vxor.u32 v4, v3  }
0x4e: {  	v5 =	vor.u32 v6, v5;
	v6 =	vshrl.u32 v4, $0x6;
	v7 =	vshll.u32 v4, $0x1A  }
0x4f: {  	v3 =	vadd.s32 v3, v4;
	v4 =	vor.u32 v6, v7;
	v6 =	vadd.s32 $0x1022173D, v0  }
0x50: {  	v5 =	vxor.u32 v5, v1;
	v7 =	vadd.s32 $0x7D601BCC, v0;
	v6 =	vadd.s32 s21, v6  }
0x51: {  	v4 =	vxor.u32 v4, v3;
	v8 =	vshrl.u32 v6, $0x13;
	v6 =	vshll.u32 v6, $0xD  }
0x52: {  	v7 =	vadd.s32 s21, v7;
	v3 =	vadd.s32 v3, v4;
	v6 =	vor.u32 v8, v6  }
0x53: {  	v8 =	vshrl.u32 v4, $0x1A;
	v4 =	vshll.u32 v4, $0x6;
	v6 =	vxor.u32 v7, v6  }
0x54: {  	v4 =	vor.u32 v8, v4;
	v8 =	vshrl.u32 v6, $0x11;
	v9 =	vshll.u32 v6, $0xF  }
0x55: {  	v4 =	vxor.u32 v4, v3;
	v6 =	vadd.s32 v7, v6;
	v7 =	vor.u32 v8, v9  }
0x56: {  	v1 =	vadd.s32 $0x66CD0878, v1;
	v4 =	vadd.s32 $0x45A3D6C1, v4;
	v7 =	vxor.u32 v7, v6  }
0x57: {  	v3 =	vadd.s32 v4, v3;
	v8 =	vshrl.u32 v7, $0x6;
	v9 =	vshll.u32 v7, $0x1A  }
0x58: {  	v3 =	vadd.s32 $0x8C1266AC, v3;
	v6 =	vadd.s32 v6, v7;
	v7 =	vor.u32 v8, v9  }
0x59: {  	v8 =	vshrl.u32 v4, $0xF;
	v4 =	vshll.u32 v4, $0x11;
	v7 =	vxor.u32 v7, v6  }
0x5a: {  	v4 =	vor.u32 v8, v4;
	v8 =	vshrl.u32 v7, $0x1A;
	v9 =	vshll.u32 v7, $0x6  }
0x5b: {  	v4 =	vxor.u32 v4, v3;
	v6 =	vadd.s32 v6, v7;
	v7 =	vor.u32 v8, v9  }
0x5c: {  	v5 =	vadd.s32 $0x6D3E0494, v5;
	v3 =	vadd.s32 v3, v4;
	v7 =	vxor.u32 v7, v6  }
0x5d: {  	v8 =	vshrl.u32 v4, $0x3;
	v4 =	vshll.u32 v4, $0x1D;
	v7 =	vadd.s32 $0x66CD0879, v7  }
0x5e: {  	v6 =	vadd.s32 v7, v6;
	v9 =	vshrl.u32 v7, $0xF;
	v7 =	vshll.u32 v7, $0x11  }
0x5f: {  	v4 =	vor.u32 v8, v4;
	v6 =	vadd.s32 $0x1022172D, v6;
	v7 =	vor.u32 v9, v7  }
0x60: {  	v1 =	vxor.u32 v1, v5;
	v4 =	vxor.u32 v4, v3;
	v5 =	vxor.u32 v7, v6  }
0x61: {  	v10 =	vshll.u32 v4, $0x10;
	v8 =	vshrl.u32 v5, $0x3;
	v9 =	vshll.u32 v5, $0x1D  }
0x62: {  	v7 =	vshrl.u32 v4, $0x10;
	v5 =	vadd.s32 v6, v5;
	v6 =	vor.u32 v8, v9  }
0x63: {  	v3 =	vadd.s32 v3, v4;
	v4 =	vor.u32 v7, v10;
	v6 =	vxor.u32 v6, v5  }
0x64: {  	v4 =	vxor.u32 v4, v3;
	v7 =	vshrl.u32 v6, $0x10;
	v8 =	vshll.u32 v6, $0x10  }
0x65: {  	v3 =	vadd.s32 v3, v4;
	v5 =	vadd.s32 v5, v6;
	v6 =	vor.u32 v7, v8  }
0x66: {  	v7 =	vshrl.u32 v4, $0x8;
	v4 =	vshll.u32 v4, $0x18;
	v6 =	vxor.u32 v6, v5  }
0x67: {  	v4 =	vor.u32 v7, v4;
	v7 =	vshrl.u32 v6, $0x8;
	v8 =	vshll.u32 v6, $0x18  }
0x68: {  	v4 =	vxor.u32 v4, v3;
	v5 =	vadd.s32 v5, v6;
	v6 =	vor.u32 v7, v8  }
0x69: {  	v2 =	vmov s21;
	v4 =	vadd.s32 $0xD260ABCC, v4;
	v6 =	vxor.u32 v6, v5  }
0x6a: {  	v3 =	vadd.s32 v4, v3;
	v7 =	vshrl.u32 v4, $0x13;
	v4 =	vshll.u32 v4, $0xD  }
0x6b: {  	v6 =	vadd.s32 $0x6D3E0491, v6;
	v3 =	vadd.s32 $0x45A3D6BE, v3;
	v4 =	vor.u32 v7, v4  }
0x6c: {  	v5 =	vadd.s32 v6, v5;
	v8 =	vshrl.u32 v6, $0x13;
	v6 =	vshll.u32 v6, $0xD  }
0x6d: {  	v4 =	vxor.u32 v4, v3;
	v5 =	vadd.s32 $0x66CD0878, v5;
	v6 =	vor.u32 v8, v6  }
0x6e: {  	v1 =	vshrl.u32 v1, $0x9;
	v3 =	vadd.s32 v3, v4;
	v6 =	vxor.u32 v6, v5  }
0x6f: {  	v7 =	vshrl.u32 v6, $0x11;
	v8 =	vshll.u32 v6, $0xF;
	v5 =	vadd.s32 v5, v6  }
0x70: {  	v6 =	vor.u32 v7, v8;
	v7 =	vshrl.u32 v4, $0x11;
	v4 =	vshll.u32 v4, $0xF  }
0x71: {  	v1 =	vor.u32 $0x3F800000, v1;
	v6 =	vxor.u32 v6, v5;
	v4 =	vor.u32 v7, v4  }
0x72: {  	v7 =	vshrl.u32 v6, $0x6;
	v8 =	vshll.u32 v6, $0x1A;
	v4 =	vxor.u32 v4, v3  }
0x73: {  	v5 =	vadd.s32 v5, v6;
	v6 =	vor.u32 v7, v8;
	v3 =	vadd.s32 v3, v4  }
0x74: {  	v7 =	vshrl.u32 v4, $0x6;
	v4 =	vshll.u32 v4, $0x1A;
	v6 =	vxor.u32 v6, v5  }
0x75: {  	v4 =	vor.u32 v7, v4;
	v8 =	vshrl.u32 v6, $0x1A;
	v9 =	vshll.u32 v6, $0x6  }
0x76: {  	v5 =	vadd.s32 v5, v6;
	v4 =	vxor.u32 v4, v3;
	v6 =	vor.u32 v8, v9  }
0x77: {  	v7 =	vadd.s32 v3, v4;
	v4 =	vshrl.u32 v4, $0x1A;
	v3 =	vadd.f32 $-1.000000000e+00, v1  }
0x78: {  	v9 =	vadd.s32 $0xD1B63D7A, v0;
	v6 =	vxor.u32 v6, v5;
	v1 =	vxor.u32 v4, v7  }
0x79: {  	v6 =	vadd.s32 $0x10221730, v6;
	v1 =	vadd.s32 $0x1, v1;
	vm3 =	vlt.f32 v3, $8.999999760e-01  }
0x7a: {  	v3 =	vimm.s32 $0x0;
	v4 =	vadd.s32 v6, v5;
	v5 =	vadd.s32 $0x45A3D6CE, v0  }
0x7b: {  	v8 =	vshrl.u32 v6, $0xF;
	v6 =	vshll.u32 v6, $0x11;
	v5 =	vadd.s32 s21, v5  }
0x7c: {  	v4 =	vadd.s32 $0x6D3E048F, v4;
	v10 =	vshrl.u32 v5, $0x13;
	v5 =	vshll.u32 v5, $0xD  }
0x7d: {  	v6 =	vor.u32 v8, v6;
	v8 =	vadd.s32 s21, v9;
	v5 =	vor.u32 v10, v5  }
0x7e: {  	v1 =	vxor.u32 v7, v1;
	v6 =	vxor.u32 v6, v4;
	v5 =	vxor.u32 v8, v5  }
0x7f: {  	v7 =	vshrl.u32 v6, $0x3;
	v9 =	vshrl.u32 v5, $0x11;
	v10 =	vshll.u32 v5, $0xF  }
0x80: {  	v11 =	vshll.u32 v6, $0x1D;
	v5 =	vadd.s32 v8, v5;
	v8 =	vor.u32 v9, v10  }
0x81: {  	v4 =	vadd.s32 v4, v6;
	v6 =	vor.u32 v7, v11;
	v7 =	vxor.u32 v8, v5  }
0x82: {  	v6 =	vxor.u32 v6, v4;
	v8 =	vshrl.u32 v7, $0x6;
	v9 =	vshll.u32 v7, $0x1A  }
0x83: {  	v4 =	vadd.s32 v4, v6;
	v5 =	vadd.s32 v5, v7;
	v7 =	vor.u32 v8, v9  }
0x84: {  	v8 =	vshrl.u32 v6, $0x10;
	v6 =	vshll.u32 v6, $0x10;
	v7 =	vxor.u32 v7, v5  }
0x85: {  	v6 =	vor.u32 v8, v6;
	v8 =	vshrl.u32 v7, $0x1A;
	v9 =	vshll.u32 v7, $0x6  }
0x86: {  	v6 =	vxor.u32 v6, v4;
	v5 =	vadd.s32 v5, v7;
	v7 =	vor.u32 v8, v9  }
0x87: {  	v1 =	vand.u32 $0xF, v1;
	v4 =	vadd.s32 v4, v6;
	v7 =	vxor.u32 v7, v5  }
0x88: {  	v8 =	vshrl.u32 v6, $0x8;
	v6 =	vshll.u32 v6, $0x18;
	v7 =	vadd.s32 $0xD260ABC9, v7  }
0x89: {  	v5 =	vadd.s32 v7, v5;
	v9 =	vshrl.u32 v7, $0xF;
	v7 =	vshll.u32 v7, $0x11  }
0x8a: {  	v6 =	vor.u32 v8, v6;
	v5 =	vadd.s32 $0x45A3D6BE, v5;
	v7 =	vor.u32 v9, v7  }
0x8b: {  	v1 =	vxor.u32 $0x8, v1;
	v6 =	vxor.u32 v6, v4;
	v7 =	vxor.u32 v7, v5  }
0x8c: {  	v6 =	vadd.s32 $0x66CD087C, v6;
	v8 =	vshrl.u32 v7, $0x3;
	v9 =	vshll.u32 v7, $0x1D  }
0x8d: {  	v4 =	vadd.s32 v6, v4;
	v5 =	vadd.s32 v5, v7;
	v7 =	vor.u32 v8, v9  }
0x8e: {  	v8 =	vadd.s32 $0x1022172D, v4;
	v4 =	vshrl.u32 v6, $0x13;
	v7 =	vxor.u32 v7, v5  }
0x8f: {  	v6 =	vshll.u32 v6, $0xD;
	v9 =	vshrl.u32 v7, $0x10;
	v10 =	vshll.u32 v7, $0x10  }
0x90: {  	v6 =	vor.u32 v4, v6;
	v5 =	vadd.s32 v5, v7;
	v7 =	vor.u32 v9, v10  }
0x91: {  	v4 =	vmul.u32 $0x10, v0;
	v6 =	vxor.u32 v6, v8;
	v7 =	vxor.u32 v7, v5  }
0x92: {  	v9 =	vshrl.u32 v6, $0x11;
	v10 =	vshrl.u32 v7, $0x8;
	v11 =	vshll.u32 v7, $0x18  }
0x93: {  	v12 =	vshll.u32 v6, $0xF;
	v5 =	vadd.s32 v5, v7;
	v7 =	vor.u32 v10, v11  }
0x94: {  	v6 =	vadd.s32 v8, v6;
	v8 =	vor.u32 v9, v12;
	v7 =	vxor.u32 v7, v5  }
0x95: {  	v9 =	vshll.u32 v2, $0x4;
	v2 =	vxor.u32 v8, v6;
	v7 =	vadd.s32 $0x8C1266AE, v7  }
0x96: {  	v5 =	vadd.s32 v7, v5;
	v8 =	vshrl.u32 v7, $0x13;
	v7 =	vshll.u32 v7, $0xD  }
0x97: {  	v6 =	vadd.s32 v6, v2;
	v5 =	vadd.s32 $0xD260ABC8, v5;
	v7 =	vor.u32 v8, v7  }
0x98: {  	v8 =	vshrl.u32 v2, $0x6;
	v2 =	vshll.u32 v2, $0x1A;
	v7 =	vxor.u32 v7, v5  }
0x99: {  	v2 =	vor.u32 v8, v2;
	v8 =	vshrl.u32 v7, $0x11;
	v10 =	vshll.u32 v7, $0xF  }
0x9a: {  	v5 =	vadd.s32 v5, v7;
	v7 =	vor.u32 v8, v10;
	v8 =	vadd.s32 $0x1022174D, v0  }
0x9b: {  	v2 =	vxor.u32 v2, v6;
	v10 =	vadd.s32 $0x7D601BDC, v0;
	v8 =	vadd.s32 s21, v8  }
0x9c: {  	v7 =	vxor.u32 v7, v5;
	v11 =	vshrl.u32 v8, $0x13;
	v8 =	vshll.u32 v8, $0xD  }
0x9d: {  	v10 =	vadd.s32 s21, v10;
	v5 =	vadd.s32 v5, v7;
	v8 =	vor.u32 v11, v8  }
0x9e: {  	v11 =	vshrl.u32 v7, $0x6;
	v7 =	vshll.u32 v7, $0x1A;
	v8 =	vxor.u32 v10, v8  }
0x9f: {  	v7 =	vor.u32 v11, v7;
	v11 =	vshrl.u32 v8, $0x11;
	v34 =	vshll.u32 v8, $0xF  }
0xa0: {  	v7 =	vxor.u32 v7, v5;
	v8 =	vadd.s32 v10, v8;
	v10 =	vor.u32 v11, v34  }
0xa1: {  	v5 =	vadd.s32 v5, v7;
	v11 =	vshrl.u32 v7, $0x1A;
	v10 =	vxor.u32 v10, v8  }
0xa2: {  	v7 =	vshll.u32 v7, $0x6;
	v35 =	vshrl.u32 v10, $0x6;
	v13 =	vshll.u32 v10, $0x1A  }
0xa3: {  	v7 =	vor.u32 v11, v7;
	v8 =	vadd.s32 v8, v10;
	v10 =	vor.u32 v35, v13  }
0xa4: {  	v6 =	vadd.s32 v6, v2;
	v7 =	vxor.u32 v7, v5;
	v10 =	vxor.u32 v10, v8  }
0xa5: {  	v7 =	vadd.s32 $0x45A3D6C1, v7;
	v11 =	vshrl.u32 v10, $0x1A;
	v36 =	vshll.u32 v10, $0x6  }
0xa6: {  	v5 =	vadd.s32 v7, v5;
	v8 =	vadd.s32 v8, v10;
	v10 =	vor.u32 v11, v36  }
0xa7: {  	v37 =	vshrl.u32 v7, $0xF;
	v7 =	vshll.u32 v7, $0x11;
	v10 =	vxor.u32 v10, v8  }
0xa8: {  	v5 =	vadd.s32 $0x8C1266AC, v5;
	v7 =	vor.u32 v37, v7;
	v10 =	vadd.s32 $0x66CD0879, v10  }
0xa9: {  	v8 =	vadd.s32 v10, v8;
	v38 =	vshrl.u32 v10, $0xF;
	v10 =	vshll.u32 v10, $0x11  }
0xaa: {  	v11 =	vshrl.u32 v2, $0x1A;
	v8 =	vadd.s32 $0x1022172D, v8;
	v10 =	vor.u32 v38, v10  }
0xab: {  	v2 =	vshll.u32 v2, $0x6;
	v7 =	vxor.u32 v7, v5;
	v10 =	vxor.u32 v10, v8  }
0xac: {  	v39 =	vshrl.u32 v7, $0x3;
	v40 =	vshrl.u32 v10, $0x3;
	v14 =	vshll.u32 v10, $0x1D  }
0xad: {  	v15 =	vshll.u32 v7, $0x1D;
	v8 =	vadd.s32 v8, v10;
	v10 =	vor.u32 v40, v14  }
0xae: {  	v5 =	vadd.s32 v5, v7;
	v7 =	vor.u32 v39, v15;
	v10 =	vxor.u32 v10, v8  }
0xaf: {  	v7 =	vxor.u32 v7, v5;
	v41 =	vshrl.u32 v10, $0x10;
	v42 =	vshll.u32 v10, $0x10  }
0xb0: {  	v5 =	vadd.s32 v5, v7;
	v8 =	vadd.s32 v8, v10;
	v10 =	vor.u32 v41, v42  }
0xb1: {  	v43 =	vshrl.u32 v7, $0x10;
	v7 =	vshll.u32 v7, $0x10;
	v10 =	vxor.u32 v10, v8  }
0xb2: {  	v7 =	vor.u32 v43, v7;
	v44 =	vshrl.u32 v10, $0x8;
	v45 =	vshll.u32 v10, $0x18  }
0xb3: {  	v7 =	vxor.u32 v7, v5;
	v8 =	vadd.s32 v8, v10;
	v10 =	vor.u32 v44, v45  }
0xb4: {  	v2 =	vor.u32 v11, v2;
	v5 =	vadd.s32 v5, v7;
	v10 =	vxor.u32 v10, v8  }
0xb5: {  	v11 =	vshrl.u32 v7, $0x8;
	v7 =	vshll.u32 v7, $0x18;
	v10 =	vadd.s32 $0x6D3E0491, v10  }
0xb6: {  	v8 =	vadd.s32 v10, v8;
	v46 =	vshrl.u32 v10, $0x13;
	v10 =	vshll.u32 v10, $0xD  }
0xb7: {  	v7 =	vor.u32 v11, v7;
	v8 =	vadd.s32 $0x66CD0878, v8;
	v10 =	vor.u32 v46, v10  }
0xb8: {  	v2 =	vxor.u32 v2, v6;
	v7 =	vxor.u32 v7, v5;
	v10 =	vxor.u32 v10, v8  }
0xb9: {  	v7 =	vadd.s32 $0xD260ABCC, v7;
	v11 =	vshrl.u32 v10, $0x11;
	v47 =	vshll.u32 v10, $0xF  }
0xba: {  	v5 =	vadd.s32 v7, v5;
	v8 =	vadd.s32 v8, v10;
	v10 =	vor.u32 v11, v47  }
0xbb: {  	v5 =	vadd.s32 $0x45A3D6BE, v5;
	v11 =	vshrl.u32 v7, $0x13;
	v10 =	vxor.u32 v10, v8  }
0xbc: {  	v7 =	vshll.u32 v7, $0xD;
	v48 =	vshrl.u32 v10, $0x6;
	v49 =	vshll.u32 v10, $0x1A  }
0xbd: {  	v7 =	vor.u32 v11, v7;
	v8 =	vadd.s32 v8, v10;
	v10 =	vor.u32 v48, v49  }
0xbe: {  	v6 =	vadd.s32 $0x66CD0878, v6;
	v7 =	vxor.u32 v7, v5;
	v10 =	vxor.u32 v10, v8  }
0xbf: {  	v11 =	vshrl.u32 v7, $0x11;
	v50 =	vshrl.u32 v10, $0x1A;
	v51 =	vshll.u32 v10, $0x6  }
0xc0: {  	v52 =	vshll.u32 v7, $0xF;
	v8 =	vadd.s32 v8, v10;
	v10 =	vor.u32 v50, v51  }
0xc1: {  	v5 =	vadd.s32 v5, v7;
	v7 =	vor.u32 v11, v52;
	v10 =	vxor.u32 v10, v8  }
0xc2: {  	v2 =	vadd.s32 $0x6D3E0494, v2;
	v7 =	vxor.u32 v7, v5;
	v10 =	vadd.s32 $0x10221730, v10  }
0xc3: {  	v8 =	vadd.s32 v10, v8;
	v11 =	vshrl.u32 v10, $0xF;
	v10 =	vshll.u32 v10, $0x11  }
0xc4: {  	v53 =	vadd.s32 v5, v7;
	v5 =	vadd.s32 $0x6D3E048F, v8;
	v8 =	vor.u32 v11, v10  }
0xc5: {  	v10 =	vshrl.u32 v7, $0x6;
	v7 =	vshll.u32 v7, $0x1A;
	v8 =	vxor.u32 v8, v5  }
0xc6: {  	v7 =	vor.u32 v10, v7;
	v10 =	vshrl.u32 v8, $0x3;
	v11 =	vshll.u32 v8, $0x1D  }
0xc7: {  	v7 =	vxor.u32 v7, v53;
	v8 =	vadd.s32 v5, v8;
	v5 =	vxor.u32 v6, v2  }
0xc8: {  	v10 =	vor.u32 v10, v11;
	v2 =	vadd.s32 v53, v7;
	v7 =	vshrl.u32 v7, $0x1A  }
0xc9: {  	v5 =	vshrl.u32 v5, $0x9;
	v6 =	vxor.u32 v10, v8;
	v7 =	vxor.u32 v7, v2  }
0xca: {  	v5 =	vor.u32 $0x3F800000, v5;
	v10 =	vshrl.u32 v6, $0x10;
	v11 =	vshll.u32 v6, $0x10  }
0xcb: {  	v6 =	vadd.s32 v8, v6;
	v8 =	vor.u32 v10, v11;
	v10 =	vadd.s32 s21, v54  }
0xcc: {  	v7 =	vadd.s32 $0x1, v7;
	v11 =	vadd.s32 $0xD1B63D8A, v0;
	v12 =	vshrl.u32 v10, $0x13  }
0xcd: {  	v10 =	vshll.u32 v10, $0xD;
	v8 =	vxor.u32 v8, v6;
	v11 =	vadd.s32 s21, v11  }
0xce: {  	v10 =	vor.u32 v12, v10;
	v6 =	vadd.s32 v6, v8;
	v55 =	vshrl.u32 v8, $0x8  }
0xcf: {  	v8 =	vshll.u32 v8, $0x18;
	v12 =	vadd.s32 s21, v22;
	v10 =	vxor.u32 v11, v10  }
0xd0: {  	v8 =	vor.u32 v55, v8;
	v25 =	vshrl.u32 v12, $0x13;
	v12 =	vshll.u32 v12, $0xD  }
0xd1: {  	v56 =	vshrl.u32 v10, $0x11;
	v57 =	vshll.u32 v10, $0xF;
	v10 =	vadd.s32 v11, v10  }
0xd2: {  	v8 =	vxor.u32 v8, v6;
	v12 =	vor.u32 v25, v12;
	v11 =	vor.u32 v56, v57  }
0xd3: {  	v8 =	vadd.s32 $0x66CD087C, v8;
	v12 =	vxor.u32 v26, v12;
	v57 =	vadd.s32 $0x45A3D6EE, v0  }
0xd4: {  	v11 =	vxor.u32 v11, v10;
	v6 =	vadd.s32 v8, v6;
	v60 =	vshrl.u32 v8, $0x13  }
0xd5: {  	v8 =	vshll.u32 v8, $0xD;
	v27 =	vshrl.u32 v12, $0x11;
	v28 =	vshll.u32 v12, $0xF  }
0xd6: {  	v12 =	vadd.s32 v26, v12;
	v58 =	vshrl.u32 v11, $0x6;
	v59 =	vshll.u32 v11, $0x1A  }
0xd7: {  	v10 =	vadd.s32 v10, v11;
	v6 =	vadd.s32 $0x1022172D, v6;
	v8 =	vor.u32 v60, v8  }
0xd8: {  	v29 =	vor.u32 v27, v28;
	v11 =	vor.u32 v58, v59;
	v8 =	vxor.u32 v8, v6  }
0xd9: {  	v13 =	vxor.u32 v29, v12;
	v59 =	vadd.s32 $0xD1B63D9A, v0;
	v11 =	vxor.u32 v11, v10  }
0xda: {  	v63 =	vshrl.u32 v8, $0x11;
	v61 =	vshrl.u32 v11, $0x1A;
	v62 =	vshll.u32 v11, $0x6  }
0xdb: {  	v17 =	vshll.u32 v8, $0xF;
	v10 =	vadd.s32 v10, v11;
	v11 =	vor.u32 v61, v62  }
0xdc: {  	v6 =	vadd.s32 v6, v8;
	v31 =	vshrl.u32 v13, $0x6;
	v11 =	vxor.u32 v11, v10  }
0xdd: {  	v32 =	vshll.u32 v13, $0x1A;
	v12 =	vadd.s32 v12, v13;
	v11 =	vadd.s32 $0xD260ABC9, v11  }
0xde: {  	v10 =	vadd.s32 v11, v10;
	v16 =	vshrl.u32 v11, $0xF;
	v11 =	vshll.u32 v11, $0x11  }
0xdf: {  	v8 =	vor.u32 v63, v17;
	v10 =	vadd.s32 $0x45A3D6BE, v10;
	v11 =	vor.u32 v16, v11  }
0xe0: {  	v33 =	vor.u32 v31, v32;
	v8 =	vxor.u32 v8, v6;
	v11 =	vxor.u32 v11, v10  }
0xe1: {  	v20 =	vadd.s32 v6, v8;
	v18 =	vshrl.u32 v11, $0x3;
	v19 =	vshll.u32 v11, $0x1D  }
0xe2: {  	v6 =	vadd.s32 v10, v11;
	v11 =	vshrl.u32 v8, $0x6;
	v8 =	vshll.u32 v8, $0x1A  }
0xe3: {  	v17 =	vadd.f32 $-1.000000000e+00, v5;
	v10 =	vor.u32 v18, v19;
	v8 =	vor.u32 v11, v8  }
0xe4: {  	v61 =	vadd.s32 s21, v59;
	v10 =	vxor.u32 v10, v6;
	v8 =	vxor.u32 v8, v20  }
0xe5: {  	v11 =	vshrl.u32 v10, $0x10;
	v21 =	vshll.u32 v10, $0x10;
	v10 =	vadd.s32 v6, v10  }
0xe6: {  	v6 =	vxor.u32 v2, v7;
	v2 =	vadd.s32 v20, v8;
	v11 =	vor.u32 v11, v21  }
0xe7: {  	v7 =	vxor.u32 v11, v10;
	v11 =	vshrl.u32 v8, $0x1A;
	v8 =	vshll.u32 v8, $0x6  }
0xe8: {  	v10 =	vadd.s32 v10, v7;
	v23 =	vshrl.u32 v7, $0x8;
	v7 =	vshll.u32 v7, $0x18  }
0xe9: {  	v8 =	vor.u32 v11, v8;
	v11 =	vxor.u32 v33, v12;
	v7 =	vor.u32 v23, v7  }
0xea: {  	v35 =	vshrl.u32 v11, $0x1A;
	v36 =	vshll.u32 v11, $0x6;
	v7 =	vxor.u32 v7, v10  }
0xeb: {  	v11 =	vadd.s32 v12, v11;
	v14 =	vor.u32 v35, v36;
	v7 =	vadd.s32 $0x8C1266AE, v7  }
0xec: {  	vm2 =	vlt.f32 v17, $8.999999760e-01;
	v38 =	vxor.u32 v14, v11;
	v10 =	vadd.s32 v7, v10  }
0xed: {  	v30 =	vshrl.u32 v7, $0x13;
	v7 =	vshll.u32 v7, $0xD;
	v12 =	vadd.s32 $0x66CD0879, v38  }
0xee: {  	v7 =	vor.u32 v30, v7;
	v10 =	vadd.s32 $0xD260ABC8, v10;
	v11 =	vadd.s32 v12, v11  }
0xef: {  	v39 =	vshrl.u32 v12, $0xF;
	v12 =	vshll.u32 v12, $0x11;
	v7 =	vxor.u32 v7, v10  }
0xf0: {  	v11 =	vadd.s32 $0x1022172D, v11;
	v12 =	vor.u32 v39, v12;
	v34 =	vshrl.u32 v7, $0x11  }
0xf1: {  	v37 =	vshll.u32 v7, $0xF;
	v7 =	vadd.s32 v10, v7;
	v12 =	vxor.u32 v12, v11  }
0xf2: {  	v10 =	vor.u32 v34, v37;
	v41 =	vshrl.u32 v12, $0x3;
	v42 =	vshll.u32 v12, $0x1D  }
0xf3: {  	v11 =	vadd.s32 v11, v12;
	v10 =	vxor.u32 v10, v7;
	v43 =	vor.u32 v41, v42  }
0xf4: {  	v7 =	vadd.s32 v7, v10;
	v40 =	vshrl.u32 v10, $0x6;
	v10 =	vshll.u32 v10, $0x1A  }
0xf5: {  	v6 =	vand.u32 $0xF, v6;
	v12 =	vxor.u32 v43, v11;
	v10 =	vor.u32 v40, v10  }
0xf6: {  	v45 =	vshrl.u32 v12, $0x10;
	v46 =	vshll.u32 v12, $0x10;
	v10 =	vxor.u32 v10, v7  }
0xf7: {  	v7 =	vadd.s32 v7, v10;
	v44 =	vshrl.u32 v10, $0x1A;
	v10 =	vshll.u32 v10, $0x6  }
0xf8: {  	v11 =	vadd.s32 v11, v12;
	v47 =	vor.u32 v45, v46;
	v10 =	vor.u32 v44, v10  }
0xf9: {  	v8 =	vxor.u32 v8, v2;
	v12 =	vxor.u32 v47, v11;
	v10 =	vxor.u32 v10, v7  }
0xfa: {  	v48 =	vshrl.u32 v12, $0x8;
	v49 =	vshll.u32 v12, $0x18;
	v10 =	vadd.s32 $0x45A3D6C1, v10  }
0xfb: {  	v11 =	vadd.s32 v11, v12;
	v50 =	vor.u32 v48, v49;
	v7 =	vadd.s32 v10, v7  }
0xfc: {  	v2 =	vadd.s32 $0x66CD0878, v2;
	v51 =	vadd.s32 $0x8C1266AC, v7;
	v7 =	vxor.u32 v50, v11  }
0xfd: {  	v52 =	vshrl.u32 v10, $0xF;
	v10 =	vshll.u32 v10, $0x11;
	v7 =	vadd.s32 $0x6D3E0491, v7  }
0xfe: {  	v8 =	vadd.s32 $0x6D3E0494, v8;
	v10 =	vor.u32 v52, v10;
	v11 =	vadd.s32 v7, v11  }
0xff: {  	v53 =	vshrl.u32 v7, $0x13;
	v7 =	vshll.u32 v7, $0xD;
	v11 =	vadd.s32 $0x66CD0878, v11  }
0x100: {  	v54 =	vor.u32 v53, v7;
	v7 =	vxor.u32 v2, v8;
	v2 =	vxor.u32 v10, v51  }
0x101: {  	v8 =	vxor.u32 v54, v11;
	v10 =	vshrl.u32 v2, $0x3;
	v56 =	vshll.u32 v2, $0x1D  }
0x102: {  	v2 =	vadd.s32 v51, v2;
	v12 =	vshrl.u32 v8, $0x11;
	v55 =	vshll.u32 v8, $0xF  }
0x103: {  	v8 =	vadd.s32 v11, v8;
	v10 =	vor.u32 v10, v56;
	v11 =	vor.u32 v12, v55  }
0x104: {  	v10 =	vxor.u32 v10, v2;
	v12 =	vadd.s32 s21, v57;
	v11 =	vxor.u32 v11, v8  }
0x105: {  	v60 =	vshrl.u32 v12, $0x13;
	v12 =	vshll.u32 v12, $0xD;
	v2 =	vadd.s32 v2, v10  }
0x106: {  	v20 =	vshrl.u32 v10, $0x10;
	v10 =	vshll.u32 v10, $0x10;
	v8 =	vadd.s32 v8, v11  }
0x107: {  	v58 =	vshrl.u32 v11, $0x6;
	v11 =	vshll.u32 v11, $0x1A;
	v12 =	vor.u32 v60, v12  }
0x108: {  	v10 =	vor.u32 v20, v10;
	v60 =	vor.u32 $0x300, v4;
	v11 =	vor.u32 v58, v11  }
0x109: {  	v12 =	vxor.u32 v61, v12;
	v10 =	vxor.u32 v10, v2;
	v11 =	vxor.u32 v11, v8  }
0x10a: {  	v13 =	vadd.s32 v61, v12;
	v62 =	vshrl.u32 v12, $0x11;
	v12 =	vshll.u32 v12, $0xF  }
0x10b: {  	v2 =	vadd.s32 v2, v10;
	v30 =	vshrl.u32 v10, $0x8;
	v10 =	vshll.u32 v10, $0x18  }
0x10c: {  	v61 =	vor.u32 $0x200, v4;
	v63 =	vshrl.u32 v11, $0x1A;
	v12 =	vor.u32 v62, v12  }
0x10d: {  	v18 =	vshll.u32 v11, $0x6;
	v8 =	vadd.s32 v8, v11;
	v10 =	vor.u32 v30, v10  }
0x10e: {  	v62 =	vor.u32 $0x100, v4;
	v11 =	vor.u32 v63, v18;
	v12 =	vxor.u32 v12, v13  }
0x10f: {  	v10 =	vxor.u32 v10, v2;
	v5 =	vor.u32 v62, v9;
	v13 =	vadd.s32 v13, v12  }
0x110: {  	v19 =	vshrl.u32 v12, $0x6;
	v12 =	vshll.u32 v12, $0x1A;
	v11 =	vxor.u32 v11, v8  }
0x111: {  	v10 =	vadd.s32 $0xD260ABCC, v10;
	v12 =	vor.u32 v19, v12;
	v11 =	vadd.s32 $0x10221730, v11  }
0x112: {  	v2 =	vadd.s32 v10, v2;
	v40 =	vshrl.u32 v10, $0x13;
	v12 =	vxor.u32 v12, v13  }
0x113: {  	v10 =	vshll.u32 v10, $0xD;
	v21 =	vshrl.u32 v12, $0x1A;
	v22 =	vshll.u32 v12, $0x6  }
0x114: {  	v8 =	vadd.s32 v11, v8;
	v12 =	vadd.s32 v13, v12;
	v23 =	vor.u32 v21, v22  }
0x115: {  	v24 =	vshrl.u32 v11, $0xF;
	v11 =	vshll.u32 v11, $0x11;
	v13 =	vxor.u32 v23, v12  }
0x116: {  	v8 =	vadd.s32 $0x6D3E048F, v8;
	v11 =	vor.u32 v24, v11;
	v13 =	vadd.s32 $0xD260ABC9, v13  }
0x117: {  	v12 =	vadd.s32 v13, v12;
	v25 =	vshrl.u32 v13, $0xF;
	v13 =	vshll.u32 v13, $0x11  }
0x118: {  	v11 =	vxor.u32 v11, v8;
	v12 =	vadd.s32 $0x45A3D6BE, v12;
	v13 =	vor.u32 v25, v13  }
0x119: {  	v27 =	vshrl.u32 v11, $0x3;
	v28 =	vshll.u32 v11, $0x1D;
	v13 =	vxor.u32 v13, v12  }
0x11a: {  	v12 =	vadd.s32 v12, v13;
	v26 =	vshrl.u32 v13, $0x3;
	v13 =	vshll.u32 v13, $0x1D  }
0x11b: {  	v8 =	vadd.s32 v8, v11;
	v11 =	vor.u32 v27, v28;
	v13 =	vor.u32 v26, v13  }
0x11c: {  	v10 =	vor.u32 v40, v10;
	v11 =	vxor.u32 v11, v8;
	v13 =	vxor.u32 v13, v12  }
0x11d: {  	v12 =	vadd.s32 v12, v13;
	v29 =	vshrl.u32 v13, $0x10;
	v13 =	vshll.u32 v13, $0x10  }
0x11e: {  	v32 =	vshrl.u32 v11, $0x10;
	v33 =	vshll.u32 v11, $0x10;
	v13 =	vor.u32 v29, v13  }
0x11f: {  	v8 =	vadd.s32 v8, v11;
	v11 =	vor.u32 v32, v33;
	v13 =	vxor.u32 v13, v12  }
0x120: {  	v12 =	vadd.s32 v12, v13;
	v31 =	vshrl.u32 v13, $0x8;
	v13 =	vshll.u32 v13, $0x18  }
0x121: {  	v16 =	vadd.s32 $0x45A3D6BE, v2;
	v11 =	vxor.u32 v11, v8;
	v13 =	vor.u32 v31, v13  }
0x122: {  	v10 =	vxor.u32 v10, v16;
	v8 =	vadd.s32 v8, v11;
	v13 =	vxor.u32 v13, v12  }
0x123: {  	v35 =	vshrl.u32 v11, $0x8;
	v11 =	vshll.u32 v11, $0x18;
	v13 =	vadd.s32 $0x8C1266AE, v13  }
0x124: {  	v12 =	vadd.s32 v13, v12;
	v34 =	vshrl.u32 v13, $0x13;
	v13 =	vshll.u32 v13, $0xD  }
0x125: {  	v11 =	vor.u32 v35, v11;
	v12 =	vadd.s32 $0xD260ABC8, v12;
	v13 =	vor.u32 v34, v13  }
0x126: {  	v53 =	vadd.s32 v16, v10;
	v11 =	vxor.u32 v11, v8;
	v13 =	vxor.u32 v13, v12  }
0x127: {  	v11 =	vadd.s32 $0x66CD087C, v11;
	v36 =	vshrl.u32 v13, $0x11;
	v37 =	vshll.u32 v13, $0xF  }
0x128: {  	v8 =	vadd.s32 v11, v8;
	v12 =	vadd.s32 v12, v13;
	v38 =	vor.u32 v36, v37  }
0x129: {  	s7 =	rddreg [dreg:$0x0];
	v42 =	vshrl.u32 v11, $0x13;
	v11 =	vshll.u32 v11, $0xD;
	v13 =	vxor.u32 v38, v12  }
0x12a: {  	s22 =	rddreg [dreg:$0x1];
	v12 =	vadd.s32 v12, v13;
	v39 =	vshrl.u32 v13, $0x6;
	v13 =	vshll.u32 v13, $0x1A  }
0x12b: {  	s2 =	rddreg [dreg:$0x2];
	v8 =	vadd.s32 $0x1022172D, v8;
	v11 =	vor.u32 v42, v11;
	v13 =	vor.u32 v39, v13  }
0x12c: {  	s8 =	rddreg [dreg:$0x3];
	v54 =	vshrl.u32 v10, $0x11;
	v11 =	vxor.u32 v11, v8;
	v13 =	vxor.u32 v13, v12  }
0x12d: {  	s4 =	rddreg [dreg:$0x4];
	v12 =	vadd.s32 v12, v13;
	v41 =	vshrl.u32 v13, $0x1A;
	v13 =	vshll.u32 v13, $0x6  }
0x12e: {  	s5 =	simm.s32 $0x0;
	s0 =	rddreg [dreg:$0x5];
	v10 =	vshll.u32 v10, $0xF;
	v8 =	vadd.s32 v8, v11;
	v13 =	vor.u32 v41, v13  }
0x12f: {  	[smem:$0x7FF] =	sst s5;
	s25 =	sadd.s32 $0x100, s22;
	v44 =	vshrl.u32 v11, $0x11;
	v11 =	vshll.u32 v11, $0xF;
	v13 =	vxor.u32 v13, v12  }
0x130: {  	s26 =	sadd.s32 $0x200, s22;
	_ =	strace $0x80000047;
	[dreg:$0x1a] =	wrdreg s25;
	v10 =	vor.u32 v54, v10;
	v11 =	vor.u32 v44, v11;
	v13 =	vadd.s32 $0x45A3D6C1, v13  }
0x131: {  	s31 =	sadd.s32 $0x300, s22;
	[dreg:$0x1b] =	wrdreg s26;
	v12 =	vadd.s32 v13, v12;
	v43 =	vshrl.u32 v13, $0xF;
	v13 =	vshll.u32 v13, $0x11  }
0x132: {  	s1 =	sadd.s32 $0x700, s22;
	[dreg:$0x1c] =	wrdreg s31;
	v11 =	vxor.u32 v11, v8;
	v12 =	vadd.s32 $0x8C1266AC, v12;
	v13 =	vor.u32 v43, v13  }
0x133: {  	s15 =	sadd.s32 $0x100, s2;
	[smem:$0x7FA] =	sst s1;
	v49 =	vshrl.u32 v11, $0x6;
	v50 =	vshll.u32 v11, $0x1A;
	v13 =	vxor.u32 v13, v12  }
0x134: {  	s18 =	sadd.s32 $0x200, s2;
	[smem:$0x7FB] =	sst s15;
	v8 =	vadd.s32 v8, v11;
	v45 =	vshrl.u32 v13, $0x3;
	v46 =	vshll.u32 v13, $0x1D  }
0x135: {  	[smem:$0x7FC] =	sst s18;
	s31 =	simm.s32 $0x800;
	s9 =	sshll.u32 s3, $0x8;
	v11 =	vor.u32 v49, v50;
	v2 =	vadd.s32 v12, v13;
	v47 =	vor.u32 v45, v46  }
0x136: {  	s23 =	sshll.u32 s3, $0x3;
	[dreg:$0x19] =	wrdreg s31;
	s7 =	sadd.s32 s7, s9;
	v10 =	vxor.u32 v10, v53;
	v11 =	vxor.u32 v11, v8;
	v12 =	vxor.u32 v47, v2  }
0x137: {  	s6 =	ssub.s32 $0x2, s6;
	s24 =	sadd.s32 s8, s23;
	[dreg:$0x7] =	wrdreg s7;
	v2 =	vadd.s32 v2, v12;
	v48 =	vshrl.u32 v12, $0x10;
	v12 =	vshll.u32 v12, $0x10  }
0x138: {  	s16 =	sshll.u32 s3, $0xE;
	s8 =	sadd.s32 $0x500, s22;
	[dreg:$0x8] =	wrdreg s24;
	v15 =	vadd.s32 v53, v10;
	v8 =	vadd.s32 v8, v11;
	v12 =	vor.u32 v48, v12  }
0x139: {  	s10 =	sshrl.u32 s6, $0x1;
	s9 =	sadd.s32 s4, s16;
	[dreg:$0x1f] =	wrdreg s8;
	v56 =	vshrl.u32 v11, $0x1A;
	v11 =	vshll.u32 v11, $0x6;
	v12 =	vxor.u32 v12, v2  }
0x13a: {  	s19 =	ssub.s32 s6, s10;
	s10 =	sadd.s32 $0x600, s22;
	[dreg:$0x9] =	wrdreg s9;
	v51 =	vadd.s32 v2, v12;
	v52 =	vshrl.u32 v12, $0x8;
	v12 =	vshll.u32 v12, $0x18  }
0x13b: {  	s28 =	simm.s32 $0x3;
	s11 =	sadd.s32 s0, s16;
	[smem:$0x7F9] =	sst s10;
	v58 =	vshrl.u32 v10, $0x6;
	v11 =	vor.u32 v56, v11;
	v12 =	vor.u32 v52, v12  }
0x13c: {  	s12 =	sor.u32 $0x800, s16;
	s7 =	sadd.s32 $0x400, s22;
	[dreg:$0xa] =	wrdreg s11;
	v10 =	vshll.u32 v10, $0x1A;
	v11 =	vxor.u32 v11, v8;
	v12 =	vxor.u32 v12, v51  }
0x13d: {  	s29 =	simm.s32 $0x4;
	s13 =	sadd.s32 s4, s12;
	[dreg:$0x1e] =	wrdreg s7;
	v8 =	vadd.s32 $0x66CD0878, v8;
	v11 =	vadd.s32 $0x6D3E0494, v11;
	v12 =	vadd.s32 $0xD260ABCC, v12  }
0x13e: {  	s15 =	sor.u32 $0x2000, s16;
	s12 =	sadd.s32 s0, s12;
	[dreg:$0xb] =	wrdreg s13;
	v13 =	vadd.s32 v12, v51;
	v55 =	vshrl.u32 v12, $0x13;
	v12 =	vshll.u32 v12, $0xD  }
0x13f: {  	s30 =	simm.s32 $0x900;
	s20 =	sadd.s32 s4, s15;
	[dreg:$0xc] =	wrdreg s12;
	v8 =	vxor.u32 v8, v11;
	v12 =	vor.u32 v55, v12;
	v13 =	vadd.s32 $0x45A3D6BE, v13  }
0x140: {  	s18 =	sor.u32 $0x3000, s16;
	s15 =	sadd.s32 s0, s15;
	[dreg:$0x11] =	wrdreg s20;
	v10 =	vor.u32 v58, v10;
	v8 =	vshrl.u32 v8, $0x9;
	v12 =	vxor.u32 v12, v13  }
0x141: {  	s26 =	sadd.s32 $0x400, s2;
	s23 =	sadd.s32 s4, s18;
	[dreg:$0x12] =	wrdreg s15;
	v13 =	vadd.s32 v13, v12;
	v57 =	vshrl.u32 v12, $0x11;
	v12 =	vshll.u32 v12, $0xF  }
0x142: {  	s24 =	sadd.s32 s0, s18;
	s13 =	sor.u32 $0x1000, s16;
	[dreg:$0x15] =	wrdreg s23;
	v2 =	vor.u32 v4, v9;
	v4 =	vxor.u32 $0x8, v6;
	v12 =	vor.u32 v57, v12  }
0x143: {  	s25 =	sor.u32 $0x3800, s16;
	[dreg:$0x16] =	wrdreg s24;
	s14 =	sadd.s32 s4, s13;
	v6 =	vshrl.u32 v7, $0x9;
	v7 =	vxor.u32 v10, v15;
	v11 =	vxor.u32 v12, v13  }
0x144: {  	s13 =	sadd.s32 s0, s13;
	[dreg:$0xd] =	wrdreg s14;
	s14 =	sor.u32 $0x1800, s16;
	v12 =	vadd.s32 v13, v11;
	v59 =	vshrl.u32 v11, $0x6;
	v11 =	vshll.u32 v11, $0x1A  }
0x145: {  	s6 =	simm.s32 $0x4900;
	[dreg:$0xe] =	wrdreg s13;
	s17 =	sadd.s32 s4, s14;
	v6 =	vor.u32 $0x3F800000, v6;
	v10 =	vadd.s32 v15, v7;
	v11 =	vor.u32 v59, v11  }
0x146: {  	s14 =	sadd.s32 s0, s14;
	[dreg:$0xf] =	wrdreg s17;
	s17 =	sor.u32 $0x2800, s16;
	v7 =	vshrl.u32 v7, $0x1A;
	v63 =	vadd.f32 $-1.000000000e+00, v6;
	v11 =	vxor.u32 v11, v12  }
0x147: {  	s18 =	sadd.s32 $0x700, s2;
	[dreg:$0x10] =	wrdreg s14;
	s22 =	sadd.s32 s4, s17;
	v6 =	vxor.u32 v7, v10;
	v12 =	vadd.s32 v12, v11;
	v11 =	vshrl.u32 v11, $0x1A  }
0x148: {  	s1 =	smax.u32 s19, $0x1;
	s17 =	sadd.s32 s0, s17;
	[dreg:$0x13] =	wrdreg s22;
	v8 =	vor.u32 $0x3F800000, v8;
	v6 =	vadd.s32 $0x1, v6;
	v7 =	vxor.u32 v11, v12  }
0x149: {  	s23 =	simm.s32 $0x1;
	s4 =	sadd.s32 s4, s25;
	[dreg:$0x14] =	wrdreg s17;
	v6 =	vxor.u32 v10, v6;
	v10 =	vadd.f32 $-1.000000000e+00, v8;
	v7 =	vadd.s32 $0x1, v7  }
0x14a: {  	s20 =	simm.s32 $0xC900;
	s0 =	sadd.s32 s0, s25;
	[dreg:$0x17] =	wrdreg s4;
	vm1 =	vlt.f32 v63, $8.999999760e-01;
	v6 =	vand.u32 $0xF, v6;
	v7 =	vxor.u32 v12, v7  }
0x14b: {  	s16 =	sadd.s32 $0x500, s2;
	[dreg:$0x18] =	wrdreg s0;
	s21 =	sadd.s32 $0x300, s2;
	v6 =	vxor.u32 $0x8, v6;
	vm0 =	vlt.f32 v10, $8.999999760e-01;
	v8 =	vand.u32 $0xF, v7  }
0x14c: {  	s25 =	simm.s32 $0x2;
	s17 =	sadd.s32 $0x600, s2;
	[smem:$0x7FD] =	sst s21;
	v7 =	vor.u32 v61, v9;
	v9 =	vor.u32 v60, v9;
	v8 =	vxor.u32 $0x8, v8  }
.LBB2_1:
0x14d: {  	[dreg:$0x1d] =	wrdreg s1  }
0x14e: {  	s31 =	rddreg [dreg:$0x7];
	s4 =	simm.s32 $0x5  }
0x14f: {  	[tilespmem:s5], [sflag:$0x5] =	stream.linear.gather [hbm4b:s31+s5], $0x800, $0x38;
	[tilespmem:$0x10900] =	vst v63  }
0x150: {  	_ =	swait.ge [sflag:s4], $0x800  }
0x151: {  	[sflag:s4] =	ssyncset.done $0x0  }
0x152: {  	[sflag:s4] =	ssyncadd.s32 $0xFFFFF800  }
0x153: {  	v10 =	vld [tilespmem:$0x0]  }
0x154: {  	v11 =	vld [tilespmem:$0x80];
	_ =	sdelay $0x1  }
0x155: {  	v12 =	vld [tilespmem:$0x100];
	_ =	sdelay $0x1  }
0x156: {  	v13 =	vld [tilespmem:$0x180]  }
0x157: {  	v14 =	vld [tilespmem:$0x200];
	vm5 =	vgt.f32 v11, v10  }
0x158: {  	v15 =	vld [tilespmem:$0x300];
	v10 =	vsel vm5, v11, v10  }
0x159: {  	v60 =	vld [tilespmem:$0x380];
	vm6 =	vgt.f32 v12, v10  }
0x15a: {  	v11 =	vld [tilespmem:$0x280];
	v10 =	vsel vm6, v12, v10  }
0x15b: {  	v16 =	vld [tilespmem:$0x400];
	vm7 =	vgt.f32 v13, v10  }
0x15c: {  	v17 =	vld [tilespmem:$0x10];
	v10 =	vsel vm7, v13, v10  }
0x15d: {  	v62 =	vld [tilespmem:$0x90];
	vm8 =	vgt.f32 v14, v10  }
0x15e: {  	v61 =	vld [tilespmem:$0x480];
	v10 =	vsel vm8, v14, v10  }
0x15f: {  	v18 =	vld [tilespmem:$0x500];
	vm9 =	vgt.f32 v11, v10  }
0x160: {  	v10 =	vsel vm9, v11, v10;
	v11 =	vld [tilespmem:$0x110]  }
0x161: {  	v19 =	vld [tilespmem:$0x580];
	vm10 =	vgt.f32 v15, v10  }
0x162: {  	v63 =	vld [tilespmem:$0x190];
	vm4 =	vgt.f32 v62, v17;
	v10 =	vsel vm10, v15, v10  }
0x163: {  	v25 =	vld [tilespmem:$0x210];
	v24 =	vsel vm4, v62, v17;
	vm11 =	vgt.f32 v60, v10  }
0x164: {  	v39 =	vld [tilespmem:$0x20];
	v26 =	vsel vm5, $0x1, v3;
	v42 =	vsel vm4, $0x1, v3;
	v10 =	vsel vm11, v60, v10  }
0x165: {  	v40 =	vld [tilespmem:$0xA0];
	v17 =	vsel vm6, $0x2, v26;
	vm12 =	vgt.f32 v16, v10;
	vm5 =	vgt.f32 v11, v24  }
0x166: {  	v20 =	vld [tilespmem:$0x600];
	v28 =	vsel vm7, $0x3, v17;
	v10 =	vsel vm12, v16, v10;
	v11 =	vsel vm5, v11, v24  }
0x167: {  	v27 =	vld [tilespmem:$0x290];
	v16 =	vsel vm8, $0x4, v28;
	v43 =	vsel vm5, $0x2, v42;
	vm13 =	vgt.f32 v61, v10  }
0x168: {  	v21 =	vld [tilespmem:$0x680];
	vm6 =	vgt.f32 v63, v11;
	v31 =	vsel vm9, $0x5, v16;
	v10 =	vsel vm13, v61, v10  }
0x169: {  	v30 =	vld [tilespmem:$0x310];
	v11 =	vsel vm6, v63, v11;
	v15 =	vsel vm10, $0x6, v31;
	v45 =	vsel vm6, $0x3, v43  }
0x16a: {  	v29 =	vld [tilespmem:$0x700];
	vm6 =	vgt.f32 v40, v39;
	vm14 =	vgt.f32 v18, v10;
	vm7 =	vgt.f32 v25, v11  }
0x16b: {  	v33 =	vld [tilespmem:$0x390];
	v15 =	vsel vm11, $0x7, v15;
	v10 =	vsel vm14, v18, v10;
	v11 =	vsel vm7, v25, v11  }
0x16c: {  	v32 =	vld [tilespmem:$0x780];
	v14 =	vsel vm6, v40, v39;
	vm15 =	vgt.f32 v19, v10;
	vm8 =	vgt.f32 v27, v11  }
0x16d: {  	v34 =	vld [tilespmem:$0x410];
	v15 =	vsel vm12, $0x8, v15;
	v10 =	vsel vm15, v19, v10;
	v11 =	vsel vm8, v27, v11  }
0x16e: {  	v35 =	vld [tilespmem:$0x490];
	v15 =	vsel vm13, $0x9, v15;
	vm11 =	vgt.f32 v20, v10;
	vm9 =	vgt.f32 v30, v11  }
0x16f: {  	v36 =	vld [tilespmem:$0x510];
	v15 =	vsel vm14, $0xA, v15;
	v10 =	vsel vm11, v20, v10;
	v11 =	vsel vm9, v30, v11  }
0x170: {  	v37 =	vld [tilespmem:$0x590];
	v15 =	vsel vm15, $0xB, v15;
	vm12 =	vgt.f32 v21, v10;
	vm10 =	vgt.f32 v33, v11  }
0x171: {  	v22 =	vld [tilespmem:$0x120];
	v15 =	vsel vm11, $0xC, v15;
	v10 =	vsel vm12, v21, v10;
	v11 =	vsel vm10, v33, v11  }
0x172: {  	v38 =	vld [tilespmem:$0x610];
	v15 =	vsel vm12, $0xD, v15;
	vm12 =	vgt.f32 v29, v10;
	vm11 =	vgt.f32 v34, v11  }
0x173: {  	v41 =	vld [tilespmem:$0x690];
	v59 =	vsel vm6, $0x1, v3;
	v11 =	vsel vm11, v34, v11;
	v10 =	vsel vm12, v29, v10  }
0x174: {  	v46 =	vld [tilespmem:$0x1A0];
	v15 =	vsel vm12, $0xE, v15;
	vm4 =	vgt.f32 v35, v11;
	vm12 =	vgt.f32 v32, v10  }
0x175: {  	v44 =	vld [tilespmem:$0x710];
	v11 =	vsel vm4, v35, v11;
	v10 =	vsel vm12, $0xF, v15;
	v15 =	vsel vm7, $0x4, v45  }
0x176: {  	v48 =	vld [tilespmem:$0x220];
	vm5 =	vgt.f32 v36, v11;
	v15 =	vsel vm8, $0x5, v15;
	vm8 =	vgt.f32 v22, v14  }
0x177: {  	v49 =	vld [tilespmem:$0x2A0];
	v10 =	vsel vm3, v1, v10;
	v11 =	vsel vm5, v36, v11;
	v15 =	vsel vm9, $0x6, v15  }
0x178: {  	v50 =	vld [tilespmem:$0x30];
	v14 =	vsel vm8, v22, v14;
	v16 =	vsel vm8, $0x2, v59;
	v15 =	vsel vm10, $0x7, v15  }
0x179: {  	v51 =	vld [tilespmem:$0xB0];
	vm7 =	vgt.f32 v37, v11;
	vm9 =	vgt.f32 v46, v14;
	v15 =	vsel vm11, $0x8, v15  }
0x17a: {  	v47 =	vld [tilespmem:$0x790];
	v11 =	vsel vm7, v37, v11;
	v14 =	vsel vm9, v46, v14;
	v15 =	vsel vm4, $0x9, v15  }
0x17b: {  	v53 =	vld [tilespmem:$0x130];
	vm12 =	vgt.f32 v38, v11;
	vm10 =	vgt.f32 v48, v14;
	v15 =	vsel vm5, $0xA, v15  }
0x17c: {  	v52 =	vld [tilespmem:$0x320];
	v11 =	vsel vm12, v38, v11;
	v14 =	vsel vm10, v48, v14;
	v15 =	vsel vm7, $0xB, v15  }
0x17d: {  	v55 =	vld [tilespmem:$0x1B0];
	vm4 =	vgt.f32 v41, v11;
	vm11 =	vgt.f32 v49, v14;
	v15 =	vsel vm12, $0xC, v15  }
0x17e: {  	v54 =	vld [tilespmem:$0x3A0];
	v11 =	vsel vm4, v41, v11;
	v15 =	vsel vm4, $0xD, v15;
	vm4 =	vgt.f32 v51, v50  }
0x17f: {  	v57 =	vld [tilespmem:$0x230];
	v13 =	vsel vm11, v49, v14;
	vm5 =	vgt.f32 v44, v11;
	v20 =	vsel vm4, v51, v50  }
0x180: {  	v56 =	vld [tilespmem:$0x420];
	v11 =	vsel vm5, v44, v11;
	v15 =	vsel vm5, $0xE, v15;
	vm5 =	vgt.f32 v53, v20  }
0x181: {  	v61 =	vld [tilespmem:$0x2B0];
	v16 =	vsel vm9, $0x3, v16;
	vm12 =	vgt.f32 v52, v13;
	v60 =	vsel vm5, v53, v20  }
0x182: {  	v58 =	vld [tilespmem:$0x4A0];
	vm7 =	vgt.f32 v47, v11;
	v11 =	vsel vm12, v52, v13;
	vm6 =	vgt.f32 v55, v60  }
0x183: {  	v63 =	vld [tilespmem:$0x330];
	v16 =	vsel vm10, $0x4, v16;
	vm13 =	vgt.f32 v54, v11;
	v12 =	vsel vm6, v55, v60  }
0x184: {  	v62 =	vld [tilespmem:$0x520];
	v16 =	vsel vm11, $0x5, v16;
	v11 =	vsel vm13, v54, v11;
	vm8 =	vgt.f32 v57, v12  }
0x185: {  	v25 =	vld [tilespmem:$0x3B0];
	v16 =	vsel vm12, $0x6, v16;
	vm14 =	vgt.f32 v56, v11;
	v12 =	vsel vm8, v57, v12  }
0x186: {  	v24 =	vld [tilespmem:$0x5A0];
	v33 =	vsel vm4, $0x1, v3;
	v11 =	vsel vm14, v56, v11;
	vm9 =	vgt.f32 v61, v12  }
0x187: {  	v27 =	vld [tilespmem:$0x430];
	v16 =	vsel vm13, $0x7, v16;
	vm11 =	vgt.f32 v58, v11;
	v12 =	vsel vm9, v61, v12  }
0x188: {  	v26 =	vld [tilespmem:$0x620];
	v16 =	vsel vm14, $0x8, v16;
	v11 =	vsel vm11, v58, v11;
	vm10 =	vgt.f32 v63, v12  }
0x189: {  	v29 =	vld [tilespmem:$0x4B0];
	v16 =	vsel vm11, $0x9, v16;
	vm12 =	vgt.f32 v62, v11;
	v12 =	vsel vm10, v63, v12  }
0x18a: {  	v28 =	vld [tilespmem:$0x6A0];
	v11 =	vsel vm12, v62, v11;
	v16 =	vsel vm12, $0xA, v16;
	vm12 =	vgt.f32 v25, v12  }
0x18b: {  	v31 =	vld [tilespmem:$0x530];
	v13 =	vsel vm5, $0x2, v33;
	vm11 =	vgt.f32 v24, v11;
	v12 =	vsel vm12, v25, v12  }
0x18c: {  	v34 =	vld [tilespmem:$0x5B0];
	v13 =	vsel vm6, $0x3, v13;
	v11 =	vsel vm11, v24, v11;
	vm15 =	vgt.f32 v27, v12  }
0x18d: {  	v32 =	vld [tilespmem:$0x720];
	v13 =	vsel vm8, $0x4, v13;
	vm14 =	vgt.f32 v26, v11;
	v12 =	vsel vm15, v27, v12  }
0x18e: {  	v35 =	vld [tilespmem:$0x7A0];
	v30 =	vsel vm11, $0xB, v16;
	v11 =	vsel vm14, v26, v11;
	vm5 =	vgt.f32 v29, v12  }
0x18f: {  	v36 =	vld [tilespmem:$0x630];
	v14 =	vsel vm14, $0xC, v30;
	vm4 =	vgt.f32 v28, v11;
	v12 =	vsel vm5, v29, v12  }
0x190: {  	v14 =	vsel vm4, $0xD, v14;
	v11 =	vsel vm4, v28, v11;
	vm4 =	vgt.f32 v31, v12  }
0x191: {  	[tilespmem:$0x800] =	vst v10;
	v10 =	vadd.s32 v2, v10;
	v37 =	vld [tilespmem:$0x6B0];
	v13 =	vsel vm9, $0x5, v13;
	v12 =	vsel vm4, v31, v12  }
0x192: {  	v13 =	vsel vm10, $0x6, v13;
	vm13 =	vgt.f32 v32, v11;
	vm14 =	vgt.f32 v34, v12  }
0x193: {  	v38 =	vld [tilespmem:$0x730];
	v13 =	vsel vm12, $0x7, v13;
	v11 =	vsel vm13, v32, v11;
	v12 =	vsel vm14, v34, v12  }
0x194: {  	vm6 =	vgt.f32 v35, v11;
	v11 =	vsel vm15, $0x8, v13;
	vm15 =	vgt.f32 v36, v12  }
0x195: {  	v40 =	vld [tilespmem:$0x7B0];
	v15 =	vsel vm7, $0xF, v15;
	v11 =	vsel vm5, $0x9, v11;
	v12 =	vsel vm15, v36, v12  }
0x196: {  	[tilespmem:$0x880] =	vst v10;
	v10 =	vsel vm2, v4, v15;
	v11 =	vsel vm4, $0xA, v11;
	vm4 =	vgt.f32 v37, v12  }
0x197: {  	[tilespmem:$0x810] =	vst v10;
	v10 =	vadd.s32 v5, v10;
	v11 =	vsel vm14, $0xB, v11;
	v12 =	vsel vm4, v37, v12  }
0x198: {  	v14 =	vsel vm13, $0xE, v14;
	v11 =	vsel vm15, $0xC, v11;
	vm5 =	vgt.f32 v38, v12  }
0x199: {  	v39 =	vsel vm6, $0xF, v14;
	v11 =	vsel vm4, $0xD, v11;
	v12 =	vsel vm5, v38, v12  }
0x19a: {  	[tilespmem:$0x890] =	vst v10;
	v10 =	vsel vm1, v6, v39;
	v11 =	vsel vm5, $0xE, v11;
	vm4 =	vgt.f32 v40, v12  }
0x19b: {  	[tilespmem:$0x820] =	vst v10;
	v10 =	vadd.s32 v7, v10;
	v11 =	vsel vm4, $0xF, v11  }
0x19c: {  	[tilespmem:$0x8A0] =	vst v10;
	v10 =	vsel vm0, v8, v11  }
0x19d: {  	s2 =	rddreg [dreg:$0x8];
	[tilespmem:$0x830] =	vst v10;
	v10 =	vadd.s32 v9, v10  }
0x19e: {  	s0 =	rddreg [dreg:$0x19];
	[tilespmem:$0x8B0] =	vst v10  }
0x19f: {  	[hbm4b:s2+s5] =	stream.linear.scatter [tilespmem:s0], [sflag:$0x5], $0x40, $0x38;
	[tilespmem:$0x10900] =	vst v63  }
0x1a0: {  	_ =	swait.ge [sflag:s4], $0x40  }
0x1a1: {  	[sflag:s4] =	ssyncset.done $0x0  }
0x1a2: {  	[sflag:s4] =	ssyncadd.s32 $0xFFFFFFC0  }
0x1a3: {  	v10 =	vld.msk [tilespmem:$0x880], $0xff;
	_ =	sdelay $0x4  }
0x1a4: {  	v11 =	vshll.u32 v10, $0x4  }
0x1a5: {  	v10 =	vand.u32 $0x7, v10;
	v11 =	vand.u32 $0xFFFFFF80, v11  }
0x1a6: {  	v41 =	vshrl.u32 v0, $0x3;
	v11 =	vor.u32 v10, v11;
	v10 =	vand.u32 $0x7, v0  }
0x1a7: {  	v42 =	vperm.xlane v11, v10;
	v11 =	vmul.u32 $0x8, v41;
	_ =	sdelay $0x1  }
0x1a8: {  	v12 =	vadd.s32 v11, v42;
	_ =	sdelay $0x3  }
0x1a9: {  	vm4 =	vmmov $0xffff;
	s2 =	rddreg [dreg:$0x1]  }
0x1aa: {  	[tilespmem:s30], [sflag:$0x1] =	stream.indirect_vreg.gather [hbm4b:s2+s5], $0x80, v12, vm4, $0xb8;
	[tilespmem:$0x10900] =	vst v63  }
0x1ab: {  	s3 =	simm.s32 $0x1100;
	s7 =	rddreg [dreg:$0x1a]  }
0x1ac: {  	[tilespmem:s3], [sflag:$0x1] =	stream.indirect_vreg.gather [hbm4b:s7+s5], $0x80, v12, vm4, $0xb8;
	[tilespmem:$0x10900] =	vst v63  }
0x1ad: {  	s8 =	rddreg [dreg:$0x1b];
	s4 =	simm.s32 $0x1900  }
0x1ae: {  	[tilespmem:s4], [sflag:$0x1] =	stream.indirect_vreg.gather [hbm4b:s8+s5], $0x80, v12, vm4, $0xb8;
	[tilespmem:$0x10900] =	vst v63  }
0x1af: {  	s9 =	simm.s32 $0x2100;
	s19 =	rddreg [dreg:$0x1c]  }
0x1b0: {  	[tilespmem:s9], [sflag:$0x1] =	stream.indirect_vreg.gather [hbm4b:s19+s5], $0x80, v12, vm4, $0xb8;
	[tilespmem:$0x10900] =	vst v63  }
0x1b1: {  	s10 =	simm.s32 $0x2900;
	s9 =	rddreg [dreg:$0x1e]  }
0x1b2: {  	[tilespmem:s10], [sflag:$0x1] =	stream.indirect_vreg.gather [hbm4b:s9+s5], $0x80, v12, vm4, $0xb8;
	[tilespmem:$0x10900] =	vst v63  }
0x1b3: {  	s11 =	simm.s32 $0x3100;
	s10 =	rddreg [dreg:$0x1f]  }
0x1b4: {  	[tilespmem:s11], [sflag:$0x1] =	stream.indirect_vreg.gather [hbm4b:s10+s5], $0x80, v12, vm4, $0xb8;
	[tilespmem:$0x10900] =	vst v63  }
0x1b5: {  	s11 =	sld [smem:$0x7F9];
	_ =	sdelay $0x1  }
0x1b6: {  	s12 =	simm.s32 $0x3900  }
0x1b7: {  	[tilespmem:s12], [sflag:$0x1] =	stream.indirect_vreg.gather [hbm4b:s11+s5], $0x80, v12, vm4, $0xb8;
	[tilespmem:$0x10900] =	vst v63  }
0x1b8: {  	s12 =	sld [smem:$0x7FA];
	_ =	sdelay $0x1  }
0x1b9: {  	s13 =	simm.s32 $0x4100  }
0x1ba: {  	[tilespmem:s13], [sflag:$0x1] =	stream.indirect_vreg.gather [hbm4b:s12+s5], $0x80, v12, vm4, $0xb8;
	[tilespmem:$0x10900] =	vst v63  }
0x1bb: {  	v12 =	vld.msk [tilespmem:$0x880], $0xff;
	_ =	sdelay $0x4  }
0x1bc: {  	v43 =	vshll.u32 v12, $0x4  }
0x1bd: {  	v12 =	vand.u32 $0x7, v12;
	v13 =	vand.u32 $0xFFFFFF80, v43  }
0x1be: {  	v12 =	vor.u32 v12, v13  }
0x1bf: {  	v12 =	vperm.xlane v12, v10;
	_ =	sdelay $0x1  }
0x1c0: {  	v12 =	vadd.s32 v11, v12;
	_ =	sdelay $0x2  }
0x1c1: {  	s21 =	rddreg [dreg:$0x2]  }
0x1c2: {  	s1 =	simm.s32 $0x8900;
	s13 =	sld [smem:$0x7FB]  }
0x1c3: {  	[tilespmem:s1], [sflag:$0x2] =	stream.indirect_vreg.gather [hbm4b:s21+s5], $0x80, v12, vm4, $0xb8;
	[tilespmem:$0x10900] =	vst v63  }
0x1c4: {  	s14 =	simm.s32 $0x9100  }
0x1c5: {  	[tilespmem:s14], [sflag:$0x2] =	stream.indirect_vreg.gather [hbm4b:s13+s5], $0x80, v12, vm4, $0xb8;
	[tilespmem:$0x10900] =	vst v63  }
0x1c6: {  	s14 =	sld [smem:$0x7FC];
	_ =	sdelay $0x1  }
0x1c7: {  	s15 =	simm.s32 $0x9900  }
0x1c8: {  	[tilespmem:s15], [sflag:$0x2] =	stream.indirect_vreg.gather [hbm4b:s14+s5], $0x80, v12, vm4, $0xb8;
	[tilespmem:$0x10900] =	vst v63  }
0x1c9: {  	s15 =	sld [smem:$0x7FD];
	_ =	sdelay $0x1  }
0x1ca: {  	s31 =	simm.s32 $0xA100  }
0x1cb: {  	[tilespmem:s31], [sflag:$0x2] =	stream.indirect_vreg.gather [hbm4b:s15+s5], $0x80, v12, vm4, $0xb8;
	[tilespmem:$0x10900] =	vst v63  }
0x1cc: {  	s3 =	simm.s32 $0xA900  }
0x1cd: {  	[tilespmem:s3], [sflag:$0x2] =	stream.indirect_vreg.gather [hbm4b:s26+s5], $0x80, v12, vm4, $0xb8;
	[tilespmem:$0x10900] =	vst v63  }
0x1ce: {  	s4 =	simm.s32 $0xB100  }
0x1cf: {  	[tilespmem:s4], [sflag:$0x2] =	stream.indirect_vreg.gather [hbm4b:s16+s5], $0x80, v12, vm4, $0xb8;
	[tilespmem:$0x10900] =	vst v63  }
0x1d0: {  	s31 =	simm.s32 $0xB900  }
0x1d1: {  	[tilespmem:s31], [sflag:$0x2] =	stream.indirect_vreg.gather [hbm4b:s17+s5], $0x80, v12, vm4, $0xb8;
	[tilespmem:$0x10900] =	vst v63  }
0x1d2: {  	s3 =	simm.s32 $0xC100  }
0x1d3: {  	[tilespmem:s3], [sflag:$0x2] =	stream.indirect_vreg.gather [hbm4b:s18+s5], $0x80, v12, vm4, $0xb8;
	[tilespmem:$0x10900] =	vst v63  }
0x1d4: {  	v12 =	vld.msk [tilespmem:$0x888], $0xff;
	_ =	sdelay $0x4  }
0x1d5: {  	v44 =	vshll.u32 v12, $0x4  }
0x1d6: {  	v12 =	vand.u32 $0x7, v12;
	v13 =	vand.u32 $0xFFFFFF80, v44  }
0x1d7: {  	v12 =	vor.u32 v12, v13  }
0x1d8: {  	v12 =	vperm.xlane v12, v10;
	_ =	sdelay $0x1  }
0x1d9: {  	v12 =	vadd.s32 v11, v12;
	_ =	sdelay $0x4  }
0x1da: {  	[tilespmem:s6], [sflag:$0x1] =	stream.indirect_vreg.gather [hbm4b:s2+s5], $0x80, v12, vm4, $0xb8;
	[tilespmem:$0x10900] =	vst v63  }
0x1db: {  	s31 =	simm.s32 $0x5100  }
0x1dc: {  	[tilespmem:s31], [sflag:$0x1] =	stream.indirect_vreg.gather [hbm4b:s7+s5], $0x80, v12, vm4, $0xb8;
	[tilespmem:$0x10900] =	vst v63  }
0x1dd: {  	s31 =	simm.s32 $0x5900  }
0x1de: {  	[tilespmem:s31], [sflag:$0x1] =	stream.indirect_vreg.gather [hbm4b:s8+s5], $0x80, v12, vm4, $0xb8;
	[tilespmem:$0x10900] =	vst v63  }
0x1df: {  	s31 =	simm.s32 $0x6100  }
0x1e0: {  	[tilespmem:s31], [sflag:$0x1] =	stream.indirect_vreg.gather [hbm4b:s19+s5], $0x80, v12, vm4, $0xb8;
	[tilespmem:$0x10900] =	vst v63  }
0x1e1: {  	s31 =	simm.s32 $0x6900  }
0x1e2: {  	[tilespmem:s31], [sflag:$0x1] =	stream.indirect_vreg.gather [hbm4b:s9+s5], $0x80, v12, vm4, $0xb8;
	[tilespmem:$0x10900] =	vst v63  }
0x1e3: {  	s31 =	simm.s32 $0x7100  }
0x1e4: {  	[tilespmem:s31], [sflag:$0x1] =	stream.indirect_vreg.gather [hbm4b:s10+s5], $0x80, v12, vm4, $0xb8;
	[tilespmem:$0x10900] =	vst v63  }
0x1e5: {  	s31 =	simm.s32 $0x7900  }
0x1e6: {  	[tilespmem:s31], [sflag:$0x1] =	stream.indirect_vreg.gather [hbm4b:s11+s5], $0x80, v12, vm4, $0xb8;
	[tilespmem:$0x10900] =	vst v63  }
0x1e7: {  	s31 =	simm.s32 $0x8100  }
0x1e8: {  	[tilespmem:s31], [sflag:$0x1] =	stream.indirect_vreg.gather [hbm4b:s12+s5], $0x80, v12, vm4, $0xb8;
	[tilespmem:$0x10900] =	vst v63  }
0x1e9: {  	v12 =	vld.msk [tilespmem:$0x888], $0xff;
	_ =	sdelay $0x4  }
0x1ea: {  	v45 =	vshll.u32 v12, $0x4  }
0x1eb: {  	v12 =	vand.u32 $0x7, v12;
	v13 =	vand.u32 $0xFFFFFF80, v45  }
0x1ec: {  	v12 =	vor.u32 v12, v13  }
0x1ed: {  	v12 =	vperm.xlane v12, v10;
	_ =	sdelay $0x1  }
0x1ee: {  	v12 =	vadd.s32 v11, v12;
	_ =	sdelay $0x4  }
0x1ef: {  	[tilespmem:s20], [sflag:$0x2] =	stream.indirect_vreg.gather [hbm4b:s21+s5], $0x80, v12, vm4, $0xb8;
	[tilespmem:$0x10900] =	vst v63  }
0x1f0: {  	s31 =	simm.s32 $0xD100  }
0x1f1: {  	[tilespmem:s31], [sflag:$0x2] =	stream.indirect_vreg.gather [hbm4b:s13+s5], $0x80, v12, vm4, $0xb8;
	[tilespmem:$0x10900] =	vst v63  }
0x1f2: {  	s31 =	simm.s32 $0xD900  }
0x1f3: {  	[tilespmem:s31], [sflag:$0x2] =	stream.indirect_vreg.gather [hbm4b:s14+s5], $0x80, v12, vm4, $0xb8;
	[tilespmem:$0x10900] =	vst v63  }
0x1f4: {  	s31 =	simm.s32 $0xE100  }
0x1f5: {  	[tilespmem:s31], [sflag:$0x2] =	stream.indirect_vreg.gather [hbm4b:s15+s5], $0x80, v12, vm4, $0xb8;
	[tilespmem:$0x10900] =	vst v63  }
0x1f6: {  	s31 =	simm.s32 $0xE900  }
0x1f7: {  	[tilespmem:s31], [sflag:$0x2] =	stream.indirect_vreg.gather [hbm4b:s26+s5], $0x80, v12, vm4, $0xb8;
	[tilespmem:$0x10900] =	vst v63  }
0x1f8: {  	s31 =	simm.s32 $0xF100  }
0x1f9: {  	[tilespmem:s31], [sflag:$0x2] =	stream.indirect_vreg.gather [hbm4b:s16+s5], $0x80, v12, vm4, $0xb8;
	[tilespmem:$0x10900] =	vst v63  }
0x1fa: {  	s31 =	simm.s32 $0xF900  }
0x1fb: {  	[tilespmem:s31], [sflag:$0x2] =	stream.indirect_vreg.gather [hbm4b:s17+s5], $0x80, v12, vm4, $0xb8;
	[tilespmem:$0x10900] =	vst v63  }
0x1fc: {  	s31 =	simm.s32 $0x10100  }
0x1fd: {  	[tilespmem:s31], [sflag:$0x2] =	stream.indirect_vreg.gather [hbm4b:s18+s5], $0x80, v12, vm4, $0xb8;
	[tilespmem:$0x10900] =	vst v63  }
0x1fe: {  	_ =	swait.ge [sflag:s23], $0x4000  }
0x1ff: {  	[sflag:s23] =	ssyncset.done $0x0  }
0x200: {  	[sflag:s23] =	ssyncadd.s32 $0xFFFFC000  }
0x201: {  	_ =	swait.ge [sflag:s25], $0x4000  }
0x202: {  	[sflag:s25] =	ssyncset.done $0x0  }
0x203: {  	s0 =	rddreg [dreg:$0x9];
	[sflag:s25] =	ssyncadd.s32 $0xFFFFC000  }
0x204: {  	[hbm4b:s0+s5] =	stream.linear.scatter [tilespmem:s30], [sflag:$0x3], $0x4000, $0x38;
	[tilespmem:$0x10900] =	vst v63  }
0x205: {  	s31 =	rddreg [dreg:$0xa]  }
0x206: {  	[hbm4b:s31+s5] =	stream.linear.scatter [tilespmem:s1], [sflag:$0x4], $0x4000, $0x38;
	[tilespmem:$0x10900] =	vst v63  }
0x207: {  	_ =	swait.ge [sflag:s28], $0x4000  }
0x208: {  	[sflag:s28] =	ssyncset.done $0x0  }
0x209: {  	[sflag:s28] =	ssyncadd.s32 $0xFFFFC000  }
0x20a: {  	_ =	swait.ge [sflag:s29], $0x4000  }
0x20b: {  	[sflag:s29] =	ssyncset.done $0x0  }
0x20c: {  	[sflag:s29] =	ssyncadd.s32 $0xFFFFC000  }
0x20d: {  	v46 =	vld.msk [tilespmem:$0x890], $0xff;
	_ =	sdelay $0x4  }
0x20e: {  	v47 =	vshll.u32 v46, $0x4  }
0x20f: {  	v12 =	vand.u32 $0x7, v46;
	v13 =	vand.u32 $0xFFFFFF80, v47  }
0x210: {  	v12 =	vor.u32 v12, v13  }
0x211: {  	v12 =	vperm.xlane v12, v10;
	_ =	sdelay $0x1  }
0x212: {  	v12 =	vadd.s32 v11, v12;
	_ =	sdelay $0x4  }
0x213: {  	[tilespmem:s30], [sflag:$0x1] =	stream.indirect_vreg.gather [hbm4b:s2+s5], $0x80, v12, vm4, $0xb8;
	[tilespmem:$0x10900] =	vst v63  }
0x214: {  	s31 =	simm.s32 $0x1100  }
0x215: {  	[tilespmem:s31], [sflag:$0x1] =	stream.indirect_vreg.gather [hbm4b:s7+s5], $0x80, v12, vm4, $0xb8;
	[tilespmem:$0x10900] =	vst v63  }
0x216: {  	s24 =	simm.s32 $0x1900  }
0x217: {  	[tilespmem:s24], [sflag:$0x1] =	stream.indirect_vreg.gather [hbm4b:s8+s5], $0x80, v12, vm4, $0xb8;
	[tilespmem:$0x10900] =	vst v63  }
0x218: {  	s31 =	simm.s32 $0x2100  }
0x219: {  	[tilespmem:s31], [sflag:$0x1] =	stream.indirect_vreg.gather [hbm4b:s19+s5], $0x80, v12, vm4, $0xb8;
	[tilespmem:$0x10900] =	vst v63  }
0x21a: {  	s24 =	simm.s32 $0x2900  }
0x21b: {  	[tilespmem:s24], [sflag:$0x1] =	stream.indirect_vreg.gather [hbm4b:s9+s5], $0x80, v12, vm4, $0xb8;
	[tilespmem:$0x10900] =	vst v63  }
0x21c: {  	s22 =	simm.s32 $0x3100  }
0x21d: {  	[tilespmem:s22], [sflag:$0x1] =	stream.indirect_vreg.gather [hbm4b:s10+s5], $0x80, v12, vm4, $0xb8;
	[tilespmem:$0x10900] =	vst v63  }
0x21e: {  	s22 =	simm.s32 $0x3900  }
0x21f: {  	[tilespmem:s22], [sflag:$0x1] =	stream.indirect_vreg.gather [hbm4b:s11+s5], $0x80, v12, vm4, $0xb8;
	[tilespmem:$0x10900] =	vst v63  }
0x220: {  	s24 =	simm.s32 $0x4100  }
0x221: {  	[tilespmem:s24], [sflag:$0x1] =	stream.indirect_vreg.gather [hbm4b:s12+s5], $0x80, v12, vm4, $0xb8;
	[tilespmem:$0x10900] =	vst v63  }
0x222: {  	v12 =	vld.msk [tilespmem:$0x890], $0xff;
	_ =	sdelay $0x4  }
0x223: {  	v48 =	vshll.u32 v12, $0x4  }
0x224: {  	v12 =	vand.u32 $0x7, v12;
	v13 =	vand.u32 $0xFFFFFF80, v48  }
0x225: {  	v12 =	vor.u32 v12, v13  }
0x226: {  	v12 =	vperm.xlane v12, v10;
	_ =	sdelay $0x1  }
0x227: {  	v12 =	vadd.s32 v11, v12;
	_ =	sdelay $0x4  }
0x228: {  	[tilespmem:s1], [sflag:$0x2] =	stream.indirect_vreg.gather [hbm4b:s21+s5], $0x80, v12, vm4, $0xb8;
	[tilespmem:$0x10900] =	vst v63  }
0x229: {  	s31 =	simm.s32 $0x9100  }
0x22a: {  	[tilespmem:s31], [sflag:$0x2] =	stream.indirect_vreg.gather [hbm4b:s13+s5], $0x80, v12, vm4, $0xb8;
	[tilespmem:$0x10900] =	vst v63  }
0x22b: {  	s31 =	simm.s32 $0x9900  }
0x22c: {  	[tilespmem:s31], [sflag:$0x2] =	stream.indirect_vreg.gather [hbm4b:s14+s5], $0x80, v12, vm4, $0xb8;
	[tilespmem:$0x10900] =	vst v63  }
0x22d: {  	s31 =	simm.s32 $0xA100  }
0x22e: {  	[tilespmem:s31], [sflag:$0x2] =	stream.indirect_vreg.gather [hbm4b:s15+s5], $0x80, v12, vm4, $0xb8;
	[tilespmem:$0x10900] =	vst v63  }
0x22f: {  	s31 =	simm.s32 $0xA900  }
0x230: {  	[tilespmem:s31], [sflag:$0x2] =	stream.indirect_vreg.gather [hbm4b:s26+s5], $0x80, v12, vm4, $0xb8;
	[tilespmem:$0x10900] =	vst v63  }
0x231: {  	s31 =	simm.s32 $0xB100  }
0x232: {  	[tilespmem:s31], [sflag:$0x2] =	stream.indirect_vreg.gather [hbm4b:s16+s5], $0x80, v12, vm4, $0xb8;
	[tilespmem:$0x10900] =	vst v63  }
0x233: {  	s4 =	simm.s32 $0xB900  }
0x234: {  	[tilespmem:s4], [sflag:$0x2] =	stream.indirect_vreg.gather [hbm4b:s17+s5], $0x80, v12, vm4, $0xb8;
	[tilespmem:$0x10900] =	vst v63  }
0x235: {  	s3 =	simm.s32 $0xC100  }
0x236: {  	[tilespmem:s3], [sflag:$0x2] =	stream.indirect_vreg.gather [hbm4b:s18+s5], $0x80, v12, vm4, $0xb8;
	[tilespmem:$0x10900] =	vst v63  }
0x237: {  	_ =	swait.ge [sflag:s23], $0x4000  }
0x238: {  	[sflag:s23] =	ssyncset.done $0x0  }
0x239: {  	[sflag:s23] =	ssyncadd.s32 $0xFFFFC000  }
0x23a: {  	_ =	swait.ge [sflag:s25], $0x4000  }
0x23b: {  	[sflag:s25] =	ssyncset.done $0x0  }
0x23c: {  	s4 =	rddreg [dreg:$0xb];
	[sflag:s25] =	ssyncadd.s32 $0xFFFFC000  }
0x23d: {  	[hbm4b:s4+s5] =	stream.linear.scatter [tilespmem:s6], [sflag:$0x3], $0x4000, $0x38;
	[tilespmem:$0x10900] =	vst v63  }
0x23e: {  	s3 =	rddreg [dreg:$0xc]  }
0x23f: {  	[hbm4b:s3+s5] =	stream.linear.scatter [tilespmem:s20], [sflag:$0x4], $0x4000, $0x38;
	[tilespmem:$0x10900] =	vst v63  }
0x240: {  	_ =	swait.ge [sflag:s28], $0x4000  }
0x241: {  	[sflag:s28] =	ssyncset.done $0x0  }
0x242: {  	[sflag:s28] =	ssyncadd.s32 $0xFFFFC000  }
0x243: {  	_ =	swait.ge [sflag:s29], $0x4000  }
0x244: {  	[sflag:s29] =	ssyncset.done $0x0  }
0x245: {  	[sflag:s29] =	ssyncadd.s32 $0xFFFFC000  }
0x246: {  	v49 =	vld.msk [tilespmem:$0x898], $0xff;
	_ =	sdelay $0x4  }
0x247: {  	v50 =	vshll.u32 v49, $0x4  }
0x248: {  	v12 =	vand.u32 $0x7, v49;
	v13 =	vand.u32 $0xFFFFFF80, v50  }
0x249: {  	v12 =	vor.u32 v12, v13  }
0x24a: {  	v12 =	vperm.xlane v12, v10;
	_ =	sdelay $0x1  }
0x24b: {  	v12 =	vadd.s32 v11, v12;
	_ =	sdelay $0x4  }
0x24c: {  	[tilespmem:s6], [sflag:$0x1] =	stream.indirect_vreg.gather [hbm4b:s2+s5], $0x80, v12, vm4, $0xb8;
	[tilespmem:$0x10900] =	vst v63  }
0x24d: {  	s4 =	simm.s32 $0x5100  }
0x24e: {  	[tilespmem:s4], [sflag:$0x1] =	stream.indirect_vreg.gather [hbm4b:s7+s5], $0x80, v12, vm4, $0xb8;
	[tilespmem:$0x10900] =	vst v63  }
0x24f: {  	s31 =	simm.s32 $0x5900  }
0x250: {  	[tilespmem:s31], [sflag:$0x1] =	stream.indirect_vreg.gather [hbm4b:s8+s5], $0x80, v12, vm4, $0xb8;
	[tilespmem:$0x10900] =	vst v63  }
0x251: {  	s3 =	simm.s32 $0x6100  }
0x252: {  	[tilespmem:s3], [sflag:$0x1] =	stream.indirect_vreg.gather [hbm4b:s19+s5], $0x80, v12, vm4, $0xb8;
	[tilespmem:$0x10900] =	vst v63  }
0x253: {  	s4 =	simm.s32 $0x6900  }
0x254: {  	[tilespmem:s4], [sflag:$0x1] =	stream.indirect_vreg.gather [hbm4b:s9+s5], $0x80, v12, vm4, $0xb8;
	[tilespmem:$0x10900] =	vst v63  }
0x255: {  	s31 =	simm.s32 $0x7100  }
0x256: {  	[tilespmem:s31], [sflag:$0x1] =	stream.indirect_vreg.gather [hbm4b:s10+s5], $0x80, v12, vm4, $0xb8;
	[tilespmem:$0x10900] =	vst v63  }
0x257: {  	s3 =	simm.s32 $0x7900  }
0x258: {  	[tilespmem:s3], [sflag:$0x1] =	stream.indirect_vreg.gather [hbm4b:s11+s5], $0x80, v12, vm4, $0xb8;
	[tilespmem:$0x10900] =	vst v63  }
0x259: {  	s4 =	simm.s32 $0x8100  }
0x25a: {  	[tilespmem:s4], [sflag:$0x1] =	stream.indirect_vreg.gather [hbm4b:s12+s5], $0x80, v12, vm4, $0xb8;
	[tilespmem:$0x10900] =	vst v63  }
0x25b: {  	v12 =	vld.msk [tilespmem:$0x898], $0xff;
	_ =	sdelay $0x4  }
0x25c: {  	v51 =	vshll.u32 v12, $0x4  }
0x25d: {  	v12 =	vand.u32 $0x7, v12;
	v13 =	vand.u32 $0xFFFFFF80, v51  }
0x25e: {  	v12 =	vor.u32 v12, v13  }
0x25f: {  	v12 =	vperm.xlane v12, v10;
	_ =	sdelay $0x1  }
0x260: {  	v12 =	vadd.s32 v11, v12;
	_ =	sdelay $0x4  }
0x261: {  	[tilespmem:s20], [sflag:$0x2] =	stream.indirect_vreg.gather [hbm4b:s21+s5], $0x80, v12, vm4, $0xb8;
	[tilespmem:$0x10900] =	vst v63  }
0x262: {  	s31 =	simm.s32 $0xD100  }
0x263: {  	[tilespmem:s31], [sflag:$0x2] =	stream.indirect_vreg.gather [hbm4b:s13+s5], $0x80, v12, vm4, $0xb8;
	[tilespmem:$0x10900] =	vst v63  }
0x264: {  	s3 =	simm.s32 $0xD900  }
0x265: {  	[tilespmem:s3], [sflag:$0x2] =	stream.indirect_vreg.gather [hbm4b:s14+s5], $0x80, v12, vm4, $0xb8;
	[tilespmem:$0x10900] =	vst v63  }
0x266: {  	s4 =	simm.s32 $0xE100  }
0x267: {  	[tilespmem:s4], [sflag:$0x2] =	stream.indirect_vreg.gather [hbm4b:s15+s5], $0x80, v12, vm4, $0xb8;
	[tilespmem:$0x10900] =	vst v63  }
0x268: {  	s31 =	simm.s32 $0xE900  }
0x269: {  	[tilespmem:s31], [sflag:$0x2] =	stream.indirect_vreg.gather [hbm4b:s26+s5], $0x80, v12, vm4, $0xb8;
	[tilespmem:$0x10900] =	vst v63  }
0x26a: {  	s3 =	simm.s32 $0xF100  }
0x26b: {  	[tilespmem:s3], [sflag:$0x2] =	stream.indirect_vreg.gather [hbm4b:s16+s5], $0x80, v12, vm4, $0xb8;
	[tilespmem:$0x10900] =	vst v63  }
0x26c: {  	s4 =	simm.s32 $0xF900  }
0x26d: {  	[tilespmem:s4], [sflag:$0x2] =	stream.indirect_vreg.gather [hbm4b:s17+s5], $0x80, v12, vm4, $0xb8;
	[tilespmem:$0x10900] =	vst v63  }
0x26e: {  	s31 =	simm.s32 $0x10100  }
0x26f: {  	[tilespmem:s31], [sflag:$0x2] =	stream.indirect_vreg.gather [hbm4b:s18+s5], $0x80, v12, vm4, $0xb8;
	[tilespmem:$0x10900] =	vst v63  }
0x270: {  	_ =	swait.ge [sflag:s23], $0x4000  }
0x271: {  	[sflag:s23] =	ssyncset.done $0x0  }
0x272: {  	[sflag:s23] =	ssyncadd.s32 $0xFFFFC000  }
0x273: {  	_ =	swait.ge [sflag:s25], $0x4000  }
0x274: {  	[sflag:s25] =	ssyncset.done $0x0  }
0x275: {  	s3 =	rddreg [dreg:$0xd];
	[sflag:s25] =	ssyncadd.s32 $0xFFFFC000  }
0x276: {  	[hbm4b:s3+s5] =	stream.linear.scatter [tilespmem:s30], [sflag:$0x3], $0x4000, $0x38;
	[tilespmem:$0x10900] =	vst v63  }
0x277: {  	s4 =	rddreg [dreg:$0xe]  }
0x278: {  	[hbm4b:s4+s5] =	stream.linear.scatter [tilespmem:s1], [sflag:$0x4], $0x4000, $0x38;
	[tilespmem:$0x10900] =	vst v63  }
0x279: {  	_ =	swait.ge [sflag:s28], $0x4000  }
0x27a: {  	[sflag:s28] =	ssyncset.done $0x0  }
0x27b: {  	[sflag:s28] =	ssyncadd.s32 $0xFFFFC000  }
0x27c: {  	_ =	swait.ge [sflag:s29], $0x4000  }
0x27d: {  	[sflag:s29] =	ssyncset.done $0x0  }
0x27e: {  	[sflag:s29] =	ssyncadd.s32 $0xFFFFC000  }
0x27f: {  	v52 =	vld.msk [tilespmem:$0x8A0], $0xff;
	_ =	sdelay $0x4  }
0x280: {  	v53 =	vshll.u32 v52, $0x4  }
0x281: {  	v12 =	vand.u32 $0x7, v52;
	v13 =	vand.u32 $0xFFFFFF80, v53  }
0x282: {  	v12 =	vor.u32 v12, v13  }
0x283: {  	v12 =	vperm.xlane v12, v10;
	_ =	sdelay $0x1  }
0x284: {  	v12 =	vadd.s32 v11, v12;
	_ =	sdelay $0x4  }
0x285: {  	[tilespmem:s30], [sflag:$0x1] =	stream.indirect_vreg.gather [hbm4b:s2+s5], $0x80, v12, vm4, $0xb8;
	[tilespmem:$0x10900] =	vst v63  }
0x286: {  	s3 =	simm.s32 $0x1100  }
0x287: {  	[tilespmem:s3], [sflag:$0x1] =	stream.indirect_vreg.gather [hbm4b:s7+s5], $0x80, v12, vm4, $0xb8;
	[tilespmem:$0x10900] =	vst v63  }
0x288: {  	s4 =	simm.s32 $0x1900  }
0x289: {  	[tilespmem:s4], [sflag:$0x1] =	stream.indirect_vreg.gather [hbm4b:s8+s5], $0x80, v12, vm4, $0xb8;
	[tilespmem:$0x10900] =	vst v63  }
0x28a: {  	s31 =	simm.s32 $0x2100  }
0x28b: {  	[tilespmem:s31], [sflag:$0x1] =	stream.indirect_vreg.gather [hbm4b:s19+s5], $0x80, v12, vm4, $0xb8;
	[tilespmem:$0x10900] =	vst v63  }
0x28c: {  	s3 =	simm.s32 $0x2900  }
0x28d: {  	[tilespmem:s3], [sflag:$0x1] =	stream.indirect_vreg.gather [hbm4b:s9+s5], $0x80, v12, vm4, $0xb8;
	[tilespmem:$0x10900] =	vst v63  }
0x28e: {  	s4 =	simm.s32 $0x3100  }
0x28f: {  	[tilespmem:s4], [sflag:$0x1] =	stream.indirect_vreg.gather [hbm4b:s10+s5], $0x80, v12, vm4, $0xb8;
	[tilespmem:$0x10900] =	vst v63  }
0x290: {  	_ = 	snop  }
0x291: {  	[tilespmem:s22], [sflag:$0x1] =	stream.indirect_vreg.gather [hbm4b:s11+s5], $0x80, v12, vm4, $0xb8;
	[tilespmem:$0x10900] =	vst v63  }
0x292: {  	_ = 	snop  }
0x293: {  	[tilespmem:s24], [sflag:$0x1] =	stream.indirect_vreg.gather [hbm4b:s12+s5], $0x80, v12, vm4, $0xb8;
	[tilespmem:$0x10900] =	vst v63  }
0x294: {  	v12 =	vld.msk [tilespmem:$0x8A0], $0xff;
	_ =	sdelay $0x4  }
0x295: {  	v54 =	vshll.u32 v12, $0x4  }
0x296: {  	v12 =	vand.u32 $0x7, v12;
	v13 =	vand.u32 $0xFFFFFF80, v54  }
0x297: {  	v12 =	vor.u32 v12, v13  }
0x298: {  	v12 =	vperm.xlane v12, v10;
	_ =	sdelay $0x1  }
0x299: {  	v12 =	vadd.s32 v11, v12;
	_ =	sdelay $0x4  }
0x29a: {  	[tilespmem:s1], [sflag:$0x2] =	stream.indirect_vreg.gather [hbm4b:s21+s5], $0x80, v12, vm4, $0xb8;
	[tilespmem:$0x10900] =	vst v63  }
0x29b: {  	s31 =	simm.s32 $0x9100  }
0x29c: {  	[tilespmem:s31], [sflag:$0x2] =	stream.indirect_vreg.gather [hbm4b:s13+s5], $0x80, v12, vm4, $0xb8;
	[tilespmem:$0x10900] =	vst v63  }
0x29d: {  	s22 =	simm.s32 $0x9900  }
0x29e: {  	[tilespmem:s22], [sflag:$0x2] =	stream.indirect_vreg.gather [hbm4b:s14+s5], $0x80, v12, vm4, $0xb8;
	[tilespmem:$0x10900] =	vst v63  }
0x29f: {  	s24 =	simm.s32 $0xA100  }
0x2a0: {  	[tilespmem:s24], [sflag:$0x2] =	stream.indirect_vreg.gather [hbm4b:s15+s5], $0x80, v12, vm4, $0xb8;
	[tilespmem:$0x10900] =	vst v63  }
0x2a1: {  	s31 =	simm.s32 $0xA900  }
0x2a2: {  	[tilespmem:s31], [sflag:$0x2] =	stream.indirect_vreg.gather [hbm4b:s26+s5], $0x80, v12, vm4, $0xb8;
	[tilespmem:$0x10900] =	vst v63  }
0x2a3: {  	s22 =	simm.s32 $0xB100  }
0x2a4: {  	[tilespmem:s22], [sflag:$0x2] =	stream.indirect_vreg.gather [hbm4b:s16+s5], $0x80, v12, vm4, $0xb8;
	[tilespmem:$0x10900] =	vst v63  }
0x2a5: {  	s24 =	simm.s32 $0xB900  }
0x2a6: {  	[tilespmem:s24], [sflag:$0x2] =	stream.indirect_vreg.gather [hbm4b:s17+s5], $0x80, v12, vm4, $0xb8;
	[tilespmem:$0x10900] =	vst v63  }
0x2a7: {  	s31 =	simm.s32 $0xC100  }
0x2a8: {  	[tilespmem:s31], [sflag:$0x2] =	stream.indirect_vreg.gather [hbm4b:s18+s5], $0x80, v12, vm4, $0xb8;
	[tilespmem:$0x10900] =	vst v63  }
0x2a9: {  	_ =	swait.ge [sflag:s23], $0x4000  }
0x2aa: {  	[sflag:s23] =	ssyncset.done $0x0  }
0x2ab: {  	[sflag:s23] =	ssyncadd.s32 $0xFFFFC000  }
0x2ac: {  	_ =	swait.ge [sflag:s25], $0x4000  }
0x2ad: {  	[sflag:s25] =	ssyncset.done $0x0  }
0x2ae: {  	s22 =	rddreg [dreg:$0xf];
	[sflag:s25] =	ssyncadd.s32 $0xFFFFC000  }
0x2af: {  	[hbm4b:s22+s5] =	stream.linear.scatter [tilespmem:s6], [sflag:$0x3], $0x4000, $0x38;
	[tilespmem:$0x10900] =	vst v63  }
0x2b0: {  	s24 =	rddreg [dreg:$0x10]  }
0x2b1: {  	[hbm4b:s24+s5] =	stream.linear.scatter [tilespmem:s20], [sflag:$0x4], $0x4000, $0x38;
	[tilespmem:$0x10900] =	vst v63  }
0x2b2: {  	_ =	swait.ge [sflag:s28], $0x4000  }
0x2b3: {  	[sflag:s28] =	ssyncset.done $0x0  }
0x2b4: {  	[sflag:s28] =	ssyncadd.s32 $0xFFFFC000  }
0x2b5: {  	_ =	swait.ge [sflag:s29], $0x4000  }
0x2b6: {  	[sflag:s29] =	ssyncset.done $0x0  }
0x2b7: {  	[sflag:s29] =	ssyncadd.s32 $0xFFFFC000  }
0x2b8: {  	v55 =	vld.msk [tilespmem:$0x8A8], $0xff;
	_ =	sdelay $0x4  }
0x2b9: {  	v56 =	vshll.u32 v55, $0x4  }
0x2ba: {  	v12 =	vand.u32 $0x7, v55;
	v13 =	vand.u32 $0xFFFFFF80, v56  }
0x2bb: {  	v12 =	vor.u32 v12, v13  }
0x2bc: {  	v12 =	vperm.xlane v12, v10;
	_ =	sdelay $0x1  }
0x2bd: {  	v12 =	vadd.s32 v11, v12;
	_ =	sdelay $0x4  }
0x2be: {  	[tilespmem:s6], [sflag:$0x1] =	stream.indirect_vreg.gather [hbm4b:s2+s5], $0x80, v12, vm4, $0xb8;
	[tilespmem:$0x10900] =	vst v63  }
0x2bf: {  	s22 =	simm.s32 $0x5100  }
0x2c0: {  	[tilespmem:s22], [sflag:$0x1] =	stream.indirect_vreg.gather [hbm4b:s7+s5], $0x80, v12, vm4, $0xb8;
	[tilespmem:$0x10900] =	vst v63  }
0x2c1: {  	s24 =	simm.s32 $0x5900  }
0x2c2: {  	[tilespmem:s24], [sflag:$0x1] =	stream.indirect_vreg.gather [hbm4b:s8+s5], $0x80, v12, vm4, $0xb8;
	[tilespmem:$0x10900] =	vst v63  }
0x2c3: {  	s31 =	simm.s32 $0x6100  }
0x2c4: {  	[tilespmem:s31], [sflag:$0x1] =	stream.indirect_vreg.gather [hbm4b:s19+s5], $0x80, v12, vm4, $0xb8;
	[tilespmem:$0x10900] =	vst v63  }
0x2c5: {  	s31 =	simm.s32 $0x6900  }
0x2c6: {  	[tilespmem:s31], [sflag:$0x1] =	stream.indirect_vreg.gather [hbm4b:s9+s5], $0x80, v12, vm4, $0xb8;
	[tilespmem:$0x10900] =	vst v63  }
0x2c7: {  	s31 =	simm.s32 $0x7100  }
0x2c8: {  	[tilespmem:s31], [sflag:$0x1] =	stream.indirect_vreg.gather [hbm4b:s10+s5], $0x80, v12, vm4, $0xb8;
	[tilespmem:$0x10900] =	vst v63  }
0x2c9: {  	s31 =	simm.s32 $0x7900  }
0x2ca: {  	[tilespmem:s31], [sflag:$0x1] =	stream.indirect_vreg.gather [hbm4b:s11+s5], $0x80, v12, vm4, $0xb8;
	[tilespmem:$0x10900] =	vst v63  }
0x2cb: {  	s31 =	simm.s32 $0x8100  }
0x2cc: {  	[tilespmem:s31], [sflag:$0x1] =	stream.indirect_vreg.gather [hbm4b:s12+s5], $0x80, v12, vm4, $0xb8;
	[tilespmem:$0x10900] =	vst v63  }
0x2cd: {  	v12 =	vld.msk [tilespmem:$0x8A8], $0xff;
	_ =	sdelay $0x4  }
0x2ce: {  	v57 =	vshll.u32 v12, $0x4  }
0x2cf: {  	v12 =	vand.u32 $0x7, v12;
	v13 =	vand.u32 $0xFFFFFF80, v57  }
0x2d0: {  	v12 =	vor.u32 v12, v13  }
0x2d1: {  	v12 =	vperm.xlane v12, v10;
	_ =	sdelay $0x1  }
0x2d2: {  	v12 =	vadd.s32 v11, v12;
	_ =	sdelay $0x4  }
0x2d3: {  	[tilespmem:s20], [sflag:$0x2] =	stream.indirect_vreg.gather [hbm4b:s21+s5], $0x80, v12, vm4, $0xb8;
	[tilespmem:$0x10900] =	vst v63  }
0x2d4: {  	s31 =	simm.s32 $0xD100  }
0x2d5: {  	[tilespmem:s31], [sflag:$0x2] =	stream.indirect_vreg.gather [hbm4b:s13+s5], $0x80, v12, vm4, $0xb8;
	[tilespmem:$0x10900] =	vst v63  }
0x2d6: {  	s31 =	simm.s32 $0xD900  }
0x2d7: {  	[tilespmem:s31], [sflag:$0x2] =	stream.indirect_vreg.gather [hbm4b:s14+s5], $0x80, v12, vm4, $0xb8;
	[tilespmem:$0x10900] =	vst v63  }
0x2d8: {  	s31 =	simm.s32 $0xE100  }
0x2d9: {  	[tilespmem:s31], [sflag:$0x2] =	stream.indirect_vreg.gather [hbm4b:s15+s5], $0x80, v12, vm4, $0xb8;
	[tilespmem:$0x10900] =	vst v63  }
0x2da: {  	s31 =	simm.s32 $0xE900  }
0x2db: {  	[tilespmem:s31], [sflag:$0x2] =	stream.indirect_vreg.gather [hbm4b:s26+s5], $0x80, v12, vm4, $0xb8;
	[tilespmem:$0x10900] =	vst v63  }
0x2dc: {  	s31 =	simm.s32 $0xF100  }
0x2dd: {  	[tilespmem:s31], [sflag:$0x2] =	stream.indirect_vreg.gather [hbm4b:s16+s5], $0x80, v12, vm4, $0xb8;
	[tilespmem:$0x10900] =	vst v63  }
0x2de: {  	s31 =	simm.s32 $0xF900  }
0x2df: {  	[tilespmem:s31], [sflag:$0x2] =	stream.indirect_vreg.gather [hbm4b:s17+s5], $0x80, v12, vm4, $0xb8;
	[tilespmem:$0x10900] =	vst v63  }
0x2e0: {  	s31 =	simm.s32 $0x10100  }
0x2e1: {  	[tilespmem:s31], [sflag:$0x2] =	stream.indirect_vreg.gather [hbm4b:s18+s5], $0x80, v12, vm4, $0xb8;
	[tilespmem:$0x10900] =	vst v63  }
0x2e2: {  	_ =	swait.ge [sflag:s23], $0x4000  }
0x2e3: {  	[sflag:s23] =	ssyncset.done $0x0  }
0x2e4: {  	[sflag:s23] =	ssyncadd.s32 $0xFFFFC000  }
0x2e5: {  	_ =	swait.ge [sflag:s25], $0x4000  }
0x2e6: {  	[sflag:s25] =	ssyncset.done $0x0  }
0x2e7: {  	s0 =	rddreg [dreg:$0x11];
	[sflag:s25] =	ssyncadd.s32 $0xFFFFC000  }
0x2e8: {  	[hbm4b:s0+s5] =	stream.linear.scatter [tilespmem:s30], [sflag:$0x3], $0x4000, $0x38;
	[tilespmem:$0x10900] =	vst v63  }
0x2e9: {  	s31 =	rddreg [dreg:$0x12]  }
0x2ea: {  	[hbm4b:s31+s5] =	stream.linear.scatter [tilespmem:s1], [sflag:$0x4], $0x4000, $0x38;
	[tilespmem:$0x10900] =	vst v63  }
0x2eb: {  	_ =	swait.ge [sflag:s28], $0x4000  }
0x2ec: {  	[sflag:s28] =	ssyncset.done $0x0  }
0x2ed: {  	[sflag:s28] =	ssyncadd.s32 $0xFFFFC000  }
0x2ee: {  	_ =	swait.ge [sflag:s29], $0x4000  }
0x2ef: {  	[sflag:s29] =	ssyncset.done $0x0  }
0x2f0: {  	[sflag:s29] =	ssyncadd.s32 $0xFFFFC000  }
0x2f1: {  	v58 =	vld.msk [tilespmem:$0x8B0], $0xff;
	_ =	sdelay $0x4  }
0x2f2: {  	v59 =	vshll.u32 v58, $0x4  }
0x2f3: {  	v12 =	vand.u32 $0x7, v58;
	v13 =	vand.u32 $0xFFFFFF80, v59  }
0x2f4: {  	v12 =	vor.u32 v12, v13  }
0x2f5: {  	v12 =	vperm.xlane v12, v10;
	_ =	sdelay $0x1  }
0x2f6: {  	v12 =	vadd.s32 v11, v12;
	_ =	sdelay $0x4  }
0x2f7: {  	[tilespmem:s30], [sflag:$0x1] =	stream.indirect_vreg.gather [hbm4b:s2+s5], $0x80, v12, vm4, $0xb8;
	[tilespmem:$0x10900] =	vst v63  }
0x2f8: {  	s31 =	simm.s32 $0x1100  }
0x2f9: {  	[tilespmem:s31], [sflag:$0x1] =	stream.indirect_vreg.gather [hbm4b:s7+s5], $0x80, v12, vm4, $0xb8;
	[tilespmem:$0x10900] =	vst v63  }
0x2fa: {  	s31 =	simm.s32 $0x1900  }
0x2fb: {  	[tilespmem:s31], [sflag:$0x1] =	stream.indirect_vreg.gather [hbm4b:s8+s5], $0x80, v12, vm4, $0xb8;
	[tilespmem:$0x10900] =	vst v63  }
0x2fc: {  	s31 =	simm.s32 $0x2100  }
0x2fd: {  	[tilespmem:s31], [sflag:$0x1] =	stream.indirect_vreg.gather [hbm4b:s19+s5], $0x80, v12, vm4, $0xb8;
	[tilespmem:$0x10900] =	vst v63  }
0x2fe: {  	s31 =	simm.s32 $0x2900  }
0x2ff: {  	[tilespmem:s31], [sflag:$0x1] =	stream.indirect_vreg.gather [hbm4b:s9+s5], $0x80, v12, vm4, $0xb8;
	[tilespmem:$0x10900] =	vst v63  }
0x300: {  	s31 =	simm.s32 $0x3100  }
0x301: {  	[tilespmem:s31], [sflag:$0x1] =	stream.indirect_vreg.gather [hbm4b:s10+s5], $0x80, v12, vm4, $0xb8;
	[tilespmem:$0x10900] =	vst v63  }
0x302: {  	s3 =	simm.s32 $0x3900  }
0x303: {  	[tilespmem:s3], [sflag:$0x1] =	stream.indirect_vreg.gather [hbm4b:s11+s5], $0x80, v12, vm4, $0xb8;
	[tilespmem:$0x10900] =	vst v63  }
0x304: {  	s4 =	simm.s32 $0x4100  }
0x305: {  	[tilespmem:s4], [sflag:$0x1] =	stream.indirect_vreg.gather [hbm4b:s12+s5], $0x80, v12, vm4, $0xb8;
	[tilespmem:$0x10900] =	vst v63  }
0x306: {  	v12 =	vld.msk [tilespmem:$0x8B0], $0xff;
	_ =	sdelay $0x4  }
0x307: {  	v60 =	vshll.u32 v12, $0x4  }
0x308: {  	v12 =	vand.u32 $0x7, v12;
	v13 =	vand.u32 $0xFFFFFF80, v60  }
0x309: {  	v12 =	vor.u32 v12, v13  }
0x30a: {  	v12 =	vperm.xlane v12, v10;
	_ =	sdelay $0x1  }
0x30b: {  	v12 =	vadd.s32 v11, v12;
	_ =	sdelay $0x4  }
0x30c: {  	[tilespmem:s1], [sflag:$0x2] =	stream.indirect_vreg.gather [hbm4b:s21+s5], $0x80, v12, vm4, $0xb8;
	[tilespmem:$0x10900] =	vst v63  }
0x30d: {  	s31 =	simm.s32 $0x9100  }
0x30e: {  	[tilespmem:s31], [sflag:$0x2] =	stream.indirect_vreg.gather [hbm4b:s13+s5], $0x80, v12, vm4, $0xb8;
	[tilespmem:$0x10900] =	vst v63  }
0x30f: {  	s3 =	simm.s32 $0x9900  }
0x310: {  	[tilespmem:s3], [sflag:$0x2] =	stream.indirect_vreg.gather [hbm4b:s14+s5], $0x80, v12, vm4, $0xb8;
	[tilespmem:$0x10900] =	vst v63  }
0x311: {  	s4 =	simm.s32 $0xA100  }
0x312: {  	[tilespmem:s4], [sflag:$0x2] =	stream.indirect_vreg.gather [hbm4b:s15+s5], $0x80, v12, vm4, $0xb8;
	[tilespmem:$0x10900] =	vst v63  }
0x313: {  	s31 =	simm.s32 $0xA900  }
0x314: {  	[tilespmem:s31], [sflag:$0x2] =	stream.indirect_vreg.gather [hbm4b:s26+s5], $0x80, v12, vm4, $0xb8;
	[tilespmem:$0x10900] =	vst v63  }
0x315: {  	s3 =	simm.s32 $0xB100  }
0x316: {  	[tilespmem:s3], [sflag:$0x2] =	stream.indirect_vreg.gather [hbm4b:s16+s5], $0x80, v12, vm4, $0xb8;
	[tilespmem:$0x10900] =	vst v63  }
0x317: {  	s4 =	simm.s32 $0xB900  }
0x318: {  	[tilespmem:s4], [sflag:$0x2] =	stream.indirect_vreg.gather [hbm4b:s17+s5], $0x80, v12, vm4, $0xb8;
	[tilespmem:$0x10900] =	vst v63  }
0x319: {  	s31 =	simm.s32 $0xC100  }
0x31a: {  	[tilespmem:s31], [sflag:$0x2] =	stream.indirect_vreg.gather [hbm4b:s18+s5], $0x80, v12, vm4, $0xb8;
	[tilespmem:$0x10900] =	vst v63  }
0x31b: {  	_ =	swait.ge [sflag:s23], $0x4000  }
0x31c: {  	[sflag:s23] =	ssyncset.done $0x0  }
0x31d: {  	[sflag:s23] =	ssyncadd.s32 $0xFFFFC000  }
0x31e: {  	_ =	swait.ge [sflag:s25], $0x4000  }
0x31f: {  	[sflag:s25] =	ssyncset.done $0x0  }
0x320: {  	s3 =	rddreg [dreg:$0x13];
	[sflag:s25] =	ssyncadd.s32 $0xFFFFC000  }
0x321: {  	[hbm4b:s3+s5] =	stream.linear.scatter [tilespmem:s6], [sflag:$0x3], $0x4000, $0x38;
	[tilespmem:$0x10900] =	vst v63  }
0x322: {  	s4 =	rddreg [dreg:$0x14]  }
0x323: {  	[hbm4b:s4+s5] =	stream.linear.scatter [tilespmem:s20], [sflag:$0x4], $0x4000, $0x38;
	[tilespmem:$0x10900] =	vst v63  }
0x324: {  	_ =	swait.ge [sflag:s28], $0x4000  }
0x325: {  	[sflag:s28] =	ssyncset.done $0x0  }
0x326: {  	[sflag:s28] =	ssyncadd.s32 $0xFFFFC000  }
0x327: {  	_ =	swait.ge [sflag:s29], $0x4000  }
0x328: {  	[sflag:s29] =	ssyncset.done $0x0  }
0x329: {  	[sflag:s29] =	ssyncadd.s32 $0xFFFFC000  }
0x32a: {  	v61 =	vld.msk [tilespmem:$0x8B8], $0xff;
	_ =	sdelay $0x4  }
0x32b: {  	v62 =	vshll.u32 v61, $0x4  }
0x32c: {  	v12 =	vand.u32 $0x7, v61;
	v13 =	vand.u32 $0xFFFFFF80, v62  }
0x32d: {  	v12 =	vor.u32 v12, v13  }
0x32e: {  	v12 =	vperm.xlane v12, v10;
	_ =	sdelay $0x1  }
0x32f: {  	v12 =	vadd.s32 v11, v12;
	_ =	sdelay $0x4  }
0x330: {  	[tilespmem:s6], [sflag:$0x1] =	stream.indirect_vreg.gather [hbm4b:s2+s5], $0x80, v12, vm4, $0xb8;
	[tilespmem:$0x10900] =	vst v63  }
0x331: {  	s22 =	simm.s32 $0x5100  }
0x332: {  	[tilespmem:s22], [sflag:$0x1] =	stream.indirect_vreg.gather [hbm4b:s7+s5], $0x80, v12, vm4, $0xb8;
	[tilespmem:$0x10900] =	vst v63  }
0x333: {  	s24 =	simm.s32 $0x5900  }
0x334: {  	[tilespmem:s24], [sflag:$0x1] =	stream.indirect_vreg.gather [hbm4b:s8+s5], $0x80, v12, vm4, $0xb8;
	[tilespmem:$0x10900] =	vst v63  }
0x335: {  	s31 =	simm.s32 $0x6100  }
0x336: {  	[tilespmem:s31], [sflag:$0x1] =	stream.indirect_vreg.gather [hbm4b:s19+s5], $0x80, v12, vm4, $0xb8;
	[tilespmem:$0x10900] =	vst v63  }
0x337: {  	s2 =	simm.s32 $0x6900  }
0x338: {  	[tilespmem:s2], [sflag:$0x1] =	stream.indirect_vreg.gather [hbm4b:s9+s5], $0x80, v12, vm4, $0xb8;
	[tilespmem:$0x10900] =	vst v63  }
0x339: {  	s3 =	simm.s32 $0x7100  }
0x33a: {  	[tilespmem:s3], [sflag:$0x1] =	stream.indirect_vreg.gather [hbm4b:s10+s5], $0x80, v12, vm4, $0xb8;
	[tilespmem:$0x10900] =	vst v63  }
0x33b: {  	s4 =	simm.s32 $0x7900  }
0x33c: {  	[tilespmem:s4], [sflag:$0x1] =	stream.indirect_vreg.gather [hbm4b:s11+s5], $0x80, v12, vm4, $0xb8;
	[tilespmem:$0x10900] =	vst v63  }
0x33d: {  	s7 =	simm.s32 $0x8100  }
0x33e: {  	[tilespmem:s7], [sflag:$0x1] =	stream.indirect_vreg.gather [hbm4b:s12+s5], $0x80, v12, vm4, $0xb8;
	[tilespmem:$0x10900] =	vst v63  }
0x33f: {  	v12 =	vld.msk [tilespmem:$0x8B8], $0xff;
	_ =	sdelay $0x4  }
0x340: {  	v63 =	vshll.u32 v12, $0x4  }
0x341: {  	v12 =	vand.u32 $0x7, v12;
	v13 =	vand.u32 $0xFFFFFF80, v63  }
0x342: {  	v12 =	vor.u32 v12, v13  }
0x343: {  	v10 =	vperm.xlane v12, v10;
	_ =	sdelay $0x1  }
0x344: {  	v10 =	vadd.s32 v11, v10;
	_ =	sdelay $0x4  }
0x345: {  	[tilespmem:s20], [sflag:$0x2] =	stream.indirect_vreg.gather [hbm4b:s21+s5], $0x80, v10, vm4, $0xb8;
	[tilespmem:$0x10900] =	vst v63  }
0x346: {  	s8 =	simm.s32 $0xD100  }
0x347: {  	[tilespmem:s8], [sflag:$0x2] =	stream.indirect_vreg.gather [hbm4b:s13+s5], $0x80, v10, vm4, $0xb8;
	[tilespmem:$0x10900] =	vst v63  }
0x348: {  	s9 =	simm.s32 $0xD900  }
0x349: {  	[tilespmem:s9], [sflag:$0x2] =	stream.indirect_vreg.gather [hbm4b:s14+s5], $0x80, v10, vm4, $0xb8;
	[tilespmem:$0x10900] =	vst v63  }
0x34a: {  	s10 =	simm.s32 $0xE100  }
0x34b: {  	[tilespmem:s10], [sflag:$0x2] =	stream.indirect_vreg.gather [hbm4b:s15+s5], $0x80, v10, vm4, $0xb8;
	[tilespmem:$0x10900] =	vst v63  }
0x34c: {  	s11 =	simm.s32 $0xE900  }
0x34d: {  	[tilespmem:s11], [sflag:$0x2] =	stream.indirect_vreg.gather [hbm4b:s26+s5], $0x80, v10, vm4, $0xb8;
	[tilespmem:$0x10900] =	vst v63  }
0x34e: {  	s12 =	simm.s32 $0xF100  }
0x34f: {  	[tilespmem:s12], [sflag:$0x2] =	stream.indirect_vreg.gather [hbm4b:s16+s5], $0x80, v10, vm4, $0xb8;
	[tilespmem:$0x10900] =	vst v63  }
0x350: {  	s13 =	simm.s32 $0xF900  }
0x351: {  	[tilespmem:s13], [sflag:$0x2] =	stream.indirect_vreg.gather [hbm4b:s17+s5], $0x80, v10, vm4, $0xb8;
	[tilespmem:$0x10900] =	vst v63  }
0x352: {  	s14 =	simm.s32 $0x10100  }
0x353: {  	[tilespmem:s14], [sflag:$0x2] =	stream.indirect_vreg.gather [hbm4b:s18+s5], $0x80, v10, vm4, $0xb8;
	[tilespmem:$0x10900] =	vst v63  }
0x354: {  	_ =	swait.ge [sflag:s23], $0x4000  }
0x355: {  	[sflag:s23] =	ssyncset.done $0x0  }
0x356: {  	[sflag:s23] =	ssyncadd.s32 $0xFFFFC000  }
0x357: {  	_ =	swait.ge [sflag:s25], $0x4000  }
0x358: {  	[sflag:s25] =	ssyncset.done $0x0  }
0x359: {  	s15 =	rddreg [dreg:$0x15];
	[sflag:s25] =	ssyncadd.s32 $0xFFFFC000  }
0x35a: {  	[hbm4b:s15+s5] =	stream.linear.scatter [tilespmem:s30], [sflag:$0x3], $0x4000, $0x38;
	[tilespmem:$0x10900] =	vst v63  }
0x35b: {  	s19 =	rddreg [dreg:$0x16]  }
0x35c: {  	[hbm4b:s19+s5] =	stream.linear.scatter [tilespmem:s1], [sflag:$0x4], $0x4000, $0x38;
	[tilespmem:$0x10900] =	vst v63  }
0x35d: {  	s21 =	rddreg [dreg:$0x1d];
	_ =	swait.ge [sflag:s23], $0x4000  }
0x35e: {  	[sflag:s23] =	ssyncset.done $0x0  }
0x35f: {  	[sflag:s23] =	ssyncadd.s32 $0xFFFFC000  }
0x360: {  	_ =	swait.ge [sflag:s25], $0x4000  }
0x361: {  	[sflag:s25] =	ssyncset.done $0x0  }
0x362: {  	s22 =	rddreg [dreg:$0x17];
	[sflag:s25] =	ssyncadd.s32 $0xFFFFC000  }
0x363: {  	[hbm4b:s22+s5] =	stream.linear.scatter [tilespmem:s6], [sflag:$0x3], $0x4000, $0x38;
	[tilespmem:$0x10900] =	vst v63  }
0x364: {  	s24 =	rddreg [dreg:$0x18]  }
0x365: {  	[hbm4b:s24+s5] =	stream.linear.scatter [tilespmem:s20], [sflag:$0x4], $0x4000, $0x38;
	[tilespmem:$0x10900] =	vst v63  }
0x366: {  	_ =	swait.ge [sflag:s28], $0x4000  }
0x367: {  	[sflag:s28] =	ssyncset.done $0x0  }
0x368: {  	[sflag:s28] =	ssyncadd.s32 $0xFFFFC000  }
0x369: {  	_ =	swait.ge [sflag:s29], $0x4000  }
0x36a: {  	[sflag:s29] =	ssyncset.done $0x0  }
0x36b: {  	[sflag:s29] =	ssyncadd.s32 $0xFFFFC000  }
0x36c: {  	p0 =	sne.s32 s21, $0x1;
	_ =	swait.ge [sflag:s28], $0x4000  }
.Ltmp0:
0x36d: {  	[sflag:s28] =	ssyncset.done $0x0;
	(pc) =	sbr.rel @p0 .LBB2_1-.Ltmp0, $4  }
0x36e: {  	[sflag:s28] =	ssyncadd.s32 $0xFFFFC000  }
0x36f: {  	_ =	swait.ge [sflag:s29], $0x4000  }
0x370: {  	[sflag:s29] =	ssyncset.done $0x0  }
0x371: {  	s1 =	sadd.s32 $0xFFFFFFFF, s21;
	[sflag:s29] =	ssyncadd.s32 $0xFFFFC000  }
0x372: {  	_ =	sfence.sel $0x180000  }
0x373: {  	[bflag:$0x0] =	sbarrier.arrive $0xFFFF  }
0x374: {  	_ =	strace $0x90000047  }
0x375: {  	s0 =	stileid.u32;
	[bflag:$0x2] =	sbarrier.arrive $0xFFFF  }
0x376: {  	p0 =	sne.s32 s0, $0x0;
	s0 =	rddreg [dreg:$0x6]  }
0x377: {  	s0 =	sadd.s32 @!p0 $0x100000, s0  }
0x378: {  	[sflag:s0] =	ssyncadd.tile.s32 @!p0 $0x1;
	_ =	shalt  }
.Lfunc_end2:
_tile_overlayer_lowered:
.L_overlay_start_2:
0x379: {  	(tag) =	ssettag $0x2  }
0x37a: {  	s0 =	rddreg [dreg:$0x0];
	s2 =	stileid.u32  }
0x37b: {  	s1 =	rddreg [dreg:$0x1];
	p0 =	sne.s32 s2, $0x0  }
0x37c: {  	s3 =	rddreg [dreg:$0x2];
	[bflag:$0x3] =	sbarrier.arrive $0xFFFF;
	s2 =	simm.s32 @!p0 $0x1C05  }
0x37d: {  	[timem:s3], [sflag:s2] =	dma.local @!p0 [hbm:s0], s1  }
0x37e: {  	s0 =	simm.s32 @!p0 $0x5  }
0x37f: {  	_ =	swait.ge @!p0 [sflag:s0], s1  }
0x380: {  	s1 =	ssub.s32 @!p0 $0x0, s1;
	[sflag:s0] =	ssyncset.done @!p0 $0x0  }
0x381: {  	[sflag:s0] =	ssyncadd.s32 @!p0 s1  }
0x382: {  	[bflag:$0x3] =	sbarrier.arrive $0xFFFF  }
0x383: {  	_ =	shalt  }

</sc_bundles>
